<compile_context>
chip_gen: v7x
topology: tpu7x:2x2x1
jax: 0.10.2.dev20260603
libtpu: 0.0.44.dev20260713+nightly
codegen_flags: <defaults>
</compile_context>

<pallas_src>
import functools

import jax
import jax.numpy as jnp
from jax import lax
from jax.experimental import pallas as pl
from jax.experimental.pallas import tpu as pltpu
from jax.experimental.pallas import tpu_sc as plsc

NN = 10000
EE = 320000
NP = 10240
BLK = 1024
GRID = NP // BLK
EDG = EE + NN
NW = 32
CHUNK = 64
NCH = -(-EDG // (NW * CHUNK))
NCH += NCH % 2
EPW = NCH * CHUNK
EPAD = EPW * NW
ROWS_ACC = 10112
ROWS_PT = ROWS_ACC // 16

_GDN = lax.GatherDimensionNumbers(
    offset_dims=(), collapsed_slice_dims=(0,), start_index_map=(0,))


def _dyn_gather(v, idx):
    return lax.gather(v, idx[:, None], _GDN, slice_sizes=(1,),
                      mode=lax.GatherScatterMode.PROMISE_IN_BOUNDS)



def _tab1_body(x_ref, w1_ref, asm_ref, adm_ref, a1_ref, m1_ref):
    i = pl.program_id(0)
    xp = jnp.dot(x_ref[...], w1_ref[...], preferred_element_type=jnp.float32)
    asrc = jnp.dot(xp, asm_ref[...], preferred_element_type=jnp.float32)
    adst = jnp.dot(xp, adm_ref[...], preferred_element_type=jnp.float32)
    a1_ref[...] = jnp.concatenate(
        [xp, asrc, adst, jnp.zeros((BLK, 48), jnp.float32)], axis=1)
    bs = jnp.concatenate([jnp.max(asrc, axis=0), jnp.zeros((8,), jnp.float32)])
    bd = jnp.concatenate([jnp.max(adst, axis=0), jnp.zeros((8,), jnp.float32)])
    blockm = jnp.concatenate(
        [bs[None, :], bd[None, :], jnp.zeros((6, 16), jnp.float32)], axis=0)

    @pl.when(i == 0)
    def _():
        m1_ref[...] = blockm

    @pl.when(i > 0)
    def _():
        m1_ref[...] = jnp.maximum(m1_ref[...], blockm)


_tab1 = pl.pallas_call(
    _tab1_body,
    grid=(GRID,),
    in_specs=[
        pl.BlockSpec((BLK, 128), lambda i: (i, 0)),
        pl.BlockSpec((128, 64), lambda i: (0, 0)),
        pl.BlockSpec((64, 8), lambda i: (0, 0)),
        pl.BlockSpec((64, 8), lambda i: (0, 0)),
    ],
    out_specs=[
        pl.BlockSpec((BLK, 128), lambda i: (i, 0)),
        pl.BlockSpec((8, 16), lambda i: (0, 0)),
    ],
    out_shape=[
        jax.ShapeDtypeStruct((NP, 128), jnp.float32),
        jax.ShapeDtypeStruct((8, 16), jnp.float32),
    ],
)



def _edge1(src_hbm, dst_hbm, a1_hbm, m1_hbm, z_hbm, out_hbm,
           acc_sh, idx_sd0, rows0, idx_sd1, rows1, idx_d0, idx_d1,
           msg0, msg1, ms_v, md_v, shift_v, sem0, sem1, sems0, sems1):
    core = lax.axis_index("c")
    sub = lax.axis_index("s")
    wid = core * 16 + sub
    pltpu.sync_copy(z_hbm.at[pl.ds(sub * ROWS_PT, ROWS_PT)],
                    acc_sh.at[pl.ds(sub * ROWS_PT, ROWS_PT)])
    pltpu.sync_copy(z_hbm.at[pl.ds(0, CHUNK)], msg0)
    pltpu.sync_copy(z_hbm.at[pl.ds(0, CHUNK)], msg1)
    pltpu.sync_copy(m1_hbm.at[0], ms_v)
    pltpu.sync_copy(m1_hbm.at[1], md_v)
    plsc.subcore_barrier()
    m = ms_v[...] + md_v[...]
    lane0 = lax.iota(jnp.int32, 16)
    shift_v[...] = jnp.where(lane0 < 8,
                             jnp.where(m >= 0.0, m, 0.2 * m), 1e30)
    base_w = wid * EPW

    def fetch(c, idx_sd, rows, sem):
        base = base_w + c * CHUNK
        pltpu.sync_copy(src_hbm.at[pl.ds(base, CHUNK)],
                        idx_sd.at[pl.ds(0, CHUNK)])
        pltpu.sync_copy(dst_hbm.at[pl.ds(base, CHUNK)],
                        idx_sd.at[pl.ds(CHUNK, CHUNK)])
        pltpu.async_copy(a1_hbm.at[idx_sd], rows, sem)

    def process(c, idx_sd, rows, sem, idx_d, msg, sems):
        pltpu.make_async_copy(msg, acc_sh.at[idx_d], sems).wait()
        base = base_w + c * CHUNK
        pltpu.sync_copy(dst_hbm.at[pl.ds(base, CHUNK)], idx_d)
        pltpu.make_async_copy(a1_hbm.at[idx_sd], rows, sem).wait()
        lane = lax.iota(jnp.int32, 16)
        shift = shift_v[...]
        hmask = lane < 8
        rot8 = (lane + 8) & 15
        idxj = [jnp.where(hmask, 2 * j, 2 * j + 1) for j in range(4)]

        def edge_body(t, c2):
            for u in range(4):
                i = t * 4 + u
                sv = rows[i, pl.ds(64, 16)]
                dv = rows[CHUNK + i, pl.ds(64, 16)]
                drot = _dyn_gather(dv, rot8)
                e = sv + drot
                e = jnp.where(e >= 0.0, e, 0.2 * e)
                w = jnp.exp(e - shift)
                msg[i, pl.ds(64, 16)] = w
                for j in range(4):
                    xv = rows[i, pl.ds(j * 16, 16)]
                    wbc = _dyn_gather(w, idxj[j])
                    msg[i, pl.ds(j * 16, 16)] = xv * wbc
            return c2

        lax.fori_loop(0, CHUNK // 4, edge_body, 0)
        pltpu.async_copy(msg, acc_sh.at[idx_d], sems, add=True)

    def zero_idx(i, c):
        idx_d0[pl.ds(i * 16, 16)] = jnp.zeros((16,), jnp.int32)
        idx_d1[pl.ds(i * 16, 16)] = jnp.zeros((16,), jnp.int32)
        return c

    lax.fori_loop(0, CHUNK // 16, zero_idx, 0)
    pltpu.async_copy(msg0, acc_sh.at[idx_d0], sems0, add=True)
    pltpu.async_copy(msg1, acc_sh.at[idx_d1], sems1, add=True)
    fetch(0, idx_sd0, rows0, sem0)

    def pair_body(k, carry):
        fetch(2 * k + 1, idx_sd1, rows1, sem1)
        process(2 * k, idx_sd0, rows0, sem0, idx_d0, msg0, sems0)

        @pl.when(k < NCH // 2 - 1)
        def _():
            fetch(2 * k + 2, idx_sd0, rows0, sem0)

        process(2 * k + 1, idx_sd1, rows1, sem1, idx_d1, msg1, sems1)
        return carry

    lax.fori_loop(0, NCH // 2, pair_body, 0)
    pltpu.make_async_copy(msg0, acc_sh.at[idx_d0], sems0).wait()
    pltpu.make_async_copy(msg1, acc_sh.at[idx_d1], sems1).wait()
    plsc.subcore_barrier()
    pltpu.sync_copy(acc_sh.at[pl.ds(sub * ROWS_PT, ROWS_PT)],
                    out_hbm.at[core, pl.ds(sub * ROWS_PT, ROWS_PT)])


_mesh = plsc.VectorSubcoreMesh(core_axis_name="c", subcore_axis_name="s")

_edge1_call = functools.partial(
    pl.kernel,
    mesh=_mesh,
    out_type=jax.ShapeDtypeStruct((2, NP, 128), jnp.float32),
    scratch_types=[
        pltpu.VMEM_SHARED((ROWS_ACC, 128), jnp.float32),
        pltpu.VMEM((2 * CHUNK,), jnp.int32),
        pltpu.VMEM((2 * CHUNK, 128), jnp.float32),
        pltpu.VMEM((2 * CHUNK,), jnp.int32),
        pltpu.VMEM((2 * CHUNK, 128), jnp.float32),
        pltpu.VMEM((CHUNK,), jnp.int32),
        pltpu.VMEM((CHUNK,), jnp.int32),
        pltpu.VMEM((CHUNK, 128), jnp.float32),
        pltpu.VMEM((CHUNK, 128), jnp.float32),
        pltpu.VMEM((16,), jnp.float32),
        pltpu.VMEM((16,), jnp.float32),
        pltpu.VMEM((16,), jnp.float32),
        pltpu.SemaphoreType.DMA,
        pltpu.SemaphoreType.DMA,
        pltpu.SemaphoreType.DMA,
        pltpu.SemaphoreType.DMA,
    ],
)(_edge1)



def _tab2_body(p0_ref, p1_ref, b1_ref, w2_ref, r_ref, as2_ref, ad2_ref,
               t2_ref, m2_ref):
    i = pl.program_id(0)
    p0 = p0_ref[...]
    p1 = p1_ref[...]
    num = p0[:, :64] + p1[:, :64]
    den = p0[:, 64:72] + p1[:, 64:72]
    denr = jnp.dot(den, r_ref[...], preferred_element_type=jnp.float32)
    h = num / (denr + 1e-16) + b1_ref[...]
    h = jnp.where(h > 0.0, h, jnp.exp(jnp.minimum(h, 0.0)) - 1.0)
    h2 = jnp.dot(h, w2_ref[...], preferred_element_type=jnp.float32)
    s2 = jnp.dot(h2, as2_ref[...], preferred_element_type=jnp.float32)
    d2 = jnp.dot(h2, ad2_ref[...], preferred_element_type=jnp.float32)
    t2_ref[...] = jnp.concatenate(
        [h2, s2, jnp.zeros((BLK, 7), jnp.float32),
         d2, jnp.zeros((BLK, 79), jnp.float32)], axis=1)
    rowid = lax.broadcasted_iota(jnp.int32, (BLK, 1), 0) + i * BLK
    valid = rowid < NN
    s2m = jnp.where(valid, s2, -jnp.inf)
    d2m = jnp.where(valid, d2, -jnp.inf)
    blockm = jnp.concatenate(
        [jnp.full((1, 16), jnp.max(s2m), jnp.float32),
         jnp.full((1, 16), jnp.max(d2m), jnp.float32),
         jnp.zeros((6, 16), jnp.float32)], axis=0)

    @pl.when(i == 0)
    def _():
        m2_ref[...] = blockm

    @pl.when(i > 0)
    def _():
        m2_ref[...] = jnp.maximum(m2_ref[...], blockm)


_tab2 = pl.pallas_call(
    _tab2_body,
    grid=(GRID,),
    in_specs=[
        pl.BlockSpec((BLK, 128), lambda i: (i, 0)),
        pl.BlockSpec((BLK, 128), lambda i: (i, 0)),
        pl.BlockSpec((1, 64), lambda i: (0, 0)),
        pl.BlockSpec((64, 40), lambda i: (0, 0)),
        pl.BlockSpec((8, 64), lambda i: (0, 0)),
        pl.BlockSpec((40, 1), lambda i: (0, 0)),
        pl.BlockSpec((40, 1), lambda i: (0, 0)),
    ],
    out_specs=[
        pl.BlockSpec((BLK, 128), lambda i: (i, 0)),
        pl.BlockSpec((8, 16), lambda i: (0, 0)),
    ],
    out_shape=[
        jax.ShapeDtypeStruct((NP, 128), jnp.float32),
        jax.ShapeDtypeStruct((8, 16), jnp.float32),
    ],
)



def _edge2(src_hbm, dst_hbm, t2_hbm, m2_hbm, z_hbm, out_hbm,
           acc_sh, idx_sd0, rows0, idx_sd1, rows1, idx_d0, idx_d1,
           msg0, msg1, ms_v, md_v, shift_v, sem0, sem1, sems0, sems1):
    core = lax.axis_index("c")
    sub = lax.axis_index("s")
    wid = core * 16 + sub
    pltpu.sync_copy(z_hbm.at[pl.ds(sub * ROWS_PT, ROWS_PT)],
                    acc_sh.at[pl.ds(sub * ROWS_PT, ROWS_PT)])
    pltpu.sync_copy(z_hbm.at[pl.ds(0, CHUNK)], msg0)
    pltpu.sync_copy(z_hbm.at[pl.ds(0, CHUNK)], msg1)
    pltpu.sync_copy(m2_hbm.at[0], ms_v)
    pltpu.sync_copy(m2_hbm.at[1], md_v)
    plsc.subcore_barrier()
    m = ms_v[...] + md_v[...]
    shift_v[...] = jnp.where(m >= 0.0, m, 0.2 * m)
    base_w = wid * EPW

    def fetch(c, idx_sd, rows, sem):
        base = base_w + c * CHUNK
        pltpu.sync_copy(src_hbm.at[pl.ds(base, CHUNK)],
                        idx_sd.at[pl.ds(0, CHUNK)])
        pltpu.sync_copy(dst_hbm.at[pl.ds(base, CHUNK)],
                        idx_sd.at[pl.ds(CHUNK, CHUNK)])
        pltpu.async_copy(t2_hbm.at[idx_sd], rows, sem)

    def process(c, idx_sd, rows, sem, idx_d, msg, sems):
        pltpu.make_async_copy(msg, acc_sh.at[idx_d], sems).wait()
        base = base_w + c * CHUNK
        pltpu.sync_copy(dst_hbm.at[pl.ds(base, CHUNK)], idx_d)
        pltpu.make_async_copy(t2_hbm.at[idx_sd], rows, sem).wait()
        lane = lax.iota(jnp.int32, 16)
        shift = shift_v[...]
        hmask = lane < 8
        m8 = lane == 8
        i8 = jnp.full((16,), 8, jnp.int32)
        i0 = jnp.zeros((16,), jnp.int32)

        def edge_body(t, c2):
            for u in range(4):
                i = t * 4 + u
                tv2 = rows[i, pl.ds(32, 16)]
                dv = rows[CHUNK + i, pl.ds(48, 16)]
                asb = _dyn_gather(tv2, i8)
                adb = _dyn_gather(dv, i0)
                e = asb + adb
                e = jnp.where(e >= 0.0, e, 0.2 * e)
                wv = jnp.exp(e - shift)
                msg[i, pl.ds(0, 16)] = rows[i, pl.ds(0, 16)] * wv
                msg[i, pl.ds(16, 16)] = rows[i, pl.ds(16, 16)] * wv
                msg[i, pl.ds(32, 16)] = jnp.where(
                    hmask, tv2 * wv, jnp.where(m8, wv, 0.0))
            return c2

        lax.fori_loop(0, CHUNK // 4, edge_body, 0)
        pltpu.async_copy(msg, acc_sh.at[idx_d], sems, add=True)

    def zero_idx(i, c):
        idx_d0[pl.ds(i * 16, 16)] = jnp.zeros((16,), jnp.int32)
        idx_d1[pl.ds(i * 16, 16)] = jnp.zeros((16,), jnp.int32)
        return c

    lax.fori_loop(0, CHUNK // 16, zero_idx, 0)
    pltpu.async_copy(msg0, acc_sh.at[idx_d0], sems0, add=True)
    pltpu.async_copy(msg1, acc_sh.at[idx_d1], sems1, add=True)
    fetch(0, idx_sd0, rows0, sem0)

    def pair_body(k, carry):
        fetch(2 * k + 1, idx_sd1, rows1, sem1)
        process(2 * k, idx_sd0, rows0, sem0, idx_d0, msg0, sems0)

        @pl.when(k < NCH // 2 - 1)
        def _():
            fetch(2 * k + 2, idx_sd0, rows0, sem0)

        process(2 * k + 1, idx_sd1, rows1, sem1, idx_d1, msg1, sems1)
        return carry

    lax.fori_loop(0, NCH // 2, pair_body, 0)
    pltpu.make_async_copy(msg0, acc_sh.at[idx_d0], sems0).wait()
    pltpu.make_async_copy(msg1, acc_sh.at[idx_d1], sems1).wait()
    plsc.subcore_barrier()
    pltpu.sync_copy(acc_sh.at[pl.ds(sub * ROWS_PT, ROWS_PT)],
                    out_hbm.at[core, pl.ds(sub * ROWS_PT, ROWS_PT)])


_edge2_call = functools.partial(
    pl.kernel,
    mesh=_mesh,
    out_type=jax.ShapeDtypeStruct((2, NP, 128), jnp.float32),
    scratch_types=[
        pltpu.VMEM_SHARED((ROWS_ACC, 128), jnp.float32),
        pltpu.VMEM((2 * CHUNK,), jnp.int32),
        pltpu.VMEM((2 * CHUNK, 128), jnp.float32),
        pltpu.VMEM((2 * CHUNK,), jnp.int32),
        pltpu.VMEM((2 * CHUNK, 128), jnp.float32),
        pltpu.VMEM((CHUNK,), jnp.int32),
        pltpu.VMEM((CHUNK,), jnp.int32),
        pltpu.VMEM((CHUNK, 128), jnp.float32),
        pltpu.VMEM((CHUNK, 128), jnp.float32),
        pltpu.VMEM((16,), jnp.float32),
        pltpu.VMEM((16,), jnp.float32),
        pltpu.VMEM((16,), jnp.float32),
        pltpu.SemaphoreType.DMA,
        pltpu.SemaphoreType.DMA,
        pltpu.SemaphoreType.DMA,
        pltpu.SemaphoreType.DMA,
    ],
)(_edge2)



def _final_body(p0_ref, p1_ref, b2_ref, o_ref):
    p0 = p0_ref[...]
    p1 = p1_ref[...]
    num = p0[:, :40] + p1[:, :40]
    den = p0[:, 40:41] + p1[:, 40:41]
    o = num / (den + 1e-16) + b2_ref[...]
    z = o - jnp.max(o, axis=1, keepdims=True)
    o_ref[...] = z - jnp.log(jnp.sum(jnp.exp(z), axis=1, keepdims=True))


_final = pl.pallas_call(
    _final_body,
    grid=(GRID,),
    in_specs=[
        pl.BlockSpec((BLK, 128), lambda i: (i, 0)),
        pl.BlockSpec((BLK, 128), lambda i: (i, 0)),
        pl.BlockSpec((1, 40), lambda i: (0, 0)),
    ],
    out_specs=pl.BlockSpec((BLK, 40), lambda i: (i, 0)),
    out_shape=jax.ShapeDtypeStruct((NP, 40), jnp.float32),
)


def kernel(x, edge_index, W1, a_src1, a_dst1, b1, W2, a_src2, a_dst2, b2):
    f32 = jnp.float32
    x = x.astype(f32)
    ei = edge_index.astype(jnp.int32)
    ar = jnp.arange(NN, dtype=jnp.int32)
    npad = EPAD - EDG
    src = jnp.concatenate([ei[0], ar, jnp.zeros((npad,), jnp.int32)])
    dst = jnp.concatenate([ei[1], ar, jnp.full((npad,), NN, jnp.int32)])
    x_pad = jnp.zeros((NP, 128), f32).at[:NN].set(x)
    eye8 = jnp.eye(8, dtype=f32)
    asm = (eye8[:, None, :] * a_src1.astype(f32)[:, :, None]).reshape(64, 8)
    adm = (eye8[:, None, :] * a_dst1.astype(f32)[:, :, None]).reshape(64, 8)
    rmat = jnp.repeat(eye8, 8, axis=1)
    zz = jnp.zeros((NP, 128), f32)

    a1, m1 = _tab1(x_pad, W1.astype(f32), asm, adm)
    part1 = _edge1_call(src, dst, a1, m1, zz)
    t2, m2 = _tab2(part1[0], part1[1], b1.astype(f32).reshape(1, 64),
                   W2.astype(f32), rmat,
                   a_src2.astype(f32).reshape(40, 1),
                   a_dst2.astype(f32).reshape(40, 1))
    part2 = _edge2_call(src, dst, t2, m2, zz)
    out = _final(part2[0], part2[1], b2.astype(f32).reshape(1, 40))
    return out[:NN]

# --- scband reference (transcript-rebuilt; emitter-appended) ---
"""Pipeline reference for scband-gat-gcn-16286515986690 (READ-ONLY COPY).

The authoritative reference and input builder live on the scoring server;
editing this copy changes nothing except your own understanding.
"""

import jax, jax.numpy as jnp
import numpy as np

N = 10000
E = 320000
IN_C = 128
HID = 8
OUT_C = 40
H1 = HID
C1 = HID
D1 = H1 * C1  # 64


def setup_inputs(seed: int = 0) -> dict:
    key = jax.random.key(seed)
    ks = jax.random.split(key, 12)
    x = jax.random.normal(ks[0], (N, IN_C), dtype=jnp.float32)
    edge_index = jax.random.randint(ks[1], (2, E), 0, N)
    # Layer 1 params: GATConv(IN_C -> C1, heads=H1)
    W1 = jax.random.normal(ks[2], (IN_C, H1 * C1), dtype=jnp.float32) * (1.0 / np.sqrt(IN_C))
    a_src1 = jax.random.normal(ks[3], (H1, C1), dtype=jnp.float32) * (1.0 / np.sqrt(C1))
    a_dst1 = jax.random.normal(ks[4], (H1, C1), dtype=jnp.float32) * (1.0 / np.sqrt(C1))
    b1 = jnp.zeros((H1 * C1,), dtype=jnp.float32)
    # Layer 2 params: GATConv(D1 -> OUT_C, heads=1)
    W2 = jax.random.normal(ks[5], (D1, OUT_C), dtype=jnp.float32) * (1.0 / np.sqrt(D1))
    a_src2 = jax.random.normal(ks[6], (1, OUT_C), dtype=jnp.float32) * (1.0 / np.sqrt(OUT_C))
    a_dst2 = jax.random.normal(ks[7], (1, OUT_C), dtype=jnp.float32) * (1.0 / np.sqrt(OUT_C))
    b2 = jnp.zeros((OUT_C,), dtype=jnp.float32)
    return {"x": x, "edge_index": edge_index, "W1": W1, "a_src1": a_src1,
            "a_dst1": a_dst1, "b1": b1, "W2": W2, "a_src2": a_src2,
            "a_dst2": a_dst2, "b2": b2}


def _gat_layer(x, ei, W, a_src, a_dst, b, H, C):
    n = x.shape[0]
    xp = (x @ W).reshape(n, H, C)
    src, dst = ei[0], ei[1]
    alpha_src = jnp.sum(xp * a_src[None, :, :], axis=-1)  # [n, H]
    alpha_dst = jnp.sum(xp * a_dst[None, :, :], axis=-1)  # [n, H]
    e = alpha_src[src] + alpha_dst[dst]                   # [e, H]
    e = jax.nn.leaky_relu(e, negative_slope=0.2)
    # softmax over incoming edges per dst node
    m = jax.ops.segment_max(e, dst, num_segments=n)
    m = jax.lax.stop_gradient(m)
    ex = jnp.exp(e - m[dst])
    den = jax.ops.segment_sum(ex, dst, num_segments=n)
    alpha = ex / (den[dst] + 1e-16)
    out = jax.ops.segment_sum(xp[src] * alpha[:, :, None], dst, num_segments=n)
    return out.reshape(n, H * C) + b


def reference(x, edge_index, W1, a_src1, a_dst1, b1, W2, a_src2, a_dst2, b2):
    # eval mode: F.dropout(p=0.6, training=False) is identity
    ar = jnp.arange(N, dtype=edge_index.dtype)
    ei = jnp.concatenate([edge_index, jnp.stack([ar, ar])], axis=1)  # add self loops
    h = _gat_layer(x, ei, W1, a_src1, a_dst1, b1, H1, C1)
    h = jax.nn.elu(h)
    h = _gat_layer(h, ei, W2, a_src2, a_dst2, b2, 1, OUT_C)
    return jax.nn.log_softmax(h, axis=1)

if __name__ == "__main__":
    import jax
    _d = setup_inputs()
    print(jax.jit(kernel)(*tuple(_d.values())))

</pallas_src>

<mosaic_0001>
#map = affine_map<(d0, d1) -> (0)>
#map1 = affine_map<(d0, d1) -> (0, 0)>
#map2 = affine_map<(d0, d1) -> (0, 0, 0)>
module attributes {stable_mosaic.version = 14 : i64} {
  func.func @_edge1(%arg0: i32, %arg1: i32, %arg2: memref<331776xi32, #tpu.memory_space<hbm>>, %arg3: memref<331776xi32, #tpu.memory_space<hbm>>, %arg4: memref<10240x128xf32, #tpu.memory_space<hbm>>, %arg5: memref<8x16xf32, #tpu.memory_space<hbm>>, %arg6: memref<10240x128xf32, #tpu.memory_space<hbm>>, %arg7: memref<2x10240x128xf32, #tpu.memory_space<hbm>>, %arg8: memref<10112x128xf32, #tpu.memory_space<vmem_shared>>, %arg9: memref<128xi32, #tpu.memory_space<vmem>>, %arg10: memref<128x128xf32, #tpu.memory_space<vmem>>, %arg11: memref<128xi32, #tpu.memory_space<vmem>>, %arg12: memref<128x128xf32, #tpu.memory_space<vmem>>, %arg13: memref<64xi32, #tpu.memory_space<vmem>>, %arg14: memref<64xi32, #tpu.memory_space<vmem>>, %arg15: memref<64x128xf32, #tpu.memory_space<vmem>>, %arg16: memref<64x128xf32, #tpu.memory_space<vmem>>, %arg17: memref<16xf32, #tpu.memory_space<vmem>>, %arg18: memref<16xf32, #tpu.memory_space<vmem>>, %arg19: memref<16xf32, #tpu.memory_space<vmem>>, %arg20: memref<!tpu.dma_semaphore, #tpu.memory_space<semaphore_mem>>, %arg21: memref<!tpu.dma_semaphore, #tpu.memory_space<semaphore_mem>>, %arg22: memref<!tpu.dma_semaphore, #tpu.memory_space<semaphore_mem>>, %arg23: memref<!tpu.dma_semaphore, #tpu.memory_space<semaphore_mem>>) attributes {dimension_semantics = [#tpu.dimension_semantics<core_parallel>, #tpu.dimension_semantics<subcore_parallel>], iteration_bounds = array<i64: 2, 16>, scalar_prefetch = 0 : i64, scratch_operands = 16 : i64, tpu.core_type = #tpu.core_type<sc_vector_subcore>, window_params = [{transform_indices = #map}, {transform_indices = #map}, {transform_indices = #map1}, {transform_indices = #map1}, {transform_indices = #map1}, {transform_indices = #map2}]} {
    %mul3A = arith.constant 16 : i32
    %mul3A_0 = arith.muli %arg0, %mul3A : i32
    %add3A = arith.addi %mul3A_0, %arg1 : i32
    %mul3A_1 = arith.constant 632 : i32
    %mul3A_2 = arith.muli %arg1, %mul3A_1 : i32
    %mul3A_3 = arith.constant 632 : i32
    %mul3A_4 = arith.muli %arg1, %mul3A_3 : i32
    "tpu.region"() ({
      %run_scoped3A_56 = tpu.sem_alloc : memref<!tpu.dma_semaphore, #tpu.memory_space<semaphore_mem>>
      %dma_start3A_57 = arith.constant 0 : i32
      %dma_start3A_58 = tpu.memref_slice %arg8[%mul3A_4, %dma_start3A_57] : memref<10112x128xf32, #tpu.memory_space<vmem_shared>> -> memref<632x128xf32, #tpu.memory_space<vmem_shared>>
      %dma_start3A_59 = arith.constant 0 : i32
      %dma_start3A_60 = tpu.memref_slice %arg6[%mul3A_2, %dma_start3A_59] : memref<10240x128xf32, #tpu.memory_space<hbm>> -> memref<632x128xf32, #tpu.memory_space<hbm>>
      tpu.enqueue_dma source(%dma_start3A_60 : memref<632x128xf32, #tpu.memory_space<hbm>>) target(%dma_start3A_58 : memref<632x128xf32, #tpu.memory_space<vmem_shared>>) target_semaphore(%run_scoped3A_56 : memref<!tpu.dma_semaphore, #tpu.memory_space<semaphore_mem>>)
      %dma_wait3A_61 = arith.constant 0 : i32
      %dma_wait3A_62 = tpu.memref_slice %arg8[%mul3A_4, %dma_wait3A_61] : memref<10112x128xf32, #tpu.memory_space<vmem_shared>> -> memref<632x128xf32, #tpu.memory_space<vmem_shared>>
      %dma_wait3A_63 = arith.constant 0 : i32
      %dma_wait3A_64 = tpu.memref_slice %arg6[%mul3A_2, %dma_wait3A_63] : memref<10240x128xf32, #tpu.memory_space<hbm>> -> memref<632x128xf32, #tpu.memory_space<hbm>>
      tpu.wait_dma2 semaphore(%run_scoped3A_56 : memref<!tpu.dma_semaphore, #tpu.memory_space<semaphore_mem>>) src(%dma_wait3A_64 : memref<632x128xf32, #tpu.memory_space<hbm>>) dst(%dma_wait3A_62 : memref<632x128xf32, #tpu.memory_space<vmem_shared>>)
      tpu.yield
    }) : () -> ()
    "tpu.region"() ({
      %run_scoped3A_56 = tpu.sem_alloc : memref<!tpu.dma_semaphore, #tpu.memory_space<semaphore_mem>>
      %dma_start3A_57 = arith.constant 0 : i32
      %dma_start3A_58 = arith.constant 0 : i32
      %dma_start3A_59 = tpu.memref_slice %arg6[%dma_start3A_57, %dma_start3A_58] : memref<10240x128xf32, #tpu.memory_space<hbm>> -> memref<64x128xf32, #tpu.memory_space<hbm>>
      %dma_start3A_60 = arith.constant 0 : i32
      %dma_start3A_61 = arith.constant 0 : i32
      %dma_start3A_62 = tpu.memref_slice %arg6[%dma_start3A_60, %dma_start3A_61] : memref<10240x128xf32, #tpu.memory_space<hbm>> -> memref<64x128xf32, #tpu.memory_space<hbm>>
      tpu.enqueue_dma source(%dma_start3A_62 : memref<64x128xf32, #tpu.memory_space<hbm>>) target(%arg15 : memref<64x128xf32, #tpu.memory_space<vmem>>) target_semaphore(%run_scoped3A_56 : memref<!tpu.dma_semaphore, #tpu.memory_space<semaphore_mem>>)
      %dma_wait3A_63 = arith.constant 0 : i32
      %dma_wait3A_64 = arith.constant 0 : i32
      %dma_wait3A_65 = tpu.memref_slice %arg6[%dma_wait3A_63, %dma_wait3A_64] : memref<10240x128xf32, #tpu.memory_space<hbm>> -> memref<64x128xf32, #tpu.memory_space<hbm>>
      %dma_wait3A_66 = arith.constant 0 : i32
      %dma_wait3A_67 = arith.constant 0 : i32
      %dma_wait3A_68 = tpu.memref_slice %arg6[%dma_wait3A_66, %dma_wait3A_67] : memref<10240x128xf32, #tpu.memory_space<hbm>> -> memref<64x128xf32, #tpu.memory_space<hbm>>
      tpu.wait_dma2 semaphore(%run_scoped3A_56 : memref<!tpu.dma_semaphore, #tpu.memory_space<semaphore_mem>>) src(%dma_wait3A_68 : memref<64x128xf32, #tpu.memory_space<hbm>>) dst(%arg15 : memref<64x128xf32, #tpu.memory_space<vmem>>)
      tpu.yield
    }) : () -> ()
    "tpu.region"() ({
      %run_scoped3A_56 = tpu.sem_alloc : memref<!tpu.dma_semaphore, #tpu.memory_space<semaphore_mem>>
      %dma_start3A_57 = arith.constant 0 : i32
      %dma_start3A_58 = arith.constant 0 : i32
      %dma_start3A_59 = tpu.memref_slice %arg6[%dma_start3A_57, %dma_start3A_58] : memref<10240x128xf32, #tpu.memory_space<hbm>> -> memref<64x128xf32, #tpu.memory_space<hbm>>
      %dma_start3A_60 = arith.constant 0 : i32
      %dma_start3A_61 = arith.constant 0 : i32
      %dma_start3A_62 = tpu.memref_slice %arg6[%dma_start3A_60, %dma_start3A_61] : memref<10240x128xf32, #tpu.memory_space<hbm>> -> memref<64x128xf32, #tpu.memory_space<hbm>>
      tpu.enqueue_dma source(%dma_start3A_62 : memref<64x128xf32, #tpu.memory_space<hbm>>) target(%arg16 : memref<64x128xf32, #tpu.memory_space<vmem>>) target_semaphore(%run_scoped3A_56 : memref<!tpu.dma_semaphore, #tpu.memory_space<semaphore_mem>>)
      %dma_wait3A_63 = arith.constant 0 : i32
      %dma_wait3A_64 = arith.constant 0 : i32
      %dma_wait3A_65 = tpu.memref_slice %arg6[%dma_wait3A_63, %dma_wait3A_64] : memref<10240x128xf32, #tpu.memory_space<hbm>> -> memref<64x128xf32, #tpu.memory_space<hbm>>
      %dma_wait3A_66 = arith.constant 0 : i32
      %dma_wait3A_67 = arith.constant 0 : i32
      %dma_wait3A_68 = tpu.memref_slice %arg6[%dma_wait3A_66, %dma_wait3A_67] : memref<10240x128xf32, #tpu.memory_space<hbm>> -> memref<64x128xf32, #tpu.memory_space<hbm>>
      tpu.wait_dma2 semaphore(%run_scoped3A_56 : memref<!tpu.dma_semaphore, #tpu.memory_space<semaphore_mem>>) src(%dma_wait3A_68 : memref<64x128xf32, #tpu.memory_space<hbm>>) dst(%arg16 : memref<64x128xf32, #tpu.memory_space<vmem>>)
      tpu.yield
    }) : () -> ()
    %run_scoped3A = arith.constant 0 : i32
    "tpu.region"() ({
      %run_scoped3A_56 = tpu.sem_alloc : memref<!tpu.dma_semaphore, #tpu.memory_space<semaphore_mem>>
      %dma_start3A_57 = arith.constant 0 : i32
      %dma_start3A_58 = tpu.memref_slice %arg5[%run_scoped3A, %dma_start3A_57] : memref<8x16xf32, #tpu.memory_space<hbm>> -> memref<1x16xf32, #tpu.memory_space<hbm>>
      %dma_start3A_59 = tpu.memref_squeeze %dma_start3A_58 : memref<1x16xf32, #tpu.memory_space<hbm>> -> memref<16xf32, #tpu.memory_space<hbm>>
      %dma_start3A_60 = arith.constant 0 : i32
      %dma_start3A_61 = tpu.memref_slice %arg5[%run_scoped3A, %dma_start3A_60] : memref<8x16xf32, #tpu.memory_space<hbm>> -> memref<1x16xf32, #tpu.memory_space<hbm>>
      %dma_start3A_62 = tpu.memref_squeeze %dma_start3A_61 : memref<1x16xf32, #tpu.memory_space<hbm>> -> memref<16xf32, #tpu.memory_space<hbm>>
      tpu.enqueue_dma source(%dma_start3A_62 : memref<16xf32, #tpu.memory_space<hbm>>) target(%arg17 : memref<16xf32, #tpu.memory_space<vmem>>) target_semaphore(%run_scoped3A_56 : memref<!tpu.dma_semaphore, #tpu.memory_space<semaphore_mem>>)
      %dma_wait3A_63 = arith.constant 0 : i32
      %dma_wait3A_64 = tpu.memref_slice %arg5[%run_scoped3A, %dma_wait3A_63] : memref<8x16xf32, #tpu.memory_space<hbm>> -> memref<1x16xf32, #tpu.memory_space<hbm>>
      %dma_wait3A_65 = tpu.memref_squeeze %dma_wait3A_64 : memref<1x16xf32, #tpu.memory_space<hbm>> -> memref<16xf32, #tpu.memory_space<hbm>>
      %dma_wait3A_66 = arith.constant 0 : i32
      %dma_wait3A_67 = tpu.memref_slice %arg5[%run_scoped3A, %dma_wait3A_66] : memref<8x16xf32, #tpu.memory_space<hbm>> -> memref<1x16xf32, #tpu.memory_space<hbm>>
      %dma_wait3A_68 = tpu.memref_squeeze %dma_wait3A_67 : memref<1x16xf32, #tpu.memory_space<hbm>> -> memref<16xf32, #tpu.memory_space<hbm>>
      tpu.wait_dma2 semaphore(%run_scoped3A_56 : memref<!tpu.dma_semaphore, #tpu.memory_space<semaphore_mem>>) src(%dma_wait3A_68 : memref<16xf32, #tpu.memory_space<hbm>>) dst(%arg17 : memref<16xf32, #tpu.memory_space<vmem>>)
      tpu.yield
    }) : () -> ()
    %run_scoped3A_5 = arith.constant 1 : i32
    "tpu.region"() ({
      %run_scoped3A_56 = tpu.sem_alloc : memref<!tpu.dma_semaphore, #tpu.memory_space<semaphore_mem>>
      %dma_start3A_57 = arith.constant 0 : i32
      %dma_start3A_58 = tpu.memref_slice %arg5[%run_scoped3A_5, %dma_start3A_57] : memref<8x16xf32, #tpu.memory_space<hbm>> -> memref<1x16xf32, #tpu.memory_space<hbm>>
      %dma_start3A_59 = tpu.memref_squeeze %dma_start3A_58 : memref<1x16xf32, #tpu.memory_space<hbm>> -> memref<16xf32, #tpu.memory_space<hbm>>
      %dma_start3A_60 = arith.constant 0 : i32
      %dma_start3A_61 = tpu.memref_slice %arg5[%run_scoped3A_5, %dma_start3A_60] : memref<8x16xf32, #tpu.memory_space<hbm>> -> memref<1x16xf32, #tpu.memory_space<hbm>>
      %dma_start3A_62 = tpu.memref_squeeze %dma_start3A_61 : memref<1x16xf32, #tpu.memory_space<hbm>> -> memref<16xf32, #tpu.memory_space<hbm>>
      tpu.enqueue_dma source(%dma_start3A_62 : memref<16xf32, #tpu.memory_space<hbm>>) target(%arg18 : memref<16xf32, #tpu.memory_space<vmem>>) target_semaphore(%run_scoped3A_56 : memref<!tpu.dma_semaphore, #tpu.memory_space<semaphore_mem>>)
      %dma_wait3A_63 = arith.constant 0 : i32
      %dma_wait3A_64 = tpu.memref_slice %arg5[%run_scoped3A_5, %dma_wait3A_63] : memref<8x16xf32, #tpu.memory_space<hbm>> -> memref<1x16xf32, #tpu.memory_space<hbm>>
      %dma_wait3A_65 = tpu.memref_squeeze %dma_wait3A_64 : memref<1x16xf32, #tpu.memory_space<hbm>> -> memref<16xf32, #tpu.memory_space<hbm>>
      %dma_wait3A_66 = arith.constant 0 : i32
      %dma_wait3A_67 = tpu.memref_slice %arg5[%run_scoped3A_5, %dma_wait3A_66] : memref<8x16xf32, #tpu.memory_space<hbm>> -> memref<1x16xf32, #tpu.memory_space<hbm>>
      %dma_wait3A_68 = tpu.memref_squeeze %dma_wait3A_67 : memref<1x16xf32, #tpu.memory_space<hbm>> -> memref<16xf32, #tpu.memory_space<hbm>>
      tpu.wait_dma2 semaphore(%run_scoped3A_56 : memref<!tpu.dma_semaphore, #tpu.memory_space<semaphore_mem>>) src(%dma_wait3A_68 : memref<16xf32, #tpu.memory_space<hbm>>) dst(%arg18 : memref<16xf32, #tpu.memory_space<vmem>>)
      tpu.yield
    }) : () -> ()
    %barrier3A = arith.constant 0 : index
    tpu.barrier barrier_id(%barrier3A)
    %get3A = arith.constant 0 : index
    %get3A_6 = tpu.vector_load %arg17[%get3A] {strides = array<i32>} : memref<16xf32, #tpu.memory_space<vmem>>, vector<16xf32>,
    %get3A_7 = vector.shape_cast %get3A_6 : vector<16xf32> to vector<16xf32>
    %get3A_8 = arith.constant 0 : index
    %get3A_9 = tpu.vector_load %arg18[%get3A_8] {strides = array<i32>} : memref<16xf32, #tpu.memory_space<vmem>>, vector<16xf32>,
    %get3A_10 = vector.shape_cast %get3A_9 : vector<16xf32> to vector<16xf32>
    %add3A_11 = arith.addf %get3A_7, %get3A_10 : vector<16xf32>
    %iota3A = tpu.iota {dimensions = array<i32: 0>} : vector<16xi32>
    %lt3A = arith.constant 8 : i32
    %lt3A_12 = vector.broadcast %lt3A : i32 to vector<16xi32>
    %lt3A_13 = arith.cmpi slt, %iota3A, %lt3A_12 : vector<16xi32>
    %ge3A = arith.constant 0.000000e+00 : f32
    %ge3A_14 = vector.broadcast %ge3A : f32 to vector<16xf32>
    %ge3A_15 = arith.cmpf oge, %add3A_11, %ge3A_14 : vector<16xf32>
    %mul3A_16 = arith.constant 2.000000e-01 : f32
    %mul3A_17 = vector.broadcast %mul3A_16 : f32 to vector<16xf32>
    %mul3A_18 = arith.mulf %mul3A_17, %add3A_11 : vector<16xf32>
    %select_n3A = arith.select %ge3A_15, %add3A_11, %mul3A_18 : vector<16xi1>, vector<16xf32>
    %jit3A = arith.constant 1.000000e+30 : f32
    %broadcast_in_dim3A = vector.broadcast %jit3A : f32 to vector<16xf32>
    %select_n3A_19 = arith.select %lt3A_13, %select_n3A, %broadcast_in_dim3A : vector<16xi1>, vector<16xf32>
    %swap3A = arith.constant 0 : index
    %swap3A_20 = tpu.vector_load %arg19[%swap3A] {strides = array<i32>} : memref<16xf32, #tpu.memory_space<vmem>>, vector<16xf32>,
    %swap3A_21 = vector.shape_cast %swap3A_20 : vector<16xf32> to vector<16xf32>
    %swap3A_22 = vector.shape_cast %select_n3A_19 : vector<16xf32> to vector<16xf32>
    tpu.vector_store %arg19[%swap3A], %swap3A_22 {strides = array<i32>} : memref<16xf32, #tpu.memory_space<vmem>>, vector<16xf32>,
    %mul3A_23 = arith.constant 10368 : i32
    %mul3A_24 = arith.muli %add3A, %mul3A_23 : i32
    %scan3A = arith.constant 0 : i32
    %scan3A_25 = arith.constant 0 : i32
    %scan3A_26 = arith.constant 4 : i32
    %scan3A_27 = arith.addi %scan3A_25, %scan3A_26 : i32
    %scan3A_28 = arith.constant 1 : i32
    scf.for %scan3A_56 = %scan3A_25 to %scan3A_27 step %scan3A_28  : i32 {
      %broadcast_in_dim3A_57 = arith.constant 0 : i32
      %broadcast_in_dim3A_58 = vector.broadcast %broadcast_in_dim3A_57 : i32 to vector<16xi32>
      %mul3A_59 = arith.constant 16 : i32
      %mul3A_60 = arith.muli %scan3A_56, %mul3A_59 : i32
      %swap3A_61 = arith.index_cast %mul3A_60 : i32 to index
      %swap3A_62 = tpu.vector_load %arg13[%swap3A_61] {strides = array<i32>} : memref<64xi32, #tpu.memory_space<vmem>>, vector<16xi32>,
      %swap3A_63 = vector.shape_cast %swap3A_62 : vector<16xi32> to vector<16xi32>
      %swap3A_64 = vector.shape_cast %broadcast_in_dim3A_58 : vector<16xi32> to vector<16xi32>
      tpu.vector_store %arg13[%swap3A_61], %swap3A_64 {strides = array<i32>} : memref<64xi32, #tpu.memory_space<vmem>>, vector<16xi32>,
      %broadcast_in_dim3A_65 = arith.constant 0 : i32
      %broadcast_in_dim3A_66 = vector.broadcast %broadcast_in_dim3A_65 : i32 to vector<16xi32>
      %mul3A_67 = arith.constant 16 : i32
      %mul3A_68 = arith.muli %scan3A_56, %mul3A_67 : i32
      %swap3A_69 = arith.index_cast %mul3A_68 : i32 to index
      %swap3A_70 = tpu.vector_load %arg14[%swap3A_69] {strides = array<i32>} : memref<64xi32, #tpu.memory_space<vmem>>, vector<16xi32>,
      %swap3A_71 = vector.shape_cast %swap3A_70 : vector<16xi32> to vector<16xi32>
      %swap3A_72 = vector.shape_cast %broadcast_in_dim3A_66 : vector<16xi32> to vector<16xi32>
      tpu.vector_store %arg14[%swap3A_69], %swap3A_72 {strides = array<i32>} : memref<64xi32, #tpu.memory_space<vmem>>, vector<16xi32>,
    }
    %scan3A_29 = arith.constant 4 : i32
    %dma_start3A = arith.constant 0 : i32
    %dma_start3A_30 = arith.constant 0 : i32
    %dma_start3A_31 = tpu.memref_slice %arg8[%dma_start3A, %dma_start3A_30] : memref<10112x128xf32, #tpu.memory_space<vmem_shared>> -> memref<10112x128xf32, #tpu.memory_space<vmem_shared>>
    tpu.enqueue_indirect_dma source(%arg15 : memref<64x128xf32, #tpu.memory_space<vmem>>) target(%dma_start3A_31 : memref<10112x128xf32, #tpu.memory_space<vmem_shared>>) offsets(%arg13 : memref<64xi32, #tpu.memory_space<vmem>>) semaphore(%arg22 : memref<!tpu.dma_semaphore, #tpu.memory_space<semaphore_mem>>) {add = true}
    %dma_start3A_32 = arith.constant 0 : i32
    %dma_start3A_33 = arith.constant 0 : i32
    %dma_start3A_34 = tpu.memref_slice %arg8[%dma_start3A_32, %dma_start3A_33] : memref<10112x128xf32, #tpu.memory_space<vmem_shared>> -> memref<10112x128xf32, #tpu.memory_space<vmem_shared>>
    tpu.enqueue_indirect_dma source(%arg16 : memref<64x128xf32, #tpu.memory_space<vmem>>) target(%dma_start3A_34 : memref<10112x128xf32, #tpu.memory_space<vmem_shared>>) offsets(%arg14 : memref<64xi32, #tpu.memory_space<vmem>>) semaphore(%arg23 : memref<!tpu.dma_semaphore, #tpu.memory_space<semaphore_mem>>) {add = true}
    %add3A_35 = arith.constant 0 : i32
    %add3A_36 = arith.addi %mul3A_24, %add3A_35 : i32
    "tpu.region"() ({
      %run_scoped3A_56 = tpu.sem_alloc : memref<!tpu.dma_semaphore, #tpu.memory_space<semaphore_mem>>
      %dma_start3A_57 = arith.constant 0 : i32
      %dma_start3A_58 = tpu.memref_slice %arg9[%dma_start3A_57] : memref<128xi32, #tpu.memory_space<vmem>> -> memref<64xi32, #tpu.memory_space<vmem>>
      %dma_start3A_59 = tpu.memref_slice %arg2[%add3A_36] : memref<331776xi32, #tpu.memory_space<hbm>> -> memref<64xi32, #tpu.memory_space<hbm>>
      %dma_start3A_60 = arith.constant 0 : i32
      %dma_start3A_61 = tpu.memref_slice %arg9[%dma_start3A_60] : memref<128xi32, #tpu.memory_space<vmem>> -> memref<64xi32, #tpu.memory_space<vmem>>
      %dma_start3A_62 = tpu.memref_slice %arg2[%add3A_36] : memref<331776xi32, #tpu.memory_space<hbm>> -> memref<64xi32, #tpu.memory_space<hbm>>
      tpu.enqueue_dma source(%dma_start3A_62 : memref<64xi32, #tpu.memory_space<hbm>>) target(%dma_start3A_61 : memref<64xi32, #tpu.memory_space<vmem>>) target_semaphore(%run_scoped3A_56 : memref<!tpu.dma_semaphore, #tpu.memory_space<semaphore_mem>>)
      %dma_wait3A_63 = arith.constant 0 : i32
      %dma_wait3A_64 = tpu.memref_slice %arg9[%dma_wait3A_63] : memref<128xi32, #tpu.memory_space<vmem>> -> memref<64xi32, #tpu.memory_space<vmem>>
      %dma_wait3A_65 = tpu.memref_slice %arg2[%add3A_36] : memref<331776xi32, #tpu.memory_space<hbm>> -> memref<64xi32, #tpu.memory_space<hbm>>
      %dma_wait3A_66 = arith.constant 0 : i32
      %dma_wait3A_67 = tpu.memref_slice %arg9[%dma_wait3A_66] : memref<128xi32, #tpu.memory_space<vmem>> -> memref<64xi32, #tpu.memory_space<vmem>>
      %dma_wait3A_68 = tpu.memref_slice %arg2[%add3A_36] : memref<331776xi32, #tpu.memory_space<hbm>> -> memref<64xi32, #tpu.memory_space<hbm>>
      tpu.wait_dma2 semaphore(%run_scoped3A_56 : memref<!tpu.dma_semaphore, #tpu.memory_space<semaphore_mem>>) src(%dma_wait3A_68 : memref<64xi32, #tpu.memory_space<hbm>>) dst(%dma_wait3A_67 : memref<64xi32, #tpu.memory_space<vmem>>)
      tpu.yield
    }) : () -> ()
    "tpu.region"() ({
      %run_scoped3A_56 = tpu.sem_alloc : memref<!tpu.dma_semaphore, #tpu.memory_space<semaphore_mem>>
      %dma_start3A_57 = arith.constant 64 : i32
      %dma_start3A_58 = tpu.memref_slice %arg9[%dma_start3A_57] : memref<128xi32, #tpu.memory_space<vmem>> -> memref<64xi32, #tpu.memory_space<vmem>>
      %dma_start3A_59 = tpu.memref_slice %arg3[%add3A_36] : memref<331776xi32, #tpu.memory_space<hbm>> -> memref<64xi32, #tpu.memory_space<hbm>>
      %dma_start3A_60 = arith.constant 64 : i32
      %dma_start3A_61 = tpu.memref_slice %arg9[%dma_start3A_60] : memref<128xi32, #tpu.memory_space<vmem>> -> memref<64xi32, #tpu.memory_space<vmem>>
      %dma_start3A_62 = tpu.memref_slice %arg3[%add3A_36] : memref<331776xi32, #tpu.memory_space<hbm>> -> memref<64xi32, #tpu.memory_space<hbm>>
      tpu.enqueue_dma source(%dma_start3A_62 : memref<64xi32, #tpu.memory_space<hbm>>) target(%dma_start3A_61 : memref<64xi32, #tpu.memory_space<vmem>>) target_semaphore(%run_scoped3A_56 : memref<!tpu.dma_semaphore, #tpu.memory_space<semaphore_mem>>)
      %dma_wait3A_63 = arith.constant 64 : i32
      %dma_wait3A_64 = tpu.memref_slice %arg9[%dma_wait3A_63] : memref<128xi32, #tpu.memory_space<vmem>> -> memref<64xi32, #tpu.memory_space<vmem>>
      %dma_wait3A_65 = tpu.memref_slice %arg3[%add3A_36] : memref<331776xi32, #tpu.memory_space<hbm>> -> memref<64xi32, #tpu.memory_space<hbm>>
      %dma_wait3A_66 = arith.constant 64 : i32
      %dma_wait3A_67 = tpu.memref_slice %arg9[%dma_wait3A_66] : memref<128xi32, #tpu.memory_space<vmem>> -> memref<64xi32, #tpu.memory_space<vmem>>
      %dma_wait3A_68 = tpu.memref_slice %arg3[%add3A_36] : memref<331776xi32, #tpu.memory_space<hbm>> -> memref<64xi32, #tpu.memory_space<hbm>>
      tpu.wait_dma2 semaphore(%run_scoped3A_56 : memref<!tpu.dma_semaphore, #tpu.memory_space<semaphore_mem>>) src(%dma_wait3A_68 : memref<64xi32, #tpu.memory_space<hbm>>) dst(%dma_wait3A_67 : memref<64xi32, #tpu.memory_space<vmem>>)
      tpu.yield
    }) : () -> ()
    %dma_start3A_37 = arith.constant 0 : i32
    %dma_start3A_38 = arith.constant 0 : i32
    %dma_start3A_39 = tpu.memref_slice %arg4[%dma_start3A_37, %dma_start3A_38] : memref<10240x128xf32, #tpu.memory_space<hbm>> -> memref<10240x128xf32, #tpu.memory_space<hbm>>
    tpu.enqueue_indirect_dma source(%dma_start3A_39 : memref<10240x128xf32, #tpu.memory_space<hbm>>) target(%arg10 : memref<128x128xf32, #tpu.memory_space<vmem>>) offsets(%arg9 : memref<128xi32, #tpu.memory_space<vmem>>) semaphore(%arg20 : memref<!tpu.dma_semaphore, #tpu.memory_space<semaphore_mem>>)
    %scan3A_40 = arith.constant 0 : i32
    %scan3A_41 = arith.constant 0 : i32
    %scan3A_42 = arith.constant 81 : i32
    %scan3A_43 = arith.addi %scan3A_41, %scan3A_42 : i32
    %scan3A_44 = arith.constant 1 : i32
    scf.for %scan3A_56 = %scan3A_41 to %scan3A_43 step %scan3A_44  : i32 {
      %mul3A_57 = arith.constant 2 : i32
      %mul3A_58 = arith.muli %mul3A_57, %scan3A_56 : i32
      %add3A_59 = arith.constant 1 : i32
      %add3A_60 = arith.addi %mul3A_58, %add3A_59 : i32
      %mul3A_61 = arith.constant 64 : i32
      %mul3A_62 = arith.muli %add3A_60, %mul3A_61 : i32
      %add3A_63 = arith.addi %mul3A_24, %mul3A_62 : i32
      "tpu.region"() ({
        %run_scoped3A_177 = tpu.sem_alloc : memref<!tpu.dma_semaphore, #tpu.memory_space<semaphore_mem>>
        %dma_start3A_178 = arith.constant 0 : i32
        %dma_start3A_179 = tpu.memref_slice %arg11[%dma_start3A_178] : memref<128xi32, #tpu.memory_space<vmem>> -> memref<64xi32, #tpu.memory_space<vmem>>
        %dma_start3A_180 = tpu.memref_slice %arg2[%add3A_63] : memref<331776xi32, #tpu.memory_space<hbm>> -> memref<64xi32, #tpu.memory_space<hbm>>
        %dma_start3A_181 = arith.constant 0 : i32
        %dma_start3A_182 = tpu.memref_slice %arg11[%dma_start3A_181] : memref<128xi32, #tpu.memory_space<vmem>> -> memref<64xi32, #tpu.memory_space<vmem>>
        %dma_start3A_183 = tpu.memref_slice %arg2[%add3A_63] : memref<331776xi32, #tpu.memory_space<hbm>> -> memref<64xi32, #tpu.memory_space<hbm>>
        tpu.enqueue_dma source(%dma_start3A_183 : memref<64xi32, #tpu.memory_space<hbm>>) target(%dma_start3A_182 : memref<64xi32, #tpu.memory_space<vmem>>) target_semaphore(%run_scoped3A_177 : memref<!tpu.dma_semaphore, #tpu.memory_space<semaphore_mem>>)
        %dma_wait3A_184 = arith.constant 0 : i32
        %dma_wait3A_185 = tpu.memref_slice %arg11[%dma_wait3A_184] : memref<128xi32, #tpu.memory_space<vmem>> -> memref<64xi32, #tpu.memory_space<vmem>>
        %dma_wait3A_186 = tpu.memref_slice %arg2[%add3A_63] : memref<331776xi32, #tpu.memory_space<hbm>> -> memref<64xi32, #tpu.memory_space<hbm>>
        %dma_wait3A_187 = arith.constant 0 : i32
        %dma_wait3A_188 = tpu.memref_slice %arg11[%dma_wait3A_187] : memref<128xi32, #tpu.memory_space<vmem>> -> memref<64xi32, #tpu.memory_space<vmem>>
        %dma_wait3A_189 = tpu.memref_slice %arg2[%add3A_63] : memref<331776xi32, #tpu.memory_space<hbm>> -> memref<64xi32, #tpu.memory_space<hbm>>
        tpu.wait_dma2 semaphore(%run_scoped3A_177 : memref<!tpu.dma_semaphore, #tpu.memory_space<semaphore_mem>>) src(%dma_wait3A_189 : memref<64xi32, #tpu.memory_space<hbm>>) dst(%dma_wait3A_188 : memref<64xi32, #tpu.memory_space<vmem>>)
        tpu.yield
      }) : () -> ()
      "tpu.region"() ({
        %run_scoped3A_177 = tpu.sem_alloc : memref<!tpu.dma_semaphore, #tpu.memory_space<semaphore_mem>>
        %dma_start3A_178 = arith.constant 64 : i32
        %dma_start3A_179 = tpu.memref_slice %arg11[%dma_start3A_178] : memref<128xi32, #tpu.memory_space<vmem>> -> memref<64xi32, #tpu.memory_space<vmem>>
        %dma_start3A_180 = tpu.memref_slice %arg3[%add3A_63] : memref<331776xi32, #tpu.memory_space<hbm>> -> memref<64xi32, #tpu.memory_space<hbm>>
        %dma_start3A_181 = arith.constant 64 : i32
        %dma_start3A_182 = tpu.memref_slice %arg11[%dma_start3A_181] : memref<128xi32, #tpu.memory_space<vmem>> -> memref<64xi32, #tpu.memory_space<vmem>>
        %dma_start3A_183 = tpu.memref_slice %arg3[%add3A_63] : memref<331776xi32, #tpu.memory_space<hbm>> -> memref<64xi32, #tpu.memory_space<hbm>>
        tpu.enqueue_dma source(%dma_start3A_183 : memref<64xi32, #tpu.memory_space<hbm>>) target(%dma_start3A_182 : memref<64xi32, #tpu.memory_space<vmem>>) target_semaphore(%run_scoped3A_177 : memref<!tpu.dma_semaphore, #tpu.memory_space<semaphore_mem>>)
        %dma_wait3A_184 = arith.constant 64 : i32
        %dma_wait3A_185 = tpu.memref_slice %arg11[%dma_wait3A_184] : memref<128xi32, #tpu.memory_space<vmem>> -> memref<64xi32, #tpu.memory_space<vmem>>
        %dma_wait3A_186 = tpu.memref_slice %arg3[%add3A_63] : memref<331776xi32, #tpu.memory_space<hbm>> -> memref<64xi32, #tpu.memory_space<hbm>>
        %dma_wait3A_187 = arith.constant 64 : i32
        %dma_wait3A_188 = tpu.memref_slice %arg11[%dma_wait3A_187] : memref<128xi32, #tpu.memory_space<vmem>> -> memref<64xi32, #tpu.memory_space<vmem>>
        %dma_wait3A_189 = tpu.memref_slice %arg3[%add3A_63] : memref<331776xi32, #tpu.memory_space<hbm>> -> memref<64xi32, #tpu.memory_space<hbm>>
        tpu.wait_dma2 semaphore(%run_scoped3A_177 : memref<!tpu.dma_semaphore, #tpu.memory_space<semaphore_mem>>) src(%dma_wait3A_189 : memref<64xi32, #tpu.memory_space<hbm>>) dst(%dma_wait3A_188 : memref<64xi32, #tpu.memory_space<vmem>>)
        tpu.yield
      }) : () -> ()
      %dma_start3A_64 = arith.constant 0 : i32
      %dma_start3A_65 = arith.constant 0 : i32
      %dma_start3A_66 = tpu.memref_slice %arg4[%dma_start3A_64, %dma_start3A_65] : memref<10240x128xf32, #tpu.memory_space<hbm>> -> memref<10240x128xf32, #tpu.memory_space<hbm>>
      tpu.enqueue_indirect_dma source(%dma_start3A_66 : memref<10240x128xf32, #tpu.memory_space<hbm>>) target(%arg12 : memref<128x128xf32, #tpu.memory_space<vmem>>) offsets(%arg11 : memref<128xi32, #tpu.memory_space<vmem>>) semaphore(%arg21 : memref<!tpu.dma_semaphore, #tpu.memory_space<semaphore_mem>>)
      %mul3A_67 = arith.constant 2 : i32
      %mul3A_68 = arith.muli %mul3A_67, %scan3A_56 : i32
      %dma_wait3A_69 = arith.constant 0 : i32
      %dma_wait3A_70 = arith.constant 0 : i32
      %dma_wait3A_71 = tpu.memref_slice %arg8[%dma_wait3A_69, %dma_wait3A_70] : memref<10112x128xf32, #tpu.memory_space<vmem_shared>> -> memref<10112x128xf32, #tpu.memory_space<vmem_shared>>
      tpu.wait_indirect_dma semaphore(%arg22 : memref<!tpu.dma_semaphore, #tpu.memory_space<semaphore_mem>>) src(%arg15 : memref<64x128xf32, #tpu.memory_space<vmem>>) dst(%dma_wait3A_71 : memref<10112x128xf32, #tpu.memory_space<vmem_shared>>)
      %mul3A_72 = arith.constant 64 : i32
      %mul3A_73 = arith.muli %mul3A_68, %mul3A_72 : i32
      %add3A_74 = arith.addi %mul3A_24, %mul3A_73 : i32
      "tpu.region"() ({
        %run_scoped3A_177 = tpu.sem_alloc : memref<!tpu.dma_semaphore, #tpu.memory_space<semaphore_mem>>
        %dma_start3A_178 = tpu.memref_slice %arg3[%add3A_74] : memref<331776xi32, #tpu.memory_space<hbm>> -> memref<64xi32, #tpu.memory_space<hbm>>
        %dma_start3A_179 = tpu.memref_slice %arg3[%add3A_74] : memref<331776xi32, #tpu.memory_space<hbm>> -> memref<64xi32, #tpu.memory_space<hbm>>
        tpu.enqueue_dma source(%dma_start3A_179 : memref<64xi32, #tpu.memory_space<hbm>>) target(%arg13 : memref<64xi32, #tpu.memory_space<vmem>>) target_semaphore(%run_scoped3A_177 : memref<!tpu.dma_semaphore, #tpu.memory_space<semaphore_mem>>)
        %dma_wait3A_180 = tpu.memref_slice %arg3[%add3A_74] : memref<331776xi32, #tpu.memory_space<hbm>> -> memref<64xi32, #tpu.memory_space<hbm>>
        %dma_wait3A_181 = tpu.memref_slice %arg3[%add3A_74] : memref<331776xi32, #tpu.memory_space<hbm>> -> memref<64xi32, #tpu.memory_space<hbm>>
        tpu.wait_dma2 semaphore(%run_scoped3A_177 : memref<!tpu.dma_semaphore, #tpu.memory_space<semaphore_mem>>) src(%dma_wait3A_181 : memref<64xi32, #tpu.memory_space<hbm>>) dst(%arg13 : memref<64xi32, #tpu.memory_space<vmem>>)
        tpu.yield
      }) : () -> ()
      %dma_wait3A_75 = arith.constant 0 : i32
      %dma_wait3A_76 = arith.constant 0 : i32
      %dma_wait3A_77 = tpu.memref_slice %arg4[%dma_wait3A_75, %dma_wait3A_76] : memref<10240x128xf32, #tpu.memory_space<hbm>> -> memref<10240x128xf32, #tpu.memory_space<hbm>>
      tpu.wait_indirect_dma semaphore(%arg20 : memref<!tpu.dma_semaphore, #tpu.memory_space<semaphore_mem>>) src(%dma_wait3A_77 : memref<10240x128xf32, #tpu.memory_space<hbm>>) dst(%arg10 : memref<128x128xf32, #tpu.memory_space<vmem>>)
      %iota3A_78 = tpu.iota {dimensions = array<i32: 0>} : vector<16xi32>
      %get3A_79 = arith.constant 0 : index
      %get3A_80 = tpu.vector_load %arg19[%get3A_79] {strides = array<i32>} : memref<16xf32, #tpu.memory_space<vmem>>, vector<16xf32>,
      %get3A_81 = vector.shape_cast %get3A_80 : vector<16xf32> to vector<16xf32>
      %lt3A_82 = arith.constant 8 : i32
      %lt3A_83 = vector.broadcast %lt3A_82 : i32 to vector<16xi32>
      %lt3A_84 = arith.cmpi slt, %iota3A_78, %lt3A_83 : vector<16xi32>
      %add3A_85 = arith.constant 8 : i32
      %add3A_86 = vector.broadcast %add3A_85 : i32 to vector<16xi32>
      %add3A_87 = arith.addi %iota3A_78, %add3A_86 : vector<16xi32>
      %and3A = arith.constant 15 : i32
      %and3A_88 = vector.broadcast %and3A : i32 to vector<16xi32>
      %and3A_89 = arith.andi %add3A_87, %and3A_88 : vector<16xi32>
      %jit3A_90 = arith.constant 0 : i32
      %jit3A_91 = arith.constant 1 : i32
      %broadcast_in_dim3A_92 = vector.broadcast %jit3A_90 : i32 to vector<16xi32>
      %broadcast_in_dim3A_93 = vector.broadcast %jit3A_91 : i32 to vector<16xi32>
      %select_n3A_94 = arith.select %lt3A_84, %broadcast_in_dim3A_92, %broadcast_in_dim3A_93 : vector<16xi1>, vector<16xi32>
      %jit3A_95 = arith.constant 2 : i32
      %jit3A_96 = arith.constant 3 : i32
      %broadcast_in_dim3A_97 = vector.broadcast %jit3A_95 : i32 to vector<16xi32>
      %broadcast_in_dim3A_98 = vector.broadcast %jit3A_96 : i32 to vector<16xi32>
      %select_n3A_99 = arith.select %lt3A_84, %broadcast_in_dim3A_97, %broadcast_in_dim3A_98 : vector<16xi1>, vector<16xi32>
      %jit3A_100 = arith.constant 4 : i32
      %jit3A_101 = arith.constant 5 : i32
      %broadcast_in_dim3A_102 = vector.broadcast %jit3A_100 : i32 to vector<16xi32>
      %broadcast_in_dim3A_103 = vector.broadcast %jit3A_101 : i32 to vector<16xi32>
      %select_n3A_104 = arith.select %lt3A_84, %broadcast_in_dim3A_102, %broadcast_in_dim3A_103 : vector<16xi1>, vector<16xi32>
      %jit3A_105 = arith.constant 6 : i32
      %jit3A_106 = arith.constant 7 : i32
      %broadcast_in_dim3A_107 = vector.broadcast %jit3A_105 : i32 to vector<16xi32>
      %broadcast_in_dim3A_108 = vector.broadcast %jit3A_106 : i32 to vector<16xi32>
      %select_n3A_109 = arith.select %lt3A_84, %broadcast_in_dim3A_107, %broadcast_in_dim3A_108 : vector<16xi1>, vector<16xi32>
      %scan3A_110 = arith.constant 0 : i32
      %scan3A_111 = arith.constant 0 : i32
      %scan3A_112 = arith.constant 16 : i32
      %scan3A_113 = arith.addi %scan3A_111, %scan3A_112 : i32
      %scan3A_114 = arith.constant 1 : i32
      scf.for %scan3A_177 = %scan3A_111 to %scan3A_113 step %scan3A_114  : i32 {
        %mul3A_178 = arith.constant 4 : i32
        %mul3A_179 = arith.muli %scan3A_177, %mul3A_178 : i32
        %add3A_180 = arith.constant 0 : i32
        %add3A_181 = arith.addi %mul3A_179, %add3A_180 : i32
        %get3A_182 = arith.index_cast %add3A_181 : i32 to index
        %get3A_183 = arith.constant 64 : index
        %get3A_184 = tpu.vector_load %arg10[%get3A_182, %get3A_183] {strides = array<i32>} : memref<128x128xf32, #tpu.memory_space<vmem>>, vector<1x16xf32>,
        %get3A_185 = vector.shape_cast %get3A_184 : vector<1x16xf32> to vector<16xf32>
        %add3A_186 = arith.constant 64 : i32
        %add3A_187 = arith.addi %add3A_186, %add3A_181 : i32
        %get3A_188 = arith.index_cast %add3A_187 : i32 to index
        %get3A_189 = arith.constant 64 : index
        %get3A_190 = tpu.vector_load %arg10[%get3A_188, %get3A_189] {strides = array<i32>} : memref<128x128xf32, #tpu.memory_space<vmem>>, vector<1x16xf32>,
        %get3A_191 = vector.shape_cast %get3A_190 : vector<1x16xf32> to vector<16xf32>
        %broadcast_in_dim3A_192 = vector.shape_cast %and3A_89 : vector<16xi32> to vector<16x1xi32>
        %gather3A = vector.shape_cast %broadcast_in_dim3A_192 : vector<16x1xi32> to vector<16xi32>
        %gather3A_193 = tpu.dynamic_gather %get3A_191[%gather3A] in [0] : vector<16xf32>, vector<16xi32> -> vector<16xf32>
        %add3A_194 = arith.addf %get3A_185, %gather3A_193 : vector<16xf32>
        %ge3A_195 = arith.constant 0.000000e+00 : f32
        %ge3A_196 = vector.broadcast %ge3A_195 : f32 to vector<16xf32>
        %ge3A_197 = arith.cmpf oge, %add3A_194, %ge3A_196 : vector<16xf32>
        %mul3A_198 = arith.constant 2.000000e-01 : f32
        %mul3A_199 = vector.broadcast %mul3A_198 : f32 to vector<16xf32>
        %mul3A_200 = arith.mulf %mul3A_199, %add3A_194 : vector<16xf32>
        %select_n3A_201 = arith.select %ge3A_197, %add3A_194, %mul3A_200 : vector<16xi1>, vector<16xf32>
        %sub3A = arith.subf %select_n3A_201, %get3A_81 : vector<16xf32>
        %exp3A = math.exp %sub3A : vector<16xf32>
        %swap3A_202 = arith.index_cast %add3A_181 : i32 to index
        %swap3A_203 = arith.constant 64 : index
        %swap3A_204 = tpu.vector_load %arg15[%swap3A_202, %swap3A_203] {strides = array<i32>} : memref<64x128xf32, #tpu.memory_space<vmem>>, vector<1x16xf32>,
        %swap3A_205 = vector.shape_cast %swap3A_204 : vector<1x16xf32> to vector<16xf32>
        %swap3A_206 = vector.shape_cast %exp3A : vector<16xf32> to vector<1x16xf32>
        tpu.vector_store %arg15[%swap3A_202, %swap3A_203], %swap3A_206 {strides = array<i32>} : memref<64x128xf32, #tpu.memory_space<vmem>>, vector<1x16xf32>,
        %get3A_207 = arith.index_cast %add3A_181 : i32 to index
        %get3A_208 = arith.constant 0 : index
        %get3A_209 = tpu.vector_load %arg10[%get3A_207, %get3A_208] {strides = array<i32>} : memref<128x128xf32, #tpu.memory_space<vmem>>, vector<1x16xf32>,
        %get3A_210 = vector.shape_cast %get3A_209 : vector<1x16xf32> to vector<16xf32>
        %broadcast_in_dim3A_211 = vector.shape_cast %select_n3A_94 : vector<16xi32> to vector<16x1xi32>
        %gather3A_212 = vector.shape_cast %broadcast_in_dim3A_211 : vector<16x1xi32> to vector<16xi32>
        %gather3A_213 = tpu.dynamic_gather %exp3A[%gather3A_212] in [0] : vector<16xf32>, vector<16xi32> -> vector<16xf32>
        %mul3A_214 = arith.mulf %get3A_210, %gather3A_213 : vector<16xf32>
        %swap3A_215 = arith.index_cast %add3A_181 : i32 to index
        %swap3A_216 = arith.constant 0 : index
        %swap3A_217 = tpu.vector_load %arg15[%swap3A_215, %swap3A_216] {strides = array<i32>} : memref<64x128xf32, #tpu.memory_space<vmem>>, vector<1x16xf32>,
        %swap3A_218 = vector.shape_cast %swap3A_217 : vector<1x16xf32> to vector<16xf32>
        %swap3A_219 = vector.shape_cast %mul3A_214 : vector<16xf32> to vector<1x16xf32>
        tpu.vector_store %arg15[%swap3A_215, %swap3A_216], %swap3A_219 {strides = array<i32>} : memref<64x128xf32, #tpu.memory_space<vmem>>, vector<1x16xf32>,
        %get3A_220 = arith.index_cast %add3A_181 : i32 to index
        %get3A_221 = arith.constant 16 : index
        %get3A_222 = tpu.vector_load %arg10[%get3A_220, %get3A_221] {strides = array<i32>} : memref<128x128xf32, #tpu.memory_space<vmem>>, vector<1x16xf32>,
        %get3A_223 = vector.shape_cast %get3A_222 : vector<1x16xf32> to vector<16xf32>
        %broadcast_in_dim3A_224 = vector.shape_cast %select_n3A_99 : vector<16xi32> to vector<16x1xi32>
        %gather3A_225 = vector.shape_cast %broadcast_in_dim3A_224 : vector<16x1xi32> to vector<16xi32>
        %gather3A_226 = tpu.dynamic_gather %exp3A[%gather3A_225] in [0] : vector<16xf32>, vector<16xi32> -> vector<16xf32>
        %mul3A_227 = arith.mulf %get3A_223, %gather3A_226 : vector<16xf32>
        %swap3A_228 = arith.index_cast %add3A_181 : i32 to index
        %swap3A_229 = arith.constant 16 : index
        %swap3A_230 = tpu.vector_load %arg15[%swap3A_228, %swap3A_229] {strides = array<i32>} : memref<64x128xf32, #tpu.memory_space<vmem>>, vector<1x16xf32>,
        %swap3A_231 = vector.shape_cast %swap3A_230 : vector<1x16xf32> to vector<16xf32>
        %swap3A_232 = vector.shape_cast %mul3A_227 : vector<16xf32> to vector<1x16xf32>
        tpu.vector_store %arg15[%swap3A_228, %swap3A_229], %swap3A_232 {strides = array<i32>} : memref<64x128xf32, #tpu.memory_space<vmem>>, vector<1x16xf32>,
        %get3A_233 = arith.index_cast %add3A_181 : i32 to index
        %get3A_234 = arith.constant 32 : index
        %get3A_235 = tpu.vector_load %arg10[%get3A_233, %get3A_234] {strides = array<i32>} : memref<128x128xf32, #tpu.memory_space<vmem>>, vector<1x16xf32>,
        %get3A_236 = vector.shape_cast %get3A_235 : vector<1x16xf32> to vector<16xf32>
        %broadcast_in_dim3A_237 = vector.shape_cast %select_n3A_104 : vector<16xi32> to vector<16x1xi32>
        %gather3A_238 = vector.shape_cast %broadcast_in_dim3A_237 : vector<16x1xi32> to vector<16xi32>
        %gather3A_239 = tpu.dynamic_gather %exp3A[%gather3A_238] in [0] : vector<16xf32>, vector<16xi32> -> vector<16xf32>
        %mul3A_240 = arith.mulf %get3A_236, %gather3A_239 : vector<16xf32>
        %swap3A_241 = arith.index_cast %add3A_181 : i32 to index
        %swap3A_242 = arith.constant 32 : index
        %swap3A_243 = tpu.vector_load %arg15[%swap3A_241, %swap3A_242] {strides = array<i32>} : memref<64x128xf32, #tpu.memory_space<vmem>>, vector<1x16xf32>,
        %swap3A_244 = vector.shape_cast %swap3A_243 : vector<1x16xf32> to vector<16xf32>
        %swap3A_245 = vector.shape_cast %mul3A_240 : vector<16xf32> to vector<1x16xf32>
        tpu.vector_store %arg15[%swap3A_241, %swap3A_242], %swap3A_245 {strides = array<i32>} : memref<64x128xf32, #tpu.memory_space<vmem>>, vector<1x16xf32>,
        %get3A_246 = arith.index_cast %add3A_181 : i32 to index
        %get3A_247 = arith.constant 48 : index
        %get3A_248 = tpu.vector_load %arg10[%get3A_246, %get3A_247] {strides = array<i32>} : memref<128x128xf32, #tpu.memory_space<vmem>>, vector<1x16xf32>,
        %get3A_249 = vector.shape_cast %get3A_248 : vector<1x16xf32> to vector<16xf32>
        %broadcast_in_dim3A_250 = vector.shape_cast %select_n3A_109 : vector<16xi32> to vector<16x1xi32>
        %gather3A_251 = vector.shape_cast %broadcast_in_dim3A_250 : vector<16x1xi32> to vector<16xi32>
        %gather3A_252 = tpu.dynamic_gather %exp3A[%gather3A_251] in [0] : vector<16xf32>, vector<16xi32> -> vector<16xf32>
        %mul3A_253 = arith.mulf %get3A_249, %gather3A_252 : vector<16xf32>
        %swap3A_254 = arith.index_cast %add3A_181 : i32 to index
        %swap3A_255 = arith.constant 48 : index
        %swap3A_256 = tpu.vector_load %arg15[%swap3A_254, %swap3A_255] {strides = array<i32>} : memref<64x128xf32, #tpu.memory_space<vmem>>, vector<1x16xf32>,
        %swap3A_257 = vector.shape_cast %swap3A_256 : vector<1x16xf32> to vector<16xf32>
        %swap3A_258 = vector.shape_cast %mul3A_253 : vector<16xf32> to vector<1x16xf32>
        tpu.vector_store %arg15[%swap3A_254, %swap3A_255], %swap3A_258 {strides = array<i32>} : memref<64x128xf32, #tpu.memory_space<vmem>>, vector<1x16xf32>,
        %mul3A_259 = arith.constant 4 : i32
        %mul3A_260 = arith.muli %scan3A_177, %mul3A_259 : i32
        %add3A_261 = arith.constant 1 : i32
        %add3A_262 = arith.addi %mul3A_260, %add3A_261 : i32
        %get3A_263 = arith.index_cast %add3A_262 : i32 to index
        %get3A_264 = arith.constant 64 : index
        %get3A_265 = tpu.vector_load %arg10[%get3A_263, %get3A_264] {strides = array<i32>} : memref<128x128xf32, #tpu.memory_space<vmem>>, vector<1x16xf32>,
        %get3A_266 = vector.shape_cast %get3A_265 : vector<1x16xf32> to vector<16xf32>
        %add3A_267 = arith.constant 64 : i32
        %add3A_268 = arith.addi %add3A_267, %add3A_262 : i32
        %get3A_269 = arith.index_cast %add3A_268 : i32 to index
        %get3A_270 = arith.constant 64 : index
        %get3A_271 = tpu.vector_load %arg10[%get3A_269, %get3A_270] {strides = array<i32>} : memref<128x128xf32, #tpu.memory_space<vmem>>, vector<1x16xf32>,
        %get3A_272 = vector.shape_cast %get3A_271 : vector<1x16xf32> to vector<16xf32>
        %broadcast_in_dim3A_273 = vector.shape_cast %and3A_89 : vector<16xi32> to vector<16x1xi32>
        %gather3A_274 = vector.shape_cast %broadcast_in_dim3A_273 : vector<16x1xi32> to vector<16xi32>
        %gather3A_275 = tpu.dynamic_gather %get3A_272[%gather3A_274] in [0] : vector<16xf32>, vector<16xi32> -> vector<16xf32>
        %add3A_276 = arith.addf %get3A_266, %gather3A_275 : vector<16xf32>
        %ge3A_277 = arith.constant 0.000000e+00 : f32
        %ge3A_278 = vector.broadcast %ge3A_277 : f32 to vector<16xf32>
        %ge3A_279 = arith.cmpf oge, %add3A_276, %ge3A_278 : vector<16xf32>
        %mul3A_280 = arith.constant 2.000000e-01 : f32
        %mul3A_281 = vector.broadcast %mul3A_280 : f32 to vector<16xf32>
        %mul3A_282 = arith.mulf %mul3A_281, %add3A_276 : vector<16xf32>
        %select_n3A_283 = arith.select %ge3A_279, %add3A_276, %mul3A_282 : vector<16xi1>, vector<16xf32>
        %sub3A_284 = arith.subf %select_n3A_283, %get3A_81 : vector<16xf32>
        %exp3A_285 = math.exp %sub3A_284 : vector<16xf32>
        %swap3A_286 = arith.index_cast %add3A_262 : i32 to index
        %swap3A_287 = arith.constant 64 : index
        %swap3A_288 = tpu.vector_load %arg15[%swap3A_286, %swap3A_287] {strides = array<i32>} : memref<64x128xf32, #tpu.memory_space<vmem>>, vector<1x16xf32>,
        %swap3A_289 = vector.shape_cast %swap3A_288 : vector<1x16xf32> to vector<16xf32>
        %swap3A_290 = vector.shape_cast %exp3A_285 : vector<16xf32> to vector<1x16xf32>
        tpu.vector_store %arg15[%swap3A_286, %swap3A_287], %swap3A_290 {strides = array<i32>} : memref<64x128xf32, #tpu.memory_space<vmem>>, vector<1x16xf32>,
        %get3A_291 = arith.index_cast %add3A_262 : i32 to index
        %get3A_292 = arith.constant 0 : index
        %get3A_293 = tpu.vector_load %arg10[%get3A_291, %get3A_292] {strides = array<i32>} : memref<128x128xf32, #tpu.memory_space<vmem>>, vector<1x16xf32>,
        %get3A_294 = vector.shape_cast %get3A_293 : vector<1x16xf32> to vector<16xf32>
        %broadcast_in_dim3A_295 = vector.shape_cast %select_n3A_94 : vector<16xi32> to vector<16x1xi32>
        %gather3A_296 = vector.shape_cast %broadcast_in_dim3A_295 : vector<16x1xi32> to vector<16xi32>
        %gather3A_297 = tpu.dynamic_gather %exp3A_285[%gather3A_296] in [0] : vector<16xf32>, vector<16xi32> -> vector<16xf32>
        %mul3A_298 = arith.mulf %get3A_294, %gather3A_297 : vector<16xf32>
        %swap3A_299 = arith.index_cast %add3A_262 : i32 to index
        %swap3A_300 = arith.constant 0 : index
        %swap3A_301 = tpu.vector_load %arg15[%swap3A_299, %swap3A_300] {strides = array<i32>} : memref<64x128xf32, #tpu.memory_space<vmem>>, vector<1x16xf32>,
        %swap3A_302 = vector.shape_cast %swap3A_301 : vector<1x16xf32> to vector<16xf32>
        %swap3A_303 = vector.shape_cast %mul3A_298 : vector<16xf32> to vector<1x16xf32>
        tpu.vector_store %arg15[%swap3A_299, %swap3A_300], %swap3A_303 {strides = array<i32>} : memref<64x128xf32, #tpu.memory_space<vmem>>, vector<1x16xf32>,
        %get3A_304 = arith.index_cast %add3A_262 : i32 to index
        %get3A_305 = arith.constant 16 : index
        %get3A_306 = tpu.vector_load %arg10[%get3A_304, %get3A_305] {strides = array<i32>} : memref<128x128xf32, #tpu.memory_space<vmem>>, vector<1x16xf32>,
        %get3A_307 = vector.shape_cast %get3A_306 : vector<1x16xf32> to vector<16xf32>
        %broadcast_in_dim3A_308 = vector.shape_cast %select_n3A_99 : vector<16xi32> to vector<16x1xi32>
        %gather3A_309 = vector.shape_cast %broadcast_in_dim3A_308 : vector<16x1xi32> to vector<16xi32>
        %gather3A_310 = tpu.dynamic_gather %exp3A_285[%gather3A_309] in [0] : vector<16xf32>, vector<16xi32> -> vector<16xf32>
        %mul3A_311 = arith.mulf %get3A_307, %gather3A_310 : vector<16xf32>
        %swap3A_312 = arith.index_cast %add3A_262 : i32 to index
        %swap3A_313 = arith.constant 16 : index
        %swap3A_314 = tpu.vector_load %arg15[%swap3A_312, %swap3A_313] {strides = array<i32>} : memref<64x128xf32, #tpu.memory_space<vmem>>, vector<1x16xf32>,
        %swap3A_315 = vector.shape_cast %swap3A_314 : vector<1x16xf32> to vector<16xf32>
        %swap3A_316 = vector.shape_cast %mul3A_311 : vector<16xf32> to vector<1x16xf32>
        tpu.vector_store %arg15[%swap3A_312, %swap3A_313], %swap3A_316 {strides = array<i32>} : memref<64x128xf32, #tpu.memory_space<vmem>>, vector<1x16xf32>,
        %get3A_317 = arith.index_cast %add3A_262 : i32 to index
        %get3A_318 = arith.constant 32 : index
        %get3A_319 = tpu.vector_load %arg10[%get3A_317, %get3A_318] {strides = array<i32>} : memref<128x128xf32, #tpu.memory_space<vmem>>, vector<1x16xf32>,
        %get3A_320 = vector.shape_cast %get3A_319 : vector<1x16xf32> to vector<16xf32>
        %broadcast_in_dim3A_321 = vector.shape_cast %select_n3A_104 : vector<16xi32> to vector<16x1xi32>
        %gather3A_322 = vector.shape_cast %broadcast_in_dim3A_321 : vector<16x1xi32> to vector<16xi32>
        %gather3A_323 = tpu.dynamic_gather %exp3A_285[%gather3A_322] in [0] : vector<16xf32>, vector<16xi32> -> vector<16xf32>
        %mul3A_324 = arith.mulf %get3A_320, %gather3A_323 : vector<16xf32>
        %swap3A_325 = arith.index_cast %add3A_262 : i32 to index
        %swap3A_326 = arith.constant 32 : index
        %swap3A_327 = tpu.vector_load %arg15[%swap3A_325, %swap3A_326] {strides = array<i32>} : memref<64x128xf32, #tpu.memory_space<vmem>>, vector<1x16xf32>,
        %swap3A_328 = vector.shape_cast %swap3A_327 : vector<1x16xf32> to vector<16xf32>
        %swap3A_329 = vector.shape_cast %mul3A_324 : vector<16xf32> to vector<1x16xf32>
        tpu.vector_store %arg15[%swap3A_325, %swap3A_326], %swap3A_329 {strides = array<i32>} : memref<64x128xf32, #tpu.memory_space<vmem>>, vector<1x16xf32>,
        %get3A_330 = arith.index_cast %add3A_262 : i32 to index
        %get3A_331 = arith.constant 48 : index
        %get3A_332 = tpu.vector_load %arg10[%get3A_330, %get3A_331] {strides = array<i32>} : memref<128x128xf32, #tpu.memory_space<vmem>>, vector<1x16xf32>,
        %get3A_333 = vector.shape_cast %get3A_332 : vector<1x16xf32> to vector<16xf32>
        %broadcast_in_dim3A_334 = vector.shape_cast %select_n3A_109 : vector<16xi32> to vector<16x1xi32>
        %gather3A_335 = vector.shape_cast %broadcast_in_dim3A_334 : vector<16x1xi32> to vector<16xi32>
        %gather3A_336 = tpu.dynamic_gather %exp3A_285[%gather3A_335] in [0] : vector<16xf32>, vector<16xi32> -> vector<16xf32>
        %mul3A_337 = arith.mulf %get3A_333, %gather3A_336 : vector<16xf32>
        %swap3A_338 = arith.index_cast %add3A_262 : i32 to index
        %swap3A_339 = arith.constant 48 : index
        %swap3A_340 = tpu.vector_load %arg15[%swap3A_338, %swap3A_339] {strides = array<i32>} : memref<64x128xf32, #tpu.memory_space<vmem>>, vector<1x16xf32>,
        %swap3A_341 = vector.shape_cast %swap3A_340 : vector<1x16xf32> to vector<16xf32>
        %swap3A_342 = vector.shape_cast %mul3A_337 : vector<16xf32> to vector<1x16xf32>
        tpu.vector_store %arg15[%swap3A_338, %swap3A_339], %swap3A_342 {strides = array<i32>} : memref<64x128xf32, #tpu.memory_space<vmem>>, vector<1x16xf32>,
        %mul3A_343 = arith.constant 4 : i32
        %mul3A_344 = arith.muli %scan3A_177, %mul3A_343 : i32
        %add3A_345 = arith.constant 2 : i32
        %add3A_346 = arith.addi %mul3A_344, %add3A_345 : i32
        %get3A_347 = arith.index_cast %add3A_346 : i32 to index
        %get3A_348 = arith.constant 64 : index
        %get3A_349 = tpu.vector_load %arg10[%get3A_347, %get3A_348] {strides = array<i32>} : memref<128x128xf32, #tpu.memory_space<vmem>>, vector<1x16xf32>,
        %get3A_350 = vector.shape_cast %get3A_349 : vector<1x16xf32> to vector<16xf32>
        %add3A_351 = arith.constant 64 : i32
        %add3A_352 = arith.addi %add3A_351, %add3A_346 : i32
        %get3A_353 = arith.index_cast %add3A_352 : i32 to index
        %get3A_354 = arith.constant 64 : index
        %get3A_355 = tpu.vector_load %arg10[%get3A_353, %get3A_354] {strides = array<i32>} : memref<128x128xf32, #tpu.memory_space<vmem>>, vector<1x16xf32>,
        %get3A_356 = vector.shape_cast %get3A_355 : vector<1x16xf32> to vector<16xf32>
        %broadcast_in_dim3A_357 = vector.shape_cast %and3A_89 : vector<16xi32> to vector<16x1xi32>
        %gather3A_358 = vector.shape_cast %broadcast_in_dim3A_357 : vector<16x1xi32> to vector<16xi32>
        %gather3A_359 = tpu.dynamic_gather %get3A_356[%gather3A_358] in [0] : vector<16xf32>, vector<16xi32> -> vector<16xf32>
        %add3A_360 = arith.addf %get3A_350, %gather3A_359 : vector<16xf32>
        %ge3A_361 = arith.constant 0.000000e+00 : f32
        %ge3A_362 = vector.broadcast %ge3A_361 : f32 to vector<16xf32>
        %ge3A_363 = arith.cmpf oge, %add3A_360, %ge3A_362 : vector<16xf32>
        %mul3A_364 = arith.constant 2.000000e-01 : f32
        %mul3A_365 = vector.broadcast %mul3A_364 : f32 to vector<16xf32>
        %mul3A_366 = arith.mulf %mul3A_365, %add3A_360 : vector<16xf32>
        %select_n3A_367 = arith.select %ge3A_363, %add3A_360, %mul3A_366 : vector<16xi1>, vector<16xf32>
        %sub3A_368 = arith.subf %select_n3A_367, %get3A_81 : vector<16xf32>
        %exp3A_369 = math.exp %sub3A_368 : vector<16xf32>
        %swap3A_370 = arith.index_cast %add3A_346 : i32 to index
        %swap3A_371 = arith.constant 64 : index
        %swap3A_372 = tpu.vector_load %arg15[%swap3A_370, %swap3A_371] {strides = array<i32>} : memref<64x128xf32, #tpu.memory_space<vmem>>, vector<1x16xf32>,
        %swap3A_373 = vector.shape_cast %swap3A_372 : vector<1x16xf32> to vector<16xf32>
        %swap3A_374 = vector.shape_cast %exp3A_369 : vector<16xf32> to vector<1x16xf32>
        tpu.vector_store %arg15[%swap3A_370, %swap3A_371], %swap3A_374 {strides = array<i32>} : memref<64x128xf32, #tpu.memory_space<vmem>>, vector<1x16xf32>,
        %get3A_375 = arith.index_cast %add3A_346 : i32 to index
        %get3A_376 = arith.constant 0 : index
        %get3A_377 = tpu.vector_load %arg10[%get3A_375, %get3A_376] {strides = array<i32>} : memref<128x128xf32, #tpu.memory_space<vmem>>, vector<1x16xf32>,
        %get3A_378 = vector.shape_cast %get3A_377 : vector<1x16xf32> to vector<16xf32>
        %broadcast_in_dim3A_379 = vector.shape_cast %select_n3A_94 : vector<16xi32> to vector<16x1xi32>
        %gather3A_380 = vector.shape_cast %broadcast_in_dim3A_379 : vector<16x1xi32> to vector<16xi32>
        %gather3A_381 = tpu.dynamic_gather %exp3A_369[%gather3A_380] in [0] : vector<16xf32>, vector<16xi32> -> vector<16xf32>
        %mul3A_382 = arith.mulf %get3A_378, %gather3A_381 : vector<16xf32>
        %swap3A_383 = arith.index_cast %add3A_346 : i32 to index
        %swap3A_384 = arith.constant 0 : index
        %swap3A_385 = tpu.vector_load %arg15[%swap3A_383, %swap3A_384] {strides = array<i32>} : memref<64x128xf32, #tpu.memory_space<vmem>>, vector<1x16xf32>,
        %swap3A_386 = vector.shape_cast %swap3A_385 : vector<1x16xf32> to vector<16xf32>
        %swap3A_387 = vector.shape_cast %mul3A_382 : vector<16xf32> to vector<1x16xf32>
        tpu.vector_store %arg15[%swap3A_383, %swap3A_384], %swap3A_387 {strides = array<i32>} : memref<64x128xf32, #tpu.memory_space<vmem>>, vector<1x16xf32>,
        %get3A_388 = arith.index_cast %add3A_346 : i32 to index
        %get3A_389 = arith.constant 16 : index
        %get3A_390 = tpu.vector_load %arg10[%get3A_388, %get3A_389] {strides = array<i32>} : memref<128x128xf32, #tpu.memory_space<vmem>>, vector<1x16xf32>,
        %get3A_391 = vector.shape_cast %get3A_390 : vector<1x16xf32> to vector<16xf32>
        %broadcast_in_dim3A_392 = vector.shape_cast %select_n3A_99 : vector<16xi32> to vector<16x1xi32>
        %gather3A_393 = vector.shape_cast %broadcast_in_dim3A_392 : vector<16x1xi32> to vector<16xi32>
        %gather3A_394 = tpu.dynamic_gather %exp3A_369[%gather3A_393] in [0] : vector<16xf32>, vector<16xi32> -> vector<16xf32>
        %mul3A_395 = arith.mulf %get3A_391, %gather3A_394 : vector<16xf32>
        %swap3A_396 = arith.index_cast %add3A_346 : i32 to index
        %swap3A_397 = arith.constant 16 : index
        %swap3A_398 = tpu.vector_load %arg15[%swap3A_396, %swap3A_397] {strides = array<i32>} : memref<64x128xf32, #tpu.memory_space<vmem>>, vector<1x16xf32>,
        %swap3A_399 = vector.shape_cast %swap3A_398 : vector<1x16xf32> to vector<16xf32>
        %swap3A_400 = vector.shape_cast %mul3A_395 : vector<16xf32> to vector<1x16xf32>
        tpu.vector_store %arg15[%swap3A_396, %swap3A_397], %swap3A_400 {strides = array<i32>} : memref<64x128xf32, #tpu.memory_space<vmem>>, vector<1x16xf32>,
        %get3A_401 = arith.index_cast %add3A_346 : i32 to index
        %get3A_402 = arith.constant 32 : index
        %get3A_403 = tpu.vector_load %arg10[%get3A_401, %get3A_402] {strides = array<i32>} : memref<128x128xf32, #tpu.memory_space<vmem>>, vector<1x16xf32>,
        %get3A_404 = vector.shape_cast %get3A_403 : vector<1x16xf32> to vector<16xf32>
        %broadcast_in_dim3A_405 = vector.shape_cast %select_n3A_104 : vector<16xi32> to vector<16x1xi32>
        %gather3A_406 = vector.shape_cast %broadcast_in_dim3A_405 : vector<16x1xi32> to vector<16xi32>
        %gather3A_407 = tpu.dynamic_gather %exp3A_369[%gather3A_406] in [0] : vector<16xf32>, vector<16xi32> -> vector<16xf32>
        %mul3A_408 = arith.mulf %get3A_404, %gather3A_407 : vector<16xf32>
        %swap3A_409 = arith.index_cast %add3A_346 : i32 to index
        %swap3A_410 = arith.constant 32 : index
        %swap3A_411 = tpu.vector_load %arg15[%swap3A_409, %swap3A_410] {strides = array<i32>} : memref<64x128xf32, #tpu.memory_space<vmem>>, vector<1x16xf32>,
        %swap3A_412 = vector.shape_cast %swap3A_411 : vector<1x16xf32> to vector<16xf32>
        %swap3A_413 = vector.shape_cast %mul3A_408 : vector<16xf32> to vector<1x16xf32>
        tpu.vector_store %arg15[%swap3A_409, %swap3A_410], %swap3A_413 {strides = array<i32>} : memref<64x128xf32, #tpu.memory_space<vmem>>, vector<1x16xf32>,
        %get3A_414 = arith.index_cast %add3A_346 : i32 to index
        %get3A_415 = arith.constant 48 : index
        %get3A_416 = tpu.vector_load %arg10[%get3A_414, %get3A_415] {strides = array<i32>} : memref<128x128xf32, #tpu.memory_space<vmem>>, vector<1x16xf32>,
        %get3A_417 = vector.shape_cast %get3A_416 : vector<1x16xf32> to vector<16xf32>
        %broadcast_in_dim3A_418 = vector.shape_cast %select_n3A_109 : vector<16xi32> to vector<16x1xi32>
        %gather3A_419 = vector.shape_cast %broadcast_in_dim3A_418 : vector<16x1xi32> to vector<16xi32>
        %gather3A_420 = tpu.dynamic_gather %exp3A_369[%gather3A_419] in [0] : vector<16xf32>, vector<16xi32> -> vector<16xf32>
        %mul3A_421 = arith.mulf %get3A_417, %gather3A_420 : vector<16xf32>
        %swap3A_422 = arith.index_cast %add3A_346 : i32 to index
        %swap3A_423 = arith.constant 48 : index
        %swap3A_424 = tpu.vector_load %arg15[%swap3A_422, %swap3A_423] {strides = array<i32>} : memref<64x128xf32, #tpu.memory_space<vmem>>, vector<1x16xf32>,
        %swap3A_425 = vector.shape_cast %swap3A_424 : vector<1x16xf32> to vector<16xf32>
        %swap3A_426 = vector.shape_cast %mul3A_421 : vector<16xf32> to vector<1x16xf32>
        tpu.vector_store %arg15[%swap3A_422, %swap3A_423], %swap3A_426 {strides = array<i32>} : memref<64x128xf32, #tpu.memory_space<vmem>>, vector<1x16xf32>,
        %mul3A_427 = arith.constant 4 : i32
        %mul3A_428 = arith.muli %scan3A_177, %mul3A_427 : i32
        %add3A_429 = arith.constant 3 : i32
        %add3A_430 = arith.addi %mul3A_428, %add3A_429 : i32
        %get3A_431 = arith.index_cast %add3A_430 : i32 to index
        %get3A_432 = arith.constant 64 : index
        %get3A_433 = tpu.vector_load %arg10[%get3A_431, %get3A_432] {strides = array<i32>} : memref<128x128xf32, #tpu.memory_space<vmem>>, vector<1x16xf32>,
        %get3A_434 = vector.shape_cast %get3A_433 : vector<1x16xf32> to vector<16xf32>
        %add3A_435 = arith.constant 64 : i32
        %add3A_436 = arith.addi %add3A_435, %add3A_430 : i32
        %get3A_437 = arith.index_cast %add3A_436 : i32 to index
        %get3A_438 = arith.constant 64 : index
        %get3A_439 = tpu.vector_load %arg10[%get3A_437, %get3A_438] {strides = array<i32>} : memref<128x128xf32, #tpu.memory_space<vmem>>, vector<1x16xf32>,
        %get3A_440 = vector.shape_cast %get3A_439 : vector<1x16xf32> to vector<16xf32>
        %broadcast_in_dim3A_441 = vector.shape_cast %and3A_89 : vector<16xi32> to vector<16x1xi32>
        %gather3A_442 = vector.shape_cast %broadcast_in_dim3A_441 : vector<16x1xi32> to vector<16xi32>
        %gather3A_443 = tpu.dynamic_gather %get3A_440[%gather3A_442] in [0] : vector<16xf32>, vector<16xi32> -> vector<16xf32>
        %add3A_444 = arith.addf %get3A_434, %gather3A_443 : vector<16xf32>
        %ge3A_445 = arith.constant 0.000000e+00 : f32
        %ge3A_446 = vector.broadcast %ge3A_445 : f32 to vector<16xf32>
        %ge3A_447 = arith.cmpf oge, %add3A_444, %ge3A_446 : vector<16xf32>
        %mul3A_448 = arith.constant 2.000000e-01 : f32
        %mul3A_449 = vector.broadcast %mul3A_448 : f32 to vector<16xf32>
        %mul3A_450 = arith.mulf %mul3A_449, %add3A_444 : vector<16xf32>
        %select_n3A_451 = arith.select %ge3A_447, %add3A_444, %mul3A_450 : vector<16xi1>, vector<16xf32>
        %sub3A_452 = arith.subf %select_n3A_451, %get3A_81 : vector<16xf32>
        %exp3A_453 = math.exp %sub3A_452 : vector<16xf32>
        %swap3A_454 = arith.index_cast %add3A_430 : i32 to index
        %swap3A_455 = arith.constant 64 : index
        %swap3A_456 = tpu.vector_load %arg15[%swap3A_454, %swap3A_455] {strides = array<i32>} : memref<64x128xf32, #tpu.memory_space<vmem>>, vector<1x16xf32>,
        %swap3A_457 = vector.shape_cast %swap3A_456 : vector<1x16xf32> to vector<16xf32>
        %swap3A_458 = vector.shape_cast %exp3A_453 : vector<16xf32> to vector<1x16xf32>
        tpu.vector_store %arg15[%swap3A_454, %swap3A_455], %swap3A_458 {strides = array<i32>} : memref<64x128xf32, #tpu.memory_space<vmem>>, vector<1x16xf32>,
        %get3A_459 = arith.index_cast %add3A_430 : i32 to index
        %get3A_460 = arith.constant 0 : index
        %get3A_461 = tpu.vector_load %arg10[%get3A_459, %get3A_460] {strides = array<i32>} : memref<128x128xf32, #tpu.memory_space<vmem>>, vector<1x16xf32>,
        %get3A_462 = vector.shape_cast %get3A_461 : vector<1x16xf32> to vector<16xf32>
        %broadcast_in_dim3A_463 = vector.shape_cast %select_n3A_94 : vector<16xi32> to vector<16x1xi32>
        %gather3A_464 = vector.shape_cast %broadcast_in_dim3A_463 : vector<16x1xi32> to vector<16xi32>
        %gather3A_465 = tpu.dynamic_gather %exp3A_453[%gather3A_464] in [0] : vector<16xf32>, vector<16xi32> -> vector<16xf32>
        %mul3A_466 = arith.mulf %get3A_462, %gather3A_465 : vector<16xf32>
        %swap3A_467 = arith.index_cast %add3A_430 : i32 to index
        %swap3A_468 = arith.constant 0 : index
        %swap3A_469 = tpu.vector_load %arg15[%swap3A_467, %swap3A_468] {strides = array<i32>} : memref<64x128xf32, #tpu.memory_space<vmem>>, vector<1x16xf32>,
        %swap3A_470 = vector.shape_cast %swap3A_469 : vector<1x16xf32> to vector<16xf32>
        %swap3A_471 = vector.shape_cast %mul3A_466 : vector<16xf32> to vector<1x16xf32>
        tpu.vector_store %arg15[%swap3A_467, %swap3A_468], %swap3A_471 {strides = array<i32>} : memref<64x128xf32, #tpu.memory_space<vmem>>, vector<1x16xf32>,
        %get3A_472 = arith.index_cast %add3A_430 : i32 to index
        %get3A_473 = arith.constant 16 : index
        %get3A_474 = tpu.vector_load %arg10[%get3A_472, %get3A_473] {strides = array<i32>} : memref<128x128xf32, #tpu.memory_space<vmem>>, vector<1x16xf32>,
        %get3A_475 = vector.shape_cast %get3A_474 : vector<1x16xf32> to vector<16xf32>
        %broadcast_in_dim3A_476 = vector.shape_cast %select_n3A_99 : vector<16xi32> to vector<16x1xi32>
        %gather3A_477 = vector.shape_cast %broadcast_in_dim3A_476 : vector<16x1xi32> to vector<16xi32>
        %gather3A_478 = tpu.dynamic_gather %exp3A_453[%gather3A_477] in [0] : vector<16xf32>, vector<16xi32> -> vector<16xf32>
        %mul3A_479 = arith.mulf %get3A_475, %gather3A_478 : vector<16xf32>
        %swap3A_480 = arith.index_cast %add3A_430 : i32 to index
        %swap3A_481 = arith.constant 16 : index
        %swap3A_482 = tpu.vector_load %arg15[%swap3A_480, %swap3A_481] {strides = array<i32>} : memref<64x128xf32, #tpu.memory_space<vmem>>, vector<1x16xf32>,
        %swap3A_483 = vector.shape_cast %swap3A_482 : vector<1x16xf32> to vector<16xf32>
        %swap3A_484 = vector.shape_cast %mul3A_479 : vector<16xf32> to vector<1x16xf32>
        tpu.vector_store %arg15[%swap3A_480, %swap3A_481], %swap3A_484 {strides = array<i32>} : memref<64x128xf32, #tpu.memory_space<vmem>>, vector<1x16xf32>,
        %get3A_485 = arith.index_cast %add3A_430 : i32 to index
        %get3A_486 = arith.constant 32 : index
        %get3A_487 = tpu.vector_load %arg10[%get3A_485, %get3A_486] {strides = array<i32>} : memref<128x128xf32, #tpu.memory_space<vmem>>, vector<1x16xf32>,
        %get3A_488 = vector.shape_cast %get3A_487 : vector<1x16xf32> to vector<16xf32>
        %broadcast_in_dim3A_489 = vector.shape_cast %select_n3A_104 : vector<16xi32> to vector<16x1xi32>
        %gather3A_490 = vector.shape_cast %broadcast_in_dim3A_489 : vector<16x1xi32> to vector<16xi32>
        %gather3A_491 = tpu.dynamic_gather %exp3A_453[%gather3A_490] in [0] : vector<16xf32>, vector<16xi32> -> vector<16xf32>
        %mul3A_492 = arith.mulf %get3A_488, %gather3A_491 : vector<16xf32>
        %swap3A_493 = arith.index_cast %add3A_430 : i32 to index
        %swap3A_494 = arith.constant 32 : index
        %swap3A_495 = tpu.vector_load %arg15[%swap3A_493, %swap3A_494] {strides = array<i32>} : memref<64x128xf32, #tpu.memory_space<vmem>>, vector<1x16xf32>,
        %swap3A_496 = vector.shape_cast %swap3A_495 : vector<1x16xf32> to vector<16xf32>
        %swap3A_497 = vector.shape_cast %mul3A_492 : vector<16xf32> to vector<1x16xf32>
        tpu.vector_store %arg15[%swap3A_493, %swap3A_494], %swap3A_497 {strides = array<i32>} : memref<64x128xf32, #tpu.memory_space<vmem>>, vector<1x16xf32>,
        %get3A_498 = arith.index_cast %add3A_430 : i32 to index
        %get3A_499 = arith.constant 48 : index
        %get3A_500 = tpu.vector_load %arg10[%get3A_498, %get3A_499] {strides = array<i32>} : memref<128x128xf32, #tpu.memory_space<vmem>>, vector<1x16xf32>,
        %get3A_501 = vector.shape_cast %get3A_500 : vector<1x16xf32> to vector<16xf32>
        %broadcast_in_dim3A_502 = vector.shape_cast %select_n3A_109 : vector<16xi32> to vector<16x1xi32>
        %gather3A_503 = vector.shape_cast %broadcast_in_dim3A_502 : vector<16x1xi32> to vector<16xi32>
        %gather3A_504 = tpu.dynamic_gather %exp3A_453[%gather3A_503] in [0] : vector<16xf32>, vector<16xi32> -> vector<16xf32>
        %mul3A_505 = arith.mulf %get3A_501, %gather3A_504 : vector<16xf32>
        %swap3A_506 = arith.index_cast %add3A_430 : i32 to index
        %swap3A_507 = arith.constant 48 : index
        %swap3A_508 = tpu.vector_load %arg15[%swap3A_506, %swap3A_507] {strides = array<i32>} : memref<64x128xf32, #tpu.memory_space<vmem>>, vector<1x16xf32>,
        %swap3A_509 = vector.shape_cast %swap3A_508 : vector<1x16xf32> to vector<16xf32>
        %swap3A_510 = vector.shape_cast %mul3A_505 : vector<16xf32> to vector<1x16xf32>
        tpu.vector_store %arg15[%swap3A_506, %swap3A_507], %swap3A_510 {strides = array<i32>} : memref<64x128xf32, #tpu.memory_space<vmem>>, vector<1x16xf32>,
      }
      %scan3A_115 = arith.constant 16 : i32
      %dma_start3A_116 = arith.constant 0 : i32
      %dma_start3A_117 = arith.constant 0 : i32
      %dma_start3A_118 = tpu.memref_slice %arg8[%dma_start3A_116, %dma_start3A_117] : memref<10112x128xf32, #tpu.memory_space<vmem_shared>> -> memref<10112x128xf32, #tpu.memory_space<vmem_shared>>
      tpu.enqueue_indirect_dma source(%arg15 : memref<64x128xf32, #tpu.memory_space<vmem>>) target(%dma_start3A_118 : memref<10112x128xf32, #tpu.memory_space<vmem_shared>>) offsets(%arg13 : memref<64xi32, #tpu.memory_space<vmem>>) semaphore(%arg22 : memref<!tpu.dma_semaphore, #tpu.memory_space<semaphore_mem>>) {add = true}
      %lt3A_119 = arith.constant 80 : i32
      %lt3A_120 = arith.cmpi slt, %scan3A_56, %lt3A_119 : i32
      %convert_element_type3A = arith.extui %lt3A_120 : i1 to i32
      %cond3A = arith.constant 0 : i32
      %cond3A_121 = arith.cmpi ne, %convert_element_type3A, %cond3A : i32
      scf.if %cond3A_121 {
        %mul3A_177 = arith.constant 2 : i32
        %mul3A_178 = arith.muli %mul3A_177, %scan3A_56 : i32
        %add3A_179 = arith.constant 2 : i32
        %add3A_180 = arith.addi %mul3A_178, %add3A_179 : i32
        %mul3A_181 = arith.constant 64 : i32
        %mul3A_182 = arith.muli %add3A_180, %mul3A_181 : i32
        %add3A_183 = arith.addi %mul3A_24, %mul3A_182 : i32
        "tpu.region"() ({
          %run_scoped3A_187 = tpu.sem_alloc : memref<!tpu.dma_semaphore, #tpu.memory_space<semaphore_mem>>
          %dma_start3A_188 = arith.constant 0 : i32
          %dma_start3A_189 = tpu.memref_slice %arg9[%dma_start3A_188] : memref<128xi32, #tpu.memory_space<vmem>> -> memref<64xi32, #tpu.memory_space<vmem>>
          %dma_start3A_190 = tpu.memref_slice %arg2[%add3A_183] : memref<331776xi32, #tpu.memory_space<hbm>> -> memref<64xi32, #tpu.memory_space<hbm>>
          %dma_start3A_191 = arith.constant 0 : i32
          %dma_start3A_192 = tpu.memref_slice %arg9[%dma_start3A_191] : memref<128xi32, #tpu.memory_space<vmem>> -> memref<64xi32, #tpu.memory_space<vmem>>
          %dma_start3A_193 = tpu.memref_slice %arg2[%add3A_183] : memref<331776xi32, #tpu.memory_space<hbm>> -> memref<64xi32, #tpu.memory_space<hbm>>
          tpu.enqueue_dma source(%dma_start3A_193 : memref<64xi32, #tpu.memory_space<hbm>>) target(%dma_start3A_192 : memref<64xi32, #tpu.memory_space<vmem>>) target_semaphore(%run_scoped3A_187 : memref<!tpu.dma_semaphore, #tpu.memory_space<semaphore_mem>>)
          %dma_wait3A_194 = arith.constant 0 : i32
          %dma_wait3A_195 = tpu.memref_slice %arg9[%dma_wait3A_194] : memref<128xi32, #tpu.memory_space<vmem>> -> memref<64xi32, #tpu.memory_space<vmem>>
          %dma_wait3A_196 = tpu.memref_slice %arg2[%add3A_183] : memref<331776xi32, #tpu.memory_space<hbm>> -> memref<64xi32, #tpu.memory_space<hbm>>
          %dma_wait3A_197 = arith.constant 0 : i32
          %dma_wait3A_198 = tpu.memref_slice %arg9[%dma_wait3A_197] : memref<128xi32, #tpu.memory_space<vmem>> -> memref<64xi32, #tpu.memory_space<vmem>>
          %dma_wait3A_199 = tpu.memref_slice %arg2[%add3A_183] : memref<331776xi32, #tpu.memory_space<hbm>> -> memref<64xi32, #tpu.memory_space<hbm>>
          tpu.wait_dma2 semaphore(%run_scoped3A_187 : memref<!tpu.dma_semaphore, #tpu.memory_space<semaphore_mem>>) src(%dma_wait3A_199 : memref<64xi32, #tpu.memory_space<hbm>>) dst(%dma_wait3A_198 : memref<64xi32, #tpu.memory_space<vmem>>)
          tpu.yield
        }) : () -> ()
        "tpu.region"() ({
          %run_scoped3A_187 = tpu.sem_alloc : memref<!tpu.dma_semaphore, #tpu.memory_space<semaphore_mem>>
          %dma_start3A_188 = arith.constant 64 : i32
          %dma_start3A_189 = tpu.memref_slice %arg9[%dma_start3A_188] : memref<128xi32, #tpu.memory_space<vmem>> -> memref<64xi32, #tpu.memory_space<vmem>>
          %dma_start3A_190 = tpu.memref_slice %arg3[%add3A_183] : memref<331776xi32, #tpu.memory_space<hbm>> -> memref<64xi32, #tpu.memory_space<hbm>>
          %dma_start3A_191 = arith.constant 64 : i32
          %dma_start3A_192 = tpu.memref_slice %arg9[%dma_start3A_191] : memref<128xi32, #tpu.memory_space<vmem>> -> memref<64xi32, #tpu.memory_space<vmem>>
          %dma_start3A_193 = tpu.memref_slice %arg3[%add3A_183] : memref<331776xi32, #tpu.memory_space<hbm>> -> memref<64xi32, #tpu.memory_space<hbm>>
          tpu.enqueue_dma source(%dma_start3A_193 : memref<64xi32, #tpu.memory_space<hbm>>) target(%dma_start3A_192 : memref<64xi32, #tpu.memory_space<vmem>>) target_semaphore(%run_scoped3A_187 : memref<!tpu.dma_semaphore, #tpu.memory_space<semaphore_mem>>)
          %dma_wait3A_194 = arith.constant 64 : i32
          %dma_wait3A_195 = tpu.memref_slice %arg9[%dma_wait3A_194] : memref<128xi32, #tpu.memory_space<vmem>> -> memref<64xi32, #tpu.memory_space<vmem>>
          %dma_wait3A_196 = tpu.memref_slice %arg3[%add3A_183] : memref<331776xi32, #tpu.memory_space<hbm>> -> memref<64xi32, #tpu.memory_space<hbm>>
          %dma_wait3A_197 = arith.constant 64 : i32
          %dma_wait3A_198 = tpu.memref_slice %arg9[%dma_wait3A_197] : memref<128xi32, #tpu.memory_space<vmem>> -> memref<64xi32, #tpu.memory_space<vmem>>
          %dma_wait3A_199 = tpu.memref_slice %arg3[%add3A_183] : memref<331776xi32, #tpu.memory_space<hbm>> -> memref<64xi32, #tpu.memory_space<hbm>>
          tpu.wait_dma2 semaphore(%run_scoped3A_187 : memref<!tpu.dma_semaphore, #tpu.memory_space<semaphore_mem>>) src(%dma_wait3A_199 : memref<64xi32, #tpu.memory_space<hbm>>) dst(%dma_wait3A_198 : memref<64xi32, #tpu.memory_space<vmem>>)
          tpu.yield
        }) : () -> ()
        %dma_start3A_184 = arith.constant 0 : i32
        %dma_start3A_185 = arith.constant 0 : i32
        %dma_start3A_186 = tpu.memref_slice %arg4[%dma_start3A_184, %dma_start3A_185] : memref<10240x128xf32, #tpu.memory_space<hbm>> -> memref<10240x128xf32, #tpu.memory_space<hbm>>
        tpu.enqueue_indirect_dma source(%dma_start3A_186 : memref<10240x128xf32, #tpu.memory_space<hbm>>) target(%arg10 : memref<128x128xf32, #tpu.memory_space<vmem>>) offsets(%arg9 : memref<128xi32, #tpu.memory_space<vmem>>) semaphore(%arg20 : memref<!tpu.dma_semaphore, #tpu.memory_space<semaphore_mem>>)
      } else {
      }
      %mul3A_122 = arith.constant 2 : i32
      %mul3A_123 = arith.muli %mul3A_122, %scan3A_56 : i32
      %add3A_124 = arith.constant 1 : i32
      %add3A_125 = arith.addi %mul3A_123, %add3A_124 : i32
      %dma_wait3A_126 = arith.constant 0 : i32
      %dma_wait3A_127 = arith.constant 0 : i32
      %dma_wait3A_128 = tpu.memref_slice %arg8[%dma_wait3A_126, %dma_wait3A_127] : memref<10112x128xf32, #tpu.memory_space<vmem_shared>> -> memref<10112x128xf32, #tpu.memory_space<vmem_shared>>
      tpu.wait_indirect_dma semaphore(%arg23 : memref<!tpu.dma_semaphore, #tpu.memory_space<semaphore_mem>>) src(%arg16 : memref<64x128xf32, #tpu.memory_space<vmem>>) dst(%dma_wait3A_128 : memref<10112x128xf32, #tpu.memory_space<vmem_shared>>)
      %mul3A_129 = arith.constant 64 : i32
      %mul3A_130 = arith.muli %add3A_125, %mul3A_129 : i32
      %add3A_131 = arith.addi %mul3A_24, %mul3A_130 : i32
      "tpu.region"() ({
        %run_scoped3A_177 = tpu.sem_alloc : memref<!tpu.dma_semaphore, #tpu.memory_space<semaphore_mem>>
        %dma_start3A_178 = tpu.memref_slice %arg3[%add3A_131] : memref<331776xi32, #tpu.memory_space<hbm>> -> memref<64xi32, #tpu.memory_space<hbm>>
        %dma_start3A_179 = tpu.memref_slice %arg3[%add3A_131] : memref<331776xi32, #tpu.memory_space<hbm>> -> memref<64xi32, #tpu.memory_space<hbm>>
        tpu.enqueue_dma source(%dma_start3A_179 : memref<64xi32, #tpu.memory_space<hbm>>) target(%arg14 : memref<64xi32, #tpu.memory_space<vmem>>) target_semaphore(%run_scoped3A_177 : memref<!tpu.dma_semaphore, #tpu.memory_space<semaphore_mem>>)
        %dma_wait3A_180 = tpu.memref_slice %arg3[%add3A_131] : memref<331776xi32, #tpu.memory_space<hbm>> -> memref<64xi32, #tpu.memory_space<hbm>>
        %dma_wait3A_181 = tpu.memref_slice %arg3[%add3A_131] : memref<331776xi32, #tpu.memory_space<hbm>> -> memref<64xi32, #tpu.memory_space<hbm>>
        tpu.wait_dma2 semaphore(%run_scoped3A_177 : memref<!tpu.dma_semaphore, #tpu.memory_space<semaphore_mem>>) src(%dma_wait3A_181 : memref<64xi32, #tpu.memory_space<hbm>>) dst(%arg14 : memref<64xi32, #tpu.memory_space<vmem>>)
        tpu.yield
      }) : () -> ()
      %dma_wait3A_132 = arith.constant 0 : i32
      %dma_wait3A_133 = arith.constant 0 : i32
      %dma_wait3A_134 = tpu.memref_slice %arg4[%dma_wait3A_132, %dma_wait3A_133] : memref<10240x128xf32, #tpu.memory_space<hbm>> -> memref<10240x128xf32, #tpu.memory_space<hbm>>
      tpu.wait_indirect_dma semaphore(%arg21 : memref<!tpu.dma_semaphore, #tpu.memory_space<semaphore_mem>>) src(%dma_wait3A_134 : memref<10240x128xf32, #tpu.memory_space<hbm>>) dst(%arg12 : memref<128x128xf32, #tpu.memory_space<vmem>>)
      %iota3A_135 = tpu.iota {dimensions = array<i32: 0>} : vector<16xi32>
      %get3A_136 = arith.constant 0 : index
      %get3A_137 = tpu.vector_load %arg19[%get3A_136] {strides = array<i32>} : memref<16xf32, #tpu.memory_space<vmem>>, vector<16xf32>,
      %get3A_138 = vector.shape_cast %get3A_137 : vector<16xf32> to vector<16xf32>
      %lt3A_139 = arith.constant 8 : i32
      %lt3A_140 = vector.broadcast %lt3A_139 : i32 to vector<16xi32>
      %lt3A_141 = arith.cmpi slt, %iota3A_135, %lt3A_140 : vector<16xi32>
      %add3A_142 = arith.constant 8 : i32
      %add3A_143 = vector.broadcast %add3A_142 : i32 to vector<16xi32>
      %add3A_144 = arith.addi %iota3A_135, %add3A_143 : vector<16xi32>
      %and3A_145 = arith.constant 15 : i32
      %and3A_146 = vector.broadcast %and3A_145 : i32 to vector<16xi32>
      %and3A_147 = arith.andi %add3A_144, %and3A_146 : vector<16xi32>
      %jit3A_148 = arith.constant 0 : i32
      %jit3A_149 = arith.constant 1 : i32
      %broadcast_in_dim3A_150 = vector.broadcast %jit3A_148 : i32 to vector<16xi32>
      %broadcast_in_dim3A_151 = vector.broadcast %jit3A_149 : i32 to vector<16xi32>
      %select_n3A_152 = arith.select %lt3A_141, %broadcast_in_dim3A_150, %broadcast_in_dim3A_151 : vector<16xi1>, vector<16xi32>
      %jit3A_153 = arith.constant 2 : i32
      %jit3A_154 = arith.constant 3 : i32
      %broadcast_in_dim3A_155 = vector.broadcast %jit3A_153 : i32 to vector<16xi32>
      %broadcast_in_dim3A_156 = vector.broadcast %jit3A_154 : i32 to vector<16xi32>
      %select_n3A_157 = arith.select %lt3A_141, %broadcast_in_dim3A_155, %broadcast_in_dim3A_156 : vector<16xi1>, vector<16xi32>
      %jit3A_158 = arith.constant 4 : i32
      %jit3A_159 = arith.constant 5 : i32
      %broadcast_in_dim3A_160 = vector.broadcast %jit3A_158 : i32 to vector<16xi32>
      %broadcast_in_dim3A_161 = vector.broadcast %jit3A_159 : i32 to vector<16xi32>
      %select_n3A_162 = arith.select %lt3A_141, %broadcast_in_dim3A_160, %broadcast_in_dim3A_161 : vector<16xi1>, vector<16xi32>
      %jit3A_163 = arith.constant 6 : i32
      %jit3A_164 = arith.constant 7 : i32
      %broadcast_in_dim3A_165 = vector.broadcast %jit3A_163 : i32 to vector<16xi32>
      %broadcast_in_dim3A_166 = vector.broadcast %jit3A_164 : i32 to vector<16xi32>
      %select_n3A_167 = arith.select %lt3A_141, %broadcast_in_dim3A_165, %broadcast_in_dim3A_166 : vector<16xi1>, vector<16xi32>
      %scan3A_168 = arith.constant 0 : i32
      %scan3A_169 = arith.constant 0 : i32
      %scan3A_170 = arith.constant 16 : i32
      %scan3A_171 = arith.addi %scan3A_169, %scan3A_170 : i32
      %scan3A_172 = arith.constant 1 : i32
      scf.for %scan3A_177 = %scan3A_169 to %scan3A_171 step %scan3A_172  : i32 {
        %mul3A_178 = arith.constant 4 : i32
        %mul3A_179 = arith.muli %scan3A_177, %mul3A_178 : i32
        %add3A_180 = arith.constant 0 : i32
        %add3A_181 = arith.addi %mul3A_179, %add3A_180 : i32
        %get3A_182 = arith.index_cast %add3A_181 : i32 to index
        %get3A_183 = arith.constant 64 : index
        %get3A_184 = tpu.vector_load %arg12[%get3A_182, %get3A_183] {strides = array<i32>} : memref<128x128xf32, #tpu.memory_space<vmem>>, vector<1x16xf32>,
        %get3A_185 = vector.shape_cast %get3A_184 : vector<1x16xf32> to vector<16xf32>
        %add3A_186 = arith.constant 64 : i32
        %add3A_187 = arith.addi %add3A_186, %add3A_181 : i32
        %get3A_188 = arith.index_cast %add3A_187 : i32 to index
        %get3A_189 = arith.constant 64 : index
        %get3A_190 = tpu.vector_load %arg12[%get3A_188, %get3A_189] {strides = array<i32>} : memref<128x128xf32, #tpu.memory_space<vmem>>, vector<1x16xf32>,
        %get3A_191 = vector.shape_cast %get3A_190 : vector<1x16xf32> to vector<16xf32>
        %broadcast_in_dim3A_192 = vector.shape_cast %and3A_147 : vector<16xi32> to vector<16x1xi32>
        %gather3A = vector.shape_cast %broadcast_in_dim3A_192 : vector<16x1xi32> to vector<16xi32>
        %gather3A_193 = tpu.dynamic_gather %get3A_191[%gather3A] in [0] : vector<16xf32>, vector<16xi32> -> vector<16xf32>
        %add3A_194 = arith.addf %get3A_185, %gather3A_193 : vector<16xf32>
        %ge3A_195 = arith.constant 0.000000e+00 : f32
        %ge3A_196 = vector.broadcast %ge3A_195 : f32 to vector<16xf32>
        %ge3A_197 = arith.cmpf oge, %add3A_194, %ge3A_196 : vector<16xf32>
        %mul3A_198 = arith.constant 2.000000e-01 : f32
        %mul3A_199 = vector.broadcast %mul3A_198 : f32 to vector<16xf32>
        %mul3A_200 = arith.mulf %mul3A_199, %add3A_194 : vector<16xf32>
        %select_n3A_201 = arith.select %ge3A_197, %add3A_194, %mul3A_200 : vector<16xi1>, vector<16xf32>
        %sub3A = arith.subf %select_n3A_201, %get3A_138 : vector<16xf32>
        %exp3A = math.exp %sub3A : vector<16xf32>
        %swap3A_202 = arith.index_cast %add3A_181 : i32 to index
        %swap3A_203 = arith.constant 64 : index
        %swap3A_204 = tpu.vector_load %arg16[%swap3A_202, %swap3A_203] {strides = array<i32>} : memref<64x128xf32, #tpu.memory_space<vmem>>, vector<1x16xf32>,
        %swap3A_205 = vector.shape_cast %swap3A_204 : vector<1x16xf32> to vector<16xf32>
        %swap3A_206 = vector.shape_cast %exp3A : vector<16xf32> to vector<1x16xf32>
        tpu.vector_store %arg16[%swap3A_202, %swap3A_203], %swap3A_206 {strides = array<i32>} : memref<64x128xf32, #tpu.memory_space<vmem>>, vector<1x16xf32>,
        %get3A_207 = arith.index_cast %add3A_181 : i32 to index
        %get3A_208 = arith.constant 0 : index
        %get3A_209 = tpu.vector_load %arg12[%get3A_207, %get3A_208] {strides = array<i32>} : memref<128x128xf32, #tpu.memory_space<vmem>>, vector<1x16xf32>,
        %get3A_210 = vector.shape_cast %get3A_209 : vector<1x16xf32> to vector<16xf32>
        %broadcast_in_dim3A_211 = vector.shape_cast %select_n3A_152 : vector<16xi32> to vector<16x1xi32>
        %gather3A_212 = vector.shape_cast %broadcast_in_dim3A_211 : vector<16x1xi32> to vector<16xi32>
        %gather3A_213 = tpu.dynamic_gather %exp3A[%gather3A_212] in [0] : vector<16xf32>, vector<16xi32> -> vector<16xf32>
        %mul3A_214 = arith.mulf %get3A_210, %gather3A_213 : vector<16xf32>
        %swap3A_215 = arith.index_cast %add3A_181 : i32 to index
        %swap3A_216 = arith.constant 0 : index
        %swap3A_217 = tpu.vector_load %arg16[%swap3A_215, %swap3A_216] {strides = array<i32>} : memref<64x128xf32, #tpu.memory_space<vmem>>, vector<1x16xf32>,
        %swap3A_218 = vector.shape_cast %swap3A_217 : vector<1x16xf32> to vector<16xf32>
        %swap3A_219 = vector.shape_cast %mul3A_214 : vector<16xf32> to vector<1x16xf32>
        tpu.vector_store %arg16[%swap3A_215, %swap3A_216], %swap3A_219 {strides = array<i32>} : memref<64x128xf32, #tpu.memory_space<vmem>>, vector<1x16xf32>,
        %get3A_220 = arith.index_cast %add3A_181 : i32 to index
        %get3A_221 = arith.constant 16 : index
        %get3A_222 = tpu.vector_load %arg12[%get3A_220, %get3A_221] {strides = array<i32>} : memref<128x128xf32, #tpu.memory_space<vmem>>, vector<1x16xf32>,
        %get3A_223 = vector.shape_cast %get3A_222 : vector<1x16xf32> to vector<16xf32>
        %broadcast_in_dim3A_224 = vector.shape_cast %select_n3A_157 : vector<16xi32> to vector<16x1xi32>
        %gather3A_225 = vector.shape_cast %broadcast_in_dim3A_224 : vector<16x1xi32> to vector<16xi32>
        %gather3A_226 = tpu.dynamic_gather %exp3A[%gather3A_225] in [0] : vector<16xf32>, vector<16xi32> -> vector<16xf32>
        %mul3A_227 = arith.mulf %get3A_223, %gather3A_226 : vector<16xf32>
        %swap3A_228 = arith.index_cast %add3A_181 : i32 to index
        %swap3A_229 = arith.constant 16 : index
        %swap3A_230 = tpu.vector_load %arg16[%swap3A_228, %swap3A_229] {strides = array<i32>} : memref<64x128xf32, #tpu.memory_space<vmem>>, vector<1x16xf32>,
        %swap3A_231 = vector.shape_cast %swap3A_230 : vector<1x16xf32> to vector<16xf32>
        %swap3A_232 = vector.shape_cast %mul3A_227 : vector<16xf32> to vector<1x16xf32>
        tpu.vector_store %arg16[%swap3A_228, %swap3A_229], %swap3A_232 {strides = array<i32>} : memref<64x128xf32, #tpu.memory_space<vmem>>, vector<1x16xf32>,
        %get3A_233 = arith.index_cast %add3A_181 : i32 to index
        %get3A_234 = arith.constant 32 : index
        %get3A_235 = tpu.vector_load %arg12[%get3A_233, %get3A_234] {strides = array<i32>} : memref<128x128xf32, #tpu.memory_space<vmem>>, vector<1x16xf32>,
        %get3A_236 = vector.shape_cast %get3A_235 : vector<1x16xf32> to vector<16xf32>
        %broadcast_in_dim3A_237 = vector.shape_cast %select_n3A_162 : vector<16xi32> to vector<16x1xi32>
        %gather3A_238 = vector.shape_cast %broadcast_in_dim3A_237 : vector<16x1xi32> to vector<16xi32>
        %gather3A_239 = tpu.dynamic_gather %exp3A[%gather3A_238] in [0] : vector<16xf32>, vector<16xi32> -> vector<16xf32>
        %mul3A_240 = arith.mulf %get3A_236, %gather3A_239 : vector<16xf32>
        %swap3A_241 = arith.index_cast %add3A_181 : i32 to index
        %swap3A_242 = arith.constant 32 : index
        %swap3A_243 = tpu.vector_load %arg16[%swap3A_241, %swap3A_242] {strides = array<i32>} : memref<64x128xf32, #tpu.memory_space<vmem>>, vector<1x16xf32>,
        %swap3A_244 = vector.shape_cast %swap3A_243 : vector<1x16xf32> to vector<16xf32>
        %swap3A_245 = vector.shape_cast %mul3A_240 : vector<16xf32> to vector<1x16xf32>
        tpu.vector_store %arg16[%swap3A_241, %swap3A_242], %swap3A_245 {strides = array<i32>} : memref<64x128xf32, #tpu.memory_space<vmem>>, vector<1x16xf32>,
        %get3A_246 = arith.index_cast %add3A_181 : i32 to index
        %get3A_247 = arith.constant 48 : index
        %get3A_248 = tpu.vector_load %arg12[%get3A_246, %get3A_247] {strides = array<i32>} : memref<128x128xf32, #tpu.memory_space<vmem>>, vector<1x16xf32>,
        %get3A_249 = vector.shape_cast %get3A_248 : vector<1x16xf32> to vector<16xf32>
        %broadcast_in_dim3A_250 = vector.shape_cast %select_n3A_167 : vector<16xi32> to vector<16x1xi32>
        %gather3A_251 = vector.shape_cast %broadcast_in_dim3A_250 : vector<16x1xi32> to vector<16xi32>
        %gather3A_252 = tpu.dynamic_gather %exp3A[%gather3A_251] in [0] : vector<16xf32>, vector<16xi32> -> vector<16xf32>
        %mul3A_253 = arith.mulf %get3A_249, %gather3A_252 : vector<16xf32>
        %swap3A_254 = arith.index_cast %add3A_181 : i32 to index
        %swap3A_255 = arith.constant 48 : index
        %swap3A_256 = tpu.vector_load %arg16[%swap3A_254, %swap3A_255] {strides = array<i32>} : memref<64x128xf32, #tpu.memory_space<vmem>>, vector<1x16xf32>,
        %swap3A_257 = vector.shape_cast %swap3A_256 : vector<1x16xf32> to vector<16xf32>
        %swap3A_258 = vector.shape_cast %mul3A_253 : vector<16xf32> to vector<1x16xf32>
        tpu.vector_store %arg16[%swap3A_254, %swap3A_255], %swap3A_258 {strides = array<i32>} : memref<64x128xf32, #tpu.memory_space<vmem>>, vector<1x16xf32>,
        %mul3A_259 = arith.constant 4 : i32
        %mul3A_260 = arith.muli %scan3A_177, %mul3A_259 : i32
        %add3A_261 = arith.constant 1 : i32
        %add3A_262 = arith.addi %mul3A_260, %add3A_261 : i32
        %get3A_263 = arith.index_cast %add3A_262 : i32 to index
        %get3A_264 = arith.constant 64 : index
        %get3A_265 = tpu.vector_load %arg12[%get3A_263, %get3A_264] {strides = array<i32>} : memref<128x128xf32, #tpu.memory_space<vmem>>, vector<1x16xf32>,
        %get3A_266 = vector.shape_cast %get3A_265 : vector<1x16xf32> to vector<16xf32>
        %add3A_267 = arith.constant 64 : i32
        %add3A_268 = arith.addi %add3A_267, %add3A_262 : i32
        %get3A_269 = arith.index_cast %add3A_268 : i32 to index
        %get3A_270 = arith.constant 64 : index
        %get3A_271 = tpu.vector_load %arg12[%get3A_269, %get3A_270] {strides = array<i32>} : memref<128x128xf32, #tpu.memory_space<vmem>>, vector<1x16xf32>,
        %get3A_272 = vector.shape_cast %get3A_271 : vector<1x16xf32> to vector<16xf32>
        %broadcast_in_dim3A_273 = vector.shape_cast %and3A_147 : vector<16xi32> to vector<16x1xi32>
        %gather3A_274 = vector.shape_cast %broadcast_in_dim3A_273 : vector<16x1xi32> to vector<16xi32>
        %gather3A_275 = tpu.dynamic_gather %get3A_272[%gather3A_274] in [0] : vector<16xf32>, vector<16xi32> -> vector<16xf32>
        %add3A_276 = arith.addf %get3A_266, %gather3A_275 : vector<16xf32>
        %ge3A_277 = arith.constant 0.000000e+00 : f32
        %ge3A_278 = vector.broadcast %ge3A_277 : f32 to vector<16xf32>
        %ge3A_279 = arith.cmpf oge, %add3A_276, %ge3A_278 : vector<16xf32>
        %mul3A_280 = arith.constant 2.000000e-01 : f32
        %mul3A_281 = vector.broadcast %mul3A_280 : f32 to vector<16xf32>
        %mul3A_282 = arith.mulf %mul3A_281, %add3A_276 : vector<16xf32>
        %select_n3A_283 = arith.select %ge3A_279, %add3A_276, %mul3A_282 : vector<16xi1>, vector<16xf32>
        %sub3A_284 = arith.subf %select_n3A_283, %get3A_138 : vector<16xf32>
        %exp3A_285 = math.exp %sub3A_284 : vector<16xf32>
        %swap3A_286 = arith.index_cast %add3A_262 : i32 to index
        %swap3A_287 = arith.constant 64 : index
        %swap3A_288 = tpu.vector_load %arg16[%swap3A_286, %swap3A_287] {strides = array<i32>} : memref<64x128xf32, #tpu.memory_space<vmem>>, vector<1x16xf32>,
        %swap3A_289 = vector.shape_cast %swap3A_288 : vector<1x16xf32> to vector<16xf32>
        %swap3A_290 = vector.shape_cast %exp3A_285 : vector<16xf32> to vector<1x16xf32>
        tpu.vector_store %arg16[%swap3A_286, %swap3A_287], %swap3A_290 {strides = array<i32>} : memref<64x128xf32, #tpu.memory_space<vmem>>, vector<1x16xf32>,
        %get3A_291 = arith.index_cast %add3A_262 : i32 to index
        %get3A_292 = arith.constant 0 : index
        %get3A_293 = tpu.vector_load %arg12[%get3A_291, %get3A_292] {strides = array<i32>} : memref<128x128xf32, #tpu.memory_space<vmem>>, vector<1x16xf32>,
        %get3A_294 = vector.shape_cast %get3A_293 : vector<1x16xf32> to vector<16xf32>
        %broadcast_in_dim3A_295 = vector.shape_cast %select_n3A_152 : vector<16xi32> to vector<16x1xi32>
        %gather3A_296 = vector.shape_cast %broadcast_in_dim3A_295 : vector<16x1xi32> to vector<16xi32>
        %gather3A_297 = tpu.dynamic_gather %exp3A_285[%gather3A_296] in [0] : vector<16xf32>, vector<16xi32> -> vector<16xf32>
        %mul3A_298 = arith.mulf %get3A_294, %gather3A_297 : vector<16xf32>
        %swap3A_299 = arith.index_cast %add3A_262 : i32 to index
        %swap3A_300 = arith.constant 0 : index
        %swap3A_301 = tpu.vector_load %arg16[%swap3A_299, %swap3A_300] {strides = array<i32>} : memref<64x128xf32, #tpu.memory_space<vmem>>, vector<1x16xf32>,
        %swap3A_302 = vector.shape_cast %swap3A_301 : vector<1x16xf32> to vector<16xf32>
        %swap3A_303 = vector.shape_cast %mul3A_298 : vector<16xf32> to vector<1x16xf32>
        tpu.vector_store %arg16[%swap3A_299, %swap3A_300], %swap3A_303 {strides = array<i32>} : memref<64x128xf32, #tpu.memory_space<vmem>>, vector<1x16xf32>,
        %get3A_304 = arith.index_cast %add3A_262 : i32 to index
        %get3A_305 = arith.constant 16 : index
        %get3A_306 = tpu.vector_load %arg12[%get3A_304, %get3A_305] {strides = array<i32>} : memref<128x128xf32, #tpu.memory_space<vmem>>, vector<1x16xf32>,
        %get3A_307 = vector.shape_cast %get3A_306 : vector<1x16xf32> to vector<16xf32>
        %broadcast_in_dim3A_308 = vector.shape_cast %select_n3A_157 : vector<16xi32> to vector<16x1xi32>
        %gather3A_309 = vector.shape_cast %broadcast_in_dim3A_308 : vector<16x1xi32> to vector<16xi32>
        %gather3A_310 = tpu.dynamic_gather %exp3A_285[%gather3A_309] in [0] : vector<16xf32>, vector<16xi32> -> vector<16xf32>
        %mul3A_311 = arith.mulf %get3A_307, %gather3A_310 : vector<16xf32>
        %swap3A_312 = arith.index_cast %add3A_262 : i32 to index
        %swap3A_313 = arith.constant 16 : index
        %swap3A_314 = tpu.vector_load %arg16[%swap3A_312, %swap3A_313] {strides = array<i32>} : memref<64x128xf32, #tpu.memory_space<vmem>>, vector<1x16xf32>,
        %swap3A_315 = vector.shape_cast %swap3A_314 : vector<1x16xf32> to vector<16xf32>
        %swap3A_316 = vector.shape_cast %mul3A_311 : vector<16xf32> to vector<1x16xf32>
        tpu.vector_store %arg16[%swap3A_312, %swap3A_313], %swap3A_316 {strides = array<i32>} : memref<64x128xf32, #tpu.memory_space<vmem>>, vector<1x16xf32>,
        %get3A_317 = arith.index_cast %add3A_262 : i32 to index
        %get3A_318 = arith.constant 32 : index
        %get3A_319 = tpu.vector_load %arg12[%get3A_317, %get3A_318] {strides = array<i32>} : memref<128x128xf32, #tpu.memory_space<vmem>>, vector<1x16xf32>,
        %get3A_320 = vector.shape_cast %get3A_319 : vector<1x16xf32> to vector<16xf32>
        %broadcast_in_dim3A_321 = vector.shape_cast %select_n3A_162 : vector<16xi32> to vector<16x1xi32>
        %gather3A_322 = vector.shape_cast %broadcast_in_dim3A_321 : vector<16x1xi32> to vector<16xi32>
        %gather3A_323 = tpu.dynamic_gather %exp3A_285[%gather3A_322] in [0] : vector<16xf32>, vector<16xi32> -> vector<16xf32>
        %mul3A_324 = arith.mulf %get3A_320, %gather3A_323 : vector<16xf32>
        %swap3A_325 = arith.index_cast %add3A_262 : i32 to index
        %swap3A_326 = arith.constant 32 : index
        %swap3A_327 = tpu.vector_load %arg16[%swap3A_325, %swap3A_326] {strides = array<i32>} : memref<64x128xf32, #tpu.memory_space<vmem>>, vector<1x16xf32>,
        %swap3A_328 = vector.shape_cast %swap3A_327 : vector<1x16xf32> to vector<16xf32>
        %swap3A_329 = vector.shape_cast %mul3A_324 : vector<16xf32> to vector<1x16xf32>
        tpu.vector_store %arg16[%swap3A_325, %swap3A_326], %swap3A_329 {strides = array<i32>} : memref<64x128xf32, #tpu.memory_space<vmem>>, vector<1x16xf32>,
        %get3A_330 = arith.index_cast %add3A_262 : i32 to index
        %get3A_331 = arith.constant 48 : index
        %get3A_332 = tpu.vector_load %arg12[%get3A_330, %get3A_331] {strides = array<i32>} : memref<128x128xf32, #tpu.memory_space<vmem>>, vector<1x16xf32>,
        %get3A_333 = vector.shape_cast %get3A_332 : vector<1x16xf32> to vector<16xf32>
        %broadcast_in_dim3A_334 = vector.shape_cast %select_n3A_167 : vector<16xi32> to vector<16x1xi32>
        %gather3A_335 = vector.shape_cast %broadcast_in_dim3A_334 : vector<16x1xi32> to vector<16xi32>
        %gather3A_336 = tpu.dynamic_gather %exp3A_285[%gather3A_335] in [0] : vector<16xf32>, vector<16xi32> -> vector<16xf32>
        %mul3A_337 = arith.mulf %get3A_333, %gather3A_336 : vector<16xf32>
        %swap3A_338 = arith.index_cast %add3A_262 : i32 to index
        %swap3A_339 = arith.constant 48 : index
        %swap3A_340 = tpu.vector_load %arg16[%swap3A_338, %swap3A_339] {strides = array<i32>} : memref<64x128xf32, #tpu.memory_space<vmem>>, vector<1x16xf32>,
        %swap3A_341 = vector.shape_cast %swap3A_340 : vector<1x16xf32> to vector<16xf32>
        %swap3A_342 = vector.shape_cast %mul3A_337 : vector<16xf32> to vector<1x16xf32>
        tpu.vector_store %arg16[%swap3A_338, %swap3A_339], %swap3A_342 {strides = array<i32>} : memref<64x128xf32, #tpu.memory_space<vmem>>, vector<1x16xf32>,
        %mul3A_343 = arith.constant 4 : i32
        %mul3A_344 = arith.muli %scan3A_177, %mul3A_343 : i32
        %add3A_345 = arith.constant 2 : i32
        %add3A_346 = arith.addi %mul3A_344, %add3A_345 : i32
        %get3A_347 = arith.index_cast %add3A_346 : i32 to index
        %get3A_348 = arith.constant 64 : index
        %get3A_349 = tpu.vector_load %arg12[%get3A_347, %get3A_348] {strides = array<i32>} : memref<128x128xf32, #tpu.memory_space<vmem>>, vector<1x16xf32>,
        %get3A_350 = vector.shape_cast %get3A_349 : vector<1x16xf32> to vector<16xf32>
        %add3A_351 = arith.constant 64 : i32
        %add3A_352 = arith.addi %add3A_351, %add3A_346 : i32
        %get3A_353 = arith.index_cast %add3A_352 : i32 to index
        %get3A_354 = arith.constant 64 : index
        %get3A_355 = tpu.vector_load %arg12[%get3A_353, %get3A_354] {strides = array<i32>} : memref<128x128xf32, #tpu.memory_space<vmem>>, vector<1x16xf32>,
        %get3A_356 = vector.shape_cast %get3A_355 : vector<1x16xf32> to vector<16xf32>
        %broadcast_in_dim3A_357 = vector.shape_cast %and3A_147 : vector<16xi32> to vector<16x1xi32>
        %gather3A_358 = vector.shape_cast %broadcast_in_dim3A_357 : vector<16x1xi32> to vector<16xi32>
        %gather3A_359 = tpu.dynamic_gather %get3A_356[%gather3A_358] in [0] : vector<16xf32>, vector<16xi32> -> vector<16xf32>
        %add3A_360 = arith.addf %get3A_350, %gather3A_359 : vector<16xf32>
        %ge3A_361 = arith.constant 0.000000e+00 : f32
        %ge3A_362 = vector.broadcast %ge3A_361 : f32 to vector<16xf32>
        %ge3A_363 = arith.cmpf oge, %add3A_360, %ge3A_362 : vector<16xf32>
        %mul3A_364 = arith.constant 2.000000e-01 : f32
        %mul3A_365 = vector.broadcast %mul3A_364 : f32 to vector<16xf32>
        %mul3A_366 = arith.mulf %mul3A_365, %add3A_360 : vector<16xf32>
        %select_n3A_367 = arith.select %ge3A_363, %add3A_360, %mul3A_366 : vector<16xi1>, vector<16xf32>
        %sub3A_368 = arith.subf %select_n3A_367, %get3A_138 : vector<16xf32>
        %exp3A_369 = math.exp %sub3A_368 : vector<16xf32>
        %swap3A_370 = arith.index_cast %add3A_346 : i32 to index
        %swap3A_371 = arith.constant 64 : index
        %swap3A_372 = tpu.vector_load %arg16[%swap3A_370, %swap3A_371] {strides = array<i32>} : memref<64x128xf32, #tpu.memory_space<vmem>>, vector<1x16xf32>,
        %swap3A_373 = vector.shape_cast %swap3A_372 : vector<1x16xf32> to vector<16xf32>
        %swap3A_374 = vector.shape_cast %exp3A_369 : vector<16xf32> to vector<1x16xf32>
        tpu.vector_store %arg16[%swap3A_370, %swap3A_371], %swap3A_374 {strides = array<i32>} : memref<64x128xf32, #tpu.memory_space<vmem>>, vector<1x16xf32>,
        %get3A_375 = arith.index_cast %add3A_346 : i32 to index
        %get3A_376 = arith.constant 0 : index
        %get3A_377 = tpu.vector_load %arg12[%get3A_375, %get3A_376] {strides = array<i32>} : memref<128x128xf32, #tpu.memory_space<vmem>>, vector<1x16xf32>,
        %get3A_378 = vector.shape_cast %get3A_377 : vector<1x16xf32> to vector<16xf32>
        %broadcast_in_dim3A_379 = vector.shape_cast %select_n3A_152 : vector<16xi32> to vector<16x1xi32>
        %gather3A_380 = vector.shape_cast %broadcast_in_dim3A_379 : vector<16x1xi32> to vector<16xi32>
        %gather3A_381 = tpu.dynamic_gather %exp3A_369[%gather3A_380] in [0] : vector<16xf32>, vector<16xi32> -> vector<16xf32>
        %mul3A_382 = arith.mulf %get3A_378, %gather3A_381 : vector<16xf32>
        %swap3A_383 = arith.index_cast %add3A_346 : i32 to index
        %swap3A_384 = arith.constant 0 : index
        %swap3A_385 = tpu.vector_load %arg16[%swap3A_383, %swap3A_384] {strides = array<i32>} : memref<64x128xf32, #tpu.memory_space<vmem>>, vector<1x16xf32>,
        %swap3A_386 = vector.shape_cast %swap3A_385 : vector<1x16xf32> to vector<16xf32>
        %swap3A_387 = vector.shape_cast %mul3A_382 : vector<16xf32> to vector<1x16xf32>
        tpu.vector_store %arg16[%swap3A_383, %swap3A_384], %swap3A_387 {strides = array<i32>} : memref<64x128xf32, #tpu.memory_space<vmem>>, vector<1x16xf32>,
        %get3A_388 = arith.index_cast %add3A_346 : i32 to index
        %get3A_389 = arith.constant 16 : index
        %get3A_390 = tpu.vector_load %arg12[%get3A_388, %get3A_389] {strides = array<i32>} : memref<128x128xf32, #tpu.memory_space<vmem>>, vector<1x16xf32>,
        %get3A_391 = vector.shape_cast %get3A_390 : vector<1x16xf32> to vector<16xf32>
        %broadcast_in_dim3A_392 = vector.shape_cast %select_n3A_157 : vector<16xi32> to vector<16x1xi32>
        %gather3A_393 = vector.shape_cast %broadcast_in_dim3A_392 : vector<16x1xi32> to vector<16xi32>
        %gather3A_394 = tpu.dynamic_gather %exp3A_369[%gather3A_393] in [0] : vector<16xf32>, vector<16xi32> -> vector<16xf32>
        %mul3A_395 = arith.mulf %get3A_391, %gather3A_394 : vector<16xf32>
        %swap3A_396 = arith.index_cast %add3A_346 : i32 to index
        %swap3A_397 = arith.constant 16 : index
        %swap3A_398 = tpu.vector_load %arg16[%swap3A_396, %swap3A_397] {strides = array<i32>} : memref<64x128xf32, #tpu.memory_space<vmem>>, vector<1x16xf32>,
        %swap3A_399 = vector.shape_cast %swap3A_398 : vector<1x16xf32> to vector<16xf32>
        %swap3A_400 = vector.shape_cast %mul3A_395 : vector<16xf32> to vector<1x16xf32>
        tpu.vector_store %arg16[%swap3A_396, %swap3A_397], %swap3A_400 {strides = array<i32>} : memref<64x128xf32, #tpu.memory_space<vmem>>, vector<1x16xf32>,
        %get3A_401 = arith.index_cast %add3A_346 : i32 to index
        %get3A_402 = arith.constant 32 : index
        %get3A_403 = tpu.vector_load %arg12[%get3A_401, %get3A_402] {strides = array<i32>} : memref<128x128xf32, #tpu.memory_space<vmem>>, vector<1x16xf32>,
        %get3A_404 = vector.shape_cast %get3A_403 : vector<1x16xf32> to vector<16xf32>
        %broadcast_in_dim3A_405 = vector.shape_cast %select_n3A_162 : vector<16xi32> to vector<16x1xi32>
        %gather3A_406 = vector.shape_cast %broadcast_in_dim3A_405 : vector<16x1xi32> to vector<16xi32>
        %gather3A_407 = tpu.dynamic_gather %exp3A_369[%gather3A_406] in [0] : vector<16xf32>, vector<16xi32> -> vector<16xf32>
        %mul3A_408 = arith.mulf %get3A_404, %gather3A_407 : vector<16xf32>
        %swap3A_409 = arith.index_cast %add3A_346 : i32 to index
        %swap3A_410 = arith.constant 32 : index
        %swap3A_411 = tpu.vector_load %arg16[%swap3A_409, %swap3A_410] {strides = array<i32>} : memref<64x128xf32, #tpu.memory_space<vmem>>, vector<1x16xf32>,
        %swap3A_412 = vector.shape_cast %swap3A_411 : vector<1x16xf32> to vector<16xf32>
        %swap3A_413 = vector.shape_cast %mul3A_408 : vector<16xf32> to vector<1x16xf32>
        tpu.vector_store %arg16[%swap3A_409, %swap3A_410], %swap3A_413 {strides = array<i32>} : memref<64x128xf32, #tpu.memory_space<vmem>>, vector<1x16xf32>,
        %get3A_414 = arith.index_cast %add3A_346 : i32 to index
        %get3A_415 = arith.constant 48 : index
        %get3A_416 = tpu.vector_load %arg12[%get3A_414, %get3A_415] {strides = array<i32>} : memref<128x128xf32, #tpu.memory_space<vmem>>, vector<1x16xf32>,
        %get3A_417 = vector.shape_cast %get3A_416 : vector<1x16xf32> to vector<16xf32>
        %broadcast_in_dim3A_418 = vector.shape_cast %select_n3A_167 : vector<16xi32> to vector<16x1xi32>
        %gather3A_419 = vector.shape_cast %broadcast_in_dim3A_418 : vector<16x1xi32> to vector<16xi32>
        %gather3A_420 = tpu.dynamic_gather %exp3A_369[%gather3A_419] in [0] : vector<16xf32>, vector<16xi32> -> vector<16xf32>
        %mul3A_421 = arith.mulf %get3A_417, %gather3A_420 : vector<16xf32>
        %swap3A_422 = arith.index_cast %add3A_346 : i32 to index
        %swap3A_423 = arith.constant 48 : index
        %swap3A_424 = tpu.vector_load %arg16[%swap3A_422, %swap3A_423] {strides = array<i32>} : memref<64x128xf32, #tpu.memory_space<vmem>>, vector<1x16xf32>,
        %swap3A_425 = vector.shape_cast %swap3A_424 : vector<1x16xf32> to vector<16xf32>
        %swap3A_426 = vector.shape_cast %mul3A_421 : vector<16xf32> to vector<1x16xf32>
        tpu.vector_store %arg16[%swap3A_422, %swap3A_423], %swap3A_426 {strides = array<i32>} : memref<64x128xf32, #tpu.memory_space<vmem>>, vector<1x16xf32>,
        %mul3A_427 = arith.constant 4 : i32
        %mul3A_428 = arith.muli %scan3A_177, %mul3A_427 : i32
        %add3A_429 = arith.constant 3 : i32
        %add3A_430 = arith.addi %mul3A_428, %add3A_429 : i32
        %get3A_431 = arith.index_cast %add3A_430 : i32 to index
        %get3A_432 = arith.constant 64 : index
        %get3A_433 = tpu.vector_load %arg12[%get3A_431, %get3A_432] {strides = array<i32>} : memref<128x128xf32, #tpu.memory_space<vmem>>, vector<1x16xf32>,
        %get3A_434 = vector.shape_cast %get3A_433 : vector<1x16xf32> to vector<16xf32>
        %add3A_435 = arith.constant 64 : i32
        %add3A_436 = arith.addi %add3A_435, %add3A_430 : i32
        %get3A_437 = arith.index_cast %add3A_436 : i32 to index
        %get3A_438 = arith.constant 64 : index
        %get3A_439 = tpu.vector_load %arg12[%get3A_437, %get3A_438] {strides = array<i32>} : memref<128x128xf32, #tpu.memory_space<vmem>>, vector<1x16xf32>,
        %get3A_440 = vector.shape_cast %get3A_439 : vector<1x16xf32> to vector<16xf32>
        %broadcast_in_dim3A_441 = vector.shape_cast %and3A_147 : vector<16xi32> to vector<16x1xi32>
        %gather3A_442 = vector.shape_cast %broadcast_in_dim3A_441 : vector<16x1xi32> to vector<16xi32>
        %gather3A_443 = tpu.dynamic_gather %get3A_440[%gather3A_442] in [0] : vector<16xf32>, vector<16xi32> -> vector<16xf32>
        %add3A_444 = arith.addf %get3A_434, %gather3A_443 : vector<16xf32>
        %ge3A_445 = arith.constant 0.000000e+00 : f32
        %ge3A_446 = vector.broadcast %ge3A_445 : f32 to vector<16xf32>
        %ge3A_447 = arith.cmpf oge, %add3A_444, %ge3A_446 : vector<16xf32>
        %mul3A_448 = arith.constant 2.000000e-01 : f32
        %mul3A_449 = vector.broadcast %mul3A_448 : f32 to vector<16xf32>
        %mul3A_450 = arith.mulf %mul3A_449, %add3A_444 : vector<16xf32>
        %select_n3A_451 = arith.select %ge3A_447, %add3A_444, %mul3A_450 : vector<16xi1>, vector<16xf32>
        %sub3A_452 = arith.subf %select_n3A_451, %get3A_138 : vector<16xf32>
        %exp3A_453 = math.exp %sub3A_452 : vector<16xf32>
        %swap3A_454 = arith.index_cast %add3A_430 : i32 to index
        %swap3A_455 = arith.constant 64 : index
        %swap3A_456 = tpu.vector_load %arg16[%swap3A_454, %swap3A_455] {strides = array<i32>} : memref<64x128xf32, #tpu.memory_space<vmem>>, vector<1x16xf32>,
        %swap3A_457 = vector.shape_cast %swap3A_456 : vector<1x16xf32> to vector<16xf32>
        %swap3A_458 = vector.shape_cast %exp3A_453 : vector<16xf32> to vector<1x16xf32>
        tpu.vector_store %arg16[%swap3A_454, %swap3A_455], %swap3A_458 {strides = array<i32>} : memref<64x128xf32, #tpu.memory_space<vmem>>, vector<1x16xf32>,
        %get3A_459 = arith.index_cast %add3A_430 : i32 to index
        %get3A_460 = arith.constant 0 : index
        %get3A_461 = tpu.vector_load %arg12[%get3A_459, %get3A_460] {strides = array<i32>} : memref<128x128xf32, #tpu.memory_space<vmem>>, vector<1x16xf32>,
        %get3A_462 = vector.shape_cast %get3A_461 : vector<1x16xf32> to vector<16xf32>
        %broadcast_in_dim3A_463 = vector.shape_cast %select_n3A_152 : vector<16xi32> to vector<16x1xi32>
        %gather3A_464 = vector.shape_cast %broadcast_in_dim3A_463 : vector<16x1xi32> to vector<16xi32>
        %gather3A_465 = tpu.dynamic_gather %exp3A_453[%gather3A_464] in [0] : vector<16xf32>, vector<16xi32> -> vector<16xf32>
        %mul3A_466 = arith.mulf %get3A_462, %gather3A_465 : vector<16xf32>
        %swap3A_467 = arith.index_cast %add3A_430 : i32 to index
        %swap3A_468 = arith.constant 0 : index
        %swap3A_469 = tpu.vector_load %arg16[%swap3A_467, %swap3A_468] {strides = array<i32>} : memref<64x128xf32, #tpu.memory_space<vmem>>, vector<1x16xf32>,
        %swap3A_470 = vector.shape_cast %swap3A_469 : vector<1x16xf32> to vector<16xf32>
        %swap3A_471 = vector.shape_cast %mul3A_466 : vector<16xf32> to vector<1x16xf32>
        tpu.vector_store %arg16[%swap3A_467, %swap3A_468], %swap3A_471 {strides = array<i32>} : memref<64x128xf32, #tpu.memory_space<vmem>>, vector<1x16xf32>,
        %get3A_472 = arith.index_cast %add3A_430 : i32 to index
        %get3A_473 = arith.constant 16 : index
        %get3A_474 = tpu.vector_load %arg12[%get3A_472, %get3A_473] {strides = array<i32>} : memref<128x128xf32, #tpu.memory_space<vmem>>, vector<1x16xf32>,
        %get3A_475 = vector.shape_cast %get3A_474 : vector<1x16xf32> to vector<16xf32>
        %broadcast_in_dim3A_476 = vector.shape_cast %select_n3A_157 : vector<16xi32> to vector<16x1xi32>
        %gather3A_477 = vector.shape_cast %broadcast_in_dim3A_476 : vector<16x1xi32> to vector<16xi32>
        %gather3A_478 = tpu.dynamic_gather %exp3A_453[%gather3A_477] in [0] : vector<16xf32>, vector<16xi32> -> vector<16xf32>
        %mul3A_479 = arith.mulf %get3A_475, %gather3A_478 : vector<16xf32>
        %swap3A_480 = arith.index_cast %add3A_430 : i32 to index
        %swap3A_481 = arith.constant 16 : index
        %swap3A_482 = tpu.vector_load %arg16[%swap3A_480, %swap3A_481] {strides = array<i32>} : memref<64x128xf32, #tpu.memory_space<vmem>>, vector<1x16xf32>,
        %swap3A_483 = vector.shape_cast %swap3A_482 : vector<1x16xf32> to vector<16xf32>
        %swap3A_484 = vector.shape_cast %mul3A_479 : vector<16xf32> to vector<1x16xf32>
        tpu.vector_store %arg16[%swap3A_480, %swap3A_481], %swap3A_484 {strides = array<i32>} : memref<64x128xf32, #tpu.memory_space<vmem>>, vector<1x16xf32>,
        %get3A_485 = arith.index_cast %add3A_430 : i32 to index
        %get3A_486 = arith.constant 32 : index
        %get3A_487 = tpu.vector_load %arg12[%get3A_485, %get3A_486] {strides = array<i32>} : memref<128x128xf32, #tpu.memory_space<vmem>>, vector<1x16xf32>,
        %get3A_488 = vector.shape_cast %get3A_487 : vector<1x16xf32> to vector<16xf32>
        %broadcast_in_dim3A_489 = vector.shape_cast %select_n3A_162 : vector<16xi32> to vector<16x1xi32>
        %gather3A_490 = vector.shape_cast %broadcast_in_dim3A_489 : vector<16x1xi32> to vector<16xi32>
        %gather3A_491 = tpu.dynamic_gather %exp3A_453[%gather3A_490] in [0] : vector<16xf32>, vector<16xi32> -> vector<16xf32>
        %mul3A_492 = arith.mulf %get3A_488, %gather3A_491 : vector<16xf32>
        %swap3A_493 = arith.index_cast %add3A_430 : i32 to index
        %swap3A_494 = arith.constant 32 : index
        %swap3A_495 = tpu.vector_load %arg16[%swap3A_493, %swap3A_494] {strides = array<i32>} : memref<64x128xf32, #tpu.memory_space<vmem>>, vector<1x16xf32>,
        %swap3A_496 = vector.shape_cast %swap3A_495 : vector<1x16xf32> to vector<16xf32>
        %swap3A_497 = vector.shape_cast %mul3A_492 : vector<16xf32> to vector<1x16xf32>
        tpu.vector_store %arg16[%swap3A_493, %swap3A_494], %swap3A_497 {strides = array<i32>} : memref<64x128xf32, #tpu.memory_space<vmem>>, vector<1x16xf32>,
        %get3A_498 = arith.index_cast %add3A_430 : i32 to index
        %get3A_499 = arith.constant 48 : index
        %get3A_500 = tpu.vector_load %arg12[%get3A_498, %get3A_499] {strides = array<i32>} : memref<128x128xf32, #tpu.memory_space<vmem>>, vector<1x16xf32>,
        %get3A_501 = vector.shape_cast %get3A_500 : vector<1x16xf32> to vector<16xf32>
        %broadcast_in_dim3A_502 = vector.shape_cast %select_n3A_167 : vector<16xi32> to vector<16x1xi32>
        %gather3A_503 = vector.shape_cast %broadcast_in_dim3A_502 : vector<16x1xi32> to vector<16xi32>
        %gather3A_504 = tpu.dynamic_gather %exp3A_453[%gather3A_503] in [0] : vector<16xf32>, vector<16xi32> -> vector<16xf32>
        %mul3A_505 = arith.mulf %get3A_501, %gather3A_504 : vector<16xf32>
        %swap3A_506 = arith.index_cast %add3A_430 : i32 to index
        %swap3A_507 = arith.constant 48 : index
        %swap3A_508 = tpu.vector_load %arg16[%swap3A_506, %swap3A_507] {strides = array<i32>} : memref<64x128xf32, #tpu.memory_space<vmem>>, vector<1x16xf32>,
        %swap3A_509 = vector.shape_cast %swap3A_508 : vector<1x16xf32> to vector<16xf32>
        %swap3A_510 = vector.shape_cast %mul3A_505 : vector<16xf32> to vector<1x16xf32>
        tpu.vector_store %arg16[%swap3A_506, %swap3A_507], %swap3A_510 {strides = array<i32>} : memref<64x128xf32, #tpu.memory_space<vmem>>, vector<1x16xf32>,
      }
      %scan3A_173 = arith.constant 16 : i32
      %dma_start3A_174 = arith.constant 0 : i32
      %dma_start3A_175 = arith.constant 0 : i32
      %dma_start3A_176 = tpu.memref_slice %arg8[%dma_start3A_174, %dma_start3A_175] : memref<10112x128xf32, #tpu.memory_space<vmem_shared>> -> memref<10112x128xf32, #tpu.memory_space<vmem_shared>>
      tpu.enqueue_indirect_dma source(%arg16 : memref<64x128xf32, #tpu.memory_space<vmem>>) target(%dma_start3A_176 : memref<10112x128xf32, #tpu.memory_space<vmem_shared>>) offsets(%arg14 : memref<64xi32, #tpu.memory_space<vmem>>) semaphore(%arg23 : memref<!tpu.dma_semaphore, #tpu.memory_space<semaphore_mem>>) {add = true}
    }
    %scan3A_45 = arith.constant 81 : i32
    %dma_wait3A = arith.constant 0 : i32
    %dma_wait3A_46 = arith.constant 0 : i32
    %dma_wait3A_47 = tpu.memref_slice %arg8[%dma_wait3A, %dma_wait3A_46] : memref<10112x128xf32, #tpu.memory_space<vmem_shared>> -> memref<10112x128xf32, #tpu.memory_space<vmem_shared>>
    tpu.wait_indirect_dma semaphore(%arg22 : memref<!tpu.dma_semaphore, #tpu.memory_space<semaphore_mem>>) src(%arg15 : memref<64x128xf32, #tpu.memory_space<vmem>>) dst(%dma_wait3A_47 : memref<10112x128xf32, #tpu.memory_space<vmem_shared>>)
    %dma_wait3A_48 = arith.constant 0 : i32
    %dma_wait3A_49 = arith.constant 0 : i32
    %dma_wait3A_50 = tpu.memref_slice %arg8[%dma_wait3A_48, %dma_wait3A_49] : memref<10112x128xf32, #tpu.memory_space<vmem_shared>> -> memref<10112x128xf32, #tpu.memory_space<vmem_shared>>
    tpu.wait_indirect_dma semaphore(%arg23 : memref<!tpu.dma_semaphore, #tpu.memory_space<semaphore_mem>>) src(%arg16 : memref<64x128xf32, #tpu.memory_space<vmem>>) dst(%dma_wait3A_50 : memref<10112x128xf32, #tpu.memory_space<vmem_shared>>)
    %barrier3A_51 = arith.constant 0 : index
    tpu.barrier barrier_id(%barrier3A_51)
    %mul3A_52 = arith.constant 632 : i32
    %mul3A_53 = arith.muli %arg1, %mul3A_52 : i32
    %mul3A_54 = arith.constant 632 : i32
    %mul3A_55 = arith.muli %arg1, %mul3A_54 : i32
    "tpu.region"() ({
      %run_scoped3A_56 = tpu.sem_alloc : memref<!tpu.dma_semaphore, #tpu.memory_space<semaphore_mem>>
      %dma_start3A_57 = arith.constant 0 : i32
      %dma_start3A_58 = tpu.memref_slice %arg7[%arg0, %mul3A_55, %dma_start3A_57] : memref<2x10240x128xf32, #tpu.memory_space<hbm>> -> memref<1x632x128xf32, #tpu.memory_space<hbm>>
      %dma_start3A_59 = tpu.memref_squeeze %dma_start3A_58 : memref<1x632x128xf32, #tpu.memory_space<hbm>> -> memref<632x128xf32, #tpu.memory_space<hbm>>
      %dma_start3A_60 = arith.constant 0 : i32
      %dma_start3A_61 = tpu.memref_slice %arg8[%mul3A_53, %dma_start3A_60] : memref<10112x128xf32, #tpu.memory_space<vmem_shared>> -> memref<632x128xf32, #tpu.memory_space<vmem_shared>>
      tpu.enqueue_dma source(%dma_start3A_61 : memref<632x128xf32, #tpu.memory_space<vmem_shared>>) target(%dma_start3A_59 : memref<632x128xf32, #tpu.memory_space<hbm>>) target_semaphore(%run_scoped3A_56 : memref<!tpu.dma_semaphore, #tpu.memory_space<semaphore_mem>>)
      %dma_wait3A_62 = arith.constant 0 : i32
      %dma_wait3A_63 = tpu.memref_slice %arg7[%arg0, %mul3A_55, %dma_wait3A_62] : memref<2x10240x128xf32, #tpu.memory_space<hbm>> -> memref<1x632x128xf32, #tpu.memory_space<hbm>>
      %dma_wait3A_64 = tpu.memref_squeeze %dma_wait3A_63 : memref<1x632x128xf32, #tpu.memory_space<hbm>> -> memref<632x128xf32, #tpu.memory_space<hbm>>
      %dma_wait3A_65 = arith.constant 0 : i32
      %dma_wait3A_66 = tpu.memref_slice %arg8[%mul3A_53, %dma_wait3A_65] : memref<10112x128xf32, #tpu.memory_space<vmem_shared>> -> memref<632x128xf32, #tpu.memory_space<vmem_shared>>
      tpu.wait_dma2 semaphore(%run_scoped3A_56 : memref<!tpu.dma_semaphore, #tpu.memory_space<semaphore_mem>>) src(%dma_wait3A_66 : memref<632x128xf32, #tpu.memory_space<vmem_shared>>) dst(%dma_wait3A_64 : memref<632x128xf32, #tpu.memory_space<hbm>>)
      tpu.yield
    }) : () -> ()
    return
  }
}

#map = affine_map<(d0, d1) -> (0)>
#map1 = affine_map<(d0, d1) -> (0, 0)>
#map2 = affine_map<(d0, d1) -> (0, 0, 0)>
module attributes {stable_mosaic.version = 14 : i64} {
  func.func @_edge2(%arg0: i32, %arg1: i32, %arg2: memref<331776xi32, #tpu.memory_space<hbm>>, %arg3: memref<331776xi32, #tpu.memory_space<hbm>>, %arg4: memref<10240x128xf32, #tpu.memory_space<hbm>>, %arg5: memref<8x16xf32, #tpu.memory_space<hbm>>, %arg6: memref<10240x128xf32, #tpu.memory_space<hbm>>, %arg7: memref<2x10240x128xf32, #tpu.memory_space<hbm>>, %arg8: memref<10112x128xf32, #tpu.memory_space<vmem_shared>>, %arg9: memref<128xi32, #tpu.memory_space<vmem>>, %arg10: memref<128x128xf32, #tpu.memory_space<vmem>>, %arg11: memref<128xi32, #tpu.memory_space<vmem>>, %arg12: memref<128x128xf32, #tpu.memory_space<vmem>>, %arg13: memref<64xi32, #tpu.memory_space<vmem>>, %arg14: memref<64xi32, #tpu.memory_space<vmem>>, %arg15: memref<64x128xf32, #tpu.memory_space<vmem>>, %arg16: memref<64x128xf32, #tpu.memory_space<vmem>>, %arg17: memref<16xf32, #tpu.memory_space<vmem>>, %arg18: memref<16xf32, #tpu.memory_space<vmem>>, %arg19: memref<16xf32, #tpu.memory_space<vmem>>, %arg20: memref<!tpu.dma_semaphore, #tpu.memory_space<semaphore_mem>>, %arg21: memref<!tpu.dma_semaphore, #tpu.memory_space<semaphore_mem>>, %arg22: memref<!tpu.dma_semaphore, #tpu.memory_space<semaphore_mem>>, %arg23: memref<!tpu.dma_semaphore, #tpu.memory_space<semaphore_mem>>) attributes {dimension_semantics = [#tpu.dimension_semantics<core_parallel>, #tpu.dimension_semantics<subcore_parallel>], iteration_bounds = array<i64: 2, 16>, scalar_prefetch = 0 : i64, scratch_operands = 16 : i64, tpu.core_type = #tpu.core_type<sc_vector_subcore>, window_params = [{transform_indices = #map}, {transform_indices = #map}, {transform_indices = #map1}, {transform_indices = #map1}, {transform_indices = #map1}, {transform_indices = #map2}]} {
    %mul3A = arith.constant 16 : i32
    %mul3A_0 = arith.muli %arg0, %mul3A : i32
    %add3A = arith.addi %mul3A_0, %arg1 : i32
    %mul3A_1 = arith.constant 632 : i32
    %mul3A_2 = arith.muli %arg1, %mul3A_1 : i32
    %mul3A_3 = arith.constant 632 : i32
    %mul3A_4 = arith.muli %arg1, %mul3A_3 : i32
    "tpu.region"() ({
      %run_scoped3A_53 = tpu.sem_alloc : memref<!tpu.dma_semaphore, #tpu.memory_space<semaphore_mem>>
      %dma_start3A_54 = arith.constant 0 : i32
      %dma_start3A_55 = tpu.memref_slice %arg8[%mul3A_4, %dma_start3A_54] : memref<10112x128xf32, #tpu.memory_space<vmem_shared>> -> memref<632x128xf32, #tpu.memory_space<vmem_shared>>
      %dma_start3A_56 = arith.constant 0 : i32
      %dma_start3A_57 = tpu.memref_slice %arg6[%mul3A_2, %dma_start3A_56] : memref<10240x128xf32, #tpu.memory_space<hbm>> -> memref<632x128xf32, #tpu.memory_space<hbm>>
      tpu.enqueue_dma source(%dma_start3A_57 : memref<632x128xf32, #tpu.memory_space<hbm>>) target(%dma_start3A_55 : memref<632x128xf32, #tpu.memory_space<vmem_shared>>) target_semaphore(%run_scoped3A_53 : memref<!tpu.dma_semaphore, #tpu.memory_space<semaphore_mem>>)
      %dma_wait3A_58 = arith.constant 0 : i32
      %dma_wait3A_59 = tpu.memref_slice %arg8[%mul3A_4, %dma_wait3A_58] : memref<10112x128xf32, #tpu.memory_space<vmem_shared>> -> memref<632x128xf32, #tpu.memory_space<vmem_shared>>
      %dma_wait3A_60 = arith.constant 0 : i32
      %dma_wait3A_61 = tpu.memref_slice %arg6[%mul3A_2, %dma_wait3A_60] : memref<10240x128xf32, #tpu.memory_space<hbm>> -> memref<632x128xf32, #tpu.memory_space<hbm>>
      tpu.wait_dma2 semaphore(%run_scoped3A_53 : memref<!tpu.dma_semaphore, #tpu.memory_space<semaphore_mem>>) src(%dma_wait3A_61 : memref<632x128xf32, #tpu.memory_space<hbm>>) dst(%dma_wait3A_59 : memref<632x128xf32, #tpu.memory_space<vmem_shared>>)
      tpu.yield
    }) : () -> ()
    "tpu.region"() ({
      %run_scoped3A_53 = tpu.sem_alloc : memref<!tpu.dma_semaphore, #tpu.memory_space<semaphore_mem>>
      %dma_start3A_54 = arith.constant 0 : i32
      %dma_start3A_55 = arith.constant 0 : i32
      %dma_start3A_56 = tpu.memref_slice %arg6[%dma_start3A_54, %dma_start3A_55] : memref<10240x128xf32, #tpu.memory_space<hbm>> -> memref<64x128xf32, #tpu.memory_space<hbm>>
      %dma_start3A_57 = arith.constant 0 : i32
      %dma_start3A_58 = arith.constant 0 : i32
      %dma_start3A_59 = tpu.memref_slice %arg6[%dma_start3A_57, %dma_start3A_58] : memref<10240x128xf32, #tpu.memory_space<hbm>> -> memref<64x128xf32, #tpu.memory_space<hbm>>
      tpu.enqueue_dma source(%dma_start3A_59 : memref<64x128xf32, #tpu.memory_space<hbm>>) target(%arg15 : memref<64x128xf32, #tpu.memory_space<vmem>>) target_semaphore(%run_scoped3A_53 : memref<!tpu.dma_semaphore, #tpu.memory_space<semaphore_mem>>)
      %dma_wait3A_60 = arith.constant 0 : i32
      %dma_wait3A_61 = arith.constant 0 : i32
      %dma_wait3A_62 = tpu.memref_slice %arg6[%dma_wait3A_60, %dma_wait3A_61] : memref<10240x128xf32, #tpu.memory_space<hbm>> -> memref<64x128xf32, #tpu.memory_space<hbm>>
      %dma_wait3A_63 = arith.constant 0 : i32
      %dma_wait3A_64 = arith.constant 0 : i32
      %dma_wait3A_65 = tpu.memref_slice %arg6[%dma_wait3A_63, %dma_wait3A_64] : memref<10240x128xf32, #tpu.memory_space<hbm>> -> memref<64x128xf32, #tpu.memory_space<hbm>>
      tpu.wait_dma2 semaphore(%run_scoped3A_53 : memref<!tpu.dma_semaphore, #tpu.memory_space<semaphore_mem>>) src(%dma_wait3A_65 : memref<64x128xf32, #tpu.memory_space<hbm>>) dst(%arg15 : memref<64x128xf32, #tpu.memory_space<vmem>>)
      tpu.yield
    }) : () -> ()
    "tpu.region"() ({
      %run_scoped3A_53 = tpu.sem_alloc : memref<!tpu.dma_semaphore, #tpu.memory_space<semaphore_mem>>
      %dma_start3A_54 = arith.constant 0 : i32
      %dma_start3A_55 = arith.constant 0 : i32
      %dma_start3A_56 = tpu.memref_slice %arg6[%dma_start3A_54, %dma_start3A_55] : memref<10240x128xf32, #tpu.memory_space<hbm>> -> memref<64x128xf32, #tpu.memory_space<hbm>>
      %dma_start3A_57 = arith.constant 0 : i32
      %dma_start3A_58 = arith.constant 0 : i32
      %dma_start3A_59 = tpu.memref_slice %arg6[%dma_start3A_57, %dma_start3A_58] : memref<10240x128xf32, #tpu.memory_space<hbm>> -> memref<64x128xf32, #tpu.memory_space<hbm>>
      tpu.enqueue_dma source(%dma_start3A_59 : memref<64x128xf32, #tpu.memory_space<hbm>>) target(%arg16 : memref<64x128xf32, #tpu.memory_space<vmem>>) target_semaphore(%run_scoped3A_53 : memref<!tpu.dma_semaphore, #tpu.memory_space<semaphore_mem>>)
      %dma_wait3A_60 = arith.constant 0 : i32
      %dma_wait3A_61 = arith.constant 0 : i32
      %dma_wait3A_62 = tpu.memref_slice %arg6[%dma_wait3A_60, %dma_wait3A_61] : memref<10240x128xf32, #tpu.memory_space<hbm>> -> memref<64x128xf32, #tpu.memory_space<hbm>>
      %dma_wait3A_63 = arith.constant 0 : i32
      %dma_wait3A_64 = arith.constant 0 : i32
      %dma_wait3A_65 = tpu.memref_slice %arg6[%dma_wait3A_63, %dma_wait3A_64] : memref<10240x128xf32, #tpu.memory_space<hbm>> -> memref<64x128xf32, #tpu.memory_space<hbm>>
      tpu.wait_dma2 semaphore(%run_scoped3A_53 : memref<!tpu.dma_semaphore, #tpu.memory_space<semaphore_mem>>) src(%dma_wait3A_65 : memref<64x128xf32, #tpu.memory_space<hbm>>) dst(%arg16 : memref<64x128xf32, #tpu.memory_space<vmem>>)
      tpu.yield
    }) : () -> ()
    %run_scoped3A = arith.constant 0 : i32
    "tpu.region"() ({
      %run_scoped3A_53 = tpu.sem_alloc : memref<!tpu.dma_semaphore, #tpu.memory_space<semaphore_mem>>
      %dma_start3A_54 = arith.constant 0 : i32
      %dma_start3A_55 = tpu.memref_slice %arg5[%run_scoped3A, %dma_start3A_54] : memref<8x16xf32, #tpu.memory_space<hbm>> -> memref<1x16xf32, #tpu.memory_space<hbm>>
      %dma_start3A_56 = tpu.memref_squeeze %dma_start3A_55 : memref<1x16xf32, #tpu.memory_space<hbm>> -> memref<16xf32, #tpu.memory_space<hbm>>
      %dma_start3A_57 = arith.constant 0 : i32
      %dma_start3A_58 = tpu.memref_slice %arg5[%run_scoped3A, %dma_start3A_57] : memref<8x16xf32, #tpu.memory_space<hbm>> -> memref<1x16xf32, #tpu.memory_space<hbm>>
      %dma_start3A_59 = tpu.memref_squeeze %dma_start3A_58 : memref<1x16xf32, #tpu.memory_space<hbm>> -> memref<16xf32, #tpu.memory_space<hbm>>
      tpu.enqueue_dma source(%dma_start3A_59 : memref<16xf32, #tpu.memory_space<hbm>>) target(%arg17 : memref<16xf32, #tpu.memory_space<vmem>>) target_semaphore(%run_scoped3A_53 : memref<!tpu.dma_semaphore, #tpu.memory_space<semaphore_mem>>)
      %dma_wait3A_60 = arith.constant 0 : i32
      %dma_wait3A_61 = tpu.memref_slice %arg5[%run_scoped3A, %dma_wait3A_60] : memref<8x16xf32, #tpu.memory_space<hbm>> -> memref<1x16xf32, #tpu.memory_space<hbm>>
      %dma_wait3A_62 = tpu.memref_squeeze %dma_wait3A_61 : memref<1x16xf32, #tpu.memory_space<hbm>> -> memref<16xf32, #tpu.memory_space<hbm>>
      %dma_wait3A_63 = arith.constant 0 : i32
      %dma_wait3A_64 = tpu.memref_slice %arg5[%run_scoped3A, %dma_wait3A_63] : memref<8x16xf32, #tpu.memory_space<hbm>> -> memref<1x16xf32, #tpu.memory_space<hbm>>
      %dma_wait3A_65 = tpu.memref_squeeze %dma_wait3A_64 : memref<1x16xf32, #tpu.memory_space<hbm>> -> memref<16xf32, #tpu.memory_space<hbm>>
      tpu.wait_dma2 semaphore(%run_scoped3A_53 : memref<!tpu.dma_semaphore, #tpu.memory_space<semaphore_mem>>) src(%dma_wait3A_65 : memref<16xf32, #tpu.memory_space<hbm>>) dst(%arg17 : memref<16xf32, #tpu.memory_space<vmem>>)
      tpu.yield
    }) : () -> ()
    %run_scoped3A_5 = arith.constant 1 : i32
    "tpu.region"() ({
      %run_scoped3A_53 = tpu.sem_alloc : memref<!tpu.dma_semaphore, #tpu.memory_space<semaphore_mem>>
      %dma_start3A_54 = arith.constant 0 : i32
      %dma_start3A_55 = tpu.memref_slice %arg5[%run_scoped3A_5, %dma_start3A_54] : memref<8x16xf32, #tpu.memory_space<hbm>> -> memref<1x16xf32, #tpu.memory_space<hbm>>
      %dma_start3A_56 = tpu.memref_squeeze %dma_start3A_55 : memref<1x16xf32, #tpu.memory_space<hbm>> -> memref<16xf32, #tpu.memory_space<hbm>>
      %dma_start3A_57 = arith.constant 0 : i32
      %dma_start3A_58 = tpu.memref_slice %arg5[%run_scoped3A_5, %dma_start3A_57] : memref<8x16xf32, #tpu.memory_space<hbm>> -> memref<1x16xf32, #tpu.memory_space<hbm>>
      %dma_start3A_59 = tpu.memref_squeeze %dma_start3A_58 : memref<1x16xf32, #tpu.memory_space<hbm>> -> memref<16xf32, #tpu.memory_space<hbm>>
      tpu.enqueue_dma source(%dma_start3A_59 : memref<16xf32, #tpu.memory_space<hbm>>) target(%arg18 : memref<16xf32, #tpu.memory_space<vmem>>) target_semaphore(%run_scoped3A_53 : memref<!tpu.dma_semaphore, #tpu.memory_space<semaphore_mem>>)
      %dma_wait3A_60 = arith.constant 0 : i32
      %dma_wait3A_61 = tpu.memref_slice %arg5[%run_scoped3A_5, %dma_wait3A_60] : memref<8x16xf32, #tpu.memory_space<hbm>> -> memref<1x16xf32, #tpu.memory_space<hbm>>
      %dma_wait3A_62 = tpu.memref_squeeze %dma_wait3A_61 : memref<1x16xf32, #tpu.memory_space<hbm>> -> memref<16xf32, #tpu.memory_space<hbm>>
      %dma_wait3A_63 = arith.constant 0 : i32
      %dma_wait3A_64 = tpu.memref_slice %arg5[%run_scoped3A_5, %dma_wait3A_63] : memref<8x16xf32, #tpu.memory_space<hbm>> -> memref<1x16xf32, #tpu.memory_space<hbm>>
      %dma_wait3A_65 = tpu.memref_squeeze %dma_wait3A_64 : memref<1x16xf32, #tpu.memory_space<hbm>> -> memref<16xf32, #tpu.memory_space<hbm>>
      tpu.wait_dma2 semaphore(%run_scoped3A_53 : memref<!tpu.dma_semaphore, #tpu.memory_space<semaphore_mem>>) src(%dma_wait3A_65 : memref<16xf32, #tpu.memory_space<hbm>>) dst(%arg18 : memref<16xf32, #tpu.memory_space<vmem>>)
      tpu.yield
    }) : () -> ()
    %barrier3A = arith.constant 0 : index
    tpu.barrier barrier_id(%barrier3A)
    %get3A = arith.constant 0 : index
    %get3A_6 = tpu.vector_load %arg17[%get3A] {strides = array<i32>} : memref<16xf32, #tpu.memory_space<vmem>>, vector<16xf32>,
    %get3A_7 = vector.shape_cast %get3A_6 : vector<16xf32> to vector<16xf32>
    %get3A_8 = arith.constant 0 : index
    %get3A_9 = tpu.vector_load %arg18[%get3A_8] {strides = array<i32>} : memref<16xf32, #tpu.memory_space<vmem>>, vector<16xf32>,
    %get3A_10 = vector.shape_cast %get3A_9 : vector<16xf32> to vector<16xf32>
    %add3A_11 = arith.addf %get3A_7, %get3A_10 : vector<16xf32>
    %ge3A = arith.constant 0.000000e+00 : f32
    %ge3A_12 = vector.broadcast %ge3A : f32 to vector<16xf32>
    %ge3A_13 = arith.cmpf oge, %add3A_11, %ge3A_12 : vector<16xf32>
    %mul3A_14 = arith.constant 2.000000e-01 : f32
    %mul3A_15 = vector.broadcast %mul3A_14 : f32 to vector<16xf32>
    %mul3A_16 = arith.mulf %mul3A_15, %add3A_11 : vector<16xf32>
    %select_n3A = arith.select %ge3A_13, %add3A_11, %mul3A_16 : vector<16xi1>, vector<16xf32>
    %swap3A = arith.constant 0 : index
    %swap3A_17 = tpu.vector_load %arg19[%swap3A] {strides = array<i32>} : memref<16xf32, #tpu.memory_space<vmem>>, vector<16xf32>,
    %swap3A_18 = vector.shape_cast %swap3A_17 : vector<16xf32> to vector<16xf32>
    %swap3A_19 = vector.shape_cast %select_n3A : vector<16xf32> to vector<16xf32>
    tpu.vector_store %arg19[%swap3A], %swap3A_19 {strides = array<i32>} : memref<16xf32, #tpu.memory_space<vmem>>, vector<16xf32>,
    %mul3A_20 = arith.constant 10368 : i32
    %mul3A_21 = arith.muli %add3A, %mul3A_20 : i32
    %scan3A = arith.constant 0 : i32
    %scan3A_22 = arith.constant 0 : i32
    %scan3A_23 = arith.constant 4 : i32
    %scan3A_24 = arith.addi %scan3A_22, %scan3A_23 : i32
    %scan3A_25 = arith.constant 1 : i32
    scf.for %scan3A_53 = %scan3A_22 to %scan3A_24 step %scan3A_25  : i32 {
      %broadcast_in_dim3A = arith.constant 0 : i32
      %broadcast_in_dim3A_54 = vector.broadcast %broadcast_in_dim3A : i32 to vector<16xi32>
      %mul3A_55 = arith.constant 16 : i32
      %mul3A_56 = arith.muli %scan3A_53, %mul3A_55 : i32
      %swap3A_57 = arith.index_cast %mul3A_56 : i32 to index
      %swap3A_58 = tpu.vector_load %arg13[%swap3A_57] {strides = array<i32>} : memref<64xi32, #tpu.memory_space<vmem>>, vector<16xi32>,
      %swap3A_59 = vector.shape_cast %swap3A_58 : vector<16xi32> to vector<16xi32>
      %swap3A_60 = vector.shape_cast %broadcast_in_dim3A_54 : vector<16xi32> to vector<16xi32>
      tpu.vector_store %arg13[%swap3A_57], %swap3A_60 {strides = array<i32>} : memref<64xi32, #tpu.memory_space<vmem>>, vector<16xi32>,
      %broadcast_in_dim3A_61 = arith.constant 0 : i32
      %broadcast_in_dim3A_62 = vector.broadcast %broadcast_in_dim3A_61 : i32 to vector<16xi32>
      %mul3A_63 = arith.constant 16 : i32
      %mul3A_64 = arith.muli %scan3A_53, %mul3A_63 : i32
      %swap3A_65 = arith.index_cast %mul3A_64 : i32 to index
      %swap3A_66 = tpu.vector_load %arg14[%swap3A_65] {strides = array<i32>} : memref<64xi32, #tpu.memory_space<vmem>>, vector<16xi32>,
      %swap3A_67 = vector.shape_cast %swap3A_66 : vector<16xi32> to vector<16xi32>
      %swap3A_68 = vector.shape_cast %broadcast_in_dim3A_62 : vector<16xi32> to vector<16xi32>
      tpu.vector_store %arg14[%swap3A_65], %swap3A_68 {strides = array<i32>} : memref<64xi32, #tpu.memory_space<vmem>>, vector<16xi32>,
    }
    %scan3A_26 = arith.constant 4 : i32
    %dma_start3A = arith.constant 0 : i32
    %dma_start3A_27 = arith.constant 0 : i32
    %dma_start3A_28 = tpu.memref_slice %arg8[%dma_start3A, %dma_start3A_27] : memref<10112x128xf32, #tpu.memory_space<vmem_shared>> -> memref<10112x128xf32, #tpu.memory_space<vmem_shared>>
    tpu.enqueue_indirect_dma source(%arg15 : memref<64x128xf32, #tpu.memory_space<vmem>>) target(%dma_start3A_28 : memref<10112x128xf32, #tpu.memory_space<vmem_shared>>) offsets(%arg13 : memref<64xi32, #tpu.memory_space<vmem>>) semaphore(%arg22 : memref<!tpu.dma_semaphore, #tpu.memory_space<semaphore_mem>>) {add = true}
    %dma_start3A_29 = arith.constant 0 : i32
    %dma_start3A_30 = arith.constant 0 : i32
    %dma_start3A_31 = tpu.memref_slice %arg8[%dma_start3A_29, %dma_start3A_30] : memref<10112x128xf32, #tpu.memory_space<vmem_shared>> -> memref<10112x128xf32, #tpu.memory_space<vmem_shared>>
    tpu.enqueue_indirect_dma source(%arg16 : memref<64x128xf32, #tpu.memory_space<vmem>>) target(%dma_start3A_31 : memref<10112x128xf32, #tpu.memory_space<vmem_shared>>) offsets(%arg14 : memref<64xi32, #tpu.memory_space<vmem>>) semaphore(%arg23 : memref<!tpu.dma_semaphore, #tpu.memory_space<semaphore_mem>>) {add = true}
    %add3A_32 = arith.constant 0 : i32
    %add3A_33 = arith.addi %mul3A_21, %add3A_32 : i32
    "tpu.region"() ({
      %run_scoped3A_53 = tpu.sem_alloc : memref<!tpu.dma_semaphore, #tpu.memory_space<semaphore_mem>>
      %dma_start3A_54 = arith.constant 0 : i32
      %dma_start3A_55 = tpu.memref_slice %arg9[%dma_start3A_54] : memref<128xi32, #tpu.memory_space<vmem>> -> memref<64xi32, #tpu.memory_space<vmem>>
      %dma_start3A_56 = tpu.memref_slice %arg2[%add3A_33] : memref<331776xi32, #tpu.memory_space<hbm>> -> memref<64xi32, #tpu.memory_space<hbm>>
      %dma_start3A_57 = arith.constant 0 : i32
      %dma_start3A_58 = tpu.memref_slice %arg9[%dma_start3A_57] : memref<128xi32, #tpu.memory_space<vmem>> -> memref<64xi32, #tpu.memory_space<vmem>>
      %dma_start3A_59 = tpu.memref_slice %arg2[%add3A_33] : memref<331776xi32, #tpu.memory_space<hbm>> -> memref<64xi32, #tpu.memory_space<hbm>>
      tpu.enqueue_dma source(%dma_start3A_59 : memref<64xi32, #tpu.memory_space<hbm>>) target(%dma_start3A_58 : memref<64xi32, #tpu.memory_space<vmem>>) target_semaphore(%run_scoped3A_53 : memref<!tpu.dma_semaphore, #tpu.memory_space<semaphore_mem>>)
      %dma_wait3A_60 = arith.constant 0 : i32
      %dma_wait3A_61 = tpu.memref_slice %arg9[%dma_wait3A_60] : memref<128xi32, #tpu.memory_space<vmem>> -> memref<64xi32, #tpu.memory_space<vmem>>
      %dma_wait3A_62 = tpu.memref_slice %arg2[%add3A_33] : memref<331776xi32, #tpu.memory_space<hbm>> -> memref<64xi32, #tpu.memory_space<hbm>>
      %dma_wait3A_63 = arith.constant 0 : i32
      %dma_wait3A_64 = tpu.memref_slice %arg9[%dma_wait3A_63] : memref<128xi32, #tpu.memory_space<vmem>> -> memref<64xi32, #tpu.memory_space<vmem>>
      %dma_wait3A_65 = tpu.memref_slice %arg2[%add3A_33] : memref<331776xi32, #tpu.memory_space<hbm>> -> memref<64xi32, #tpu.memory_space<hbm>>
      tpu.wait_dma2 semaphore(%run_scoped3A_53 : memref<!tpu.dma_semaphore, #tpu.memory_space<semaphore_mem>>) src(%dma_wait3A_65 : memref<64xi32, #tpu.memory_space<hbm>>) dst(%dma_wait3A_64 : memref<64xi32, #tpu.memory_space<vmem>>)
      tpu.yield
    }) : () -> ()
    "tpu.region"() ({
      %run_scoped3A_53 = tpu.sem_alloc : memref<!tpu.dma_semaphore, #tpu.memory_space<semaphore_mem>>
      %dma_start3A_54 = arith.constant 64 : i32
      %dma_start3A_55 = tpu.memref_slice %arg9[%dma_start3A_54] : memref<128xi32, #tpu.memory_space<vmem>> -> memref<64xi32, #tpu.memory_space<vmem>>
      %dma_start3A_56 = tpu.memref_slice %arg3[%add3A_33] : memref<331776xi32, #tpu.memory_space<hbm>> -> memref<64xi32, #tpu.memory_space<hbm>>
      %dma_start3A_57 = arith.constant 64 : i32
      %dma_start3A_58 = tpu.memref_slice %arg9[%dma_start3A_57] : memref<128xi32, #tpu.memory_space<vmem>> -> memref<64xi32, #tpu.memory_space<vmem>>
      %dma_start3A_59 = tpu.memref_slice %arg3[%add3A_33] : memref<331776xi32, #tpu.memory_space<hbm>> -> memref<64xi32, #tpu.memory_space<hbm>>
      tpu.enqueue_dma source(%dma_start3A_59 : memref<64xi32, #tpu.memory_space<hbm>>) target(%dma_start3A_58 : memref<64xi32, #tpu.memory_space<vmem>>) target_semaphore(%run_scoped3A_53 : memref<!tpu.dma_semaphore, #tpu.memory_space<semaphore_mem>>)
      %dma_wait3A_60 = arith.constant 64 : i32
      %dma_wait3A_61 = tpu.memref_slice %arg9[%dma_wait3A_60] : memref<128xi32, #tpu.memory_space<vmem>> -> memref<64xi32, #tpu.memory_space<vmem>>
      %dma_wait3A_62 = tpu.memref_slice %arg3[%add3A_33] : memref<331776xi32, #tpu.memory_space<hbm>> -> memref<64xi32, #tpu.memory_space<hbm>>
      %dma_wait3A_63 = arith.constant 64 : i32
      %dma_wait3A_64 = tpu.memref_slice %arg9[%dma_wait3A_63] : memref<128xi32, #tpu.memory_space<vmem>> -> memref<64xi32, #tpu.memory_space<vmem>>
      %dma_wait3A_65 = tpu.memref_slice %arg3[%add3A_33] : memref<331776xi32, #tpu.memory_space<hbm>> -> memref<64xi32, #tpu.memory_space<hbm>>
      tpu.wait_dma2 semaphore(%run_scoped3A_53 : memref<!tpu.dma_semaphore, #tpu.memory_space<semaphore_mem>>) src(%dma_wait3A_65 : memref<64xi32, #tpu.memory_space<hbm>>) dst(%dma_wait3A_64 : memref<64xi32, #tpu.memory_space<vmem>>)
      tpu.yield
    }) : () -> ()
    %dma_start3A_34 = arith.constant 0 : i32
    %dma_start3A_35 = arith.constant 0 : i32
    %dma_start3A_36 = tpu.memref_slice %arg4[%dma_start3A_34, %dma_start3A_35] : memref<10240x128xf32, #tpu.memory_space<hbm>> -> memref<10240x128xf32, #tpu.memory_space<hbm>>
    tpu.enqueue_indirect_dma source(%dma_start3A_36 : memref<10240x128xf32, #tpu.memory_space<hbm>>) target(%arg10 : memref<128x128xf32, #tpu.memory_space<vmem>>) offsets(%arg9 : memref<128xi32, #tpu.memory_space<vmem>>) semaphore(%arg20 : memref<!tpu.dma_semaphore, #tpu.memory_space<semaphore_mem>>)
    %scan3A_37 = arith.constant 0 : i32
    %scan3A_38 = arith.constant 0 : i32
    %scan3A_39 = arith.constant 81 : i32
    %scan3A_40 = arith.addi %scan3A_38, %scan3A_39 : i32
    %scan3A_41 = arith.constant 1 : i32
    scf.for %scan3A_53 = %scan3A_38 to %scan3A_40 step %scan3A_41  : i32 {
      %mul3A_54 = arith.constant 2 : i32
      %mul3A_55 = arith.muli %mul3A_54, %scan3A_53 : i32
      %add3A_56 = arith.constant 1 : i32
      %add3A_57 = arith.addi %mul3A_55, %add3A_56 : i32
      %mul3A_58 = arith.constant 64 : i32
      %mul3A_59 = arith.muli %add3A_57, %mul3A_58 : i32
      %add3A_60 = arith.addi %mul3A_21, %mul3A_59 : i32
      "tpu.region"() ({
        %run_scoped3A_133 = tpu.sem_alloc : memref<!tpu.dma_semaphore, #tpu.memory_space<semaphore_mem>>
        %dma_start3A_134 = arith.constant 0 : i32
        %dma_start3A_135 = tpu.memref_slice %arg11[%dma_start3A_134] : memref<128xi32, #tpu.memory_space<vmem>> -> memref<64xi32, #tpu.memory_space<vmem>>
        %dma_start3A_136 = tpu.memref_slice %arg2[%add3A_60] : memref<331776xi32, #tpu.memory_space<hbm>> -> memref<64xi32, #tpu.memory_space<hbm>>
        %dma_start3A_137 = arith.constant 0 : i32
        %dma_start3A_138 = tpu.memref_slice %arg11[%dma_start3A_137] : memref<128xi32, #tpu.memory_space<vmem>> -> memref<64xi32, #tpu.memory_space<vmem>>
        %dma_start3A_139 = tpu.memref_slice %arg2[%add3A_60] : memref<331776xi32, #tpu.memory_space<hbm>> -> memref<64xi32, #tpu.memory_space<hbm>>
        tpu.enqueue_dma source(%dma_start3A_139 : memref<64xi32, #tpu.memory_space<hbm>>) target(%dma_start3A_138 : memref<64xi32, #tpu.memory_space<vmem>>) target_semaphore(%run_scoped3A_133 : memref<!tpu.dma_semaphore, #tpu.memory_space<semaphore_mem>>)
        %dma_wait3A_140 = arith.constant 0 : i32
        %dma_wait3A_141 = tpu.memref_slice %arg11[%dma_wait3A_140] : memref<128xi32, #tpu.memory_space<vmem>> -> memref<64xi32, #tpu.memory_space<vmem>>
        %dma_wait3A_142 = tpu.memref_slice %arg2[%add3A_60] : memref<331776xi32, #tpu.memory_space<hbm>> -> memref<64xi32, #tpu.memory_space<hbm>>
        %dma_wait3A_143 = arith.constant 0 : i32
        %dma_wait3A_144 = tpu.memref_slice %arg11[%dma_wait3A_143] : memref<128xi32, #tpu.memory_space<vmem>> -> memref<64xi32, #tpu.memory_space<vmem>>
        %dma_wait3A_145 = tpu.memref_slice %arg2[%add3A_60] : memref<331776xi32, #tpu.memory_space<hbm>> -> memref<64xi32, #tpu.memory_space<hbm>>
        tpu.wait_dma2 semaphore(%run_scoped3A_133 : memref<!tpu.dma_semaphore, #tpu.memory_space<semaphore_mem>>) src(%dma_wait3A_145 : memref<64xi32, #tpu.memory_space<hbm>>) dst(%dma_wait3A_144 : memref<64xi32, #tpu.memory_space<vmem>>)
        tpu.yield
      }) : () -> ()
      "tpu.region"() ({
        %run_scoped3A_133 = tpu.sem_alloc : memref<!tpu.dma_semaphore, #tpu.memory_space<semaphore_mem>>
        %dma_start3A_134 = arith.constant 64 : i32
        %dma_start3A_135 = tpu.memref_slice %arg11[%dma_start3A_134] : memref<128xi32, #tpu.memory_space<vmem>> -> memref<64xi32, #tpu.memory_space<vmem>>
        %dma_start3A_136 = tpu.memref_slice %arg3[%add3A_60] : memref<331776xi32, #tpu.memory_space<hbm>> -> memref<64xi32, #tpu.memory_space<hbm>>
        %dma_start3A_137 = arith.constant 64 : i32
        %dma_start3A_138 = tpu.memref_slice %arg11[%dma_start3A_137] : memref<128xi32, #tpu.memory_space<vmem>> -> memref<64xi32, #tpu.memory_space<vmem>>
        %dma_start3A_139 = tpu.memref_slice %arg3[%add3A_60] : memref<331776xi32, #tpu.memory_space<hbm>> -> memref<64xi32, #tpu.memory_space<hbm>>
        tpu.enqueue_dma source(%dma_start3A_139 : memref<64xi32, #tpu.memory_space<hbm>>) target(%dma_start3A_138 : memref<64xi32, #tpu.memory_space<vmem>>) target_semaphore(%run_scoped3A_133 : memref<!tpu.dma_semaphore, #tpu.memory_space<semaphore_mem>>)
        %dma_wait3A_140 = arith.constant 64 : i32
        %dma_wait3A_141 = tpu.memref_slice %arg11[%dma_wait3A_140] : memref<128xi32, #tpu.memory_space<vmem>> -> memref<64xi32, #tpu.memory_space<vmem>>
        %dma_wait3A_142 = tpu.memref_slice %arg3[%add3A_60] : memref<331776xi32, #tpu.memory_space<hbm>> -> memref<64xi32, #tpu.memory_space<hbm>>
        %dma_wait3A_143 = arith.constant 64 : i32
        %dma_wait3A_144 = tpu.memref_slice %arg11[%dma_wait3A_143] : memref<128xi32, #tpu.memory_space<vmem>> -> memref<64xi32, #tpu.memory_space<vmem>>
        %dma_wait3A_145 = tpu.memref_slice %arg3[%add3A_60] : memref<331776xi32, #tpu.memory_space<hbm>> -> memref<64xi32, #tpu.memory_space<hbm>>
        tpu.wait_dma2 semaphore(%run_scoped3A_133 : memref<!tpu.dma_semaphore, #tpu.memory_space<semaphore_mem>>) src(%dma_wait3A_145 : memref<64xi32, #tpu.memory_space<hbm>>) dst(%dma_wait3A_144 : memref<64xi32, #tpu.memory_space<vmem>>)
        tpu.yield
      }) : () -> ()
      %dma_start3A_61 = arith.constant 0 : i32
      %dma_start3A_62 = arith.constant 0 : i32
      %dma_start3A_63 = tpu.memref_slice %arg4[%dma_start3A_61, %dma_start3A_62] : memref<10240x128xf32, #tpu.memory_space<hbm>> -> memref<10240x128xf32, #tpu.memory_space<hbm>>
      tpu.enqueue_indirect_dma source(%dma_start3A_63 : memref<10240x128xf32, #tpu.memory_space<hbm>>) target(%arg12 : memref<128x128xf32, #tpu.memory_space<vmem>>) offsets(%arg11 : memref<128xi32, #tpu.memory_space<vmem>>) semaphore(%arg21 : memref<!tpu.dma_semaphore, #tpu.memory_space<semaphore_mem>>)
      %mul3A_64 = arith.constant 2 : i32
      %mul3A_65 = arith.muli %mul3A_64, %scan3A_53 : i32
      %dma_wait3A_66 = arith.constant 0 : i32
      %dma_wait3A_67 = arith.constant 0 : i32
      %dma_wait3A_68 = tpu.memref_slice %arg8[%dma_wait3A_66, %dma_wait3A_67] : memref<10112x128xf32, #tpu.memory_space<vmem_shared>> -> memref<10112x128xf32, #tpu.memory_space<vmem_shared>>
      tpu.wait_indirect_dma semaphore(%arg22 : memref<!tpu.dma_semaphore, #tpu.memory_space<semaphore_mem>>) src(%arg15 : memref<64x128xf32, #tpu.memory_space<vmem>>) dst(%dma_wait3A_68 : memref<10112x128xf32, #tpu.memory_space<vmem_shared>>)
      %mul3A_69 = arith.constant 64 : i32
      %mul3A_70 = arith.muli %mul3A_65, %mul3A_69 : i32
      %add3A_71 = arith.addi %mul3A_21, %mul3A_70 : i32
      "tpu.region"() ({
        %run_scoped3A_133 = tpu.sem_alloc : memref<!tpu.dma_semaphore, #tpu.memory_space<semaphore_mem>>
        %dma_start3A_134 = tpu.memref_slice %arg3[%add3A_71] : memref<331776xi32, #tpu.memory_space<hbm>> -> memref<64xi32, #tpu.memory_space<hbm>>
        %dma_start3A_135 = tpu.memref_slice %arg3[%add3A_71] : memref<331776xi32, #tpu.memory_space<hbm>> -> memref<64xi32, #tpu.memory_space<hbm>>
        tpu.enqueue_dma source(%dma_start3A_135 : memref<64xi32, #tpu.memory_space<hbm>>) target(%arg13 : memref<64xi32, #tpu.memory_space<vmem>>) target_semaphore(%run_scoped3A_133 : memref<!tpu.dma_semaphore, #tpu.memory_space<semaphore_mem>>)
        %dma_wait3A_136 = tpu.memref_slice %arg3[%add3A_71] : memref<331776xi32, #tpu.memory_space<hbm>> -> memref<64xi32, #tpu.memory_space<hbm>>
        %dma_wait3A_137 = tpu.memref_slice %arg3[%add3A_71] : memref<331776xi32, #tpu.memory_space<hbm>> -> memref<64xi32, #tpu.memory_space<hbm>>
        tpu.wait_dma2 semaphore(%run_scoped3A_133 : memref<!tpu.dma_semaphore, #tpu.memory_space<semaphore_mem>>) src(%dma_wait3A_137 : memref<64xi32, #tpu.memory_space<hbm>>) dst(%arg13 : memref<64xi32, #tpu.memory_space<vmem>>)
        tpu.yield
      }) : () -> ()
      %dma_wait3A_72 = arith.constant 0 : i32
      %dma_wait3A_73 = arith.constant 0 : i32
      %dma_wait3A_74 = tpu.memref_slice %arg4[%dma_wait3A_72, %dma_wait3A_73] : memref<10240x128xf32, #tpu.memory_space<hbm>> -> memref<10240x128xf32, #tpu.memory_space<hbm>>
      tpu.wait_indirect_dma semaphore(%arg20 : memref<!tpu.dma_semaphore, #tpu.memory_space<semaphore_mem>>) src(%dma_wait3A_74 : memref<10240x128xf32, #tpu.memory_space<hbm>>) dst(%arg10 : memref<128x128xf32, #tpu.memory_space<vmem>>)
      %iota3A = tpu.iota {dimensions = array<i32: 0>} : vector<16xi32>
      %get3A_75 = arith.constant 0 : index
      %get3A_76 = tpu.vector_load %arg19[%get3A_75] {strides = array<i32>} : memref<16xf32, #tpu.memory_space<vmem>>, vector<16xf32>,
      %get3A_77 = vector.shape_cast %get3A_76 : vector<16xf32> to vector<16xf32>
      %lt3A = arith.constant 8 : i32
      %lt3A_78 = vector.broadcast %lt3A : i32 to vector<16xi32>
      %lt3A_79 = arith.cmpi slt, %iota3A, %lt3A_78 : vector<16xi32>
      %eq3A = arith.constant 8 : i32
      %eq3A_80 = vector.broadcast %eq3A : i32 to vector<16xi32>
      %eq3A_81 = arith.cmpi eq, %iota3A, %eq3A_80 : vector<16xi32>
      %broadcast_in_dim3A = arith.constant 8 : i32
      %broadcast_in_dim3A_82 = vector.broadcast %broadcast_in_dim3A : i32 to vector<16xi32>
      %broadcast_in_dim3A_83 = arith.constant 0 : i32
      %broadcast_in_dim3A_84 = vector.broadcast %broadcast_in_dim3A_83 : i32 to vector<16xi32>
      %scan3A_85 = arith.constant 0 : i32
      %scan3A_86 = arith.constant 0 : i32
      %scan3A_87 = arith.constant 16 : i32
      %scan3A_88 = arith.addi %scan3A_86, %scan3A_87 : i32
      %scan3A_89 = arith.constant 1 : i32
      scf.for %scan3A_133 = %scan3A_86 to %scan3A_88 step %scan3A_89  : i32 {
        %mul3A_134 = arith.constant 4 : i32
        %mul3A_135 = arith.muli %scan3A_133, %mul3A_134 : i32
        %add3A_136 = arith.constant 0 : i32
        %add3A_137 = arith.addi %mul3A_135, %add3A_136 : i32
        %get3A_138 = arith.index_cast %add3A_137 : i32 to index
        %get3A_139 = arith.constant 32 : index
        %get3A_140 = tpu.vector_load %arg10[%get3A_138, %get3A_139] {strides = array<i32>} : memref<128x128xf32, #tpu.memory_space<vmem>>, vector<1x16xf32>,
        %get3A_141 = vector.shape_cast %get3A_140 : vector<1x16xf32> to vector<16xf32>
        %add3A_142 = arith.constant 64 : i32
        %add3A_143 = arith.addi %add3A_142, %add3A_137 : i32
        %get3A_144 = arith.index_cast %add3A_143 : i32 to index
        %get3A_145 = arith.constant 48 : index
        %get3A_146 = tpu.vector_load %arg10[%get3A_144, %get3A_145] {strides = array<i32>} : memref<128x128xf32, #tpu.memory_space<vmem>>, vector<1x16xf32>,
        %get3A_147 = vector.shape_cast %get3A_146 : vector<1x16xf32> to vector<16xf32>
        %broadcast_in_dim3A_148 = vector.shape_cast %broadcast_in_dim3A_82 : vector<16xi32> to vector<16x1xi32>
        %gather3A = vector.shape_cast %broadcast_in_dim3A_148 : vector<16x1xi32> to vector<16xi32>
        %gather3A_149 = tpu.dynamic_gather %get3A_141[%gather3A] in [0] : vector<16xf32>, vector<16xi32> -> vector<16xf32>
        %broadcast_in_dim3A_150 = vector.shape_cast %broadcast_in_dim3A_84 : vector<16xi32> to vector<16x1xi32>
        %gather3A_151 = vector.shape_cast %broadcast_in_dim3A_150 : vector<16x1xi32> to vector<16xi32>
        %gather3A_152 = tpu.dynamic_gather %get3A_147[%gather3A_151] in [0] : vector<16xf32>, vector<16xi32> -> vector<16xf32>
        %add3A_153 = arith.addf %gather3A_149, %gather3A_152 : vector<16xf32>
        %ge3A_154 = arith.constant 0.000000e+00 : f32
        %ge3A_155 = vector.broadcast %ge3A_154 : f32 to vector<16xf32>
        %ge3A_156 = arith.cmpf oge, %add3A_153, %ge3A_155 : vector<16xf32>
        %mul3A_157 = arith.constant 2.000000e-01 : f32
        %mul3A_158 = vector.broadcast %mul3A_157 : f32 to vector<16xf32>
        %mul3A_159 = arith.mulf %mul3A_158, %add3A_153 : vector<16xf32>
        %select_n3A_160 = arith.select %ge3A_156, %add3A_153, %mul3A_159 : vector<16xi1>, vector<16xf32>
        %sub3A = arith.subf %select_n3A_160, %get3A_77 : vector<16xf32>
        %exp3A = math.exp %sub3A : vector<16xf32>
        %get3A_161 = arith.index_cast %add3A_137 : i32 to index
        %get3A_162 = arith.constant 0 : index
        %get3A_163 = tpu.vector_load %arg10[%get3A_161, %get3A_162] {strides = array<i32>} : memref<128x128xf32, #tpu.memory_space<vmem>>, vector<1x16xf32>,
        %get3A_164 = vector.shape_cast %get3A_163 : vector<1x16xf32> to vector<16xf32>
        %mul3A_165 = arith.mulf %get3A_164, %exp3A : vector<16xf32>
        %swap3A_166 = arith.index_cast %add3A_137 : i32 to index
        %swap3A_167 = arith.constant 0 : index
        %swap3A_168 = tpu.vector_load %arg15[%swap3A_166, %swap3A_167] {strides = array<i32>} : memref<64x128xf32, #tpu.memory_space<vmem>>, vector<1x16xf32>,
        %swap3A_169 = vector.shape_cast %swap3A_168 : vector<1x16xf32> to vector<16xf32>
        %swap3A_170 = vector.shape_cast %mul3A_165 : vector<16xf32> to vector<1x16xf32>
        tpu.vector_store %arg15[%swap3A_166, %swap3A_167], %swap3A_170 {strides = array<i32>} : memref<64x128xf32, #tpu.memory_space<vmem>>, vector<1x16xf32>,
        %get3A_171 = arith.index_cast %add3A_137 : i32 to index
        %get3A_172 = arith.constant 16 : index
        %get3A_173 = tpu.vector_load %arg10[%get3A_171, %get3A_172] {strides = array<i32>} : memref<128x128xf32, #tpu.memory_space<vmem>>, vector<1x16xf32>,
        %get3A_174 = vector.shape_cast %get3A_173 : vector<1x16xf32> to vector<16xf32>
        %mul3A_175 = arith.mulf %get3A_174, %exp3A : vector<16xf32>
        %swap3A_176 = arith.index_cast %add3A_137 : i32 to index
        %swap3A_177 = arith.constant 16 : index
        %swap3A_178 = tpu.vector_load %arg15[%swap3A_176, %swap3A_177] {strides = array<i32>} : memref<64x128xf32, #tpu.memory_space<vmem>>, vector<1x16xf32>,
        %swap3A_179 = vector.shape_cast %swap3A_178 : vector<1x16xf32> to vector<16xf32>
        %swap3A_180 = vector.shape_cast %mul3A_175 : vector<16xf32> to vector<1x16xf32>
        tpu.vector_store %arg15[%swap3A_176, %swap3A_177], %swap3A_180 {strides = array<i32>} : memref<64x128xf32, #tpu.memory_space<vmem>>, vector<1x16xf32>,
        %mul3A_181 = arith.mulf %get3A_141, %exp3A : vector<16xf32>
        %jit3A = arith.constant 0.000000e+00 : f32
        %broadcast_in_dim3A_182 = vector.broadcast %jit3A : f32 to vector<16xf32>
        %select_n3A_183 = arith.select %eq3A_81, %exp3A, %broadcast_in_dim3A_182 : vector<16xi1>, vector<16xf32>
        %select_n3A_184 = arith.select %lt3A_79, %mul3A_181, %select_n3A_183 : vector<16xi1>, vector<16xf32>
        %swap3A_185 = arith.index_cast %add3A_137 : i32 to index
        %swap3A_186 = arith.constant 32 : index
        %swap3A_187 = tpu.vector_load %arg15[%swap3A_185, %swap3A_186] {strides = array<i32>} : memref<64x128xf32, #tpu.memory_space<vmem>>, vector<1x16xf32>,
        %swap3A_188 = vector.shape_cast %swap3A_187 : vector<1x16xf32> to vector<16xf32>
        %swap3A_189 = vector.shape_cast %select_n3A_184 : vector<16xf32> to vector<1x16xf32>
        tpu.vector_store %arg15[%swap3A_185, %swap3A_186], %swap3A_189 {strides = array<i32>} : memref<64x128xf32, #tpu.memory_space<vmem>>, vector<1x16xf32>,
        %mul3A_190 = arith.constant 4 : i32
        %mul3A_191 = arith.muli %scan3A_133, %mul3A_190 : i32
        %add3A_192 = arith.constant 1 : i32
        %add3A_193 = arith.addi %mul3A_191, %add3A_192 : i32
        %get3A_194 = arith.index_cast %add3A_193 : i32 to index
        %get3A_195 = arith.constant 32 : index
        %get3A_196 = tpu.vector_load %arg10[%get3A_194, %get3A_195] {strides = array<i32>} : memref<128x128xf32, #tpu.memory_space<vmem>>, vector<1x16xf32>,
        %get3A_197 = vector.shape_cast %get3A_196 : vector<1x16xf32> to vector<16xf32>
        %add3A_198 = arith.constant 64 : i32
        %add3A_199 = arith.addi %add3A_198, %add3A_193 : i32
        %get3A_200 = arith.index_cast %add3A_199 : i32 to index
        %get3A_201 = arith.constant 48 : index
        %get3A_202 = tpu.vector_load %arg10[%get3A_200, %get3A_201] {strides = array<i32>} : memref<128x128xf32, #tpu.memory_space<vmem>>, vector<1x16xf32>,
        %get3A_203 = vector.shape_cast %get3A_202 : vector<1x16xf32> to vector<16xf32>
        %broadcast_in_dim3A_204 = vector.shape_cast %broadcast_in_dim3A_82 : vector<16xi32> to vector<16x1xi32>
        %gather3A_205 = vector.shape_cast %broadcast_in_dim3A_204 : vector<16x1xi32> to vector<16xi32>
        %gather3A_206 = tpu.dynamic_gather %get3A_197[%gather3A_205] in [0] : vector<16xf32>, vector<16xi32> -> vector<16xf32>
        %broadcast_in_dim3A_207 = vector.shape_cast %broadcast_in_dim3A_84 : vector<16xi32> to vector<16x1xi32>
        %gather3A_208 = vector.shape_cast %broadcast_in_dim3A_207 : vector<16x1xi32> to vector<16xi32>
        %gather3A_209 = tpu.dynamic_gather %get3A_203[%gather3A_208] in [0] : vector<16xf32>, vector<16xi32> -> vector<16xf32>
        %add3A_210 = arith.addf %gather3A_206, %gather3A_209 : vector<16xf32>
        %ge3A_211 = arith.constant 0.000000e+00 : f32
        %ge3A_212 = vector.broadcast %ge3A_211 : f32 to vector<16xf32>
        %ge3A_213 = arith.cmpf oge, %add3A_210, %ge3A_212 : vector<16xf32>
        %mul3A_214 = arith.constant 2.000000e-01 : f32
        %mul3A_215 = vector.broadcast %mul3A_214 : f32 to vector<16xf32>
        %mul3A_216 = arith.mulf %mul3A_215, %add3A_210 : vector<16xf32>
        %select_n3A_217 = arith.select %ge3A_213, %add3A_210, %mul3A_216 : vector<16xi1>, vector<16xf32>
        %sub3A_218 = arith.subf %select_n3A_217, %get3A_77 : vector<16xf32>
        %exp3A_219 = math.exp %sub3A_218 : vector<16xf32>
        %get3A_220 = arith.index_cast %add3A_193 : i32 to index
        %get3A_221 = arith.constant 0 : index
        %get3A_222 = tpu.vector_load %arg10[%get3A_220, %get3A_221] {strides = array<i32>} : memref<128x128xf32, #tpu.memory_space<vmem>>, vector<1x16xf32>,
        %get3A_223 = vector.shape_cast %get3A_222 : vector<1x16xf32> to vector<16xf32>
        %mul3A_224 = arith.mulf %get3A_223, %exp3A_219 : vector<16xf32>
        %swap3A_225 = arith.index_cast %add3A_193 : i32 to index
        %swap3A_226 = arith.constant 0 : index
        %swap3A_227 = tpu.vector_load %arg15[%swap3A_225, %swap3A_226] {strides = array<i32>} : memref<64x128xf32, #tpu.memory_space<vmem>>, vector<1x16xf32>,
        %swap3A_228 = vector.shape_cast %swap3A_227 : vector<1x16xf32> to vector<16xf32>
        %swap3A_229 = vector.shape_cast %mul3A_224 : vector<16xf32> to vector<1x16xf32>
        tpu.vector_store %arg15[%swap3A_225, %swap3A_226], %swap3A_229 {strides = array<i32>} : memref<64x128xf32, #tpu.memory_space<vmem>>, vector<1x16xf32>,
        %get3A_230 = arith.index_cast %add3A_193 : i32 to index
        %get3A_231 = arith.constant 16 : index
        %get3A_232 = tpu.vector_load %arg10[%get3A_230, %get3A_231] {strides = array<i32>} : memref<128x128xf32, #tpu.memory_space<vmem>>, vector<1x16xf32>,
        %get3A_233 = vector.shape_cast %get3A_232 : vector<1x16xf32> to vector<16xf32>
        %mul3A_234 = arith.mulf %get3A_233, %exp3A_219 : vector<16xf32>
        %swap3A_235 = arith.index_cast %add3A_193 : i32 to index
        %swap3A_236 = arith.constant 16 : index
        %swap3A_237 = tpu.vector_load %arg15[%swap3A_235, %swap3A_236] {strides = array<i32>} : memref<64x128xf32, #tpu.memory_space<vmem>>, vector<1x16xf32>,
        %swap3A_238 = vector.shape_cast %swap3A_237 : vector<1x16xf32> to vector<16xf32>
        %swap3A_239 = vector.shape_cast %mul3A_234 : vector<16xf32> to vector<1x16xf32>
        tpu.vector_store %arg15[%swap3A_235, %swap3A_236], %swap3A_239 {strides = array<i32>} : memref<64x128xf32, #tpu.memory_space<vmem>>, vector<1x16xf32>,
        %mul3A_240 = arith.mulf %get3A_197, %exp3A_219 : vector<16xf32>
        %jit3A_241 = arith.constant 0.000000e+00 : f32
        %broadcast_in_dim3A_242 = vector.broadcast %jit3A_241 : f32 to vector<16xf32>
        %select_n3A_243 = arith.select %eq3A_81, %exp3A_219, %broadcast_in_dim3A_242 : vector<16xi1>, vector<16xf32>
        %select_n3A_244 = arith.select %lt3A_79, %mul3A_240, %select_n3A_243 : vector<16xi1>, vector<16xf32>
        %swap3A_245 = arith.index_cast %add3A_193 : i32 to index
        %swap3A_246 = arith.constant 32 : index
        %swap3A_247 = tpu.vector_load %arg15[%swap3A_245, %swap3A_246] {strides = array<i32>} : memref<64x128xf32, #tpu.memory_space<vmem>>, vector<1x16xf32>,
        %swap3A_248 = vector.shape_cast %swap3A_247 : vector<1x16xf32> to vector<16xf32>
        %swap3A_249 = vector.shape_cast %select_n3A_244 : vector<16xf32> to vector<1x16xf32>
        tpu.vector_store %arg15[%swap3A_245, %swap3A_246], %swap3A_249 {strides = array<i32>} : memref<64x128xf32, #tpu.memory_space<vmem>>, vector<1x16xf32>,
        %mul3A_250 = arith.constant 4 : i32
        %mul3A_251 = arith.muli %scan3A_133, %mul3A_250 : i32
        %add3A_252 = arith.constant 2 : i32
        %add3A_253 = arith.addi %mul3A_251, %add3A_252 : i32
        %get3A_254 = arith.index_cast %add3A_253 : i32 to index
        %get3A_255 = arith.constant 32 : index
        %get3A_256 = tpu.vector_load %arg10[%get3A_254, %get3A_255] {strides = array<i32>} : memref<128x128xf32, #tpu.memory_space<vmem>>, vector<1x16xf32>,
        %get3A_257 = vector.shape_cast %get3A_256 : vector<1x16xf32> to vector<16xf32>
        %add3A_258 = arith.constant 64 : i32
        %add3A_259 = arith.addi %add3A_258, %add3A_253 : i32
        %get3A_260 = arith.index_cast %add3A_259 : i32 to index
        %get3A_261 = arith.constant 48 : index
        %get3A_262 = tpu.vector_load %arg10[%get3A_260, %get3A_261] {strides = array<i32>} : memref<128x128xf32, #tpu.memory_space<vmem>>, vector<1x16xf32>,
        %get3A_263 = vector.shape_cast %get3A_262 : vector<1x16xf32> to vector<16xf32>
        %broadcast_in_dim3A_264 = vector.shape_cast %broadcast_in_dim3A_82 : vector<16xi32> to vector<16x1xi32>
        %gather3A_265 = vector.shape_cast %broadcast_in_dim3A_264 : vector<16x1xi32> to vector<16xi32>
        %gather3A_266 = tpu.dynamic_gather %get3A_257[%gather3A_265] in [0] : vector<16xf32>, vector<16xi32> -> vector<16xf32>
        %broadcast_in_dim3A_267 = vector.shape_cast %broadcast_in_dim3A_84 : vector<16xi32> to vector<16x1xi32>
        %gather3A_268 = vector.shape_cast %broadcast_in_dim3A_267 : vector<16x1xi32> to vector<16xi32>
        %gather3A_269 = tpu.dynamic_gather %get3A_263[%gather3A_268] in [0] : vector<16xf32>, vector<16xi32> -> vector<16xf32>
        %add3A_270 = arith.addf %gather3A_266, %gather3A_269 : vector<16xf32>
        %ge3A_271 = arith.constant 0.000000e+00 : f32
        %ge3A_272 = vector.broadcast %ge3A_271 : f32 to vector<16xf32>
        %ge3A_273 = arith.cmpf oge, %add3A_270, %ge3A_272 : vector<16xf32>
        %mul3A_274 = arith.constant 2.000000e-01 : f32
        %mul3A_275 = vector.broadcast %mul3A_274 : f32 to vector<16xf32>
        %mul3A_276 = arith.mulf %mul3A_275, %add3A_270 : vector<16xf32>
        %select_n3A_277 = arith.select %ge3A_273, %add3A_270, %mul3A_276 : vector<16xi1>, vector<16xf32>
        %sub3A_278 = arith.subf %select_n3A_277, %get3A_77 : vector<16xf32>
        %exp3A_279 = math.exp %sub3A_278 : vector<16xf32>
        %get3A_280 = arith.index_cast %add3A_253 : i32 to index
        %get3A_281 = arith.constant 0 : index
        %get3A_282 = tpu.vector_load %arg10[%get3A_280, %get3A_281] {strides = array<i32>} : memref<128x128xf32, #tpu.memory_space<vmem>>, vector<1x16xf32>,
        %get3A_283 = vector.shape_cast %get3A_282 : vector<1x16xf32> to vector<16xf32>
        %mul3A_284 = arith.mulf %get3A_283, %exp3A_279 : vector<16xf32>
        %swap3A_285 = arith.index_cast %add3A_253 : i32 to index
        %swap3A_286 = arith.constant 0 : index
        %swap3A_287 = tpu.vector_load %arg15[%swap3A_285, %swap3A_286] {strides = array<i32>} : memref<64x128xf32, #tpu.memory_space<vmem>>, vector<1x16xf32>,
        %swap3A_288 = vector.shape_cast %swap3A_287 : vector<1x16xf32> to vector<16xf32>
        %swap3A_289 = vector.shape_cast %mul3A_284 : vector<16xf32> to vector<1x16xf32>
        tpu.vector_store %arg15[%swap3A_285, %swap3A_286], %swap3A_289 {strides = array<i32>} : memref<64x128xf32, #tpu.memory_space<vmem>>, vector<1x16xf32>,
        %get3A_290 = arith.index_cast %add3A_253 : i32 to index
        %get3A_291 = arith.constant 16 : index
        %get3A_292 = tpu.vector_load %arg10[%get3A_290, %get3A_291] {strides = array<i32>} : memref<128x128xf32, #tpu.memory_space<vmem>>, vector<1x16xf32>,
        %get3A_293 = vector.shape_cast %get3A_292 : vector<1x16xf32> to vector<16xf32>
        %mul3A_294 = arith.mulf %get3A_293, %exp3A_279 : vector<16xf32>
        %swap3A_295 = arith.index_cast %add3A_253 : i32 to index
        %swap3A_296 = arith.constant 16 : index
        %swap3A_297 = tpu.vector_load %arg15[%swap3A_295, %swap3A_296] {strides = array<i32>} : memref<64x128xf32, #tpu.memory_space<vmem>>, vector<1x16xf32>,
        %swap3A_298 = vector.shape_cast %swap3A_297 : vector<1x16xf32> to vector<16xf32>
        %swap3A_299 = vector.shape_cast %mul3A_294 : vector<16xf32> to vector<1x16xf32>
        tpu.vector_store %arg15[%swap3A_295, %swap3A_296], %swap3A_299 {strides = array<i32>} : memref<64x128xf32, #tpu.memory_space<vmem>>, vector<1x16xf32>,
        %mul3A_300 = arith.mulf %get3A_257, %exp3A_279 : vector<16xf32>
        %jit3A_301 = arith.constant 0.000000e+00 : f32
        %broadcast_in_dim3A_302 = vector.broadcast %jit3A_301 : f32 to vector<16xf32>
        %select_n3A_303 = arith.select %eq3A_81, %exp3A_279, %broadcast_in_dim3A_302 : vector<16xi1>, vector<16xf32>
        %select_n3A_304 = arith.select %lt3A_79, %mul3A_300, %select_n3A_303 : vector<16xi1>, vector<16xf32>
        %swap3A_305 = arith.index_cast %add3A_253 : i32 to index
        %swap3A_306 = arith.constant 32 : index
        %swap3A_307 = tpu.vector_load %arg15[%swap3A_305, %swap3A_306] {strides = array<i32>} : memref<64x128xf32, #tpu.memory_space<vmem>>, vector<1x16xf32>,
        %swap3A_308 = vector.shape_cast %swap3A_307 : vector<1x16xf32> to vector<16xf32>
        %swap3A_309 = vector.shape_cast %select_n3A_304 : vector<16xf32> to vector<1x16xf32>
        tpu.vector_store %arg15[%swap3A_305, %swap3A_306], %swap3A_309 {strides = array<i32>} : memref<64x128xf32, #tpu.memory_space<vmem>>, vector<1x16xf32>,
        %mul3A_310 = arith.constant 4 : i32
        %mul3A_311 = arith.muli %scan3A_133, %mul3A_310 : i32
        %add3A_312 = arith.constant 3 : i32
        %add3A_313 = arith.addi %mul3A_311, %add3A_312 : i32
        %get3A_314 = arith.index_cast %add3A_313 : i32 to index
        %get3A_315 = arith.constant 32 : index
        %get3A_316 = tpu.vector_load %arg10[%get3A_314, %get3A_315] {strides = array<i32>} : memref<128x128xf32, #tpu.memory_space<vmem>>, vector<1x16xf32>,
        %get3A_317 = vector.shape_cast %get3A_316 : vector<1x16xf32> to vector<16xf32>
        %add3A_318 = arith.constant 64 : i32
        %add3A_319 = arith.addi %add3A_318, %add3A_313 : i32
        %get3A_320 = arith.index_cast %add3A_319 : i32 to index
        %get3A_321 = arith.constant 48 : index
        %get3A_322 = tpu.vector_load %arg10[%get3A_320, %get3A_321] {strides = array<i32>} : memref<128x128xf32, #tpu.memory_space<vmem>>, vector<1x16xf32>,
        %get3A_323 = vector.shape_cast %get3A_322 : vector<1x16xf32> to vector<16xf32>
        %broadcast_in_dim3A_324 = vector.shape_cast %broadcast_in_dim3A_82 : vector<16xi32> to vector<16x1xi32>
        %gather3A_325 = vector.shape_cast %broadcast_in_dim3A_324 : vector<16x1xi32> to vector<16xi32>
        %gather3A_326 = tpu.dynamic_gather %get3A_317[%gather3A_325] in [0] : vector<16xf32>, vector<16xi32> -> vector<16xf32>
        %broadcast_in_dim3A_327 = vector.shape_cast %broadcast_in_dim3A_84 : vector<16xi32> to vector<16x1xi32>
        %gather3A_328 = vector.shape_cast %broadcast_in_dim3A_327 : vector<16x1xi32> to vector<16xi32>
        %gather3A_329 = tpu.dynamic_gather %get3A_323[%gather3A_328] in [0] : vector<16xf32>, vector<16xi32> -> vector<16xf32>
        %add3A_330 = arith.addf %gather3A_326, %gather3A_329 : vector<16xf32>
        %ge3A_331 = arith.constant 0.000000e+00 : f32
        %ge3A_332 = vector.broadcast %ge3A_331 : f32 to vector<16xf32>
        %ge3A_333 = arith.cmpf oge, %add3A_330, %ge3A_332 : vector<16xf32>
        %mul3A_334 = arith.constant 2.000000e-01 : f32
        %mul3A_335 = vector.broadcast %mul3A_334 : f32 to vector<16xf32>
        %mul3A_336 = arith.mulf %mul3A_335, %add3A_330 : vector<16xf32>
        %select_n3A_337 = arith.select %ge3A_333, %add3A_330, %mul3A_336 : vector<16xi1>, vector<16xf32>
        %sub3A_338 = arith.subf %select_n3A_337, %get3A_77 : vector<16xf32>
        %exp3A_339 = math.exp %sub3A_338 : vector<16xf32>
        %get3A_340 = arith.index_cast %add3A_313 : i32 to index
        %get3A_341 = arith.constant 0 : index
        %get3A_342 = tpu.vector_load %arg10[%get3A_340, %get3A_341] {strides = array<i32>} : memref<128x128xf32, #tpu.memory_space<vmem>>, vector<1x16xf32>,
        %get3A_343 = vector.shape_cast %get3A_342 : vector<1x16xf32> to vector<16xf32>
        %mul3A_344 = arith.mulf %get3A_343, %exp3A_339 : vector<16xf32>
        %swap3A_345 = arith.index_cast %add3A_313 : i32 to index
        %swap3A_346 = arith.constant 0 : index
        %swap3A_347 = tpu.vector_load %arg15[%swap3A_345, %swap3A_346] {strides = array<i32>} : memref<64x128xf32, #tpu.memory_space<vmem>>, vector<1x16xf32>,
        %swap3A_348 = vector.shape_cast %swap3A_347 : vector<1x16xf32> to vector<16xf32>
        %swap3A_349 = vector.shape_cast %mul3A_344 : vector<16xf32> to vector<1x16xf32>
        tpu.vector_store %arg15[%swap3A_345, %swap3A_346], %swap3A_349 {strides = array<i32>} : memref<64x128xf32, #tpu.memory_space<vmem>>, vector<1x16xf32>,
        %get3A_350 = arith.index_cast %add3A_313 : i32 to index
        %get3A_351 = arith.constant 16 : index
        %get3A_352 = tpu.vector_load %arg10[%get3A_350, %get3A_351] {strides = array<i32>} : memref<128x128xf32, #tpu.memory_space<vmem>>, vector<1x16xf32>,
        %get3A_353 = vector.shape_cast %get3A_352 : vector<1x16xf32> to vector<16xf32>
        %mul3A_354 = arith.mulf %get3A_353, %exp3A_339 : vector<16xf32>
        %swap3A_355 = arith.index_cast %add3A_313 : i32 to index
        %swap3A_356 = arith.constant 16 : index
        %swap3A_357 = tpu.vector_load %arg15[%swap3A_355, %swap3A_356] {strides = array<i32>} : memref<64x128xf32, #tpu.memory_space<vmem>>, vector<1x16xf32>,
        %swap3A_358 = vector.shape_cast %swap3A_357 : vector<1x16xf32> to vector<16xf32>
        %swap3A_359 = vector.shape_cast %mul3A_354 : vector<16xf32> to vector<1x16xf32>
        tpu.vector_store %arg15[%swap3A_355, %swap3A_356], %swap3A_359 {strides = array<i32>} : memref<64x128xf32, #tpu.memory_space<vmem>>, vector<1x16xf32>,
        %mul3A_360 = arith.mulf %get3A_317, %exp3A_339 : vector<16xf32>
        %jit3A_361 = arith.constant 0.000000e+00 : f32
        %broadcast_in_dim3A_362 = vector.broadcast %jit3A_361 : f32 to vector<16xf32>
        %select_n3A_363 = arith.select %eq3A_81, %exp3A_339, %broadcast_in_dim3A_362 : vector<16xi1>, vector<16xf32>
        %select_n3A_364 = arith.select %lt3A_79, %mul3A_360, %select_n3A_363 : vector<16xi1>, vector<16xf32>
        %swap3A_365 = arith.index_cast %add3A_313 : i32 to index
        %swap3A_366 = arith.constant 32 : index
        %swap3A_367 = tpu.vector_load %arg15[%swap3A_365, %swap3A_366] {strides = array<i32>} : memref<64x128xf32, #tpu.memory_space<vmem>>, vector<1x16xf32>,
        %swap3A_368 = vector.shape_cast %swap3A_367 : vector<1x16xf32> to vector<16xf32>
        %swap3A_369 = vector.shape_cast %select_n3A_364 : vector<16xf32> to vector<1x16xf32>
        tpu.vector_store %arg15[%swap3A_365, %swap3A_366], %swap3A_369 {strides = array<i32>} : memref<64x128xf32, #tpu.memory_space<vmem>>, vector<1x16xf32>,
      }
      %scan3A_90 = arith.constant 16 : i32
      %dma_start3A_91 = arith.constant 0 : i32
      %dma_start3A_92 = arith.constant 0 : i32
      %dma_start3A_93 = tpu.memref_slice %arg8[%dma_start3A_91, %dma_start3A_92] : memref<10112x128xf32, #tpu.memory_space<vmem_shared>> -> memref<10112x128xf32, #tpu.memory_space<vmem_shared>>
      tpu.enqueue_indirect_dma source(%arg15 : memref<64x128xf32, #tpu.memory_space<vmem>>) target(%dma_start3A_93 : memref<10112x128xf32, #tpu.memory_space<vmem_shared>>) offsets(%arg13 : memref<64xi32, #tpu.memory_space<vmem>>) semaphore(%arg22 : memref<!tpu.dma_semaphore, #tpu.memory_space<semaphore_mem>>) {add = true}
      %lt3A_94 = arith.constant 80 : i32
      %lt3A_95 = arith.cmpi slt, %scan3A_53, %lt3A_94 : i32
      %convert_element_type3A = arith.extui %lt3A_95 : i1 to i32
      %cond3A = arith.constant 0 : i32
      %cond3A_96 = arith.cmpi ne, %convert_element_type3A, %cond3A : i32
      scf.if %cond3A_96 {
        %mul3A_133 = arith.constant 2 : i32
        %mul3A_134 = arith.muli %mul3A_133, %scan3A_53 : i32
        %add3A_135 = arith.constant 2 : i32
        %add3A_136 = arith.addi %mul3A_134, %add3A_135 : i32
        %mul3A_137 = arith.constant 64 : i32
        %mul3A_138 = arith.muli %add3A_136, %mul3A_137 : i32
        %add3A_139 = arith.addi %mul3A_21, %mul3A_138 : i32
        "tpu.region"() ({
          %run_scoped3A_143 = tpu.sem_alloc : memref<!tpu.dma_semaphore, #tpu.memory_space<semaphore_mem>>
          %dma_start3A_144 = arith.constant 0 : i32
          %dma_start3A_145 = tpu.memref_slice %arg9[%dma_start3A_144] : memref<128xi32, #tpu.memory_space<vmem>> -> memref<64xi32, #tpu.memory_space<vmem>>
          %dma_start3A_146 = tpu.memref_slice %arg2[%add3A_139] : memref<331776xi32, #tpu.memory_space<hbm>> -> memref<64xi32, #tpu.memory_space<hbm>>
          %dma_start3A_147 = arith.constant 0 : i32
          %dma_start3A_148 = tpu.memref_slice %arg9[%dma_start3A_147] : memref<128xi32, #tpu.memory_space<vmem>> -> memref<64xi32, #tpu.memory_space<vmem>>
          %dma_start3A_149 = tpu.memref_slice %arg2[%add3A_139] : memref<331776xi32, #tpu.memory_space<hbm>> -> memref<64xi32, #tpu.memory_space<hbm>>
          tpu.enqueue_dma source(%dma_start3A_149 : memref<64xi32, #tpu.memory_space<hbm>>) target(%dma_start3A_148 : memref<64xi32, #tpu.memory_space<vmem>>) target_semaphore(%run_scoped3A_143 : memref<!tpu.dma_semaphore, #tpu.memory_space<semaphore_mem>>)
          %dma_wait3A_150 = arith.constant 0 : i32
          %dma_wait3A_151 = tpu.memref_slice %arg9[%dma_wait3A_150] : memref<128xi32, #tpu.memory_space<vmem>> -> memref<64xi32, #tpu.memory_space<vmem>>
          %dma_wait3A_152 = tpu.memref_slice %arg2[%add3A_139] : memref<331776xi32, #tpu.memory_space<hbm>> -> memref<64xi32, #tpu.memory_space<hbm>>
          %dma_wait3A_153 = arith.constant 0 : i32
          %dma_wait3A_154 = tpu.memref_slice %arg9[%dma_wait3A_153] : memref<128xi32, #tpu.memory_space<vmem>> -> memref<64xi32, #tpu.memory_space<vmem>>
          %dma_wait3A_155 = tpu.memref_slice %arg2[%add3A_139] : memref<331776xi32, #tpu.memory_space<hbm>> -> memref<64xi32, #tpu.memory_space<hbm>>
          tpu.wait_dma2 semaphore(%run_scoped3A_143 : memref<!tpu.dma_semaphore, #tpu.memory_space<semaphore_mem>>) src(%dma_wait3A_155 : memref<64xi32, #tpu.memory_space<hbm>>) dst(%dma_wait3A_154 : memref<64xi32, #tpu.memory_space<vmem>>)
          tpu.yield
        }) : () -> ()
        "tpu.region"() ({
          %run_scoped3A_143 = tpu.sem_alloc : memref<!tpu.dma_semaphore, #tpu.memory_space<semaphore_mem>>
          %dma_start3A_144 = arith.constant 64 : i32
          %dma_start3A_145 = tpu.memref_slice %arg9[%dma_start3A_144] : memref<128xi32, #tpu.memory_space<vmem>> -> memref<64xi32, #tpu.memory_space<vmem>>
          %dma_start3A_146 = tpu.memref_slice %arg3[%add3A_139] : memref<331776xi32, #tpu.memory_space<hbm>> -> memref<64xi32, #tpu.memory_space<hbm>>
          %dma_start3A_147 = arith.constant 64 : i32
          %dma_start3A_148 = tpu.memref_slice %arg9[%dma_start3A_147] : memref<128xi32, #tpu.memory_space<vmem>> -> memref<64xi32, #tpu.memory_space<vmem>>
          %dma_start3A_149 = tpu.memref_slice %arg3[%add3A_139] : memref<331776xi32, #tpu.memory_space<hbm>> -> memref<64xi32, #tpu.memory_space<hbm>>
          tpu.enqueue_dma source(%dma_start3A_149 : memref<64xi32, #tpu.memory_space<hbm>>) target(%dma_start3A_148 : memref<64xi32, #tpu.memory_space<vmem>>) target_semaphore(%run_scoped3A_143 : memref<!tpu.dma_semaphore, #tpu.memory_space<semaphore_mem>>)
          %dma_wait3A_150 = arith.constant 64 : i32
          %dma_wait3A_151 = tpu.memref_slice %arg9[%dma_wait3A_150] : memref<128xi32, #tpu.memory_space<vmem>> -> memref<64xi32, #tpu.memory_space<vmem>>
          %dma_wait3A_152 = tpu.memref_slice %arg3[%add3A_139] : memref<331776xi32, #tpu.memory_space<hbm>> -> memref<64xi32, #tpu.memory_space<hbm>>
          %dma_wait3A_153 = arith.constant 64 : i32
          %dma_wait3A_154 = tpu.memref_slice %arg9[%dma_wait3A_153] : memref<128xi32, #tpu.memory_space<vmem>> -> memref<64xi32, #tpu.memory_space<vmem>>
          %dma_wait3A_155 = tpu.memref_slice %arg3[%add3A_139] : memref<331776xi32, #tpu.memory_space<hbm>> -> memref<64xi32, #tpu.memory_space<hbm>>
          tpu.wait_dma2 semaphore(%run_scoped3A_143 : memref<!tpu.dma_semaphore, #tpu.memory_space<semaphore_mem>>) src(%dma_wait3A_155 : memref<64xi32, #tpu.memory_space<hbm>>) dst(%dma_wait3A_154 : memref<64xi32, #tpu.memory_space<vmem>>)
          tpu.yield
        }) : () -> ()
        %dma_start3A_140 = arith.constant 0 : i32
        %dma_start3A_141 = arith.constant 0 : i32
        %dma_start3A_142 = tpu.memref_slice %arg4[%dma_start3A_140, %dma_start3A_141] : memref<10240x128xf32, #tpu.memory_space<hbm>> -> memref<10240x128xf32, #tpu.memory_space<hbm>>
        tpu.enqueue_indirect_dma source(%dma_start3A_142 : memref<10240x128xf32, #tpu.memory_space<hbm>>) target(%arg10 : memref<128x128xf32, #tpu.memory_space<vmem>>) offsets(%arg9 : memref<128xi32, #tpu.memory_space<vmem>>) semaphore(%arg20 : memref<!tpu.dma_semaphore, #tpu.memory_space<semaphore_mem>>)
      } else {
      }
      %mul3A_97 = arith.constant 2 : i32
      %mul3A_98 = arith.muli %mul3A_97, %scan3A_53 : i32
      %add3A_99 = arith.constant 1 : i32
      %add3A_100 = arith.addi %mul3A_98, %add3A_99 : i32
      %dma_wait3A_101 = arith.constant 0 : i32
      %dma_wait3A_102 = arith.constant 0 : i32
      %dma_wait3A_103 = tpu.memref_slice %arg8[%dma_wait3A_101, %dma_wait3A_102] : memref<10112x128xf32, #tpu.memory_space<vmem_shared>> -> memref<10112x128xf32, #tpu.memory_space<vmem_shared>>
      tpu.wait_indirect_dma semaphore(%arg23 : memref<!tpu.dma_semaphore, #tpu.memory_space<semaphore_mem>>) src(%arg16 : memref<64x128xf32, #tpu.memory_space<vmem>>) dst(%dma_wait3A_103 : memref<10112x128xf32, #tpu.memory_space<vmem_shared>>)
      %mul3A_104 = arith.constant 64 : i32
      %mul3A_105 = arith.muli %add3A_100, %mul3A_104 : i32
      %add3A_106 = arith.addi %mul3A_21, %mul3A_105 : i32
      "tpu.region"() ({
        %run_scoped3A_133 = tpu.sem_alloc : memref<!tpu.dma_semaphore, #tpu.memory_space<semaphore_mem>>
        %dma_start3A_134 = tpu.memref_slice %arg3[%add3A_106] : memref<331776xi32, #tpu.memory_space<hbm>> -> memref<64xi32, #tpu.memory_space<hbm>>
        %dma_start3A_135 = tpu.memref_slice %arg3[%add3A_106] : memref<331776xi32, #tpu.memory_space<hbm>> -> memref<64xi32, #tpu.memory_space<hbm>>
        tpu.enqueue_dma source(%dma_start3A_135 : memref<64xi32, #tpu.memory_space<hbm>>) target(%arg14 : memref<64xi32, #tpu.memory_space<vmem>>) target_semaphore(%run_scoped3A_133 : memref<!tpu.dma_semaphore, #tpu.memory_space<semaphore_mem>>)
        %dma_wait3A_136 = tpu.memref_slice %arg3[%add3A_106] : memref<331776xi32, #tpu.memory_space<hbm>> -> memref<64xi32, #tpu.memory_space<hbm>>
        %dma_wait3A_137 = tpu.memref_slice %arg3[%add3A_106] : memref<331776xi32, #tpu.memory_space<hbm>> -> memref<64xi32, #tpu.memory_space<hbm>>
        tpu.wait_dma2 semaphore(%run_scoped3A_133 : memref<!tpu.dma_semaphore, #tpu.memory_space<semaphore_mem>>) src(%dma_wait3A_137 : memref<64xi32, #tpu.memory_space<hbm>>) dst(%arg14 : memref<64xi32, #tpu.memory_space<vmem>>)
        tpu.yield
      }) : () -> ()
      %dma_wait3A_107 = arith.constant 0 : i32
      %dma_wait3A_108 = arith.constant 0 : i32
      %dma_wait3A_109 = tpu.memref_slice %arg4[%dma_wait3A_107, %dma_wait3A_108] : memref<10240x128xf32, #tpu.memory_space<hbm>> -> memref<10240x128xf32, #tpu.memory_space<hbm>>
      tpu.wait_indirect_dma semaphore(%arg21 : memref<!tpu.dma_semaphore, #tpu.memory_space<semaphore_mem>>) src(%dma_wait3A_109 : memref<10240x128xf32, #tpu.memory_space<hbm>>) dst(%arg12 : memref<128x128xf32, #tpu.memory_space<vmem>>)
      %iota3A_110 = tpu.iota {dimensions = array<i32: 0>} : vector<16xi32>
      %get3A_111 = arith.constant 0 : index
      %get3A_112 = tpu.vector_load %arg19[%get3A_111] {strides = array<i32>} : memref<16xf32, #tpu.memory_space<vmem>>, vector<16xf32>,
      %get3A_113 = vector.shape_cast %get3A_112 : vector<16xf32> to vector<16xf32>
      %lt3A_114 = arith.constant 8 : i32
      %lt3A_115 = vector.broadcast %lt3A_114 : i32 to vector<16xi32>
      %lt3A_116 = arith.cmpi slt, %iota3A_110, %lt3A_115 : vector<16xi32>
      %eq3A_117 = arith.constant 8 : i32
      %eq3A_118 = vector.broadcast %eq3A_117 : i32 to vector<16xi32>
      %eq3A_119 = arith.cmpi eq, %iota3A_110, %eq3A_118 : vector<16xi32>
      %broadcast_in_dim3A_120 = arith.constant 8 : i32
      %broadcast_in_dim3A_121 = vector.broadcast %broadcast_in_dim3A_120 : i32 to vector<16xi32>
      %broadcast_in_dim3A_122 = arith.constant 0 : i32
      %broadcast_in_dim3A_123 = vector.broadcast %broadcast_in_dim3A_122 : i32 to vector<16xi32>
      %scan3A_124 = arith.constant 0 : i32
      %scan3A_125 = arith.constant 0 : i32
      %scan3A_126 = arith.constant 16 : i32
      %scan3A_127 = arith.addi %scan3A_125, %scan3A_126 : i32
      %scan3A_128 = arith.constant 1 : i32
      scf.for %scan3A_133 = %scan3A_125 to %scan3A_127 step %scan3A_128  : i32 {
        %mul3A_134 = arith.constant 4 : i32
        %mul3A_135 = arith.muli %scan3A_133, %mul3A_134 : i32
        %add3A_136 = arith.constant 0 : i32
        %add3A_137 = arith.addi %mul3A_135, %add3A_136 : i32
        %get3A_138 = arith.index_cast %add3A_137 : i32 to index
        %get3A_139 = arith.constant 32 : index
        %get3A_140 = tpu.vector_load %arg12[%get3A_138, %get3A_139] {strides = array<i32>} : memref<128x128xf32, #tpu.memory_space<vmem>>, vector<1x16xf32>,
        %get3A_141 = vector.shape_cast %get3A_140 : vector<1x16xf32> to vector<16xf32>
        %add3A_142 = arith.constant 64 : i32
        %add3A_143 = arith.addi %add3A_142, %add3A_137 : i32
        %get3A_144 = arith.index_cast %add3A_143 : i32 to index
        %get3A_145 = arith.constant 48 : index
        %get3A_146 = tpu.vector_load %arg12[%get3A_144, %get3A_145] {strides = array<i32>} : memref<128x128xf32, #tpu.memory_space<vmem>>, vector<1x16xf32>,
        %get3A_147 = vector.shape_cast %get3A_146 : vector<1x16xf32> to vector<16xf32>
        %broadcast_in_dim3A_148 = vector.shape_cast %broadcast_in_dim3A_121 : vector<16xi32> to vector<16x1xi32>
        %gather3A = vector.shape_cast %broadcast_in_dim3A_148 : vector<16x1xi32> to vector<16xi32>
        %gather3A_149 = tpu.dynamic_gather %get3A_141[%gather3A] in [0] : vector<16xf32>, vector<16xi32> -> vector<16xf32>
        %broadcast_in_dim3A_150 = vector.shape_cast %broadcast_in_dim3A_123 : vector<16xi32> to vector<16x1xi32>
        %gather3A_151 = vector.shape_cast %broadcast_in_dim3A_150 : vector<16x1xi32> to vector<16xi32>
        %gather3A_152 = tpu.dynamic_gather %get3A_147[%gather3A_151] in [0] : vector<16xf32>, vector<16xi32> -> vector<16xf32>
        %add3A_153 = arith.addf %gather3A_149, %gather3A_152 : vector<16xf32>
        %ge3A_154 = arith.constant 0.000000e+00 : f32
        %ge3A_155 = vector.broadcast %ge3A_154 : f32 to vector<16xf32>
        %ge3A_156 = arith.cmpf oge, %add3A_153, %ge3A_155 : vector<16xf32>
        %mul3A_157 = arith.constant 2.000000e-01 : f32
        %mul3A_158 = vector.broadcast %mul3A_157 : f32 to vector<16xf32>
        %mul3A_159 = arith.mulf %mul3A_158, %add3A_153 : vector<16xf32>
        %select_n3A_160 = arith.select %ge3A_156, %add3A_153, %mul3A_159 : vector<16xi1>, vector<16xf32>
        %sub3A = arith.subf %select_n3A_160, %get3A_113 : vector<16xf32>
        %exp3A = math.exp %sub3A : vector<16xf32>
        %get3A_161 = arith.index_cast %add3A_137 : i32 to index
        %get3A_162 = arith.constant 0 : index
        %get3A_163 = tpu.vector_load %arg12[%get3A_161, %get3A_162] {strides = array<i32>} : memref<128x128xf32, #tpu.memory_space<vmem>>, vector<1x16xf32>,
        %get3A_164 = vector.shape_cast %get3A_163 : vector<1x16xf32> to vector<16xf32>
        %mul3A_165 = arith.mulf %get3A_164, %exp3A : vector<16xf32>
        %swap3A_166 = arith.index_cast %add3A_137 : i32 to index
        %swap3A_167 = arith.constant 0 : index
        %swap3A_168 = tpu.vector_load %arg16[%swap3A_166, %swap3A_167] {strides = array<i32>} : memref<64x128xf32, #tpu.memory_space<vmem>>, vector<1x16xf32>,
        %swap3A_169 = vector.shape_cast %swap3A_168 : vector<1x16xf32> to vector<16xf32>
        %swap3A_170 = vector.shape_cast %mul3A_165 : vector<16xf32> to vector<1x16xf32>
        tpu.vector_store %arg16[%swap3A_166, %swap3A_167], %swap3A_170 {strides = array<i32>} : memref<64x128xf32, #tpu.memory_space<vmem>>, vector<1x16xf32>,
        %get3A_171 = arith.index_cast %add3A_137 : i32 to index
        %get3A_172 = arith.constant 16 : index
        %get3A_173 = tpu.vector_load %arg12[%get3A_171, %get3A_172] {strides = array<i32>} : memref<128x128xf32, #tpu.memory_space<vmem>>, vector<1x16xf32>,
        %get3A_174 = vector.shape_cast %get3A_173 : vector<1x16xf32> to vector<16xf32>
        %mul3A_175 = arith.mulf %get3A_174, %exp3A : vector<16xf32>
        %swap3A_176 = arith.index_cast %add3A_137 : i32 to index
        %swap3A_177 = arith.constant 16 : index
        %swap3A_178 = tpu.vector_load %arg16[%swap3A_176, %swap3A_177] {strides = array<i32>} : memref<64x128xf32, #tpu.memory_space<vmem>>, vector<1x16xf32>,
        %swap3A_179 = vector.shape_cast %swap3A_178 : vector<1x16xf32> to vector<16xf32>
        %swap3A_180 = vector.shape_cast %mul3A_175 : vector<16xf32> to vector<1x16xf32>
        tpu.vector_store %arg16[%swap3A_176, %swap3A_177], %swap3A_180 {strides = array<i32>} : memref<64x128xf32, #tpu.memory_space<vmem>>, vector<1x16xf32>,
        %mul3A_181 = arith.mulf %get3A_141, %exp3A : vector<16xf32>
        %jit3A = arith.constant 0.000000e+00 : f32
        %broadcast_in_dim3A_182 = vector.broadcast %jit3A : f32 to vector<16xf32>
        %select_n3A_183 = arith.select %eq3A_119, %exp3A, %broadcast_in_dim3A_182 : vector<16xi1>, vector<16xf32>
        %select_n3A_184 = arith.select %lt3A_116, %mul3A_181, %select_n3A_183 : vector<16xi1>, vector<16xf32>
        %swap3A_185 = arith.index_cast %add3A_137 : i32 to index
        %swap3A_186 = arith.constant 32 : index
        %swap3A_187 = tpu.vector_load %arg16[%swap3A_185, %swap3A_186] {strides = array<i32>} : memref<64x128xf32, #tpu.memory_space<vmem>>, vector<1x16xf32>,
        %swap3A_188 = vector.shape_cast %swap3A_187 : vector<1x16xf32> to vector<16xf32>
        %swap3A_189 = vector.shape_cast %select_n3A_184 : vector<16xf32> to vector<1x16xf32>
        tpu.vector_store %arg16[%swap3A_185, %swap3A_186], %swap3A_189 {strides = array<i32>} : memref<64x128xf32, #tpu.memory_space<vmem>>, vector<1x16xf32>,
        %mul3A_190 = arith.constant 4 : i32
        %mul3A_191 = arith.muli %scan3A_133, %mul3A_190 : i32
        %add3A_192 = arith.constant 1 : i32
        %add3A_193 = arith.addi %mul3A_191, %add3A_192 : i32
        %get3A_194 = arith.index_cast %add3A_193 : i32 to index
        %get3A_195 = arith.constant 32 : index
        %get3A_196 = tpu.vector_load %arg12[%get3A_194, %get3A_195] {strides = array<i32>} : memref<128x128xf32, #tpu.memory_space<vmem>>, vector<1x16xf32>,
        %get3A_197 = vector.shape_cast %get3A_196 : vector<1x16xf32> to vector<16xf32>
        %add3A_198 = arith.constant 64 : i32
        %add3A_199 = arith.addi %add3A_198, %add3A_193 : i32
        %get3A_200 = arith.index_cast %add3A_199 : i32 to index
        %get3A_201 = arith.constant 48 : index
        %get3A_202 = tpu.vector_load %arg12[%get3A_200, %get3A_201] {strides = array<i32>} : memref<128x128xf32, #tpu.memory_space<vmem>>, vector<1x16xf32>,
        %get3A_203 = vector.shape_cast %get3A_202 : vector<1x16xf32> to vector<16xf32>
        %broadcast_in_dim3A_204 = vector.shape_cast %broadcast_in_dim3A_121 : vector<16xi32> to vector<16x1xi32>
        %gather3A_205 = vector.shape_cast %broadcast_in_dim3A_204 : vector<16x1xi32> to vector<16xi32>
        %gather3A_206 = tpu.dynamic_gather %get3A_197[%gather3A_205] in [0] : vector<16xf32>, vector<16xi32> -> vector<16xf32>
        %broadcast_in_dim3A_207 = vector.shape_cast %broadcast_in_dim3A_123 : vector<16xi32> to vector<16x1xi32>
        %gather3A_208 = vector.shape_cast %broadcast_in_dim3A_207 : vector<16x1xi32> to vector<16xi32>
        %gather3A_209 = tpu.dynamic_gather %get3A_203[%gather3A_208] in [0] : vector<16xf32>, vector<16xi32> -> vector<16xf32>
        %add3A_210 = arith.addf %gather3A_206, %gather3A_209 : vector<16xf32>
        %ge3A_211 = arith.constant 0.000000e+00 : f32
        %ge3A_212 = vector.broadcast %ge3A_211 : f32 to vector<16xf32>
        %ge3A_213 = arith.cmpf oge, %add3A_210, %ge3A_212 : vector<16xf32>
        %mul3A_214 = arith.constant 2.000000e-01 : f32
        %mul3A_215 = vector.broadcast %mul3A_214 : f32 to vector<16xf32>
        %mul3A_216 = arith.mulf %mul3A_215, %add3A_210 : vector<16xf32>
        %select_n3A_217 = arith.select %ge3A_213, %add3A_210, %mul3A_216 : vector<16xi1>, vector<16xf32>
        %sub3A_218 = arith.subf %select_n3A_217, %get3A_113 : vector<16xf32>
        %exp3A_219 = math.exp %sub3A_218 : vector<16xf32>
        %get3A_220 = arith.index_cast %add3A_193 : i32 to index
        %get3A_221 = arith.constant 0 : index
        %get3A_222 = tpu.vector_load %arg12[%get3A_220, %get3A_221] {strides = array<i32>} : memref<128x128xf32, #tpu.memory_space<vmem>>, vector<1x16xf32>,
        %get3A_223 = vector.shape_cast %get3A_222 : vector<1x16xf32> to vector<16xf32>
        %mul3A_224 = arith.mulf %get3A_223, %exp3A_219 : vector<16xf32>
        %swap3A_225 = arith.index_cast %add3A_193 : i32 to index
        %swap3A_226 = arith.constant 0 : index
        %swap3A_227 = tpu.vector_load %arg16[%swap3A_225, %swap3A_226] {strides = array<i32>} : memref<64x128xf32, #tpu.memory_space<vmem>>, vector<1x16xf32>,
        %swap3A_228 = vector.shape_cast %swap3A_227 : vector<1x16xf32> to vector<16xf32>
        %swap3A_229 = vector.shape_cast %mul3A_224 : vector<16xf32> to vector<1x16xf32>
        tpu.vector_store %arg16[%swap3A_225, %swap3A_226], %swap3A_229 {strides = array<i32>} : memref<64x128xf32, #tpu.memory_space<vmem>>, vector<1x16xf32>,
        %get3A_230 = arith.index_cast %add3A_193 : i32 to index
        %get3A_231 = arith.constant 16 : index
        %get3A_232 = tpu.vector_load %arg12[%get3A_230, %get3A_231] {strides = array<i32>} : memref<128x128xf32, #tpu.memory_space<vmem>>, vector<1x16xf32>,
        %get3A_233 = vector.shape_cast %get3A_232 : vector<1x16xf32> to vector<16xf32>
        %mul3A_234 = arith.mulf %get3A_233, %exp3A_219 : vector<16xf32>
        %swap3A_235 = arith.index_cast %add3A_193 : i32 to index
        %swap3A_236 = arith.constant 16 : index
        %swap3A_237 = tpu.vector_load %arg16[%swap3A_235, %swap3A_236] {strides = array<i32>} : memref<64x128xf32, #tpu.memory_space<vmem>>, vector<1x16xf32>,
        %swap3A_238 = vector.shape_cast %swap3A_237 : vector<1x16xf32> to vector<16xf32>
        %swap3A_239 = vector.shape_cast %mul3A_234 : vector<16xf32> to vector<1x16xf32>
        tpu.vector_store %arg16[%swap3A_235, %swap3A_236], %swap3A_239 {strides = array<i32>} : memref<64x128xf32, #tpu.memory_space<vmem>>, vector<1x16xf32>,
        %mul3A_240 = arith.mulf %get3A_197, %exp3A_219 : vector<16xf32>
        %jit3A_241 = arith.constant 0.000000e+00 : f32
        %broadcast_in_dim3A_242 = vector.broadcast %jit3A_241 : f32 to vector<16xf32>
        %select_n3A_243 = arith.select %eq3A_119, %exp3A_219, %broadcast_in_dim3A_242 : vector<16xi1>, vector<16xf32>
        %select_n3A_244 = arith.select %lt3A_116, %mul3A_240, %select_n3A_243 : vector<16xi1>, vector<16xf32>
        %swap3A_245 = arith.index_cast %add3A_193 : i32 to index
        %swap3A_246 = arith.constant 32 : index
        %swap3A_247 = tpu.vector_load %arg16[%swap3A_245, %swap3A_246] {strides = array<i32>} : memref<64x128xf32, #tpu.memory_space<vmem>>, vector<1x16xf32>,
        %swap3A_248 = vector.shape_cast %swap3A_247 : vector<1x16xf32> to vector<16xf32>
        %swap3A_249 = vector.shape_cast %select_n3A_244 : vector<16xf32> to vector<1x16xf32>
        tpu.vector_store %arg16[%swap3A_245, %swap3A_246], %swap3A_249 {strides = array<i32>} : memref<64x128xf32, #tpu.memory_space<vmem>>, vector<1x16xf32>,
        %mul3A_250 = arith.constant 4 : i32
        %mul3A_251 = arith.muli %scan3A_133, %mul3A_250 : i32
        %add3A_252 = arith.constant 2 : i32
        %add3A_253 = arith.addi %mul3A_251, %add3A_252 : i32
        %get3A_254 = arith.index_cast %add3A_253 : i32 to index
        %get3A_255 = arith.constant 32 : index
        %get3A_256 = tpu.vector_load %arg12[%get3A_254, %get3A_255] {strides = array<i32>} : memref<128x128xf32, #tpu.memory_space<vmem>>, vector<1x16xf32>,
        %get3A_257 = vector.shape_cast %get3A_256 : vector<1x16xf32> to vector<16xf32>
        %add3A_258 = arith.constant 64 : i32
        %add3A_259 = arith.addi %add3A_258, %add3A_253 : i32
        %get3A_260 = arith.index_cast %add3A_259 : i32 to index
        %get3A_261 = arith.constant 48 : index
        %get3A_262 = tpu.vector_load %arg12[%get3A_260, %get3A_261] {strides = array<i32>} : memref<128x128xf32, #tpu.memory_space<vmem>>, vector<1x16xf32>,
        %get3A_263 = vector.shape_cast %get3A_262 : vector<1x16xf32> to vector<16xf32>
        %broadcast_in_dim3A_264 = vector.shape_cast %broadcast_in_dim3A_121 : vector<16xi32> to vector<16x1xi32>
        %gather3A_265 = vector.shape_cast %broadcast_in_dim3A_264 : vector<16x1xi32> to vector<16xi32>
        %gather3A_266 = tpu.dynamic_gather %get3A_257[%gather3A_265] in [0] : vector<16xf32>, vector<16xi32> -> vector<16xf32>
        %broadcast_in_dim3A_267 = vector.shape_cast %broadcast_in_dim3A_123 : vector<16xi32> to vector<16x1xi32>
        %gather3A_268 = vector.shape_cast %broadcast_in_dim3A_267 : vector<16x1xi32> to vector<16xi32>
        %gather3A_269 = tpu.dynamic_gather %get3A_263[%gather3A_268] in [0] : vector<16xf32>, vector<16xi32> -> vector<16xf32>
        %add3A_270 = arith.addf %gather3A_266, %gather3A_269 : vector<16xf32>
        %ge3A_271 = arith.constant 0.000000e+00 : f32
        %ge3A_272 = vector.broadcast %ge3A_271 : f32 to vector<16xf32>
        %ge3A_273 = arith.cmpf oge, %add3A_270, %ge3A_272 : vector<16xf32>
        %mul3A_274 = arith.constant 2.000000e-01 : f32
        %mul3A_275 = vector.broadcast %mul3A_274 : f32 to vector<16xf32>
        %mul3A_276 = arith.mulf %mul3A_275, %add3A_270 : vector<16xf32>
        %select_n3A_277 = arith.select %ge3A_273, %add3A_270, %mul3A_276 : vector<16xi1>, vector<16xf32>
        %sub3A_278 = arith.subf %select_n3A_277, %get3A_113 : vector<16xf32>
        %exp3A_279 = math.exp %sub3A_278 : vector<16xf32>
        %get3A_280 = arith.index_cast %add3A_253 : i32 to index
        %get3A_281 = arith.constant 0 : index
        %get3A_282 = tpu.vector_load %arg12[%get3A_280, %get3A_281] {strides = array<i32>} : memref<128x128xf32, #tpu.memory_space<vmem>>, vector<1x16xf32>,
        %get3A_283 = vector.shape_cast %get3A_282 : vector<1x16xf32> to vector<16xf32>
        %mul3A_284 = arith.mulf %get3A_283, %exp3A_279 : vector<16xf32>
        %swap3A_285 = arith.index_cast %add3A_253 : i32 to index
        %swap3A_286 = arith.constant 0 : index
        %swap3A_287 = tpu.vector_load %arg16[%swap3A_285, %swap3A_286] {strides = array<i32>} : memref<64x128xf32, #tpu.memory_space<vmem>>, vector<1x16xf32>,
        %swap3A_288 = vector.shape_cast %swap3A_287 : vector<1x16xf32> to vector<16xf32>
        %swap3A_289 = vector.shape_cast %mul3A_284 : vector<16xf32> to vector<1x16xf32>
        tpu.vector_store %arg16[%swap3A_285, %swap3A_286], %swap3A_289 {strides = array<i32>} : memref<64x128xf32, #tpu.memory_space<vmem>>, vector<1x16xf32>,
        %get3A_290 = arith.index_cast %add3A_253 : i32 to index
        %get3A_291 = arith.constant 16 : index
        %get3A_292 = tpu.vector_load %arg12[%get3A_290, %get3A_291] {strides = array<i32>} : memref<128x128xf32, #tpu.memory_space<vmem>>, vector<1x16xf32>,
        %get3A_293 = vector.shape_cast %get3A_292 : vector<1x16xf32> to vector<16xf32>
        %mul3A_294 = arith.mulf %get3A_293, %exp3A_279 : vector<16xf32>
        %swap3A_295 = arith.index_cast %add3A_253 : i32 to index
        %swap3A_296 = arith.constant 16 : index
        %swap3A_297 = tpu.vector_load %arg16[%swap3A_295, %swap3A_296] {strides = array<i32>} : memref<64x128xf32, #tpu.memory_space<vmem>>, vector<1x16xf32>,
        %swap3A_298 = vector.shape_cast %swap3A_297 : vector<1x16xf32> to vector<16xf32>
        %swap3A_299 = vector.shape_cast %mul3A_294 : vector<16xf32> to vector<1x16xf32>
        tpu.vector_store %arg16[%swap3A_295, %swap3A_296], %swap3A_299 {strides = array<i32>} : memref<64x128xf32, #tpu.memory_space<vmem>>, vector<1x16xf32>,
        %mul3A_300 = arith.mulf %get3A_257, %exp3A_279 : vector<16xf32>
        %jit3A_301 = arith.constant 0.000000e+00 : f32
        %broadcast_in_dim3A_302 = vector.broadcast %jit3A_301 : f32 to vector<16xf32>
        %select_n3A_303 = arith.select %eq3A_119, %exp3A_279, %broadcast_in_dim3A_302 : vector<16xi1>, vector<16xf32>
        %select_n3A_304 = arith.select %lt3A_116, %mul3A_300, %select_n3A_303 : vector<16xi1>, vector<16xf32>
        %swap3A_305 = arith.index_cast %add3A_253 : i32 to index
        %swap3A_306 = arith.constant 32 : index
        %swap3A_307 = tpu.vector_load %arg16[%swap3A_305, %swap3A_306] {strides = array<i32>} : memref<64x128xf32, #tpu.memory_space<vmem>>, vector<1x16xf32>,
        %swap3A_308 = vector.shape_cast %swap3A_307 : vector<1x16xf32> to vector<16xf32>
        %swap3A_309 = vector.shape_cast %select_n3A_304 : vector<16xf32> to vector<1x16xf32>
        tpu.vector_store %arg16[%swap3A_305, %swap3A_306], %swap3A_309 {strides = array<i32>} : memref<64x128xf32, #tpu.memory_space<vmem>>, vector<1x16xf32>,
        %mul3A_310 = arith.constant 4 : i32
        %mul3A_311 = arith.muli %scan3A_133, %mul3A_310 : i32
        %add3A_312 = arith.constant 3 : i32
        %add3A_313 = arith.addi %mul3A_311, %add3A_312 : i32
        %get3A_314 = arith.index_cast %add3A_313 : i32 to index
        %get3A_315 = arith.constant 32 : index
        %get3A_316 = tpu.vector_load %arg12[%get3A_314, %get3A_315] {strides = array<i32>} : memref<128x128xf32, #tpu.memory_space<vmem>>, vector<1x16xf32>,
        %get3A_317 = vector.shape_cast %get3A_316 : vector<1x16xf32> to vector<16xf32>
        %add3A_318 = arith.constant 64 : i32
        %add3A_319 = arith.addi %add3A_318, %add3A_313 : i32
        %get3A_320 = arith.index_cast %add3A_319 : i32 to index
        %get3A_321 = arith.constant 48 : index
        %get3A_322 = tpu.vector_load %arg12[%get3A_320, %get3A_321] {strides = array<i32>} : memref<128x128xf32, #tpu.memory_space<vmem>>, vector<1x16xf32>,
        %get3A_323 = vector.shape_cast %get3A_322 : vector<1x16xf32> to vector<16xf32>
        %broadcast_in_dim3A_324 = vector.shape_cast %broadcast_in_dim3A_121 : vector<16xi32> to vector<16x1xi32>
        %gather3A_325 = vector.shape_cast %broadcast_in_dim3A_324 : vector<16x1xi32> to vector<16xi32>
        %gather3A_326 = tpu.dynamic_gather %get3A_317[%gather3A_325] in [0] : vector<16xf32>, vector<16xi32> -> vector<16xf32>
        %broadcast_in_dim3A_327 = vector.shape_cast %broadcast_in_dim3A_123 : vector<16xi32> to vector<16x1xi32>
        %gather3A_328 = vector.shape_cast %broadcast_in_dim3A_327 : vector<16x1xi32> to vector<16xi32>
        %gather3A_329 = tpu.dynamic_gather %get3A_323[%gather3A_328] in [0] : vector<16xf32>, vector<16xi32> -> vector<16xf32>
        %add3A_330 = arith.addf %gather3A_326, %gather3A_329 : vector<16xf32>
        %ge3A_331 = arith.constant 0.000000e+00 : f32
        %ge3A_332 = vector.broadcast %ge3A_331 : f32 to vector<16xf32>
        %ge3A_333 = arith.cmpf oge, %add3A_330, %ge3A_332 : vector<16xf32>
        %mul3A_334 = arith.constant 2.000000e-01 : f32
        %mul3A_335 = vector.broadcast %mul3A_334 : f32 to vector<16xf32>
        %mul3A_336 = arith.mulf %mul3A_335, %add3A_330 : vector<16xf32>
        %select_n3A_337 = arith.select %ge3A_333, %add3A_330, %mul3A_336 : vector<16xi1>, vector<16xf32>
        %sub3A_338 = arith.subf %select_n3A_337, %get3A_113 : vector<16xf32>
        %exp3A_339 = math.exp %sub3A_338 : vector<16xf32>
        %get3A_340 = arith.index_cast %add3A_313 : i32 to index
        %get3A_341 = arith.constant 0 : index
        %get3A_342 = tpu.vector_load %arg12[%get3A_340, %get3A_341] {strides = array<i32>} : memref<128x128xf32, #tpu.memory_space<vmem>>, vector<1x16xf32>,
        %get3A_343 = vector.shape_cast %get3A_342 : vector<1x16xf32> to vector<16xf32>
        %mul3A_344 = arith.mulf %get3A_343, %exp3A_339 : vector<16xf32>
        %swap3A_345 = arith.index_cast %add3A_313 : i32 to index
        %swap3A_346 = arith.constant 0 : index
        %swap3A_347 = tpu.vector_load %arg16[%swap3A_345, %swap3A_346] {strides = array<i32>} : memref<64x128xf32, #tpu.memory_space<vmem>>, vector<1x16xf32>,
        %swap3A_348 = vector.shape_cast %swap3A_347 : vector<1x16xf32> to vector<16xf32>
        %swap3A_349 = vector.shape_cast %mul3A_344 : vector<16xf32> to vector<1x16xf32>
        tpu.vector_store %arg16[%swap3A_345, %swap3A_346], %swap3A_349 {strides = array<i32>} : memref<64x128xf32, #tpu.memory_space<vmem>>, vector<1x16xf32>,
        %get3A_350 = arith.index_cast %add3A_313 : i32 to index
        %get3A_351 = arith.constant 16 : index
        %get3A_352 = tpu.vector_load %arg12[%get3A_350, %get3A_351] {strides = array<i32>} : memref<128x128xf32, #tpu.memory_space<vmem>>, vector<1x16xf32>,
        %get3A_353 = vector.shape_cast %get3A_352 : vector<1x16xf32> to vector<16xf32>
        %mul3A_354 = arith.mulf %get3A_353, %exp3A_339 : vector<16xf32>
        %swap3A_355 = arith.index_cast %add3A_313 : i32 to index
        %swap3A_356 = arith.constant 16 : index
        %swap3A_357 = tpu.vector_load %arg16[%swap3A_355, %swap3A_356] {strides = array<i32>} : memref<64x128xf32, #tpu.memory_space<vmem>>, vector<1x16xf32>,
        %swap3A_358 = vector.shape_cast %swap3A_357 : vector<1x16xf32> to vector<16xf32>
        %swap3A_359 = vector.shape_cast %mul3A_354 : vector<16xf32> to vector<1x16xf32>
        tpu.vector_store %arg16[%swap3A_355, %swap3A_356], %swap3A_359 {strides = array<i32>} : memref<64x128xf32, #tpu.memory_space<vmem>>, vector<1x16xf32>,
        %mul3A_360 = arith.mulf %get3A_317, %exp3A_339 : vector<16xf32>
        %jit3A_361 = arith.constant 0.000000e+00 : f32
        %broadcast_in_dim3A_362 = vector.broadcast %jit3A_361 : f32 to vector<16xf32>
        %select_n3A_363 = arith.select %eq3A_119, %exp3A_339, %broadcast_in_dim3A_362 : vector<16xi1>, vector<16xf32>
        %select_n3A_364 = arith.select %lt3A_116, %mul3A_360, %select_n3A_363 : vector<16xi1>, vector<16xf32>
        %swap3A_365 = arith.index_cast %add3A_313 : i32 to index
        %swap3A_366 = arith.constant 32 : index
        %swap3A_367 = tpu.vector_load %arg16[%swap3A_365, %swap3A_366] {strides = array<i32>} : memref<64x128xf32, #tpu.memory_space<vmem>>, vector<1x16xf32>,
        %swap3A_368 = vector.shape_cast %swap3A_367 : vector<1x16xf32> to vector<16xf32>
        %swap3A_369 = vector.shape_cast %select_n3A_364 : vector<16xf32> to vector<1x16xf32>
        tpu.vector_store %arg16[%swap3A_365, %swap3A_366], %swap3A_369 {strides = array<i32>} : memref<64x128xf32, #tpu.memory_space<vmem>>, vector<1x16xf32>,
      }
      %scan3A_129 = arith.constant 16 : i32
      %dma_start3A_130 = arith.constant 0 : i32
      %dma_start3A_131 = arith.constant 0 : i32
      %dma_start3A_132 = tpu.memref_slice %arg8[%dma_start3A_130, %dma_start3A_131] : memref<10112x128xf32, #tpu.memory_space<vmem_shared>> -> memref<10112x128xf32, #tpu.memory_space<vmem_shared>>
      tpu.enqueue_indirect_dma source(%arg16 : memref<64x128xf32, #tpu.memory_space<vmem>>) target(%dma_start3A_132 : memref<10112x128xf32, #tpu.memory_space<vmem_shared>>) offsets(%arg14 : memref<64xi32, #tpu.memory_space<vmem>>) semaphore(%arg23 : memref<!tpu.dma_semaphore, #tpu.memory_space<semaphore_mem>>) {add = true}
    }
    %scan3A_42 = arith.constant 81 : i32
    %dma_wait3A = arith.constant 0 : i32
    %dma_wait3A_43 = arith.constant 0 : i32
    %dma_wait3A_44 = tpu.memref_slice %arg8[%dma_wait3A, %dma_wait3A_43] : memref<10112x128xf32, #tpu.memory_space<vmem_shared>> -> memref<10112x128xf32, #tpu.memory_space<vmem_shared>>
    tpu.wait_indirect_dma semaphore(%arg22 : memref<!tpu.dma_semaphore, #tpu.memory_space<semaphore_mem>>) src(%arg15 : memref<64x128xf32, #tpu.memory_space<vmem>>) dst(%dma_wait3A_44 : memref<10112x128xf32, #tpu.memory_space<vmem_shared>>)
    %dma_wait3A_45 = arith.constant 0 : i32
    %dma_wait3A_46 = arith.constant 0 : i32
    %dma_wait3A_47 = tpu.memref_slice %arg8[%dma_wait3A_45, %dma_wait3A_46] : memref<10112x128xf32, #tpu.memory_space<vmem_shared>> -> memref<10112x128xf32, #tpu.memory_space<vmem_shared>>
    tpu.wait_indirect_dma semaphore(%arg23 : memref<!tpu.dma_semaphore, #tpu.memory_space<semaphore_mem>>) src(%arg16 : memref<64x128xf32, #tpu.memory_space<vmem>>) dst(%dma_wait3A_47 : memref<10112x128xf32, #tpu.memory_space<vmem_shared>>)
    %barrier3A_48 = arith.constant 0 : index
    tpu.barrier barrier_id(%barrier3A_48)
    %mul3A_49 = arith.constant 632 : i32
    %mul3A_50 = arith.muli %arg1, %mul3A_49 : i32
    %mul3A_51 = arith.constant 632 : i32
    %mul3A_52 = arith.muli %arg1, %mul3A_51 : i32
    "tpu.region"() ({
      %run_scoped3A_53 = tpu.sem_alloc : memref<!tpu.dma_semaphore, #tpu.memory_space<semaphore_mem>>
      %dma_start3A_54 = arith.constant 0 : i32
      %dma_start3A_55 = tpu.memref_slice %arg7[%arg0, %mul3A_52, %dma_start3A_54] : memref<2x10240x128xf32, #tpu.memory_space<hbm>> -> memref<1x632x128xf32, #tpu.memory_space<hbm>>
      %dma_start3A_56 = tpu.memref_squeeze %dma_start3A_55 : memref<1x632x128xf32, #tpu.memory_space<hbm>> -> memref<632x128xf32, #tpu.memory_space<hbm>>
      %dma_start3A_57 = arith.constant 0 : i32
      %dma_start3A_58 = tpu.memref_slice %arg8[%mul3A_50, %dma_start3A_57] : memref<10112x128xf32, #tpu.memory_space<vmem_shared>> -> memref<632x128xf32, #tpu.memory_space<vmem_shared>>
      tpu.enqueue_dma source(%dma_start3A_58 : memref<632x128xf32, #tpu.memory_space<vmem_shared>>) target(%dma_start3A_56 : memref<632x128xf32, #tpu.memory_space<hbm>>) target_semaphore(%run_scoped3A_53 : memref<!tpu.dma_semaphore, #tpu.memory_space<semaphore_mem>>)
      %dma_wait3A_59 = arith.constant 0 : i32
      %dma_wait3A_60 = tpu.memref_slice %arg7[%arg0, %mul3A_52, %dma_wait3A_59] : memref<2x10240x128xf32, #tpu.memory_space<hbm>> -> memref<1x632x128xf32, #tpu.memory_space<hbm>>
      %dma_wait3A_61 = tpu.memref_squeeze %dma_wait3A_60 : memref<1x632x128xf32, #tpu.memory_space<hbm>> -> memref<632x128xf32, #tpu.memory_space<hbm>>
      %dma_wait3A_62 = arith.constant 0 : i32
      %dma_wait3A_63 = tpu.memref_slice %arg8[%mul3A_50, %dma_wait3A_62] : memref<10112x128xf32, #tpu.memory_space<vmem_shared>> -> memref<632x128xf32, #tpu.memory_space<vmem_shared>>
      tpu.wait_dma2 semaphore(%run_scoped3A_53 : memref<!tpu.dma_semaphore, #tpu.memory_space<semaphore_mem>>) src(%dma_wait3A_63 : memref<632x128xf32, #tpu.memory_space<vmem_shared>>) dst(%dma_wait3A_61 : memref<632x128xf32, #tpu.memory_space<hbm>>)
      tpu.yield
    }) : () -> ()
    return
  }
}

module attributes {stable_mosaic.version = 14 : i64} {
  func.func @_tab1_body(%arg0: i32, %arg1: memref<1024x128xf32, #tpu.memory_space<vmem>>, %arg2: memref<128x64xf32, #tpu.memory_space<vmem>>, %arg3: memref<64x8xf32, #tpu.memory_space<vmem>>, %arg4: memref<64x8xf32, #tpu.memory_space<vmem>>, %arg5: memref<1024x128xf32, #tpu.memory_space<vmem>>, %arg6: memref<8x16xf32, #tpu.memory_space<vmem>>) attributes {dimension_semantics = [#tpu.dimension_semantics<arbitrary>], iteration_bounds = array<i64: 10>, scalar_prefetch = 0 : i64, scratch_operands = 0 : i64, tpu.core_type = #tpu.core_type<tc>, window_params = [{transform_indices = @transform_0, window_bounds = array<i64: 1024, 128>}, {pipeline_mode = #tpu.pipeline_mode<synchronous>, transform_indices = @transform_1, window_bounds = array<i64: 128, 64>}, {pipeline_mode = #tpu.pipeline_mode<synchronous>, transform_indices = @transform_2, window_bounds = array<i64: 64, 8>}, {pipeline_mode = #tpu.pipeline_mode<synchronous>, transform_indices = @transform_3, window_bounds = array<i64: 64, 8>}, {transform_indices = @transform_4, window_bounds = array<i64: 1024, 128>}, {pipeline_mode = #tpu.pipeline_mode<synchronous>, transform_indices = @transform_5, window_bounds = array<i64: 8, 16>}]} {
    %get3A = arith.constant 0 : index
    %get3A_0 = arith.constant 0 : index
    %get3A_1 = vector.load %arg1[%get3A, %get3A_0] : memref<1024x128xf32, #tpu.memory_space<vmem>>, vector<1024x128xf32>
    %get3A_2 = arith.constant 0 : index
    %get3A_3 = arith.constant 0 : index
    %get3A_4 = vector.load %arg2[%get3A_2, %get3A_3] : memref<128x64xf32, #tpu.memory_space<vmem>>, vector<128x64xf32>
    %dot_general3A = arith.constant dense<0.000000e+00> : vector<1024x64xf32>
    %dot_general3A_5 = tpu.matmul %get3A_1, %get3A_4, %dot_general3A {dimension_numbers = #tpu.dot_dimension_numbers<[1], [0], [0], [1], [0, 0, 1, 1], [], []>, transpose_lhs_hint = false} : vector<1024x128xf32>, vector<128x64xf32>, vector<1024x64xf32> -> vector<1024x64xf32>
    %get3A_6 = arith.constant 0 : index
    %get3A_7 = arith.constant 0 : index
    %get3A_8 = vector.load %arg3[%get3A_6, %get3A_7] : memref<64x8xf32, #tpu.memory_space<vmem>>, vector<64x8xf32>
    %dot_general3A_9 = arith.constant dense<0.000000e+00> : vector<1024x8xf32>
    %dot_general3A_10 = tpu.matmul %dot_general3A_5, %get3A_8, %dot_general3A_9 {dimension_numbers = #tpu.dot_dimension_numbers<[1], [0], [0], [1], [0, 0, 1, 1], [], []>, transpose_lhs_hint = false} : vector<1024x64xf32>, vector<64x8xf32>, vector<1024x8xf32> -> vector<1024x8xf32>
    %get3A_11 = arith.constant 0 : index
    %get3A_12 = arith.constant 0 : index
    %get3A_13 = vector.load %arg4[%get3A_11, %get3A_12] : memref<64x8xf32, #tpu.memory_space<vmem>>, vector<64x8xf32>
    %dot_general3A_14 = arith.constant dense<0.000000e+00> : vector<1024x8xf32>
    %dot_general3A_15 = tpu.matmul %dot_general3A_5, %get3A_13, %dot_general3A_14 {dimension_numbers = #tpu.dot_dimension_numbers<[1], [0], [0], [1], [0, 0, 1, 1], [], []>, transpose_lhs_hint = false} : vector<1024x64xf32>, vector<64x8xf32>, vector<1024x8xf32> -> vector<1024x8xf32>
    %broadcast_in_dim3A = arith.constant 0.000000e+00 : f32
    %broadcast_in_dim3A_16 = vector.broadcast %broadcast_in_dim3A : f32 to vector<1024x48xf32>
    %concatenate3A = tpu.concatenate %dot_general3A_5, %dot_general3A_10, %dot_general3A_15, %broadcast_in_dim3A_16 in 1 : vector<1024x64xf32>, vector<1024x8xf32>, vector<1024x8xf32>, vector<1024x48xf32> -> vector<1024x128xf32>
    %swap3A = arith.constant 0 : index
    %swap3A_17 = arith.constant 0 : index
    %swap3A_18 = vector.load %arg5[%swap3A, %swap3A_17] : memref<1024x128xf32, #tpu.memory_space<vmem>>, vector<1024x128xf32>
    tpu.vector_store %arg5[%swap3A, %swap3A_17], %concatenate3A {strides = array<i32>} : memref<1024x128xf32, #tpu.memory_space<vmem>>, vector<1024x128xf32>,
    %reduce_max3A = arith.constant dense<0xFF800000> : vector<8xf32>
    %reduce_max3A_19 = vector.multi_reduction <maximumf>, %dot_general3A_10, %reduce_max3A [0] : vector<1024x8xf32> to vector<8xf32>
    %broadcast_in_dim3A_20 = arith.constant 0.000000e+00 : f32
    %broadcast_in_dim3A_21 = vector.broadcast %broadcast_in_dim3A_20 : f32 to vector<8xf32>
    %concatenate3A_22 = tpu.concatenate %reduce_max3A_19, %broadcast_in_dim3A_21 in 0 : vector<8xf32>, vector<8xf32> -> vector<16xf32>
    %reduce_max3A_23 = arith.constant dense<0xFF800000> : vector<8xf32>
    %reduce_max3A_24 = vector.multi_reduction <maximumf>, %dot_general3A_15, %reduce_max3A_23 [0] : vector<1024x8xf32> to vector<8xf32>
    %broadcast_in_dim3A_25 = arith.constant 0.000000e+00 : f32
    %broadcast_in_dim3A_26 = vector.broadcast %broadcast_in_dim3A_25 : f32 to vector<8xf32>
    %concatenate3A_27 = tpu.concatenate %reduce_max3A_24, %broadcast_in_dim3A_26 in 0 : vector<8xf32>, vector<8xf32> -> vector<16xf32>
    %broadcast_in_dim3A_28 = vector.shape_cast %concatenate3A_22 : vector<16xf32> to vector<1x16xf32>
    %broadcast_in_dim3A_29 = vector.shape_cast %concatenate3A_27 : vector<16xf32> to vector<1x16xf32>
    %broadcast_in_dim3A_30 = arith.constant 0.000000e+00 : f32
    %broadcast_in_dim3A_31 = vector.broadcast %broadcast_in_dim3A_30 : f32 to vector<6x16xf32>
    %concatenate3A_32 = tpu.concatenate %broadcast_in_dim3A_28, %broadcast_in_dim3A_29, %broadcast_in_dim3A_31 in 0 : vector<1x16xf32>, vector<1x16xf32>, vector<6x16xf32> -> vector<8x16xf32>
    %eq3A = arith.constant 0 : i32
    %eq3A_33 = arith.cmpi eq, %arg0, %eq3A : i32
    %convert_element_type3A = arith.extui %eq3A_33 : i1 to i32
    %cond3A = arith.constant 0 : i32
    %cond3A_34 = arith.cmpi ne, %convert_element_type3A, %cond3A : i32
    scf.if %cond3A_34 {
      %swap3A_39 = arith.constant 0 : index
      %swap3A_40 = arith.constant 0 : index
      %swap3A_41 = vector.load %arg6[%swap3A_39, %swap3A_40] : memref<8x16xf32, #tpu.memory_space<vmem>>, vector<8x16xf32>
      tpu.vector_store %arg6[%swap3A_39, %swap3A_40], %concatenate3A_32 {strides = array<i32>} : memref<8x16xf32, #tpu.memory_space<vmem>>, vector<8x16xf32>,
    } else {
    }
    %gt3A = arith.constant 0 : i32
    %gt3A_35 = arith.cmpi sgt, %arg0, %gt3A : i32
    %convert_element_type3A_36 = arith.extui %gt3A_35 : i1 to i32
    %cond3A_37 = arith.constant 0 : i32
    %cond3A_38 = arith.cmpi ne, %convert_element_type3A_36, %cond3A_37 : i32
    scf.if %cond3A_38 {
      %get3A_39 = arith.constant 0 : index
      %get3A_40 = arith.constant 0 : index
      %get3A_41 = vector.load %arg6[%get3A_39, %get3A_40] : memref<8x16xf32, #tpu.memory_space<vmem>>, vector<8x16xf32>
      %max3A = arith.maximumf %get3A_41, %concatenate3A_32 : vector<8x16xf32>
      %swap3A_42 = arith.constant 0 : index
      %swap3A_43 = arith.constant 0 : index
      %swap3A_44 = vector.load %arg6[%swap3A_42, %swap3A_43] : memref<8x16xf32, #tpu.memory_space<vmem>>, vector<8x16xf32>
      tpu.vector_store %arg6[%swap3A_42, %swap3A_43], %max3A {strides = array<i32>} : memref<8x16xf32, #tpu.memory_space<vmem>>, vector<8x16xf32>,
    } else {
    }
    return
  }
  func.func @transform_0(%arg0: i32) -> (i32, i32) {
    %c0_i32 = arith.constant 0 : i32
    %c0_i32_0 = arith.constant 0 : i32
    return %arg0, %c0_i32 : i32, i32
  }
  func.func @transform_1(%arg0: i32) -> (i32, i32) {
    %c0_i32 = arith.constant 0 : i32
    %c0_i32_0 = arith.constant 0 : i32
    %c0_i32_1 = arith.constant 0 : i32
    return %c0_i32, %c0_i32_0 : i32, i32
  }
  func.func @transform_2(%arg0: i32) -> (i32, i32) {
    %c0_i32 = arith.constant 0 : i32
    %c0_i32_0 = arith.constant 0 : i32
    %c0_i32_1 = arith.constant 0 : i32
    return %c0_i32, %c0_i32_0 : i32, i32
  }
  func.func @transform_3(%arg0: i32) -> (i32, i32) {
    %c0_i32 = arith.constant 0 : i32
    %c0_i32_0 = arith.constant 0 : i32
    %c0_i32_1 = arith.constant 0 : i32
    return %c0_i32, %c0_i32_0 : i32, i32
  }
  func.func @transform_4(%arg0: i32) -> (i32, i32) {
    %c0_i32 = arith.constant 0 : i32
    %c0_i32_0 = arith.constant 0 : i32
    return %arg0, %c0_i32 : i32, i32
  }
  func.func @transform_5(%arg0: i32) -> (i32, i32) {
    %c0_i32 = arith.constant 0 : i32
    %c0_i32_0 = arith.constant 0 : i32
    %c0_i32_1 = arith.constant 0 : i32
    return %c0_i32, %c0_i32_0 : i32, i32
  }
}

module attributes {stable_mosaic.version = 14 : i64} {
  func.func @_tab2_body(%arg0: i32, %arg1: memref<1024x128xf32, #tpu.memory_space<vmem>>, %arg2: memref<1024x128xf32, #tpu.memory_space<vmem>>, %arg3: memref<1x64xf32, #tpu.memory_space<vmem>>, %arg4: memref<64x40xf32, #tpu.memory_space<vmem>>, %arg5: memref<8x64xf32, #tpu.memory_space<vmem>>, %arg6: memref<40x1xf32, #tpu.memory_space<vmem>>, %arg7: memref<40x1xf32, #tpu.memory_space<vmem>>, %arg8: memref<1024x128xf32, #tpu.memory_space<vmem>>, %arg9: memref<8x16xf32, #tpu.memory_space<vmem>>) attributes {dimension_semantics = [#tpu.dimension_semantics<arbitrary>], iteration_bounds = array<i64: 10>, scalar_prefetch = 0 : i64, scratch_operands = 0 : i64, tpu.core_type = #tpu.core_type<tc>, window_params = [{transform_indices = @transform_0, window_bounds = array<i64: 1024, 128>}, {transform_indices = @transform_1, window_bounds = array<i64: 1024, 128>}, {pipeline_mode = #tpu.pipeline_mode<synchronous>, transform_indices = @transform_2, window_bounds = array<i64: 1, 64>}, {pipeline_mode = #tpu.pipeline_mode<synchronous>, transform_indices = @transform_3, window_bounds = array<i64: 64, 40>}, {pipeline_mode = #tpu.pipeline_mode<synchronous>, transform_indices = @transform_4, window_bounds = array<i64: 8, 64>}, {pipeline_mode = #tpu.pipeline_mode<synchronous>, transform_indices = @transform_5, window_bounds = array<i64: 40, 1>}, {pipeline_mode = #tpu.pipeline_mode<synchronous>, transform_indices = @transform_6, window_bounds = array<i64: 40, 1>}, {transform_indices = @transform_7, window_bounds = array<i64: 1024, 128>}, {pipeline_mode = #tpu.pipeline_mode<synchronous>, transform_indices = @transform_8, window_bounds = array<i64: 8, 16>}]} {
    %get3A = arith.constant 0 : index
    %get3A_0 = arith.constant 0 : index
    %get3A_1 = vector.load %arg1[%get3A, %get3A_0] : memref<1024x128xf32, #tpu.memory_space<vmem>>, vector<1024x128xf32>
    %get3A_2 = arith.constant 0 : index
    %get3A_3 = arith.constant 0 : index
    %get3A_4 = vector.load %arg2[%get3A_2, %get3A_3] : memref<1024x128xf32, #tpu.memory_space<vmem>>, vector<1024x128xf32>
    %slice3A = vector.extract_strided_slice %get3A_1 {offsets = [0, 0], sizes = [1024, 64], strides = [1, 1]} : vector<1024x128xf32> to vector<1024x64xf32>
    %slice3A_5 = vector.extract_strided_slice %get3A_4 {offsets = [0, 0], sizes = [1024, 64], strides = [1, 1]} : vector<1024x128xf32> to vector<1024x64xf32>
    %add3A = arith.addf %slice3A, %slice3A_5 : vector<1024x64xf32>
    %slice3A_6 = vector.extract_strided_slice %get3A_1 {offsets = [0, 64], sizes = [1024, 8], strides = [1, 1]} : vector<1024x128xf32> to vector<1024x8xf32>
    %slice3A_7 = vector.extract_strided_slice %get3A_4 {offsets = [0, 64], sizes = [1024, 8], strides = [1, 1]} : vector<1024x128xf32> to vector<1024x8xf32>
    %add3A_8 = arith.addf %slice3A_6, %slice3A_7 : vector<1024x8xf32>
    %get3A_9 = arith.constant 0 : index
    %get3A_10 = arith.constant 0 : index
    %get3A_11 = vector.load %arg5[%get3A_9, %get3A_10] : memref<8x64xf32, #tpu.memory_space<vmem>>, vector<8x64xf32>
    %dot_general3A = arith.constant dense<0.000000e+00> : vector<1024x64xf32>
    %dot_general3A_12 = tpu.matmul %add3A_8, %get3A_11, %dot_general3A {dimension_numbers = #tpu.dot_dimension_numbers<[1], [0], [0], [1], [0, 0, 1, 1], [], []>, transpose_lhs_hint = false} : vector<1024x8xf32>, vector<8x64xf32>, vector<1024x64xf32> -> vector<1024x64xf32>
    %add3A_13 = arith.constant 1.000000e-16 : f32
    %add3A_14 = vector.broadcast %add3A_13 : f32 to vector<1024x64xf32>
    %add3A_15 = arith.addf %dot_general3A_12, %add3A_14 : vector<1024x64xf32>
    %div3A = arith.divf %add3A, %add3A_15 : vector<1024x64xf32>
    %get3A_16 = arith.constant 0 : index
    %get3A_17 = arith.constant 0 : index
    %get3A_18 = vector.load %arg3[%get3A_16, %get3A_17] : memref<1x64xf32, #tpu.memory_space<vmem>>, vector<1x64xf32>
    %add3A_19 = vector.broadcast %get3A_18 : vector<1x64xf32> to vector<1024x64xf32>
    %add3A_20 = arith.addf %div3A, %add3A_19 : vector<1024x64xf32>
    %gt3A = arith.constant 0.000000e+00 : f32
    %gt3A_21 = vector.broadcast %gt3A : f32 to vector<1024x64xf32>
    %gt3A_22 = arith.cmpf ogt, %add3A_20, %gt3A_21 : vector<1024x64xf32>
    %min3A = arith.constant 0.000000e+00 : f32
    %min3A_23 = vector.broadcast %min3A : f32 to vector<1024x64xf32>
    %min3A_24 = arith.minimumf %add3A_20, %min3A_23 : vector<1024x64xf32>
    %exp3A = math.exp %min3A_24 : vector<1024x64xf32>
    %sub3A = arith.constant 1.000000e+00 : f32
    %sub3A_25 = vector.broadcast %sub3A : f32 to vector<1024x64xf32>
    %sub3A_26 = arith.subf %exp3A, %sub3A_25 : vector<1024x64xf32>
    %select_n3A = arith.select %gt3A_22, %add3A_20, %sub3A_26 : vector<1024x64xi1>, vector<1024x64xf32>
    %get3A_27 = arith.constant 0 : index
    %get3A_28 = arith.constant 0 : index
    %get3A_29 = vector.load %arg4[%get3A_27, %get3A_28] : memref<64x40xf32, #tpu.memory_space<vmem>>, vector<64x40xf32>
    %dot_general3A_30 = arith.constant dense<0.000000e+00> : vector<1024x40xf32>
    %dot_general3A_31 = tpu.matmul %select_n3A, %get3A_29, %dot_general3A_30 {dimension_numbers = #tpu.dot_dimension_numbers<[1], [0], [0], [1], [0, 0, 1, 1], [], []>, transpose_lhs_hint = false} : vector<1024x64xf32>, vector<64x40xf32>, vector<1024x40xf32> -> vector<1024x40xf32>
    %get3A_32 = arith.constant 0 : index
    %get3A_33 = arith.constant 0 : index
    %get3A_34 = vector.load %arg6[%get3A_32, %get3A_33] : memref<40x1xf32, #tpu.memory_space<vmem>>, vector<40x1xf32>
    %dot_general3A_35 = arith.constant dense<0.000000e+00> : vector<1024x1xf32>
    %dot_general3A_36 = tpu.matmul %dot_general3A_31, %get3A_34, %dot_general3A_35 {dimension_numbers = #tpu.dot_dimension_numbers<[1], [0], [0], [1], [0, 0, 1, 1], [], []>, transpose_lhs_hint = false} : vector<1024x40xf32>, vector<40x1xf32>, vector<1024x1xf32> -> vector<1024x1xf32>
    %get3A_37 = arith.constant 0 : index
    %get3A_38 = arith.constant 0 : index
    %get3A_39 = vector.load %arg7[%get3A_37, %get3A_38] : memref<40x1xf32, #tpu.memory_space<vmem>>, vector<40x1xf32>
    %dot_general3A_40 = arith.constant dense<0.000000e+00> : vector<1024x1xf32>
    %dot_general3A_41 = tpu.matmul %dot_general3A_31, %get3A_39, %dot_general3A_40 {dimension_numbers = #tpu.dot_dimension_numbers<[1], [0], [0], [1], [0, 0, 1, 1], [], []>, transpose_lhs_hint = false} : vector<1024x40xf32>, vector<40x1xf32>, vector<1024x1xf32> -> vector<1024x1xf32>
    %broadcast_in_dim3A = arith.constant 0.000000e+00 : f32
    %broadcast_in_dim3A_42 = vector.broadcast %broadcast_in_dim3A : f32 to vector<1024x7xf32>
    %broadcast_in_dim3A_43 = arith.constant 0.000000e+00 : f32
    %broadcast_in_dim3A_44 = vector.broadcast %broadcast_in_dim3A_43 : f32 to vector<1024x79xf32>
    %concatenate3A = tpu.concatenate %dot_general3A_31, %dot_general3A_36, %broadcast_in_dim3A_42, %dot_general3A_41, %broadcast_in_dim3A_44 in 1 : vector<1024x40xf32>, vector<1024x1xf32>, vector<1024x7xf32>, vector<1024x1xf32>, vector<1024x79xf32> -> vector<1024x128xf32>
    %swap3A = arith.constant 0 : index
    %swap3A_45 = arith.constant 0 : index
    %swap3A_46 = vector.load %arg8[%swap3A, %swap3A_45] : memref<1024x128xf32, #tpu.memory_space<vmem>>, vector<1024x128xf32>
    tpu.vector_store %arg8[%swap3A, %swap3A_45], %concatenate3A {strides = array<i32>} : memref<1024x128xf32, #tpu.memory_space<vmem>>, vector<1024x128xf32>,
    %iota3A = tpu.iota {dimensions = array<i32: 0>} : vector<1024x1xi32>
    %mul3A = arith.constant 1024 : i32
    %mul3A_47 = arith.muli %arg0, %mul3A : i32
    %add3A_48 = vector.broadcast %mul3A_47 : i32 to vector<1024x1xi32>
    %add3A_49 = arith.addi %iota3A, %add3A_48 : vector<1024x1xi32>
    %lt3A = arith.constant 10000 : i32
    %lt3A_50 = vector.broadcast %lt3A : i32 to vector<1024x1xi32>
    %lt3A_51 = arith.cmpi slt, %add3A_49, %lt3A_50 : vector<1024x1xi32>
    %jit3A = arith.constant 0xFF800000 : f32
    %broadcast_in_dim3A_52 = vector.broadcast %jit3A : f32 to vector<1024x1xf32>
    %select_n3A_53 = arith.select %lt3A_51, %dot_general3A_36, %broadcast_in_dim3A_52 : vector<1024x1xi1>, vector<1024x1xf32>
    %jit3A_54 = arith.constant 0xFF800000 : f32
    %broadcast_in_dim3A_55 = vector.broadcast %jit3A_54 : f32 to vector<1024x1xf32>
    %select_n3A_56 = arith.select %lt3A_51, %dot_general3A_41, %broadcast_in_dim3A_55 : vector<1024x1xi1>, vector<1024x1xf32>
    %reduce_max3A = vector.shape_cast %select_n3A_53 : vector<1024x1xf32> to vector<1x1024x1xf32>
    %reduce_max3A_57 = arith.constant dense<0xFF800000> : vector<1xf32>
    %reduce_max3A_58 = vector.multi_reduction <maximumf>, %reduce_max3A, %reduce_max3A_57 [1, 2] : vector<1x1024x1xf32> to vector<1xf32>
    %reduce_max3A_59 = vector.shape_cast %reduce_max3A_58 : vector<1xf32> to vector<1x1x1xf32>
    %reduce_max3A_60 = vector.extract %reduce_max3A_59[0, 0, 0] : f32 from vector<1x1x1xf32>
    %broadcast_in_dim3A_61 = vector.broadcast %reduce_max3A_60 : f32 to vector<1x16xf32>
    %reduce_max3A_62 = vector.shape_cast %select_n3A_56 : vector<1024x1xf32> to vector<1x1024x1xf32>
    %reduce_max3A_63 = arith.constant dense<0xFF800000> : vector<1xf32>
    %reduce_max3A_64 = vector.multi_reduction <maximumf>, %reduce_max3A_62, %reduce_max3A_63 [1, 2] : vector<1x1024x1xf32> to vector<1xf32>
    %reduce_max3A_65 = vector.shape_cast %reduce_max3A_64 : vector<1xf32> to vector<1x1x1xf32>
    %reduce_max3A_66 = vector.extract %reduce_max3A_65[0, 0, 0] : f32 from vector<1x1x1xf32>
    %broadcast_in_dim3A_67 = vector.broadcast %reduce_max3A_66 : f32 to vector<1x16xf32>
    %broadcast_in_dim3A_68 = arith.constant 0.000000e+00 : f32
    %broadcast_in_dim3A_69 = vector.broadcast %broadcast_in_dim3A_68 : f32 to vector<6x16xf32>
    %concatenate3A_70 = tpu.concatenate %broadcast_in_dim3A_61, %broadcast_in_dim3A_67, %broadcast_in_dim3A_69 in 0 : vector<1x16xf32>, vector<1x16xf32>, vector<6x16xf32> -> vector<8x16xf32>
    %eq3A = arith.constant 0 : i32
    %eq3A_71 = arith.cmpi eq, %arg0, %eq3A : i32
    %convert_element_type3A = arith.extui %eq3A_71 : i1 to i32
    %cond3A = arith.constant 0 : i32
    %cond3A_72 = arith.cmpi ne, %convert_element_type3A, %cond3A : i32
    scf.if %cond3A_72 {
      %swap3A_78 = arith.constant 0 : index
      %swap3A_79 = arith.constant 0 : index
      %swap3A_80 = vector.load %arg9[%swap3A_78, %swap3A_79] : memref<8x16xf32, #tpu.memory_space<vmem>>, vector<8x16xf32>
      tpu.vector_store %arg9[%swap3A_78, %swap3A_79], %concatenate3A_70 {strides = array<i32>} : memref<8x16xf32, #tpu.memory_space<vmem>>, vector<8x16xf32>,
    } else {
    }
    %gt3A_73 = arith.constant 0 : i32
    %gt3A_74 = arith.cmpi sgt, %arg0, %gt3A_73 : i32
    %convert_element_type3A_75 = arith.extui %gt3A_74 : i1 to i32
    %cond3A_76 = arith.constant 0 : i32
    %cond3A_77 = arith.cmpi ne, %convert_element_type3A_75, %cond3A_76 : i32
    scf.if %cond3A_77 {
      %get3A_78 = arith.constant 0 : index
      %get3A_79 = arith.constant 0 : index
      %get3A_80 = vector.load %arg9[%get3A_78, %get3A_79] : memref<8x16xf32, #tpu.memory_space<vmem>>, vector<8x16xf32>
      %max3A = arith.maximumf %get3A_80, %concatenate3A_70 : vector<8x16xf32>
      %swap3A_81 = arith.constant 0 : index
      %swap3A_82 = arith.constant 0 : index
      %swap3A_83 = vector.load %arg9[%swap3A_81, %swap3A_82] : memref<8x16xf32, #tpu.memory_space<vmem>>, vector<8x16xf32>
      tpu.vector_store %arg9[%swap3A_81, %swap3A_82], %max3A {strides = array<i32>} : memref<8x16xf32, #tpu.memory_space<vmem>>, vector<8x16xf32>,
    } else {
    }
    return
  }
  func.func @transform_0(%arg0: i32) -> (i32, i32) {
    %c0_i32 = arith.constant 0 : i32
    %c0_i32_0 = arith.constant 0 : i32
    return %arg0, %c0_i32 : i32, i32
  }
  func.func @transform_1(%arg0: i32) -> (i32, i32) {
    %c0_i32 = arith.constant 0 : i32
    %c0_i32_0 = arith.constant 0 : i32
    return %arg0, %c0_i32 : i32, i32
  }
  func.func @transform_2(%arg0: i32) -> (i32, i32) {
    %c0_i32 = arith.constant 0 : i32
    %c0_i32_0 = arith.constant 0 : i32
    %c0_i32_1 = arith.constant 0 : i32
    return %c0_i32, %c0_i32_0 : i32, i32
  }
  func.func @transform_3(%arg0: i32) -> (i32, i32) {
    %c0_i32 = arith.constant 0 : i32
    %c0_i32_0 = arith.constant 0 : i32
    %c0_i32_1 = arith.constant 0 : i32
    return %c0_i32, %c0_i32_0 : i32, i32
  }
  func.func @transform_4(%arg0: i32) -> (i32, i32) {
    %c0_i32 = arith.constant 0 : i32
    %c0_i32_0 = arith.constant 0 : i32
    %c0_i32_1 = arith.constant 0 : i32
    return %c0_i32, %c0_i32_0 : i32, i32
  }
  func.func @transform_5(%arg0: i32) -> (i32, i32) {
    %c0_i32 = arith.constant 0 : i32
    %c0_i32_0 = arith.constant 0 : i32
    %c0_i32_1 = arith.constant 0 : i32
    return %c0_i32, %c0_i32_0 : i32, i32
  }
  func.func @transform_6(%arg0: i32) -> (i32, i32) {
    %c0_i32 = arith.constant 0 : i32
    %c0_i32_0 = arith.constant 0 : i32
    %c0_i32_1 = arith.constant 0 : i32
    return %c0_i32, %c0_i32_0 : i32, i32
  }
  func.func @transform_7(%arg0: i32) -> (i32, i32) {
    %c0_i32 = arith.constant 0 : i32
    %c0_i32_0 = arith.constant 0 : i32
    return %arg0, %c0_i32 : i32, i32
  }
  func.func @transform_8(%arg0: i32) -> (i32, i32) {
    %c0_i32 = arith.constant 0 : i32
    %c0_i32_0 = arith.constant 0 : i32
    %c0_i32_1 = arith.constant 0 : i32
    return %c0_i32, %c0_i32_0 : i32, i32
  }
}

module attributes {stable_mosaic.version = 14 : i64} {
  func.func @_final_body(%arg0: i32, %arg1: memref<1024x128xf32, #tpu.memory_space<vmem>>, %arg2: memref<1024x128xf32, #tpu.memory_space<vmem>>, %arg3: memref<1x40xf32, #tpu.memory_space<vmem>>, %arg4: memref<1024x40xf32, #tpu.memory_space<vmem>>) attributes {dimension_semantics = [#tpu.dimension_semantics<arbitrary>], iteration_bounds = array<i64: 10>, scalar_prefetch = 0 : i64, scratch_operands = 0 : i64, tpu.core_type = #tpu.core_type<tc>, window_params = [{transform_indices = @transform_0, window_bounds = array<i64: 1024, 128>}, {transform_indices = @transform_1, window_bounds = array<i64: 1024, 128>}, {pipeline_mode = #tpu.pipeline_mode<synchronous>, transform_indices = @transform_2, window_bounds = array<i64: 1, 40>}, {transform_indices = @transform_3, window_bounds = array<i64: 1024, 40>}]} {
    %get3A = arith.constant 0 : index
    %get3A_0 = arith.constant 0 : index
    %get3A_1 = vector.load %arg1[%get3A, %get3A_0] : memref<1024x128xf32, #tpu.memory_space<vmem>>, vector<1024x128xf32>
    %get3A_2 = arith.constant 0 : index
    %get3A_3 = arith.constant 0 : index
    %get3A_4 = vector.load %arg2[%get3A_2, %get3A_3] : memref<1024x128xf32, #tpu.memory_space<vmem>>, vector<1024x128xf32>
    %slice3A = vector.extract_strided_slice %get3A_1 {offsets = [0, 0], sizes = [1024, 40], strides = [1, 1]} : vector<1024x128xf32> to vector<1024x40xf32>
    %slice3A_5 = vector.extract_strided_slice %get3A_4 {offsets = [0, 0], sizes = [1024, 40], strides = [1, 1]} : vector<1024x128xf32> to vector<1024x40xf32>
    %add3A = arith.addf %slice3A, %slice3A_5 : vector<1024x40xf32>
    %slice3A_6 = vector.extract_strided_slice %get3A_1 {offsets = [0, 40], sizes = [1024, 1], strides = [1, 1]} : vector<1024x128xf32> to vector<1024x1xf32>
    %slice3A_7 = vector.extract_strided_slice %get3A_4 {offsets = [0, 40], sizes = [1024, 1], strides = [1, 1]} : vector<1024x128xf32> to vector<1024x1xf32>
    %add3A_8 = arith.addf %slice3A_6, %slice3A_7 : vector<1024x1xf32>
    %add3A_9 = arith.constant 1.000000e-16 : f32
    %add3A_10 = vector.broadcast %add3A_9 : f32 to vector<1024x1xf32>
    %add3A_11 = arith.addf %add3A_8, %add3A_10 : vector<1024x1xf32>
    %div3A = vector.broadcast %add3A_11 : vector<1024x1xf32> to vector<1024x40xf32>
    %div3A_12 = arith.divf %add3A, %div3A : vector<1024x40xf32>
    %get3A_13 = arith.constant 0 : index
    %get3A_14 = arith.constant 0 : index
    %get3A_15 = vector.load %arg3[%get3A_13, %get3A_14] : memref<1x40xf32, #tpu.memory_space<vmem>>, vector<1x40xf32>
    %add3A_16 = vector.broadcast %get3A_15 : vector<1x40xf32> to vector<1024x40xf32>
    %add3A_17 = arith.addf %div3A_12, %add3A_16 : vector<1024x40xf32>
    %reduce_max3A = arith.constant dense<0xFF800000> : vector<1024xf32>
    %reduce_max3A_18 = vector.multi_reduction <maximumf>, %add3A_17, %reduce_max3A [1] : vector<1024x40xf32> to vector<1024xf32>
    %broadcast_in_dim3A = vector.shape_cast %reduce_max3A_18 : vector<1024xf32> to vector<1024x1xf32>
    %sub3A = vector.broadcast %broadcast_in_dim3A : vector<1024x1xf32> to vector<1024x40xf32>
    %sub3A_19 = arith.subf %add3A_17, %sub3A : vector<1024x40xf32>
    %exp3A = math.exp %sub3A_19 : vector<1024x40xf32>
    %reduce_sum3A = arith.constant dense<0.000000e+00> : vector<1024xf32>
    %reduce_sum3A_20 = vector.multi_reduction <add>, %exp3A, %reduce_sum3A [1] : vector<1024x40xf32> to vector<1024xf32>
    %broadcast_in_dim3A_21 = vector.shape_cast %reduce_sum3A_20 : vector<1024xf32> to vector<1024x1xf32>
    %log3A = math.log %broadcast_in_dim3A_21 : vector<1024x1xf32>
    %sub3A_22 = vector.broadcast %log3A : vector<1024x1xf32> to vector<1024x40xf32>
    %sub3A_23 = arith.subf %sub3A_19, %sub3A_22 : vector<1024x40xf32>
    %swap3A = arith.constant 0 : index
    %swap3A_24 = arith.constant 0 : index
    %swap3A_25 = vector.load %arg4[%swap3A, %swap3A_24] : memref<1024x40xf32, #tpu.memory_space<vmem>>, vector<1024x40xf32>
    tpu.vector_store %arg4[%swap3A, %swap3A_24], %sub3A_23 {strides = array<i32>} : memref<1024x40xf32, #tpu.memory_space<vmem>>, vector<1024x40xf32>,
    return
  }
  func.func @transform_0(%arg0: i32) -> (i32, i32) {
    %c0_i32 = arith.constant 0 : i32
    %c0_i32_0 = arith.constant 0 : i32
    return %arg0, %c0_i32 : i32, i32
  }
  func.func @transform_1(%arg0: i32) -> (i32, i32) {
    %c0_i32 = arith.constant 0 : i32
    %c0_i32_0 = arith.constant 0 : i32
    return %arg0, %c0_i32 : i32, i32
  }
  func.func @transform_2(%arg0: i32) -> (i32, i32) {
    %c0_i32 = arith.constant 0 : i32
    %c0_i32_0 = arith.constant 0 : i32
    %c0_i32_1 = arith.constant 0 : i32
    return %c0_i32, %c0_i32_0 : i32, i32
  }
  func.func @transform_3(%arg0: i32) -> (i32, i32) {
    %c0_i32 = arith.constant 0 : i32
    %c0_i32_0 = arith.constant 0 : i32
    return %arg0, %c0_i32 : i32, i32
  }
}

</mosaic_0001>

<sc_bundles>
// kernel: kernel.10.cloned.1.call-start
scs
__scs_entry_jumppad:
0x0: {  	(pc) =	sbr.rel $0x88, $3  }
0x1: {  	(tag) =	ssettag $0x0;
	lr =	simm.s32 $0x1  }
0x2: {  	[smem:$0x3F97] =	sst lr;
	_ =	strace $0xD0000000  }
0x3: {  	_ = 	snop  }
0x4: {  	_ = 	snop  }
0x5: {  	_ = 	snop  }
0x6: {  	_ = 	snop  }
0x7: {  	_ = 	snop  }
__scs_overlays_trampoline_lowered:
0x8: {  	[smem:$0x3FA6] =	sst s0  }
0x9: {  	[smem:$0x3FA7] =	sst s1  }
0xa: {  	[smem:$0x3FA8] =	sst s2  }
0xb: {  	[smem:$0x3FA9] =	sst s3  }
0xc: {  	[smem:$0x3FAA] =	sst s4  }
0xd: {  	[smem:$0x3FAB] =	sst s5  }
0xe: {  	[smem:$0x3FAC] =	sst s6  }
0xf: {  	[smem:$0x3FAD] =	sst s7  }
0x10: {  	[smem:$0x3FAE] =	sst s8  }
0x11: {  	[smem:$0x3FAF] =	sst s9;
	s0 =	simm.s32 @!p0 $0x0  }
0x12: {  	s1 =	sld [smem:$0x3F95];
	s0 =	simm.s32 @p0 $0x1  }
0x13: {  	[smem:$0x3FB0] =	sst s0;
	s0 =	simm.s32 @!p1 $0x0  }
0x14: {  	s2 =	sld [smem:$0x3F94];
	s0 =	simm.s32 @p1 $0x1  }
0x15: {  	[smem:$0x3FB1] =	sst s0;
	s0 =	simm.s32 @!p2 $0x0  }
0x16: {  	s3 =	sld [smem:$0x3FDB];
	s0 =	simm.s32 @p2 $0x1  }
0x17: {  	s4 =	simm.s32 $0x1BF5;
	[smem:$0x3FB3] =	sst s0  }
0x18: {  	s0 =	sld [smem:$0x3F96];
	_ =	swait.ge [sflag:s4], $0x0  }
0x19: {  	s7 =	sld [smem:$0x3F97]  }
0x1a: {  	s8 =	sadd.s32 $0xFFFFE003, lr  }
0x1b: {  	s9 =	sadd.s32 $0xFFFFFEF7, lr;
	s5 =	simm.s32 $0xFFFFFFFF;
	p2 =	slt.u32 s8, $0xFFFFF086  }
0x1c: {  	p1 =	slt.u32 s9, $0xF7A;
	s5 =	simm.s32 @!p2 $0x0  }
0x1d: {  	s5 =	simm.s32 @p1 $0x1;
	p0 =	seq.s32 s7, s2  }
0x1e: {  	s7 =	smul.u32 @!p0 $0xF7A, s2;
	p2 =	seq.s32 @!p0 s5, $0x0  }
0x1f: {  	s9 =	smul.u32 $0xF7A, s1;
	s8 =	simm.s32 @!p0 $0x1BF5;
	p2 =	por !p2, p0  }
0x20: {  	[sflag:s8] =	ssyncset.s32 @!p0 $0xFFFFF086;
	s6 =	sadd.s32 @!p0 s3, s7;
	s7 =	simm.s32 @!p0 $0x108  }
0x21: {  	s3 =	sadd.s32 s3, s9;
	s6 =	sadd.s32 @!p0 $0x88, s6;
	s7 =	simm.s32 @p2 $0x1082  }
0x22: {  	[simem:s7], [sflag:s8] =	dma.local @!p0 [hbm:s6], $0xF7A  }
0x23: {  	s9 =	sor.u32 $0xD0000000, s2;
	s6 =	simm.s32 $0x108;
	_ =	swait.ge @!p0 [sflag:s8], $0x0  }
0x24: {  	s3 =	sadd.s32 $0x88, s3;
	s6 =	simm.s32 @!p1 $0x1082;
	[sflag:s4] =	ssyncset.s32 $0xFFFFF086  }
0x25: {  	[simem:s6], [sflag:s4] =	dma.local [hbm:s3], $0xF7A  }
0x26: {  	[smem:$0x3F97] =	sst s1;
	(tag) =	ssettag s2;
	_ =	strace s9  }
0x27: {  	s1 =	sld [smem:$0x3FA7]  }
0x28: {  	s2 =	sld [smem:$0x3FA8]  }
0x29: {  	s4 =	sld [smem:$0x3FAA]  }
0x2a: {  	p0 =	seq.s32 s5, $0x0;
	s5 =	sld [smem:$0x3FAB]  }
0x2b: {  	s6 =	sld [smem:$0x3FAC]  }
0x2c: {  	s7 =	sld [smem:$0x3FAD]  }
0x2d: {  	s3 =	simm.s32 $0x108;
	s8 =	sld [smem:$0x3FAE]  }
0x2e: {  	s3 =	simm.s32 @!p0 $0x1082;
	s9 =	sld [smem:$0x3FAF]  }
0x2f: {  	lr =	sadd.s32 s0, s3;
	s0 =	sld [smem:$0x3FA6]  }
0x30: {  	s3 =	sld [smem:$0x3FA9]  }
0x31: {  	[smem:$0x3FB2] =	sst s10  }
0x32: {  	s10 =	sld [smem:$0x3FB0];
	_ =	sdelay $0x3  }
0x33: {  	p0 =	seq.s32 s10, $0x1;
	s10 =	sld [smem:$0x3FB2];
	_ =	sdelay $0x3  }
0x34: {  	[smem:$0x3FB2] =	sst s10  }
0x35: {  	s10 =	sld [smem:$0x3FB1];
	_ =	sdelay $0x3  }
0x36: {  	p1 =	seq.s32 s10, $0x1;
	s10 =	sld [smem:$0x3FB2];
	_ =	sdelay $0x3  }
0x37: {  	[smem:$0x3FB2] =	sst s10  }
0x38: {  	s10 =	sld [smem:$0x3FB3]  }
0x39: {  	_ = 	snop;
	(pc) =	sbr.ind lr, $3  }
0x3a: {  	_ = 	snop  }
0x3b: {  	_ = 	snop  }
0x3c: {  	p2 =	seq.s32 s10, $0x1;
	s10 =	sld [smem:$0x3FB2]  }
0x3d: {  	_ =	shalt  }
0x3e: {  	_ =	shalt  }
0x3f: {  	_ =	shalt  }
0x40: {  	_ =	shalt  }
0x41: {  	_ =	shalt  }
0x42: {  	_ =	shalt  }
0x43: {  	_ =	shalt  }
0x44: {  	_ =	shalt  }
0x45: {  	_ =	shalt  }
0x46: {  	_ =	shalt  }
0x47: {  	_ =	shalt  }
0x48: {  	_ =	shalt  }
0x49: {  	_ =	shalt  }
0x4a: {  	_ =	shalt  }
0x4b: {  	_ =	shalt  }
0x4c: {  	_ =	shalt  }
0x4d: {  	_ =	shalt  }
0x4e: {  	_ =	shalt  }
0x4f: {  	_ =	shalt  }
0x50: {  	_ =	shalt  }
0x51: {  	_ =	shalt  }
0x52: {  	_ =	shalt  }
0x53: {  	_ =	shalt  }
0x54: {  	_ =	shalt  }
0x55: {  	_ =	shalt  }
0x56: {  	_ =	shalt  }
0x57: {  	_ =	shalt  }
0x58: {  	_ =	shalt  }
0x59: {  	_ =	shalt  }
0x5a: {  	_ =	shalt  }
0x5b: {  	_ =	shalt  }
0x5c: {  	_ =	shalt  }
0x5d: {  	_ =	shalt  }
0x5e: {  	_ =	shalt  }
0x5f: {  	_ =	shalt  }
0x60: {  	_ =	shalt  }
0x61: {  	_ =	shalt  }
0x62: {  	_ =	shalt  }
0x63: {  	_ =	shalt  }
0x64: {  	_ =	shalt  }
0x65: {  	_ =	shalt  }
0x66: {  	_ =	shalt  }
0x67: {  	_ =	shalt  }
0x68: {  	_ =	shalt  }
0x69: {  	_ =	shalt  }
0x6a: {  	_ =	shalt  }
0x6b: {  	_ =	shalt  }
0x6c: {  	_ =	shalt  }
0x6d: {  	_ =	shalt  }
0x6e: {  	_ =	shalt  }
0x6f: {  	_ =	shalt  }
0x70: {  	_ =	shalt  }
0x71: {  	_ =	shalt  }
0x72: {  	_ =	shalt  }
0x73: {  	_ =	shalt  }
0x74: {  	_ =	shalt  }
0x75: {  	_ =	shalt  }
0x76: {  	_ =	shalt  }
0x77: {  	_ =	shalt  }
0x78: {  	_ =	shalt  }
0x79: {  	_ =	shalt  }
0x7a: {  	_ =	shalt  }
0x7b: {  	_ =	shalt  }
0x7c: {  	_ =	shalt  }
0x7d: {  	_ =	shalt  }
0x7e: {  	_ =	shalt  }
0x7f: {  	_ =	shalt  }
0x80: {  	_ =	shalt  }
0x81: {  	_ =	shalt  }
0x82: {  	_ =	shalt  }
0x83: {  	_ =	shalt  }
0x84: {  	_ =	shalt  }
0x85: {  	_ =	shalt  }
0x86: {  	_ =	shalt  }
0x87: {  	_ =	shalt  }
.Lfunc_end0:
.L_simem_size_0:
called_computation.1_lowered:
.L_overlay_start_0:
0x88: {  	s2 =	sld [smem:$0x3FD9]  }
0x89: {  	s3 =	sld [smem:$0x3FFE];
	_ =	sdelay $0x1  }
0x8a: {  	s1 =	srdreg.scid  }
0x8b: {  	s0 =	sand.u32 $0x1, s1  }
0x8c: {  	s17 =	sshll.u32 s0, $0xA;
	s2 =	sadd.s32 s3, s2  }
0x8d: {  	s2 =	sadd.s32 s2, s17  }
0x8e: {  	[smem:$0x3FBE] =	sst s2  }
0x8f: {  	_ = 	snop  }
0x90: {  	s2 =	sld [smem:$0x3FD0];
	(tm) =	ssettm $0x1  }
0x91: {  	s18 =	sld [smem:$0x3FFB];
	_ =	sdelay $0x3  }
0x92: {  	_ =	strace s18  }
0x93: {  	s3 =	sld [smem:$0x3FFC];
	_ =	sdelay $0x3  }
0x94: {  	_ =	strace s3  }
0x95: {  	s3 =	sld [smem:$0x3FFD];
	_ =	sdelay $0x3  }
0x96: {  	_ =	strace s3  }
0x97: {  	_ =	strace $0x8FFFFFFF  }
0x98: {  	s19 =	sld [smem:$0x3FDB];
	_ =	sdelay $0x1  }
0x99: {  	s4 =	simm.s32 $_scs_section_size  }
0x9a: {  	s5 =	simm.s32 $_size__tile_overlayer_lowered;
	s6 =	simm.s32 $_tile_overlayer_lowered  }
0x9b: {  	s22 =	simm.s32 $0x1BFF;
	s21 =	sshll.u32 s6, $0x1;
	s3 =	sadd.s32 s4, s19  }
0x9c: {  	s7 =	simm.s32 $0x0;
	s20 =	sshll.u32 s5, $0x1;
	s5 =	sadd.s32 s21, s3  }
0x9d: {  	[timem:s7], [sflag:s22] =	dma.local [hbm:s5], s20  }
0x9e: {  	_ =	swait.ge [sflag:s22], s20  }
0x9f: {  	s4 =	ssub.s32 $0x0, s20;
	[sflag:s22] =	ssyncset.done $0x0  }
0xa0: {  	[sflag:s22] =	ssyncadd.s32 s4;
	_ =	sdelay $0x1  }
0xa1: {  	s23 =	simm.s32 $0x1B8B  }
0xa2: {  	_ =	swait.ge [sflag:s23], $0x1  }
0xa3: {  	[sflag:s23] =	ssyncset.done $0x0  }
0xa4: {  	s25 =	simm.s32 $0x1B8E;
	s24 =	sld [smem:$0x3FFE];
	[sflag:s23] =	ssyncadd.s32 $0xFFFFFFFF  }
0xa5: {  	s26 =	simm.s32 $execute0_lowered;
	[smem:$0x3FD2] =	sst s25  }
0xa6: {  	s5 =	sshll.u32 s26, $0x1;
	_ =	strace $0x80000049;
	[dreg:$0x1] =	wrdreg $0xFFFFFFFF  }
0xa7: {  	s28 =	simm.s32 $_size_execute0_lowered;
	s3 =	sadd.s32 s3, s5;
	[dreg:$0x0] =	wrdreg $0x0  }
0xa8: {  	s5 =	sshll.u32 s28, $0x1;
	[dreg:$0x2] =	wrdreg s3  }
0xa9: {  	[dreg:$0x3] =	wrdreg s5  }
0xaa: {  	[dreg:$0x4] =	wrdreg $0xC0  }
0xab: {  	_ =	task [dreg:s7], $0x5FFFF  }
0xac: {  	[dreg:$0x1] =	wrdreg $0xFFFFFFFF  }
0xad: {  	[dreg:$0x0] =	wrdreg $0x60  }
0xae: {  	[dreg:$0x2] =	wrdreg s2  }
0xaf: {  	[dreg:$0x3] =	wrdreg s24  }
0xb0: {  	[dreg:$0x4] =	wrdreg $0x0  }
0xb1: {  	[dreg:$0x5] =	wrdreg $0x9  }
0xb2: {  	_ =	task.clear_ibuf [dreg:s7], $0x6FFFF;
	_ =	strace $0x90000049  }
0xb3: {  	s29 =	simm.s32 $0x9;
	_ =	strace $0x8000004B  }
0xb4: {  	_ =	swait.ge [sflag:s29], $0x1  }
0xb5: {  	[sflag:s29] =	ssyncadd.s32 $0xFFFFFFFF  }
0xb6: {  	_ =	strace $0x9000004B  }
0xb7: {  	_ =	sfence  }
0xb8: {  	s30 =	sld [smem:$0x0];
	_ =	sdelay $0x2  }
0xb9: {  	s31 =	sshll.u32 s1, $0xD;
	s1 =	sshrl.u32 s1, $0x2  }
0xba: {  	s3 =	sand.u32 $0x4000, s31;
	s1 =	sadd.s32 s1, s30  }
0xbb: {  	s0 =	sor.u32 s3, s0;
	s1 =	sshll.u32 s1, $0x11  }
0xbc: {  	s0 =	sor.u32 s1, s0  }
0xbd: {  	s0 =	sadd.s32 $0x8F2B, s0  }
0xbe: {  	[sflag:s0] =	ssyncadd.remote.s32 $0x1  }
0xbf: {  	_ =	sfence.sel $0xFFFF  }
0xc0: {  	[dreg:$0x0] =	wrdreg $0xFFFFFFFF;
	(pc) =	sbr.abs _section_cstart, $3  }
0xc1: {  	[dreg:$0x1] =	wrdreg $0xFFFFFFFF  }
0xc2: {  	_ =	task.clear_ibuf [dreg:s7], $0x2FFFF;
	_ =	strace $0x9FFFFFFF  }
0xc3: {  	(tm) =	ssettm $0x7FFFFFFF  }
tec
execute0_lowered:
.L_overlay_start_1:
0x0: {  	(tag) =	ssettag $0x1  }
0x1: {  	s1 =	rddreg [dreg:$0x0]  }
0x2: {  	s0 =	rddreg [dreg:$0x1]  }
0x3: {  	s3 =	rddreg [dreg:$0x2];
	s2 =	srdreg.scid  }
0x4: {  	s12 =	stileid.u32;
	s4 =	simm.s32 $0x0;
	s20 =	simm.s32 $0x5  }
0x5: {  	s28 =	simm.s32 $0x1BD80;
	s31 =	simm.s32 $0x80;
	s30 =	simm.s32 $0x3  }
0x6: {  	s2 =	sand.u32 $0x1, s2;
	s7 =	smul.u32 $0x13C00, s12;
	[smem:$0x7FF] =	sst s4  }
0x7: {  	s5 =	sadd.s32 $0x1E00, s0;
	s6 =	sadd.s32 $0xC000, s0;
	s9 =	sadd.s32 $0x34000, s0  }
0x8: {  	s13 =	sadd.s32 $0x34200, s0;
	s11 =	smul.u32 $0x4F000, s12;
	s23 =	sshll.u32 s12, $0x6  }
0x9: {  	s8 =	smul.u32 $0x140000, s2;
	_ =	strace $0x8000004A;
	[dreg:$0x4] =	wrdreg s9  }
0xa: {  	s21 =	ssub.s32 $0x2, s2;
	s2 =	sshll.u32 s2, $0x4;
	[dreg:$0x5] =	wrdreg s13  }
0xb: {  	s10 =	sshrl.u32 s21, $0x1;
	s2 =	sor.u32 s12, s2;
	s11 =	sshrl.u32 s11, $0x2  }
0xc: {  	s12 =	simm.s32 $0x0;
	s8 =	sadd.s32 s7, s8;
	s10 =	ssub.s32 s21, s10  }
0xd: {  	s7 =	sshrl.u32 s7, $0x3;
	s9 =	smul.u32 $0x2880, s2;
	s22 =	sadd.s32 s11, s3  }
0xe: {  	s11 =	sor.u32 $0x1C05, s23;
	s21 =	simm.s32 $0x1BE00;
	s2 =	simm.s32 $0x17C80  }
0xf: {  	s23 =	simm.s32 $0x17CC0;
	s8 =	sshrl.u32 s8, $0x3;
	s7 =	sadd.s32 s13, s7  }
0x10: {  	s29 =	smax.u32 s10, $0x1;
	s13 =	sshrl.u32 s22, $0x3;
	[dreg:$0x6] =	wrdreg s7  }
0x11: {  	s22 =	simm.s32 $0x1DE00;
	s8 =	sadd.s32 s8, s0;
	[dreg:$0xb] =	wrdreg s29  }
0x12: {  	s0 =	sadd.s32 $0x34010, s0;
	s24 =	sshrl.u32 s9, $0x3;
	[dreg:$0xc] =	wrdreg s13  }
0x13: {  	s10 =	simm.s32 $0x2;
	[dreg:$0x7] =	wrdreg s0;
	s25 =	sadd.s32 s1, s24  }
0x14: {  	s15 =	sor.u32 $0x40, s9;
	s0 =	sadd.s32 s5, s24;
	[dreg:$0x8] =	wrdreg s25  }
0x15: {  	s16 =	sadd.s32 $0x80, s9;
	s26 =	sadd.s32 $0x5C200, s8;
	[dreg:$0x9] =	wrdreg s0  }
0x16: {  	v0 =	vimm.s32 $0x0;
	s7 =	simm.s32 $0x4;
	s24 =	simm.s32 $0x17D00;
	[dreg:$0xa] =	wrdreg s26  }
0x17: {  	v1 =	vimm.s32 $0x8;
	vm0 =	vcmask $0x3F24;
	vm1 =	vmmov $0xff;
	s25 =	simm.s32 $0x40;
	s26 =	simm.s32 $0x1BD00;
	s0 =	simm.s32 $0x1  }
.LBB2_1:
0x18: {  	s8 =	rddreg [dreg:$0x6]  }
0x19: {  	[spmem:s13], [sflag:s11] =	dma.local [hbm:s8], $0x2780  }
0x1a: {  	_ =	swait.ge [sflag:s20], $0x2780  }
0x1b: {  	[sflag:s20] =	ssyncset.done $0x0  }
0x1c: {  	s13 =	rddreg [dreg:$0x5];
	[sflag:s20] =	ssyncadd.s32 $0xFFFFD880  }
0x1d: {  	[tilespmem:s21], [sflag:$0x5] =	stream.linear.gather [hbm4b:s13+s4], $0x2000, $0x38;
	[tilespmem:$0x1FF80] =	vst v63  }
0x1e: {  	_ =	swait.ge [sflag:s20], $0x2000  }
0x1f: {  	[sflag:s20] =	ssyncset.done $0x0  }
0x20: {  	[sflag:s20] =	ssyncadd.s32 $0xFFFFE000  }
0x21: {  	[tilespmem:s22], [sflag:$0x5] =	stream.linear.gather [hbm4b:s13+s4], $0x2000, $0x38;
	[tilespmem:$0x1FF80] =	vst v63  }
0x22: {  	_ =	swait.ge [sflag:s20], $0x2000  }
0x23: {  	[sflag:s20] =	ssyncset.done $0x0  }
0x24: {  	s17 =	simm.s32 $0x1FE00;
	s14 =	rddreg [dreg:$0x4];
	[sflag:s20] =	ssyncadd.s32 $0xFFFFE000  }
0x25: {  	[tilespmem:s17], [sflag:$0x5] =	stream.linear.gather [hbm4b:s14+s4], $0x80, $0x38;
	[tilespmem:$0x1FF80] =	vst v63  }
0x26: {  	_ =	swait.ge [sflag:s20], $0x80  }
0x27: {  	[sflag:s20] =	ssyncset.done $0x0  }
0x28: {  	s29 =	simm.s32 $0x1FE80;
	s18 =	rddreg [dreg:$0x7];
	[sflag:s20] =	ssyncadd.s32 $0xFFFFFF80  }
0x29: {  	[tilespmem:s29], [sflag:$0x5] =	stream.linear.gather [hbm4b:s18+s4], $0x80, $0x38;
	[tilespmem:$0x1FF80] =	vst v63  }
0x2a: {  	_ =	swait.ge [sflag:s20], $0x80  }
0x2b: {  	[sflag:s20] =	ssyncset.done $0x0  }
0x2c: {  	[sflag:s20] =	ssyncadd.s32 $0xFFFFFF80  }
0x2d: {  	[bflag:$0x0] =	sbarrier.arrive $0xFFFF  }
0x2e: {  	v2 =	vld [tilespmem:$0x1FE00]  }
0x2f: {  	v3 =	vld [tilespmem:$0x1FE80];
	_ =	sdelay $0x1  }
0x30: {  	[tilespmem:$0x1BD00] =	vst v0  }
0x31: {  	[tilespmem:$0x1BD80] =	vst v0  }
0x32: {  	[tilespmem:$0x1BD10] =	vst v0  }
0x33: {  	[tilespmem:$0x1BD90] =	vst v0;
	v2 =	vadd.f32 v3, v2  }
0x34: {  	[tilespmem:$0x1BD20] =	vst v0  }
0x35: {  	[tilespmem:$0x1BDA0] =	vst v0;
	v3 =	vmul.f32 $2.000000030e-01, v2  }
0x36: {  	[tilespmem:$0x1BD30] =	vst v0;
	vm2 =	vge.f32 v2, $0.0e+00  }
0x37: {  	[tilespmem:$0x1BDB0] =	vst v0;
	v2 =	vsel vm2, v2, v3  }
0x38: {  	[tilespmem:$0x1FF00] =	vst v2  }
0x39: {  	[spmem:s3] =	stream.indirect.scatter.add.f32 [tilespmem:s21], [sflag:$0x3], $0x80, s26, s25, $0xb8;
	[tilespmem:$0x1FF80] =	vst v63  }
0x3a: {  	_ = 	snop  }
0x3b: {  	[spmem:s3] =	stream.indirect.scatter.add.f32 [tilespmem:s22], [sflag:$0x4], $0x80, s28, s25, $0xb8;
	[tilespmem:$0x1FF80] =	vst v63  }
0x3c: {  	s14 =	simm.s32 $0x13C00;
	s13 =	rddreg [dreg:$0x8]  }
0x3d: {  	[tilespmem:s14], [sflag:$0x5] =	stream.linear.gather [hbm4b:s13+s4], $0x40, $0x38;
	[tilespmem:$0x1FF80] =	vst v63  }
0x3e: {  	_ =	swait.ge [sflag:s20], $0x40  }
0x3f: {  	[sflag:s20] =	ssyncset.done $0x0  }
0x40: {  	s18 =	simm.s32 $0x13C40;
	s17 =	rddreg [dreg:$0x9];
	[sflag:s20] =	ssyncadd.s32 $0xFFFFFFC0  }
0x41: {  	[tilespmem:s18], [sflag:$0x5] =	stream.linear.gather [hbm4b:s17+s4], $0x40, $0x38;
	[tilespmem:$0x1FF80] =	vst v63  }
0x42: {  	_ =	swait.ge [sflag:s20], $0x40  }
0x43: {  	s19 =	smov.u32 s11;
	[sflag:s20] =	ssyncset.done $0x0  }
0x44: {  	s29 =	simm.s32 $0x13C80;
	s13 =	simm.s32 $0x0;
	[sflag:s20] =	ssyncadd.s32 $0xFFFFFFC0  }
0x45: {  	[tilespmem:s29], [sflag:$0x1] =	stream.indirect.gather [hbm4b:s6+s31], $0x80, s14, s31, $0xb8;
	[tilespmem:$0x1FF80] =	vst v63  }
.LBB2_2:
0x46: {  	s14 =	sshll.u32 s13, $0x7  }
0x47: {  	s8 =	sadd.s32 s14, s15  }
0x48: {  	s8 =	sshrl.u32 s8, $0x3  }
0x49: {  	s17 =	simm.s32 $0x0;
	s11 =	sadd.s32 s1, s8  }
0x4a: {  	[tilespmem:s2], [sflag:$0x5] =	stream.linear.gather [hbm4b:s11+s17], $0x40, $0x38;
	[tilespmem:$0x1FF80] =	vst v63  }
0x4b: {  	_ =	swait.ge [sflag:s20], $0x40  }
0x4c: {  	[sflag:s20] =	ssyncset.done $0x0  }
0x4d: {  	s29 =	sadd.s32 s5, s8;
	[sflag:s20] =	ssyncadd.s32 $0xFFFFFFC0  }
0x4e: {  	[tilespmem:s23], [sflag:$0x5] =	stream.linear.gather [hbm4b:s29+s17], $0x40, $0x38;
	[tilespmem:$0x1FF80] =	vst v63  }
0x4f: {  	_ =	swait.ge [sflag:s20], $0x40  }
0x50: {  	[sflag:s20] =	ssyncset.done $0x0  }
0x51: {  	[sflag:s20] =	ssyncadd.s32 $0xFFFFFFC0  }
0x52: {  	[tilespmem:s24], [sflag:$0x2] =	stream.indirect.gather [hbm4b:s6+s31], $0x80, s2, s31, $0xb8;
	[tilespmem:$0x1FF80] =	vst v63  }
0x53: {  	s18 =	sadd.s32 s9, s14;
	_ =	swait.ge [sflag:s30], $0x2000  }
0x54: {  	s8 =	sshrl.u32 s18, $0x3;
	[sflag:s30] =	ssyncset.done $0x0  }
0x55: {  	s8 =	sadd.s32 s5, s8;
	[sflag:s30] =	ssyncadd.s32 $0xFFFFE000  }
0x56: {  	[tilespmem:s26], [sflag:$0x5] =	stream.linear.gather [hbm4b:s8+s17], $0x40, $0x38;
	[tilespmem:$0x1FF80] =	vst v63  }
0x57: {  	_ =	swait.ge [sflag:s20], $0x40  }
0x58: {  	[sflag:s20] =	ssyncset.done $0x0  }
0x59: {  	[sflag:s20] =	ssyncadd.s32 $0xFFFFFFC0  }
0x5a: {  	_ =	swait.ge [sflag:s0], $0x4000  }
0x5b: {  	[sflag:s0] =	ssyncset.done $0x0  }
0x5c: {  	s18 =	simm.s32 $0x0;
	[sflag:s0] =	ssyncadd.s32 $0xFFFFC000  }
0x5d: {  	v8 =	vld [tilespmem:s18+$0x13E20]  }
0x5e: {  	v3 =	vld [tilespmem:s18+$0x15E30];
	_ =	sdelay $0x1  }
0x5f: {  	v2 =	vld [tilespmem:$0x1FF00]  }
0x60: {  	v15 =	vld [tilespmem:s18+$0x13CA0]  }
0x61: {  	v4 =	vld [tilespmem:s18+$0x15CB0]  }
0x62: {  	v18 =	vld [tilespmem:s18+$0x13D20];
	v5 =	vperm.xlane v8, v1;
	v3 =	vperm.xlane v3, v0  }
0x63: {  	v6 =	vld [tilespmem:s18+$0x15D30]  }
0x64: {  	v28 =	vld [tilespmem:s18+$0x13DA0];
	v3 =	vadd.f32 v3, v5  }
0x65: {  	v5 =	vld [tilespmem:s18+$0x15DB0]  }
0x66: {  	v7 =	vmul.f32 $2.000000030e-01, v3  }
0x67: {  	v9 =	vperm.xlane v15, v1;
	v4 =	vperm.xlane v4, v0;
	vm2 =	vge.f32 v3, $0.0e+00  }
0x68: {  	v10 =	vperm.xlane v18, v1;
	v13 =	vperm.xlane v6, v0;
	v3 =	vsel vm2, v3, v7  }
0x69: {  	v12 =	vld [tilespmem:s18+$0x13C80];
	v4 =	vadd.f32 v4, v9;
	v3 =	vsub.f32 v3, v2  }
0x6a: {  	v11 =	vld [tilespmem:s18+$0x13C90];
	v9 =	vperm.xlane v28, v1;
	v13 =	vadd.f32 v13, v10;
	v5 =	vperm.xlane v5, v0  }
0x6b: {  	s17 =	simm.s32 $0x200;
	v16 =	vld [tilespmem:s18+$0x13D90];
	v3 =	vmul.f32 $1.442695020e+00, v3  }
0x6c: {  	v21 =	vld [tilespmem:s17+$0x13E20];
	v14 =	vmul.f32 $2.000000030e-01, v4;
	v17 =	vmul.f32 $2.000000030e-01, v13;
	v5 =	vadd.f32 v5, v9  }
0x6d: {  	v23 =	vld [tilespmem:s17+$0x15D30];
	vm3 =	vge.f32 v13, $0.0e+00;
	vm2 =	vge.f32 v4, $0.0e+00;
	(erf) = vpow2.f32 v3  }
0x6e: {  	v3 =	vsel vm2, v4, v14;
	v4 =	vsel vm3, v13, v17;
	v13 =	vmul.f32 $2.000000030e-01, v5;
	v14 =	vld [tilespmem:s17+$0x15E30]  }
0x6f: {  	vm2 =	vge.f32 v5, $0.0e+00;
	v17 =	vld [tilespmem:s17+$0x15CB0];
	v3 =	vsub.f32 v3, v2  }
0x70: {  	v4 =	vsub.f32 v4, v2;
	v13 =	vsel vm2, v5, v13;
	v5 =	vld [tilespmem:s17+$0x13CA0]  }
0x71: {  	v25 =	vld [tilespmem:s17+$0x15DB0];
	v3 =	vmul.f32 $1.442695020e+00, v3  }
0x72: {  	v20 =	vperm.xlane v21, v1;
	v9 =	vld [tilespmem:s18+$0x13E00];
	v4 =	vmul.f32 $1.442695020e+00, v4;
	v13 =	vsub.f32 v13, v2  }
0x73: {  	(erf) = vpow2.f32 v3;
	v3 =	vld [tilespmem:s17+$0x13D20];
	v14 =	vperm.xlane v14, v0  }
0x74: {  	v13 =	vmul.f32 $1.442695020e+00, v13;
	(erf) = vpow2.f32 v4;
	v4 =	vld [tilespmem:s17+$0x13DA0]  }
0x75: {  	v22 =	vld [tilespmem:s18+$0x13E10];
	v26 =	vperm.xlane v17, v0;
	v24 =	vperm.xlane v5, v1;
	v27 =	vadd.f32 v14, v20  }
0x76: {  	v6 =	vld [tilespmem:s18+$0x13D10];
	v23 =	vperm.xlane v23, v0;
	(erf) = vpow2.f32 v13  }
0x77: {  	v25 =	vperm.xlane v25, v0;
	v10 =	vld [tilespmem:s18+$0x13D80];
	v19 =	vpop (erf);
	v31 =	vmul.f32 $2.000000030e-01, v27;
	v24 =	vadd.f32 v26, v24  }
0x78: {  	v7 =	vld [tilespmem:s18+$0x13D00];
	vm2 =	vge.f32 v27, $0.0e+00;
	v8 =	vmul.f32 v19, v8;
	v29 =	vperm.xlane v3, v1  }
0x79: {  	v17 =	vld [tilespmem:s17+$0x13C80];
	v30 =	vmul.f32 v19, v9;
	v9 =	vsel vm0, $0x0, v19;
	v32 =	vperm.xlane v4, v1  }
0x7a: {  	v20 =	vld [tilespmem:s17+$0x13C90];
	v8 =	vsel vm1, v8, v9;
	v23 =	vadd.f32 v23, v29;
	v9 =	vsel vm2, v27, v31  }
0x7b: {  	v13 =	vld [tilespmem:s17+$0x13D00];
	vm2 =	vge.f32 v24, $0.0e+00;
	v27 =	vmul.f32 $2.000000030e-01, v24;
	v29 =	vsub.f32 v9, v2  }
0x7c: {  	v14 =	vld [tilespmem:s17+$0x13D10];
	[tilespmem:s18+$0x1BFA0] =	vst v8;
	v32 =	vadd.f32 v25, v32;
	v26 =	vpop (erf);
	vm3 =	vge.f32 v23, $0.0e+00;
	v31 =	vmul.f32 $2.000000030e-01, v23  }
0x7d: {  	v9 =	vld [tilespmem:s17+$0x13D80];
	v33 =	vsel vm2, v24, v27;
	v29 =	vmul.f32 $1.442695020e+00, v29;
	v27 =	vmul.f32 v26, v15  }
0x7e: {  	v8 =	vld [tilespmem:s17+$0x13D90];
	[tilespmem:s18+$0x1BF80] =	vst v30;
	v24 =	vpop (erf);
	vm2 =	vge.f32 v32, $0.0e+00;
	v30 =	vmul.f32 $2.000000030e-01, v32;
	v15 =	vsel vm3, v23, v31  }
0x7f: {  	v25 =	vpop (erf);
	v23 =	vld [tilespmem:s17+$0x13E00];
	v31 =	vsub.f32 v33, v2;
	v63 =	vsub.f32 v15, v2;
	(erf) = vpow2.f32 v29  }
0x80: {  	s11 =	simm.s32 $0x400;
	v15 =	vld [tilespmem:s17+$0x13E10];
	v32 =	vsel vm2, v32, v30;
	v29 =	vmul.f32 v24, v18;
	v28 =	vmul.f32 v25, v28  }
0x81: {  	s8 =	simm.s32 $0x1800;
	v18 =	vld [tilespmem:s11+$0x13E20];
	v31 =	vmul.f32 $1.442695020e+00, v31;
	v32 =	vsub.f32 v32, v2;
	v30 =	vmul.f32 $1.442695020e+00, v63  }
.LBB2_3:
0x82: {  	p0 =	sne.s32 s8, $0x7800;
	v33 =	vld [tilespmem:s11+$0x15E30];
	v34 =	vmul.f32 v26, v12;
	v35 =	vmul.f32 v26, v11;
	v26 =	vsel vm0, $0x0, v26;
	v12 =	vmovc v17;
	v11 =	vmovc v20  }
0x83: {  	v20 =	vsel vm0, $0x0, v24;
	v36 =	vld [tilespmem:s11+$0x13CA0];
	v17 =	vmul.f32 $1.442695020e+00, v32;
	(erf) = vpow2.f32 v31  }
0x84: {  	v32 =	vsel vm0, $0x0, v25;
	v31 =	vld [tilespmem:s11+$0x15CB0];
	(erf) = vpow2.f32 v30;
	[tilespmem:s18+$0x1BE00] =	vst v34;
	v30 =	vmul.f32 v24, v7;
	v7 =	vmovc v13  }
0x85: {  	v13 =	vsel vm1, v27, v26;
	v24 =	vmul.f32 v24, v6;
	v6 =	vmovc v14;
	v34 =	vld [tilespmem:s11+$0x13D20];
	(erf) = vpow2.f32 v17;
	[tilespmem:s18+$0x1BE10] =	vst v35  }
0x86: {  	v26 =	vmul.f32 v25, v10;
	v25 =	vmul.f32 v25, v16;
	v14 =	vld [tilespmem:s11+$0x15D30];
	[tilespmem:s18+$0x1BE20] =	vst v13;
	v13 =	vsel vm1, v29, v20  }
0x87: {  	v37 =	vperm.xlane v18, v1;
	v35 =	vld [tilespmem:s11+$0x13DA0];
	v20 =	vperm.xlane v33, v0;
	[tilespmem:s18+$0x1BEA0] =	vst v13;
	v13 =	vsel vm1, v28, v32  }
0x88: {  	v10 =	vmov v9;
	v29 =	vmul.f32 v19, v22;
	v27 =	vperm.xlane v36, v1;
	v28 =	vld [tilespmem:s11+$0x15DB0];
	[tilespmem:s18+$0x1BF20] =	vst v13;
	v19 =	vpop (erf)  }
0x89: {  	v9 =	vperm.xlane v31, v0;
	v17 =	vld [tilespmem:s11+$0x13C80];
	v31 =	vadd.f32 v20, v37;
	v21 =	vmul.f32 v19, v21;
	[tilespmem:s18+$0x1BE80] =	vst v30  }
0x8a: {  	v16 =	vmovc v8;
	v23 =	vmul.f32 v19, v23;
	v32 =	vsel vm0, $0x0, v19;
	v20 =	vld [tilespmem:s11+$0x13C90];
	v30 =	vperm.xlane v34, v1;
	[tilespmem:s18+$0x1BE90] =	vst v24  }
0x8b: {  	v22 =	vmovc v15;
	v8 =	vperm.xlane v14, v0;
	v13 =	vld [tilespmem:s11+$0x13D00];
	v33 =	vmul.f32 $2.000000030e-01, v31;
	v21 =	vsel vm1, v21, v32;
	[tilespmem:s18+$0x1BF00] =	vst v26  }
0x8c: {  	v15 =	vadd.f32 v9, v27;
	vm2 =	vge.f32 v31, $0.0e+00;
	v14 =	vld [tilespmem:s11+$0x13D10];
	v27 =	vperm.xlane v35, v1;
	[tilespmem:s17+$0x1BFA0] =	vst v21;
	v26 =	vpop (erf)  }
0x8d: {  	v30 =	vadd.f32 v8, v30;
	v37 =	vperm.xlane v28, v0;
	v9 =	vld [tilespmem:s11+$0x13D80];
	v28 =	vsel vm2, v31, v33;
	v24 =	vpop (erf);
	[tilespmem:s18+$0x1BF10] =	vst v25  }
0x8e: {  	vm2 =	vge.f32 v15, $0.0e+00;
	v31 =	vmul.f32 $2.000000030e-01, v15;
	v8 =	vld [tilespmem:s11+$0x13D90];
	v28 =	vsub.f32 v28, v2;
	[tilespmem:s17+$0x1BF80] =	vst v23;
	v25 =	vpop (erf)  }
0x8f: {  	v21 =	vmovc v18;
	vm3 =	vge.f32 v30, $0.0e+00;
	v32 =	vmul.f32 $2.000000030e-01, v30;
	v33 =	vadd.f32 v37, v27;
	v23 =	vld [tilespmem:s11+$0x13E00];
	[tilespmem:s18+$0x1BF90] =	vst v29;
	s18 =	smov.u32 s17;
	s17 =	smov.u32 s11  }
.Ltmp0:
0x90: {  	v18 =	vsel vm2, v15, v31;
	v27 =	vmul.f32 v26, v5;
	v5 =	vmovc v36;
	v28 =	vmul.f32 $1.442695020e+00, v28;
	v15 =	vld [tilespmem:s17+$0x13E10];
	(pc) =	sbr.rel @p0 .LBB2_3-.Ltmp0, $4  }
0x91: {  	v29 =	vsel vm3, v30, v32;
	vm2 =	vge.f32 v33, $0.0e+00;
	v30 =	vmul.f32 $2.000000030e-01, v33  }
0x92: {  	v31 =	vsub.f32 v18, v2;
	v32 =	vsub.f32 v29, v2;
	(erf) = vpow2.f32 v28  }
0x93: {  	s11 =	sshra.s32 s8, $0x2;
	v29 =	vmul.f32 v24, v3;
	v28 =	vmul.f32 v25, v4;
	v3 =	vmovc v34;
	v33 =	vsel vm2, v33, v30  }
0x94: {  	s8 =	sadd.s32 $0x800, s8;
	v31 =	vmul.f32 $1.442695020e+00, v31;
	v4 =	vmovc v35;
	v18 =	vld [tilespmem:s11+$0x13E20];
	v30 =	vmul.f32 $1.442695020e+00, v32;
	v32 =	vsub.f32 v33, v2  }
0x95: {  	v33 =	vld [tilespmem:s11+$0x15E30];
	v12 =	vmul.f32 v26, v12  }
0x96: {  	v34 =	vld [tilespmem:s11+$0x13CA0];
	v11 =	vmul.f32 v26, v11  }
0x97: {  	v35 =	vld [tilespmem:s11+$0x15CB0];
	v26 =	vsel vm0, $0x0, v26;
	[tilespmem:s18+$0x1BE00] =	vst v12  }
0x98: {  	v12 =	vld [tilespmem:s11+$0x13D20];
	[tilespmem:s18+$0x1BE10] =	vst v11;
	v11 =	vsel vm1, v27, v26  }
0x99: {  	(erf) = vpow2.f32 v31;
	v26 =	vld [tilespmem:s11+$0x15D30];
	[tilespmem:s18+$0x1BE20] =	vst v11;
	v11 =	vmul.f32 $1.442695020e+00, v32  }
0x9a: {  	v7 =	vmul.f32 v24, v7;
	(erf) = vpow2.f32 v30;
	v27 =	vsel vm0, $0x0, v24  }
0x9b: {  	v30 =	vsel vm0, $0x0, v25;
	v27 =	vsel vm1, v29, v27;
	(erf) = vpow2.f32 v11  }
0x9c: {  	v11 =	vsel vm1, v28, v30;
	v28 =	vperm.xlane v18, v1;
	v30 =	vperm.xlane v33, v0  }
0x9d: {  	v6 =	vmul.f32 v24, v6;
	v10 =	vmul.f32 v25, v10;
	v29 =	vld [tilespmem:s11+$0x13DA0];
	[tilespmem:s18+$0x1BEA0] =	vst v27  }
0x9e: {  	v16 =	vmul.f32 v25, v16;
	v19 =	vmul.f32 v19, v22;
	v27 =	vld [tilespmem:s11+$0x15DB0];
	[tilespmem:s18+$0x1BF20] =	vst v11;
	v25 =	vadd.f32 v30, v28  }
0x9f: {  	v24 =	vperm.xlane v34, v1;
	v22 =	vperm.xlane v35, v0;
	v11 =	vld [tilespmem:s11+$0x13C80];
	[tilespmem:s18+$0x1BE80] =	vst v7  }
0xa0: {  	v7 =	vpop (erf);
	v30 =	vperm.xlane v12, v1;
	v28 =	vld [tilespmem:s11+$0x13C90];
	[tilespmem:s18+$0x1BE90] =	vst v6;
	v6 =	vmul.f32 $2.000000030e-01, v25  }
0xa1: {  	v21 =	vmul.f32 v7, v21;
	v23 =	vmul.f32 v7, v23;
	vm2 =	vge.f32 v25, $0.0e+00  }
0xa2: {  	v60 =	vsel vm0, $0x0, v7;
	v26 =	vperm.xlane v26, v0;
	v6 =	vsel vm2, v25, v6  }
0xa3: {  	v31 =	vld [tilespmem:s11+$0x13D00];
	[tilespmem:s18+$0x1BF00] =	vst v10;
	v10 =	vsel vm1, v21, v60;
	v21 =	vadd.f32 v22, v24;
	v6 =	vsub.f32 v6, v2  }
0xa4: {  	v22 =	vld [tilespmem:s11+$0x13D10];
	v24 =	vperm.xlane v29, v1;
	[tilespmem:s17+$0x1BFA0] =	vst v10;
	v10 =	vadd.f32 v26, v30;
	v25 =	vperm.xlane v27, v0  }
0xa5: {  	v27 =	vmul.f32 $2.000000030e-01, v21;
	v6 =	vmul.f32 $1.442695020e+00, v6  }
0xa6: {  	v26 =	vld [tilespmem:s11+$0x13D80];
	vm2 =	vge.f32 v21, $0.0e+00;
	[tilespmem:s18+$0x1BF10] =	vst v16;
	v16 =	vmul.f32 $2.000000030e-01, v10;
	v24 =	vadd.f32 v25, v24  }
0xa7: {  	vm3 =	vge.f32 v10, $0.0e+00;
	v21 =	vsel vm2, v21, v27;
	(erf) = vpow2.f32 v6  }
0xa8: {  	v30 =	vpop (erf);
	v10 =	vsel vm3, v10, v16;
	v16 =	vmul.f32 $2.000000030e-01, v24;
	v21 =	vsub.f32 v21, v2  }
0xa9: {  	v5 =	vmul.f32 v30, v5;
	v17 =	vmul.f32 v30, v17;
	v25 =	vld [tilespmem:s11+$0x13D90];
	[tilespmem:s17+$0x1BF80] =	vst v23;
	vm2 =	vge.f32 v24, $0.0e+00  }
0xaa: {  	v23 =	vld [tilespmem:s11+$0x13E00];
	[tilespmem:s18+$0x1BF90] =	vst v19;
	v10 =	vsub.f32 v10, v2;
	v16 =	vsel vm2, v24, v16;
	v19 =	vmul.f32 $1.442695020e+00, v21;
	v6 =	vpop (erf)  }
0xab: {  	v2 =	vsub.f32 v16, v2;
	v16 =	vmul.f32 v30, v20;
	v3 =	vmul.f32 v6, v3;
	v27 =	vpop (erf)  }
0xac: {  	v21 =	vld [tilespmem:s11+$0x13E10];
	[tilespmem:s17+$0x1BE00] =	vst v17;
	v20 =	vsel vm0, $0x0, v30;
	(erf) = vpow2.f32 v19;
	v4 =	vmul.f32 v27, v4  }
0xad: {  	v10 =	vmul.f32 $1.442695020e+00, v10;
	v17 =	vsel vm0, $0x0, v6;
	v5 =	vsel vm1, v5, v20;
	[tilespmem:s17+$0x1BE10] =	vst v16  }
0xae: {  	v2 =	vmul.f32 $1.442695020e+00, v2;
	[tilespmem:s17+$0x1BE20] =	vst v5;
	v5 =	vmul.f32 v6, v13;
	v3 =	vsel vm1, v3, v17  }
0xaf: {  	(erf) = vpow2.f32 v10;
	v10 =	vsel vm0, $0x0, v27;
	[tilespmem:s17+$0x1BEA0] =	vst v3  }
0xb0: {  	(erf) = vpow2.f32 v2;
	v2 =	vsel vm1, v4, v10;
	v3 =	vmul.f32 v6, v14;
	[tilespmem:s17+$0x1BE80] =	vst v5;
	v4 =	vpop (erf)  }
0xb1: {  	[tilespmem:s17+$0x1BF20] =	vst v2;
	v2 =	vmul.f32 v27, v9;
	v6 =	vmul.f32 v4, v18  }
0xb2: {  	[tilespmem:s17+$0x1BE90] =	vst v3;
	v5 =	vsel vm0, $0x0, v4  }
0xb3: {  	v3 =	vmul.f32 v27, v8;
	[tilespmem:s17+$0x1BF00] =	vst v2;
	v5 =	vsel vm1, v6, v5  }
0xb4: {  	v2 =	vmul.f32 v4, v23;
	[tilespmem:s11+$0x1BFA0] =	vst v5  }
0xb5: {  	v5 =	vmul.f32 v7, v15;
	v6 =	vpop (erf);
	[tilespmem:s17+$0x1BF10] =	vst v3  }
0xb6: {  	[tilespmem:s11+$0x1BF80] =	vst v2;
	v2 =	vmul.f32 v6, v11  }
0xb7: {  	v7 =	vmul.f32 v6, v28;
	[tilespmem:s17+$0x1BF90] =	vst v5;
	v5 =	vmul.f32 v6, v34  }
0xb8: {  	v3 =	vpop (erf);
	v6 =	vsel vm0, $0x0, v6;
	[tilespmem:s11+$0x1BE00] =	vst v2  }
0xb9: {  	[tilespmem:s11+$0x1BE10] =	vst v7;
	v7 =	vmul.f32 v3, v31;
	v5 =	vsel vm1, v5, v6  }
0xba: {  	v8 =	vpop (erf);
	v9 =	vmul.f32 v3, v12;
	v10 =	vsel vm0, $0x0, v3;
	v3 =	vmul.f32 v3, v22;
	[tilespmem:s11+$0x1BE20] =	vst v5  }
0xbb: {  	v2 =	vmul.f32 v8, v29;
	[tilespmem:s11+$0x1BE80] =	vst v7  }
0xbc: {  	v6 =	vsel vm0, $0x0, v8;
	v5 =	vsel vm1, v9, v10;
	[tilespmem:s11+$0x1BE90] =	vst v3  }
0xbd: {  	v2 =	vsel vm1, v2, v6;
	v3 =	vmul.f32 v4, v21;
	[tilespmem:s11+$0x1BEA0] =	vst v5  }
0xbe: {  	[tilespmem:s11+$0x1BF20] =	vst v2;
	v2 =	vmul.f32 v8, v26  }
0xbf: {  	p0 =	seq.s32 s13, $0x50;
	v5 =	vmul.f32 v8, v25;
	[tilespmem:s11+$0x1BF90] =	vst v3  }
0xc0: {  	s8 =	sadd.s32 @!p0 s14, s16;
	[tilespmem:s11+$0x1BF00] =	vst v2  }
0xc1: {  	s8 =	sshrl.u32 @!p0 s8, $0x3;
	[tilespmem:s11+$0x1BF10] =	vst v5  }
0xc2: {  	[spmem:s3] =	stream.indirect.scatter.add.f32 [tilespmem:s21], [sflag:$0x3], $0x80, s26, s25, $0xb8;
	[tilespmem:$0x1FF80] =	vst v63  }
0xc3: {  	s14 =	simm.s32 @!p0 $0x0;
	s17 =	simm.s32 @!p0 $0x13C00;
	s11 =	sadd.s32 @!p0 s1, s8  }
0xc4: {  	[tilespmem:s17], [sflag:$0x5] =	stream.linear.gather @!p0 [hbm4b:s11+s14], $0x40, $0x38;
	[tilespmem:$0x1FF80] =	vst v63  }
0xc5: {  	s11 =	simm.s32 @!p0 $0x5  }
0xc6: {  	_ =	swait.ge @!p0 [sflag:s11], $0x40  }
0xc7: {  	[sflag:s11] =	ssyncset.done @!p0 $0x0  }
0xc8: {  	s18 =	simm.s32 @!p0 $0x13C40;
	s8 =	sadd.s32 @!p0 s5, s8;
	[sflag:s11] =	ssyncadd.s32 @!p0 $0xFFFFFFC0  }
0xc9: {  	[tilespmem:s18], [sflag:$0x5] =	stream.linear.gather @!p0 [hbm4b:s8+s14], $0x40, $0x38;
	[tilespmem:$0x1FF80] =	vst v63  }
0xca: {  	_ =	swait.ge @!p0 [sflag:s11], $0x40  }
0xcb: {  	[sflag:s11] =	ssyncset.done @!p0 $0x0  }
0xcc: {  	s8 =	simm.s32 @!p0 $0x80;
	[sflag:s11] =	ssyncadd.s32 @!p0 $0xFFFFFFC0;
	s11 =	simm.s32 @!p0 $0x13C80  }
0xcd: {  	[tilespmem:s11], [sflag:$0x1] =	stream.indirect.gather @!p0 [hbm4b:s6+s8], $0x80, s17, s8, $0xb8;
	[tilespmem:$0x1FF80] =	vst v63  }
0xce: {  	_ =	swait.ge [sflag:s7], $0x2000  }
0xcf: {  	[sflag:s7] =	ssyncset.done $0x0  }
0xd0: {  	s18 =	simm.s32 $0x0;
	[sflag:s7] =	ssyncadd.s32 $0xFFFFE000  }
0xd1: {  	[tilespmem:s28], [sflag:$0x5] =	stream.linear.gather [hbm4b:s29+s18], $0x40, $0x38;
	[tilespmem:$0x1FF80] =	vst v63  }
0xd2: {  	_ =	swait.ge [sflag:s20], $0x40  }
0xd3: {  	[sflag:s20] =	ssyncset.done $0x0  }
0xd4: {  	[sflag:s20] =	ssyncadd.s32 $0xFFFFFFC0  }
0xd5: {  	_ =	swait.ge [sflag:s10], $0x4000  }
0xd6: {  	[sflag:s10] =	ssyncset.done $0x0  }
0xd7: {  	s17 =	simm.s32 $0x0;
	[sflag:s10] =	ssyncadd.s32 $0xFFFFC000  }
0xd8: {  	v8 =	vld [tilespmem:s17+$0x17EA0]  }
0xd9: {  	v3 =	vld [tilespmem:s17+$0x19EB0];
	_ =	sdelay $0x1  }
0xda: {  	v2 =	vld [tilespmem:$0x1FF00]  }
0xdb: {  	v15 =	vld [tilespmem:s17+$0x17D20]  }
0xdc: {  	v4 =	vld [tilespmem:s17+$0x19D30]  }
0xdd: {  	v18 =	vld [tilespmem:s17+$0x17DA0];
	v5 =	vperm.xlane v8, v1;
	v3 =	vperm.xlane v3, v0  }
0xde: {  	v6 =	vld [tilespmem:s17+$0x19DB0]  }
0xdf: {  	v28 =	vld [tilespmem:s17+$0x17E20];
	v3 =	vadd.f32 v3, v5  }
0xe0: {  	v5 =	vld [tilespmem:s17+$0x19E30]  }
0xe1: {  	v7 =	vmul.f32 $2.000000030e-01, v3  }
0xe2: {  	v9 =	vperm.xlane v15, v1;
	v4 =	vperm.xlane v4, v0;
	vm2 =	vge.f32 v3, $0.0e+00  }
0xe3: {  	v10 =	vperm.xlane v18, v1;
	v13 =	vperm.xlane v6, v0;
	v3 =	vsel vm2, v3, v7  }
0xe4: {  	v12 =	vld [tilespmem:s17+$0x17D00];
	v4 =	vadd.f32 v4, v9;
	v3 =	vsub.f32 v3, v2  }
0xe5: {  	v11 =	vld [tilespmem:s17+$0x17D10];
	v9 =	vperm.xlane v28, v1;
	v13 =	vadd.f32 v13, v10;
	v5 =	vperm.xlane v5, v0  }
0xe6: {  	s14 =	simm.s32 $0x200;
	v16 =	vld [tilespmem:s17+$0x17E10];
	v3 =	vmul.f32 $1.442695020e+00, v3  }
0xe7: {  	v21 =	vld [tilespmem:s14+$0x17EA0];
	v14 =	vmul.f32 $2.000000030e-01, v4;
	v17 =	vmul.f32 $2.000000030e-01, v13;
	v5 =	vadd.f32 v5, v9  }
0xe8: {  	v23 =	vld [tilespmem:s14+$0x19DB0];
	vm3 =	vge.f32 v13, $0.0e+00;
	vm2 =	vge.f32 v4, $0.0e+00;
	(erf) = vpow2.f32 v3  }
0xe9: {  	v3 =	vsel vm2, v4, v14;
	v4 =	vsel vm3, v13, v17;
	v13 =	vmul.f32 $2.000000030e-01, v5;
	v14 =	vld [tilespmem:s14+$0x19EB0]  }
0xea: {  	vm2 =	vge.f32 v5, $0.0e+00;
	v17 =	vld [tilespmem:s14+$0x19D30];
	v3 =	vsub.f32 v3, v2  }
0xeb: {  	v4 =	vsub.f32 v4, v2;
	v13 =	vsel vm2, v5, v13;
	v5 =	vld [tilespmem:s14+$0x17D20]  }
0xec: {  	v25 =	vld [tilespmem:s14+$0x19E30];
	v3 =	vmul.f32 $1.442695020e+00, v3  }
0xed: {  	v20 =	vperm.xlane v21, v1;
	v9 =	vld [tilespmem:s17+$0x17E80];
	v4 =	vmul.f32 $1.442695020e+00, v4;
	v13 =	vsub.f32 v13, v2  }
0xee: {  	(erf) = vpow2.f32 v3;
	v3 =	vld [tilespmem:s14+$0x17DA0];
	v14 =	vperm.xlane v14, v0  }
0xef: {  	v13 =	vmul.f32 $1.442695020e+00, v13;
	(erf) = vpow2.f32 v4;
	v4 =	vld [tilespmem:s14+$0x17E20]  }
0xf0: {  	v22 =	vld [tilespmem:s17+$0x17E90];
	v26 =	vperm.xlane v17, v0;
	v24 =	vperm.xlane v5, v1;
	v27 =	vadd.f32 v14, v20  }
0xf1: {  	v6 =	vld [tilespmem:s17+$0x17D90];
	v23 =	vperm.xlane v23, v0;
	(erf) = vpow2.f32 v13  }
0xf2: {  	v25 =	vperm.xlane v25, v0;
	v10 =	vld [tilespmem:s17+$0x17E00];
	v19 =	vpop (erf);
	v31 =	vmul.f32 $2.000000030e-01, v27;
	v24 =	vadd.f32 v26, v24  }
0xf3: {  	v7 =	vld [tilespmem:s17+$0x17D80];
	vm2 =	vge.f32 v27, $0.0e+00;
	v8 =	vmul.f32 v19, v8;
	v29 =	vperm.xlane v3, v1  }
0xf4: {  	v17 =	vld [tilespmem:s14+$0x17D00];
	v30 =	vmul.f32 v19, v9;
	v9 =	vsel vm0, $0x0, v19;
	v61 =	vperm.xlane v4, v1  }
0xf5: {  	v20 =	vld [tilespmem:s14+$0x17D10];
	v8 =	vsel vm1, v8, v9;
	v23 =	vadd.f32 v23, v29;
	v9 =	vsel vm2, v27, v31  }
0xf6: {  	v13 =	vld [tilespmem:s14+$0x17D80];
	vm2 =	vge.f32 v24, $0.0e+00;
	v27 =	vmul.f32 $2.000000030e-01, v24;
	v29 =	vsub.f32 v9, v2  }
0xf7: {  	v14 =	vld [tilespmem:s14+$0x17D90];
	[tilespmem:s17+$0x1DFA0] =	vst v8;
	v32 =	vadd.f32 v25, v61;
	v26 =	vpop (erf);
	vm3 =	vge.f32 v23, $0.0e+00;
	v31 =	vmul.f32 $2.000000030e-01, v23  }
0xf8: {  	v9 =	vld [tilespmem:s14+$0x17E00];
	v62 =	vsel vm2, v24, v27;
	v29 =	vmul.f32 $1.442695020e+00, v29;
	v27 =	vmul.f32 v26, v15  }
0xf9: {  	v8 =	vld [tilespmem:s14+$0x17E10];
	[tilespmem:s17+$0x1DF80] =	vst v30;
	v24 =	vpop (erf);
	vm2 =	vge.f32 v32, $0.0e+00;
	v30 =	vmul.f32 $2.000000030e-01, v32;
	v15 =	vsel vm3, v23, v31  }
0xfa: {  	v25 =	vpop (erf);
	v23 =	vld [tilespmem:s14+$0x17E80];
	v31 =	vsub.f32 v62, v2;
	v63 =	vsub.f32 v15, v2;
	(erf) = vpow2.f32 v29  }
0xfb: {  	s11 =	simm.s32 $0x400;
	v15 =	vld [tilespmem:s14+$0x17E90];
	v32 =	vsel vm2, v32, v30;
	v29 =	vmul.f32 v24, v18;
	v28 =	vmul.f32 v25, v28  }
0xfc: {  	s8 =	simm.s32 $0x1800;
	v18 =	vld [tilespmem:s11+$0x17EA0];
	v31 =	vmul.f32 $1.442695020e+00, v31;
	v32 =	vsub.f32 v32, v2;
	v30 =	vmul.f32 $1.442695020e+00, v63  }
.LBB2_5:
0xfd: {  	p0 =	sne.s32 s8, $0x7800;
	v33 =	vld [tilespmem:s11+$0x19EB0];
	v34 =	vmul.f32 v26, v12;
	v35 =	vmul.f32 v26, v11;
	v26 =	vsel vm0, $0x0, v26;
	v12 =	vmovc v17;
	v11 =	vmovc v20  }
0xfe: {  	v20 =	vsel vm0, $0x0, v24;
	v36 =	vld [tilespmem:s11+$0x17D20];
	v17 =	vmul.f32 $1.442695020e+00, v32;
	(erf) = vpow2.f32 v31  }
0xff: {  	v32 =	vsel vm0, $0x0, v25;
	v31 =	vld [tilespmem:s11+$0x19D30];
	(erf) = vpow2.f32 v30;
	[tilespmem:s17+$0x1DE00] =	vst v34;
	v30 =	vmul.f32 v24, v7;
	v7 =	vmovc v13  }
0x100: {  	v13 =	vsel vm1, v27, v26;
	v24 =	vmul.f32 v24, v6;
	v6 =	vmovc v14;
	v34 =	vld [tilespmem:s11+$0x17DA0];
	(erf) = vpow2.f32 v17;
	[tilespmem:s17+$0x1DE10] =	vst v35  }
0x101: {  	v26 =	vmul.f32 v25, v10;
	v25 =	vmul.f32 v25, v16;
	v14 =	vld [tilespmem:s11+$0x19DB0];
	[tilespmem:s17+$0x1DE20] =	vst v13;
	v13 =	vsel vm1, v29, v20  }
0x102: {  	v37 =	vperm.xlane v18, v1;
	v35 =	vld [tilespmem:s11+$0x17E20];
	v20 =	vperm.xlane v33, v0;
	[tilespmem:s17+$0x1DEA0] =	vst v13;
	v13 =	vsel vm1, v28, v32  }
0x103: {  	v10 =	vmov v9;
	v29 =	vmul.f32 v19, v22;
	v27 =	vperm.xlane v36, v1;
	v28 =	vld [tilespmem:s11+$0x19E30];
	[tilespmem:s17+$0x1DF20] =	vst v13;
	v19 =	vpop (erf)  }
0x104: {  	v9 =	vperm.xlane v31, v0;
	v17 =	vld [tilespmem:s11+$0x17D00];
	v31 =	vadd.f32 v20, v37;
	v21 =	vmul.f32 v19, v21;
	[tilespmem:s17+$0x1DE80] =	vst v30  }
0x105: {  	v16 =	vmovc v8;
	v23 =	vmul.f32 v19, v23;
	v32 =	vsel vm0, $0x0, v19;
	v20 =	vld [tilespmem:s11+$0x17D10];
	v30 =	vperm.xlane v34, v1;
	[tilespmem:s17+$0x1DE90] =	vst v24  }
0x106: {  	v22 =	vmovc v15;
	v8 =	vperm.xlane v14, v0;
	v13 =	vld [tilespmem:s11+$0x17D80];
	v33 =	vmul.f32 $2.000000030e-01, v31;
	v21 =	vsel vm1, v21, v32;
	[tilespmem:s17+$0x1DF00] =	vst v26  }
0x107: {  	v15 =	vadd.f32 v9, v27;
	vm2 =	vge.f32 v31, $0.0e+00;
	v14 =	vld [tilespmem:s11+$0x17D90];
	v27 =	vperm.xlane v35, v1;
	[tilespmem:s14+$0x1DFA0] =	vst v21;
	v26 =	vpop (erf)  }
0x108: {  	v30 =	vadd.f32 v8, v30;
	v37 =	vperm.xlane v28, v0;
	v9 =	vld [tilespmem:s11+$0x17E00];
	v28 =	vsel vm2, v31, v33;
	v24 =	vpop (erf);
	[tilespmem:s17+$0x1DF10] =	vst v25  }
0x109: {  	vm2 =	vge.f32 v15, $0.0e+00;
	v31 =	vmul.f32 $2.000000030e-01, v15;
	v8 =	vld [tilespmem:s11+$0x17E10];
	v28 =	vsub.f32 v28, v2;
	[tilespmem:s14+$0x1DF80] =	vst v23;
	v25 =	vpop (erf)  }
0x10a: {  	v21 =	vmovc v18;
	vm3 =	vge.f32 v30, $0.0e+00;
	v32 =	vmul.f32 $2.000000030e-01, v30;
	v33 =	vadd.f32 v37, v27;
	v23 =	vld [tilespmem:s11+$0x17E80];
	[tilespmem:s17+$0x1DF90] =	vst v29;
	s17 =	smov.u32 s14;
	s14 =	smov.u32 s11  }
.Ltmp1:
0x10b: {  	v18 =	vsel vm2, v15, v31;
	v27 =	vmul.f32 v26, v5;
	v5 =	vmovc v36;
	v28 =	vmul.f32 $1.442695020e+00, v28;
	v15 =	vld [tilespmem:s14+$0x17E90];
	(pc) =	sbr.rel @p0 .LBB2_5-.Ltmp1, $4  }
0x10c: {  	v29 =	vsel vm3, v30, v32;
	vm2 =	vge.f32 v33, $0.0e+00;
	v30 =	vmul.f32 $2.000000030e-01, v33  }
0x10d: {  	v31 =	vsub.f32 v18, v2;
	v32 =	vsub.f32 v29, v2;
	(erf) = vpow2.f32 v28  }
0x10e: {  	s11 =	sshra.s32 s8, $0x2;
	v29 =	vmul.f32 v24, v3;
	v28 =	vmul.f32 v25, v4;
	v3 =	vmovc v34;
	v33 =	vsel vm2, v33, v30  }
0x10f: {  	s8 =	sadd.s32 $0x800, s8;
	v31 =	vmul.f32 $1.442695020e+00, v31;
	v4 =	vmovc v35;
	v18 =	vld [tilespmem:s11+$0x17EA0];
	v30 =	vmul.f32 $1.442695020e+00, v32;
	v32 =	vsub.f32 v33, v2  }
0x110: {  	v33 =	vld [tilespmem:s11+$0x19EB0];
	_ =	sdelay $0x1  }
0x111: {  	v12 =	vmul.f32 v26, v12;
	v11 =	vmul.f32 v26, v11  }
0x112: {  	v34 =	vld [tilespmem:s11+$0x17D20];
	v43 =	vsel vm0, $0x0, v26;
	v7 =	vmul.f32 v24, v7;
	v6 =	vmul.f32 v24, v6  }
0x113: {  	v35 =	vld [tilespmem:s11+$0x19D30];
	v46 =	vsel vm0, $0x0, v24;
	v10 =	vmul.f32 v25, v10;
	(erf) = vpow2.f32 v31  }
0x114: {  	v48 =	vsel vm0, $0x0, v25;
	[tilespmem:s17+$0x1DE00] =	vst v12;
	v50 =	vperm.xlane v18, v1;
	v51 =	vperm.xlane v33, v0  }
0x115: {  	v16 =	vmul.f32 v25, v16;
	v19 =	vmul.f32 v19, v22;
	v44 =	vsel vm1, v27, v43;
	v12 =	vld [tilespmem:s11+$0x17DA0];
	[tilespmem:s17+$0x1DE10] =	vst v11  }
0x116: {  	v47 =	vmul.f32 $1.442695020e+00, v32;
	v27 =	vsel vm1, v29, v46;
	v45 =	vld [tilespmem:s11+$0x19DB0];
	[tilespmem:s17+$0x1DE20] =	vst v44;
	v53 =	vadd.f32 v51, v50  }
0x117: {  	v49 =	vsel vm1, v28, v48;
	(erf) = vpow2.f32 v30;
	v29 =	vld [tilespmem:s11+$0x17E20];
	[tilespmem:s17+$0x1DEA0] =	vst v27;
	v52 =	vperm.xlane v34, v1  }
0x118: {  	v55 =	vperm.xlane v35, v0;
	v27 =	vld [tilespmem:s11+$0x19E30];
	[tilespmem:s17+$0x1DF20] =	vst v49;
	v54 =	vpop (erf);
	v57 =	vmul.f32 $2.000000030e-01, v53  }
0x119: {  	(erf) = vpow2.f32 v47;
	v11 =	vld [tilespmem:s11+$0x17D00];
	[tilespmem:s17+$0x1DE80] =	vst v7;
	v21 =	vmul.f32 v54, v21;
	vm2 =	vge.f32 v53, $0.0e+00  }
0x11a: {  	v23 =	vmul.f32 v54, v23;
	v61 =	vadd.f32 v55, v52;
	v56 =	vld [tilespmem:s11+$0x17D10];
	[tilespmem:s17+$0x1DE90] =	vst v6;
	v6 =	vsel vm2, v53, v57  }
0x11b: {  	v58 =	vperm.xlane v12, v1;
	v26 =	vperm.xlane v45, v0;
	v6 =	vsub.f32 v6, v2  }
0x11c: {  	v59 =	vsel vm0, $0x0, v54;
	v36 =	vmul.f32 $2.000000030e-01, v61;
	v62 =	vperm.xlane v29, v1  }
0x11d: {  	v60 =	vsel vm1, v21, v59;
	v37 =	vpop (erf);
	v33 =	vperm.xlane v27, v0;
	v6 =	vmul.f32 $1.442695020e+00, v6  }
0x11e: {  	v63 =	vadd.f32 v26, v58;
	vm2 =	vge.f32 v61, $0.0e+00;
	v5 =	vmul.f32 v37, v5  }
0x11f: {  	v31 =	vld [tilespmem:s11+$0x17D80];
	[tilespmem:s17+$0x1DF00] =	vst v10;
	v21 =	vsel vm2, v61, v36;
	v24 =	vadd.f32 v33, v62;
	(erf) = vpow2.f32 v6  }
0x120: {  	v22 =	vld [tilespmem:s11+$0x17D90];
	[tilespmem:s14+$0x1DFA0] =	vst v60;
	v17 =	vmul.f32 v37, v17;
	v38 =	vmul.f32 $2.000000030e-01, v63;
	v21 =	vsub.f32 v21, v2  }
0x121: {  	v35 =	vld [tilespmem:s11+$0x17E00];
	[tilespmem:s17+$0x1DF10] =	vst v16;
	v45 =	vmul.f32 v37, v20;
	vm3 =	vge.f32 v63, $0.0e+00;
	v41 =	vmul.f32 $2.000000030e-01, v24  }
0x122: {  	v39 =	vld [tilespmem:s11+$0x17E10];
	[tilespmem:s14+$0x1DF80] =	vst v23;
	v10 =	vsel vm3, v63, v38;
	vm2 =	vge.f32 v24, $0.0e+00;
	v43 =	vmul.f32 $1.442695020e+00, v21  }
0x123: {  	v40 =	vpop (erf);
	v46 =	vsel vm0, $0x0, v37;
	v23 =	vld [tilespmem:s11+$0x17E80];
	[tilespmem:s17+$0x1DF90] =	vst v19;
	v10 =	vsub.f32 v10, v2;
	v16 =	vsel vm2, v24, v41  }
0x124: {  	v3 =	vmul.f32 v40, v3;
	v42 =	vpop (erf);
	v44 =	vld [tilespmem:s11+$0x17E90];
	[tilespmem:s14+$0x1DE00] =	vst v17;
	(erf) = vpow2.f32 v43;
	v2 =	vsub.f32 v16, v2  }
0x125: {  	v49 =	vmul.f32 v40, v13;
	v5 =	vsel vm1, v5, v46;
	[tilespmem:s14+$0x1DE10] =	vst v45;
	v10 =	vmul.f32 $1.442695020e+00, v10  }
0x126: {  	v47 =	vsel vm0, $0x0, v40;
	v4 =	vmul.f32 v42, v4;
	[tilespmem:s14+$0x1DE20] =	vst v5;
	v2 =	vmul.f32 $1.442695020e+00, v2  }
0x127: {  	v48 =	vsel vm0, $0x0, v42;
	v3 =	vsel vm1, v3, v47;
	[tilespmem:s14+$0x1DE80] =	vst v49;
	(erf) = vpow2.f32 v10  }
0x128: {  	[tilespmem:s14+$0x1DEA0] =	vst v3;
	v3 =	vmul.f32 v40, v14;
	(erf) = vpow2.f32 v2;
	v2 =	vsel vm1, v4, v48;
	v50 =	vpop (erf)  }
0x129: {  	[tilespmem:s14+$0x1DF20] =	vst v2;
	v2 =	vmul.f32 v42, v9;
	v51 =	vmul.f32 v50, v18  }
0x12a: {  	[tilespmem:s14+$0x1DE90] =	vst v3;
	v52 =	vsel vm0, $0x0, v50  }
0x12b: {  	v3 =	vmul.f32 v42, v8;
	[tilespmem:s14+$0x1DF00] =	vst v2;
	v5 =	vsel vm1, v51, v52  }
0x12c: {  	v2 =	vmul.f32 v50, v23;
	[tilespmem:s11+$0x1DFA0] =	vst v5  }
0x12d: {  	v53 =	vmul.f32 v54, v15;
	v54 =	vpop (erf);
	[tilespmem:s14+$0x1DF10] =	vst v3  }
0x12e: {  	[tilespmem:s11+$0x1DF80] =	vst v2;
	v2 =	vmul.f32 v54, v11  }
0x12f: {  	v55 =	vmul.f32 v54, v34;
	v56 =	vmul.f32 v54, v56;
	[tilespmem:s14+$0x1DF90] =	vst v53  }
0x130: {  	v6 =	vsel vm0, $0x0, v54;
	v3 =	vpop (erf);
	[tilespmem:s11+$0x1DE00] =	vst v2  }
0x131: {  	v5 =	vsel vm1, v55, v6;
	v62 =	vmul.f32 v3, v31;
	[tilespmem:s11+$0x1DE10] =	vst v56  }
0x132: {  	v58 =	vmul.f32 v3, v12;
	v59 =	vsel vm0, $0x0, v3;
	v3 =	vmul.f32 v3, v22;
	[tilespmem:s11+$0x1DE20] =	vst v5  }
0x133: {  	v57 =	vpop (erf);
	[tilespmem:s11+$0x1DE80] =	vst v62  }
0x134: {  	s13 =	sadd.s32 $0x1, s13;
	v63 =	vmul.f32 v57, v39;
	v2 =	vmul.f32 v57, v29;
	v61 =	vsel vm1, v58, v59;
	[tilespmem:s11+$0x1DE90] =	vst v3  }
0x135: {  	p0 =	sne.s32 s13, $0x51;
	v60 =	vsel vm0, $0x0, v57;
	[tilespmem:s11+$0x1DEA0] =	vst v61  }
.Ltmp2:
0x136: {  	v3 =	vmul.f32 v50, v44;
	[tilespmem:s11+$0x1DF10] =	vst v63;
	v2 =	vsel vm1, v2, v60;
	(pc) =	sbr.rel @p0 .LBB2_2-.Ltmp2, $4  }
0x137: {  	[tilespmem:s11+$0x1DF20] =	vst v2;
	v2 =	vmul.f32 v57, v35  }
0x138: {  	[tilespmem:s11+$0x1DF90] =	vst v3  }
0x139: {  	[tilespmem:s11+$0x1DF00] =	vst v2  }
0x13a: {  	[spmem:s3] =	stream.indirect.scatter.add.f32 [tilespmem:s22], [sflag:$0x4], $0x80, s28, s25, $0xb8;
	[tilespmem:$0x1FF80] =	vst v63  }
0x13b: {  	_ =	swait.ge [sflag:s30], $0x2000  }
0x13c: {  	[sflag:s30] =	ssyncset.done $0x0  }
0x13d: {  	[sflag:s30] =	ssyncadd.s32 $0xFFFFE000  }
0x13e: {  	_ =	swait.ge [sflag:s7], $0x2000  }
0x13f: {  	[sflag:s7] =	ssyncset.done $0x0  }
0x140: {  	[sflag:s7] =	ssyncadd.s32 $0xFFFFE000  }
0x141: {  	[bflag:$0x0] =	sbarrier.arrive $0xFFFF  }
0x142: {  	s8 =	rddreg [dreg:$0xa]  }
0x143: {  	s13 =	rddreg [dreg:$0xc]  }
0x144: {  	[hbm:s8], [sflag:s19] =	dma.local [spmem:s13], $0x2780  }
0x145: {  	_ =	swait.ge [sflag:s20], $0x2780  }
0x146: {  	s12 =	sadd.s32 $0x1, s12;
	s29 =	rddreg [dreg:$0xb]  }
0x147: {  	p0 =	sne.s32 s12, s29  }
.Ltmp3:
0x148: {  	_ = 	snop;
	(pc) =	sbr.rel @p0 .LBB2_1-.Ltmp3, $3  }
0x149: {  	_ =	sdelay $0x1  }
0x14a: {  	[sflag:s20] =	ssyncset.done $0x0  }
0x14b: {  	s11 =	smov.u32 s19;
	[sflag:s20] =	ssyncadd.s32 $0xFFFFD880  }
0x14c: {  	_ =	sfence.sel $0x180000  }
0x14d: {  	[bflag:$0x0] =	sbarrier.arrive $0xFFFF  }
0x14e: {  	_ =	strace $0x9000004A  }
0x14f: {  	s0 =	stileid.u32;
	[bflag:$0x2] =	sbarrier.arrive $0xFFFF  }
0x150: {  	p0 =	sne.s32 s0, $0x0;
	s0 =	rddreg [dreg:$0x3]  }
0x151: {  	s0 =	sadd.s32 @!p0 $0x100000, s0  }
0x152: {  	[sflag:s0] =	ssyncadd.tile.s32 @!p0 $0x1;
	_ =	shalt  }
.Lfunc_end2:
_tile_overlayer_lowered:
.L_overlay_start_2:
0x153: {  	(tag) =	ssettag $0x2  }
0x154: {  	s0 =	rddreg [dreg:$0x0];
	s2 =	stileid.u32  }
0x155: {  	s1 =	rddreg [dreg:$0x1];
	p0 =	sne.s32 s2, $0x0  }
0x156: {  	s3 =	rddreg [dreg:$0x2];
	[bflag:$0x3] =	sbarrier.arrive $0xFFFF;
	s2 =	simm.s32 @!p0 $0x1C05  }
0x157: {  	[timem:s3], [sflag:s2] =	dma.local @!p0 [hbm:s0], s1  }
0x158: {  	s0 =	simm.s32 @!p0 $0x5  }
0x159: {  	_ =	swait.ge @!p0 [sflag:s0], s1  }
0x15a: {  	s1 =	ssub.s32 @!p0 $0x0, s1;
	[sflag:s0] =	ssyncset.done @!p0 $0x0  }
0x15b: {  	[sflag:s0] =	ssyncadd.s32 @!p0 s1  }
0x15c: {  	[bflag:$0x3] =	sbarrier.arrive $0xFFFF  }
0x15d: {  	_ =	shalt  }

// kernel: kernel.7.cloned.1.call-start
scs
__scs_entry_jumppad:
0x0: {  	(pc) =	sbr.rel $0x88, $3  }
0x1: {  	(tag) =	ssettag $0x0;
	lr =	simm.s32 $0x1  }
0x2: {  	[smem:$0x3F97] =	sst lr;
	_ =	strace $0xD0000000  }
0x3: {  	_ = 	snop  }
0x4: {  	_ = 	snop  }
0x5: {  	_ = 	snop  }
0x6: {  	_ = 	snop  }
0x7: {  	_ = 	snop  }
__scs_overlays_trampoline_lowered:
0x8: {  	[smem:$0x3FA6] =	sst s0  }
0x9: {  	[smem:$0x3FA7] =	sst s1  }
0xa: {  	[smem:$0x3FA8] =	sst s2  }
0xb: {  	[smem:$0x3FA9] =	sst s3  }
0xc: {  	[smem:$0x3FAA] =	sst s4  }
0xd: {  	[smem:$0x3FAB] =	sst s5  }
0xe: {  	[smem:$0x3FAC] =	sst s6  }
0xf: {  	[smem:$0x3FAD] =	sst s7  }
0x10: {  	[smem:$0x3FAE] =	sst s8  }
0x11: {  	[smem:$0x3FAF] =	sst s9;
	s0 =	simm.s32 @!p0 $0x0  }
0x12: {  	s1 =	sld [smem:$0x3F95];
	s0 =	simm.s32 @p0 $0x1  }
0x13: {  	[smem:$0x3FB0] =	sst s0;
	s0 =	simm.s32 @!p1 $0x0  }
0x14: {  	s2 =	sld [smem:$0x3F94];
	s0 =	simm.s32 @p1 $0x1  }
0x15: {  	[smem:$0x3FB1] =	sst s0;
	s0 =	simm.s32 @!p2 $0x0  }
0x16: {  	s3 =	sld [smem:$0x3FDB];
	s0 =	simm.s32 @p2 $0x1  }
0x17: {  	s4 =	simm.s32 $0x1BF5;
	[smem:$0x3FB3] =	sst s0  }
0x18: {  	s0 =	sld [smem:$0x3F96];
	_ =	swait.ge [sflag:s4], $0x0  }
0x19: {  	s7 =	sld [smem:$0x3F97]  }
0x1a: {  	s8 =	sadd.s32 $0xFFFFE003, lr  }
0x1b: {  	s9 =	sadd.s32 $0xFFFFFEF7, lr;
	s5 =	simm.s32 $0xFFFFFFFF;
	p2 =	slt.u32 s8, $0xFFFFF086  }
0x1c: {  	p1 =	slt.u32 s9, $0xF7A;
	s5 =	simm.s32 @!p2 $0x0  }
0x1d: {  	s5 =	simm.s32 @p1 $0x1;
	p0 =	seq.s32 s7, s2  }
0x1e: {  	s7 =	smul.u32 @!p0 $0xF7A, s2;
	p2 =	seq.s32 @!p0 s5, $0x0  }
0x1f: {  	s9 =	smul.u32 $0xF7A, s1;
	s8 =	simm.s32 @!p0 $0x1BF5;
	p2 =	por !p2, p0  }
0x20: {  	[sflag:s8] =	ssyncset.s32 @!p0 $0xFFFFF086;
	s6 =	sadd.s32 @!p0 s3, s7;
	s7 =	simm.s32 @!p0 $0x108  }
0x21: {  	s3 =	sadd.s32 s3, s9;
	s6 =	sadd.s32 @!p0 $0x88, s6;
	s7 =	simm.s32 @p2 $0x1082  }
0x22: {  	[simem:s7], [sflag:s8] =	dma.local @!p0 [hbm:s6], $0xF7A  }
0x23: {  	s9 =	sor.u32 $0xD0000000, s2;
	s6 =	simm.s32 $0x108;
	_ =	swait.ge @!p0 [sflag:s8], $0x0  }
0x24: {  	s3 =	sadd.s32 $0x88, s3;
	s6 =	simm.s32 @!p1 $0x1082;
	[sflag:s4] =	ssyncset.s32 $0xFFFFF086  }
0x25: {  	[simem:s6], [sflag:s4] =	dma.local [hbm:s3], $0xF7A  }
0x26: {  	[smem:$0x3F97] =	sst s1;
	(tag) =	ssettag s2;
	_ =	strace s9  }
0x27: {  	s1 =	sld [smem:$0x3FA7]  }
0x28: {  	s2 =	sld [smem:$0x3FA8]  }
0x29: {  	s4 =	sld [smem:$0x3FAA]  }
0x2a: {  	p0 =	seq.s32 s5, $0x0;
	s5 =	sld [smem:$0x3FAB]  }
0x2b: {  	s6 =	sld [smem:$0x3FAC]  }
0x2c: {  	s7 =	sld [smem:$0x3FAD]  }
0x2d: {  	s3 =	simm.s32 $0x108;
	s8 =	sld [smem:$0x3FAE]  }
0x2e: {  	s3 =	simm.s32 @!p0 $0x1082;
	s9 =	sld [smem:$0x3FAF]  }
0x2f: {  	lr =	sadd.s32 s0, s3;
	s0 =	sld [smem:$0x3FA6]  }
0x30: {  	s3 =	sld [smem:$0x3FA9]  }
0x31: {  	[smem:$0x3FB2] =	sst s10  }
0x32: {  	s10 =	sld [smem:$0x3FB0];
	_ =	sdelay $0x3  }
0x33: {  	p0 =	seq.s32 s10, $0x1;
	s10 =	sld [smem:$0x3FB2];
	_ =	sdelay $0x3  }
0x34: {  	[smem:$0x3FB2] =	sst s10  }
0x35: {  	s10 =	sld [smem:$0x3FB1];
	_ =	sdelay $0x3  }
0x36: {  	p1 =	seq.s32 s10, $0x1;
	s10 =	sld [smem:$0x3FB2];
	_ =	sdelay $0x3  }
0x37: {  	[smem:$0x3FB2] =	sst s10  }
0x38: {  	s10 =	sld [smem:$0x3FB3]  }
0x39: {  	_ = 	snop;
	(pc) =	sbr.ind lr, $3  }
0x3a: {  	_ = 	snop  }
0x3b: {  	_ = 	snop  }
0x3c: {  	p2 =	seq.s32 s10, $0x1;
	s10 =	sld [smem:$0x3FB2]  }
0x3d: {  	_ =	shalt  }
0x3e: {  	_ =	shalt  }
0x3f: {  	_ =	shalt  }
0x40: {  	_ =	shalt  }
0x41: {  	_ =	shalt  }
0x42: {  	_ =	shalt  }
0x43: {  	_ =	shalt  }
0x44: {  	_ =	shalt  }
0x45: {  	_ =	shalt  }
0x46: {  	_ =	shalt  }
0x47: {  	_ =	shalt  }
0x48: {  	_ =	shalt  }
0x49: {  	_ =	shalt  }
0x4a: {  	_ =	shalt  }
0x4b: {  	_ =	shalt  }
0x4c: {  	_ =	shalt  }
0x4d: {  	_ =	shalt  }
0x4e: {  	_ =	shalt  }
0x4f: {  	_ =	shalt  }
0x50: {  	_ =	shalt  }
0x51: {  	_ =	shalt  }
0x52: {  	_ =	shalt  }
0x53: {  	_ =	shalt  }
0x54: {  	_ =	shalt  }
0x55: {  	_ =	shalt  }
0x56: {  	_ =	shalt  }
0x57: {  	_ =	shalt  }
0x58: {  	_ =	shalt  }
0x59: {  	_ =	shalt  }
0x5a: {  	_ =	shalt  }
0x5b: {  	_ =	shalt  }
0x5c: {  	_ =	shalt  }
0x5d: {  	_ =	shalt  }
0x5e: {  	_ =	shalt  }
0x5f: {  	_ =	shalt  }
0x60: {  	_ =	shalt  }
0x61: {  	_ =	shalt  }
0x62: {  	_ =	shalt  }
0x63: {  	_ =	shalt  }
0x64: {  	_ =	shalt  }
0x65: {  	_ =	shalt  }
0x66: {  	_ =	shalt  }
0x67: {  	_ =	shalt  }
0x68: {  	_ =	shalt  }
0x69: {  	_ =	shalt  }
0x6a: {  	_ =	shalt  }
0x6b: {  	_ =	shalt  }
0x6c: {  	_ =	shalt  }
0x6d: {  	_ =	shalt  }
0x6e: {  	_ =	shalt  }
0x6f: {  	_ =	shalt  }
0x70: {  	_ =	shalt  }
0x71: {  	_ =	shalt  }
0x72: {  	_ =	shalt  }
0x73: {  	_ =	shalt  }
0x74: {  	_ =	shalt  }
0x75: {  	_ =	shalt  }
0x76: {  	_ =	shalt  }
0x77: {  	_ =	shalt  }
0x78: {  	_ =	shalt  }
0x79: {  	_ =	shalt  }
0x7a: {  	_ =	shalt  }
0x7b: {  	_ =	shalt  }
0x7c: {  	_ =	shalt  }
0x7d: {  	_ =	shalt  }
0x7e: {  	_ =	shalt  }
0x7f: {  	_ =	shalt  }
0x80: {  	_ =	shalt  }
0x81: {  	_ =	shalt  }
0x82: {  	_ =	shalt  }
0x83: {  	_ =	shalt  }
0x84: {  	_ =	shalt  }
0x85: {  	_ =	shalt  }
0x86: {  	_ =	shalt  }
0x87: {  	_ =	shalt  }
.Lfunc_end0:
.L_simem_size_0:
called_computation_lowered:
.L_overlay_start_0:
0x88: {  	s2 =	sld [smem:$0x3FD9]  }
0x89: {  	s3 =	sld [smem:$0x3FFE];
	_ =	sdelay $0x1  }
0x8a: {  	s1 =	srdreg.scid  }
0x8b: {  	s0 =	sand.u32 $0x1, s1  }
0x8c: {  	s17 =	sshll.u32 s0, $0xA;
	s2 =	sadd.s32 s3, s2  }
0x8d: {  	s2 =	sadd.s32 s2, s17  }
0x8e: {  	[smem:$0x3FBE] =	sst s2  }
0x8f: {  	_ = 	snop  }
0x90: {  	s2 =	sld [smem:$0x3FD0];
	(tm) =	ssettm $0x1  }
0x91: {  	s18 =	sld [smem:$0x3FFB];
	_ =	sdelay $0x3  }
0x92: {  	_ =	strace s18  }
0x93: {  	s3 =	sld [smem:$0x3FFC];
	_ =	sdelay $0x3  }
0x94: {  	_ =	strace s3  }
0x95: {  	s3 =	sld [smem:$0x3FFD];
	_ =	sdelay $0x3  }
0x96: {  	_ =	strace s3  }
0x97: {  	_ =	strace $0x8FFFFFFF  }
0x98: {  	s19 =	sld [smem:$0x3FDB];
	_ =	sdelay $0x1  }
0x99: {  	s4 =	simm.s32 $_scs_section_size  }
0x9a: {  	s5 =	simm.s32 $_size__tile_overlayer_lowered;
	s6 =	simm.s32 $_tile_overlayer_lowered  }
0x9b: {  	s22 =	simm.s32 $0x1BFF;
	s21 =	sshll.u32 s6, $0x1;
	s3 =	sadd.s32 s4, s19  }
0x9c: {  	s7 =	simm.s32 $0x0;
	s20 =	sshll.u32 s5, $0x1;
	s5 =	sadd.s32 s21, s3  }
0x9d: {  	[timem:s7], [sflag:s22] =	dma.local [hbm:s5], s20  }
0x9e: {  	_ =	swait.ge [sflag:s22], s20  }
0x9f: {  	s4 =	ssub.s32 $0x0, s20;
	[sflag:s22] =	ssyncset.done $0x0  }
0xa0: {  	[sflag:s22] =	ssyncadd.s32 s4;
	_ =	sdelay $0x1  }
0xa1: {  	s23 =	simm.s32 $0x1B8B  }
0xa2: {  	_ =	swait.ge [sflag:s23], $0x1  }
0xa3: {  	[sflag:s23] =	ssyncset.done $0x0  }
0xa4: {  	s25 =	simm.s32 $0x1B8E;
	s24 =	sld [smem:$0x3FFE];
	[sflag:s23] =	ssyncadd.s32 $0xFFFFFFFF  }
0xa5: {  	s26 =	simm.s32 $execute0_lowered;
	[smem:$0x3FD2] =	sst s25  }
0xa6: {  	s5 =	sshll.u32 s26, $0x1;
	_ =	strace $0x80000046;
	[dreg:$0x1] =	wrdreg $0xFFFFFFFF  }
0xa7: {  	s28 =	simm.s32 $_size_execute0_lowered;
	s3 =	sadd.s32 s3, s5;
	[dreg:$0x0] =	wrdreg $0x0  }
0xa8: {  	s5 =	sshll.u32 s28, $0x1;
	[dreg:$0x2] =	wrdreg s3  }
0xa9: {  	[dreg:$0x3] =	wrdreg s5  }
0xaa: {  	[dreg:$0x4] =	wrdreg $0xC0  }
0xab: {  	_ =	task [dreg:s7], $0x5FFFF  }
0xac: {  	[dreg:$0x1] =	wrdreg $0xFFFFFFFF  }
0xad: {  	[dreg:$0x0] =	wrdreg $0x60  }
0xae: {  	[dreg:$0x2] =	wrdreg s2  }
0xaf: {  	[dreg:$0x3] =	wrdreg s24  }
0xb0: {  	[dreg:$0x4] =	wrdreg $0x0  }
0xb1: {  	[dreg:$0x5] =	wrdreg $0x9  }
0xb2: {  	_ =	task.clear_ibuf [dreg:s7], $0x6FFFF;
	_ =	strace $0x90000046  }
0xb3: {  	s29 =	simm.s32 $0x9;
	_ =	strace $0x80000048  }
0xb4: {  	_ =	swait.ge [sflag:s29], $0x1  }
0xb5: {  	[sflag:s29] =	ssyncadd.s32 $0xFFFFFFFF  }
0xb6: {  	_ =	strace $0x90000048  }
0xb7: {  	_ =	sfence  }
0xb8: {  	s30 =	sld [smem:$0x0];
	_ =	sdelay $0x2  }
0xb9: {  	s31 =	sshll.u32 s1, $0xD;
	s1 =	sshrl.u32 s1, $0x2  }
0xba: {  	s3 =	sand.u32 $0x4000, s31;
	s1 =	sadd.s32 s1, s30  }
0xbb: {  	s0 =	sor.u32 s3, s0;
	s1 =	sshll.u32 s1, $0x11  }
0xbc: {  	s0 =	sor.u32 s1, s0  }
0xbd: {  	s0 =	sadd.s32 $0x8F2B, s0  }
0xbe: {  	[sflag:s0] =	ssyncadd.remote.s32 $0x1  }
0xbf: {  	_ =	sfence.sel $0xFFFF  }
0xc0: {  	[dreg:$0x0] =	wrdreg $0xFFFFFFFF;
	(pc) =	sbr.abs _section_cstart, $3  }
0xc1: {  	[dreg:$0x1] =	wrdreg $0xFFFFFFFF  }
0xc2: {  	_ =	task.clear_ibuf [dreg:s7], $0x2FFFF;
	_ =	strace $0x9FFFFFFF  }
0xc3: {  	(tm) =	ssettm $0x7FFFFFFF  }
tec
execute0_lowered:
.L_overlay_start_1:
0x0: {  	(tag) =	ssettag $0x1  }
0x1: {  	s1 =	rddreg [dreg:$0x0]  }
0x2: {  	s0 =	rddreg [dreg:$0x1]  }
0x3: {  	s3 =	rddreg [dreg:$0x2];
	s2 =	srdreg.scid  }
0x4: {  	s12 =	stileid.u32;
	s4 =	simm.s32 $0x0;
	s20 =	simm.s32 $0x5  }
0x5: {  	s28 =	simm.s32 $0x1BD80;
	s31 =	simm.s32 $0x80;
	s30 =	simm.s32 $0x3  }
0x6: {  	s2 =	sand.u32 $0x1, s2;
	s7 =	smul.u32 $0x13C00, s12;
	[smem:$0x7FF] =	sst s4  }
0x7: {  	s5 =	sadd.s32 $0x1E00, s0;
	s6 =	sadd.s32 $0xC000, s0;
	s9 =	sadd.s32 $0x34000, s0  }
0x8: {  	s13 =	sadd.s32 $0x34200, s0;
	s11 =	smul.u32 $0x4F000, s12;
	s23 =	sshll.u32 s12, $0x6  }
0x9: {  	s8 =	smul.u32 $0x140000, s2;
	_ =	strace $0x80000047;
	[dreg:$0x4] =	wrdreg s9  }
0xa: {  	s21 =	ssub.s32 $0x2, s2;
	s2 =	sshll.u32 s2, $0x4;
	[dreg:$0x5] =	wrdreg s13  }
0xb: {  	s10 =	sshrl.u32 s21, $0x1;
	s2 =	sor.u32 s12, s2;
	s11 =	sshrl.u32 s11, $0x2  }
0xc: {  	s12 =	simm.s32 $0x0;
	s8 =	sadd.s32 s7, s8;
	s10 =	ssub.s32 s21, s10  }
0xd: {  	s7 =	sshrl.u32 s7, $0x3;
	s9 =	smul.u32 $0x2880, s2;
	s22 =	sadd.s32 s11, s3  }
0xe: {  	s11 =	sor.u32 $0x1C05, s23;
	s21 =	simm.s32 $0x1BE00;
	s2 =	simm.s32 $0x17C80  }
0xf: {  	s23 =	simm.s32 $0x17CC0;
	s8 =	sshrl.u32 s8, $0x3;
	s7 =	sadd.s32 s13, s7  }
0x10: {  	v0 =	vimm.s32 $0xFEDCBA98;
	s29 =	smax.u32 s10, $0x1;
	s13 =	sshrl.u32 s22, $0x3;
	[dreg:$0x6] =	wrdreg s7  }
0x11: {  	v1 =	vimm.s32 $0x76543210;
	v0 =	vunpack.c.l.s4.s8 v0;
	s22 =	simm.s32 $0x1DE00;
	s8 =	sadd.s32 s8, s0;
	[dreg:$0xb] =	wrdreg s29  }
0x12: {  	v1 =	vunpack.c.l.s4.s8 v1;
	s0 =	sadd.s32 $0x34010, s0;
	s24 =	sshrl.u32 s9, $0x3;
	[dreg:$0xc] =	wrdreg s13  }
0x13: {  	v0 =	vunpack.c.0.s8.s32 v0;
	s10 =	simm.s32 $0x2;
	[dreg:$0x7] =	wrdreg s0;
	s25 =	sadd.s32 s1, s24  }
0x14: {  	v1 =	vunpack.c.0.s8.s32 v1;
	s15 =	sor.u32 $0x40, s9;
	s0 =	sadd.s32 s5, s24;
	[dreg:$0x8] =	wrdreg s25  }
0x15: {  	vm0 =	vmmov $0xff;
	v3 =	vlaneseq.u32;
	v2 =	vand.u32 $0xF, v0;
	s16 =	sadd.s32 $0x80, s9;
	s26 =	sadd.s32 $0x5C200, s8;
	[dreg:$0x9] =	wrdreg s0  }
0x16: {  	v0 =	vimm.s32 $0x0;
	v1 =	vcombine.low v2, v1;
	v2 =	vshrl.u32 v3, $0x3;
	s7 =	simm.s32 $0x4;
	s24 =	simm.s32 $0x17D00;
	[dreg:$0xa] =	wrdreg s26  }
0x17: {  	v3 =	vor.u32 $0x2, v2;
	v4 =	vor.u32 $0x4, v2;
	v5 =	vor.u32 $0x6, v2;
	s25 =	simm.s32 $0x40;
	s26 =	simm.s32 $0x1BD00;
	s0 =	simm.s32 $0x1  }
.LBB2_1:
0x18: {  	s8 =	rddreg [dreg:$0x6]  }
0x19: {  	[spmem:s13], [sflag:s11] =	dma.local [hbm:s8], $0x2780  }
0x1a: {  	_ =	swait.ge [sflag:s20], $0x2780  }
0x1b: {  	[sflag:s20] =	ssyncset.done $0x0  }
0x1c: {  	s13 =	rddreg [dreg:$0x5];
	[sflag:s20] =	ssyncadd.s32 $0xFFFFD880  }
0x1d: {  	[tilespmem:s21], [sflag:$0x5] =	stream.linear.gather [hbm4b:s13+s4], $0x2000, $0x38;
	[tilespmem:$0x1FF80] =	vst v63  }
0x1e: {  	_ =	swait.ge [sflag:s20], $0x2000  }
0x1f: {  	[sflag:s20] =	ssyncset.done $0x0  }
0x20: {  	[sflag:s20] =	ssyncadd.s32 $0xFFFFE000  }
0x21: {  	[tilespmem:s22], [sflag:$0x5] =	stream.linear.gather [hbm4b:s13+s4], $0x2000, $0x38;
	[tilespmem:$0x1FF80] =	vst v63  }
0x22: {  	_ =	swait.ge [sflag:s20], $0x2000  }
0x23: {  	[sflag:s20] =	ssyncset.done $0x0  }
0x24: {  	s17 =	simm.s32 $0x1FE00;
	s14 =	rddreg [dreg:$0x4];
	[sflag:s20] =	ssyncadd.s32 $0xFFFFE000  }
0x25: {  	[tilespmem:s17], [sflag:$0x5] =	stream.linear.gather [hbm4b:s14+s4], $0x80, $0x38;
	[tilespmem:$0x1FF80] =	vst v63  }
0x26: {  	_ =	swait.ge [sflag:s20], $0x80  }
0x27: {  	[sflag:s20] =	ssyncset.done $0x0  }
0x28: {  	s29 =	simm.s32 $0x1FE80;
	s18 =	rddreg [dreg:$0x7];
	[sflag:s20] =	ssyncadd.s32 $0xFFFFFF80  }
0x29: {  	[tilespmem:s29], [sflag:$0x5] =	stream.linear.gather [hbm4b:s18+s4], $0x80, $0x38;
	[tilespmem:$0x1FF80] =	vst v63  }
0x2a: {  	_ =	swait.ge [sflag:s20], $0x80  }
0x2b: {  	[sflag:s20] =	ssyncset.done $0x0  }
0x2c: {  	[sflag:s20] =	ssyncadd.s32 $0xFFFFFF80  }
0x2d: {  	[bflag:$0x0] =	sbarrier.arrive $0xFFFF  }
0x2e: {  	v6 =	vld [tilespmem:$0x1FE00]  }
0x2f: {  	v7 =	vld [tilespmem:$0x1FE80];
	_ =	sdelay $0x2  }
0x30: {  	[tilespmem:$0x1BD00] =	vst v0  }
0x31: {  	[tilespmem:$0x1BD80] =	vst v0  }
0x32: {  	[tilespmem:$0x1BD10] =	vst v0;
	v6 =	vadd.f32 v7, v6  }
0x33: {  	[tilespmem:$0x1BD90] =	vst v0  }
0x34: {  	[tilespmem:$0x1BD20] =	vst v0;
	v7 =	vmul.f32 $2.000000030e-01, v6  }
0x35: {  	[tilespmem:$0x1BDA0] =	vst v0;
	vm1 =	vge.f32 v6, $0.0e+00  }
0x36: {  	[tilespmem:$0x1BD30] =	vst v0;
	v6 =	vsel vm1, v6, v7  }
0x37: {  	[tilespmem:$0x1BDB0] =	vst v0;
	v6 =	vnsel vm0, $0x7149F2CA, v6  }
0x38: {  	[tilespmem:$0x1FF00] =	vst v6  }
0x39: {  	[spmem:s3] =	stream.indirect.scatter.add.f32 [tilespmem:s21], [sflag:$0x3], $0x80, s26, s25, $0xb8;
	[tilespmem:$0x1FF80] =	vst v63  }
0x3a: {  	_ = 	snop  }
0x3b: {  	[spmem:s3] =	stream.indirect.scatter.add.f32 [tilespmem:s22], [sflag:$0x4], $0x80, s28, s25, $0xb8;
	[tilespmem:$0x1FF80] =	vst v63  }
0x3c: {  	s14 =	simm.s32 $0x13C00;
	s13 =	rddreg [dreg:$0x8]  }
0x3d: {  	[tilespmem:s14], [sflag:$0x5] =	stream.linear.gather [hbm4b:s13+s4], $0x40, $0x38;
	[tilespmem:$0x1FF80] =	vst v63  }
0x3e: {  	_ =	swait.ge [sflag:s20], $0x40  }
0x3f: {  	[sflag:s20] =	ssyncset.done $0x0  }
0x40: {  	s18 =	simm.s32 $0x13C40;
	s17 =	rddreg [dreg:$0x9];
	[sflag:s20] =	ssyncadd.s32 $0xFFFFFFC0  }
0x41: {  	[tilespmem:s18], [sflag:$0x5] =	stream.linear.gather [hbm4b:s17+s4], $0x40, $0x38;
	[tilespmem:$0x1FF80] =	vst v63  }
0x42: {  	_ =	swait.ge [sflag:s20], $0x40  }
0x43: {  	s19 =	smov.u32 s11;
	[sflag:s20] =	ssyncset.done $0x0  }
0x44: {  	s29 =	simm.s32 $0x13C80;
	s13 =	simm.s32 $0x0;
	[sflag:s20] =	ssyncadd.s32 $0xFFFFFFC0  }
0x45: {  	[tilespmem:s29], [sflag:$0x1] =	stream.indirect.gather [hbm4b:s6+s31], $0x80, s14, s31, $0xb8;
	[tilespmem:$0x1FF80] =	vst v63  }
.LBB2_2:
0x46: {  	s17 =	sshll.u32 s13, $0x7  }
0x47: {  	s8 =	sadd.s32 s17, s15  }
0x48: {  	s8 =	sshrl.u32 s8, $0x3  }
0x49: {  	s18 =	simm.s32 $0x0;
	s14 =	sadd.s32 s1, s8  }
0x4a: {  	[tilespmem:s2], [sflag:$0x5] =	stream.linear.gather [hbm4b:s14+s18], $0x40, $0x38;
	[tilespmem:$0x1FF80] =	vst v63  }
0x4b: {  	_ =	swait.ge [sflag:s20], $0x40  }
0x4c: {  	[sflag:s20] =	ssyncset.done $0x0  }
0x4d: {  	s14 =	sadd.s32 s5, s8;
	[sflag:s20] =	ssyncadd.s32 $0xFFFFFFC0  }
0x4e: {  	[tilespmem:s23], [sflag:$0x5] =	stream.linear.gather [hbm4b:s14+s18], $0x40, $0x38;
	[tilespmem:$0x1FF80] =	vst v63  }
0x4f: {  	_ =	swait.ge [sflag:s20], $0x40  }
0x50: {  	[sflag:s20] =	ssyncset.done $0x0  }
0x51: {  	[sflag:s20] =	ssyncadd.s32 $0xFFFFFFC0  }
0x52: {  	[tilespmem:s24], [sflag:$0x2] =	stream.indirect.gather [hbm4b:s6+s31], $0x80, s2, s31, $0xb8;
	[tilespmem:$0x1FF80] =	vst v63  }
0x53: {  	s11 =	sadd.s32 s9, s17;
	_ =	swait.ge [sflag:s30], $0x2000  }
0x54: {  	s8 =	sshrl.u32 s11, $0x3;
	[sflag:s30] =	ssyncset.done $0x0  }
0x55: {  	s8 =	sadd.s32 s5, s8;
	[sflag:s30] =	ssyncadd.s32 $0xFFFFE000  }
0x56: {  	[tilespmem:s26], [sflag:$0x5] =	stream.linear.gather [hbm4b:s8+s18], $0x40, $0x38;
	[tilespmem:$0x1FF80] =	vst v63  }
0x57: {  	_ =	swait.ge [sflag:s20], $0x40  }
0x58: {  	[sflag:s20] =	ssyncset.done $0x0  }
0x59: {  	[sflag:s20] =	ssyncadd.s32 $0xFFFFFFC0  }
0x5a: {  	_ =	swait.ge [sflag:s0], $0x4000  }
0x5b: {  	[sflag:s0] =	ssyncset.done $0x0  }
0x5c: {  	s29 =	simm.s32 $0x0;
	[sflag:s0] =	ssyncadd.s32 $0xFFFFC000  }
0x5d: {  	v6 =	vld [tilespmem:s29+$0x15DC0]  }
0x5e: {  	v7 =	vld [tilespmem:s29+$0x15E40]  }
0x5f: {  	v8 =	vld [tilespmem:s29+$0x13DC0]  }
0x60: {  	v9 =	vld [tilespmem:s29+$0x13E40];
	_ =	sdelay $0x1  }
0x61: {  	v10 =	vperm.xlane v6, v1  }
0x62: {  	v7 =	vperm.xlane v7, v1  }
0x63: {  	v6 =	vld [tilespmem:$0x1FF00];
	v8 =	vadd.f32 v10, v8  }
0x64: {  	v7 =	vadd.f32 v7, v9  }
0x65: {  	v10 =	vld [tilespmem:s29+$0x15D40];
	v9 =	vmul.f32 $2.000000030e-01, v8  }
0x66: {  	vm1 =	vge.f32 v8, $0.0e+00;
	v12 =	vmul.f32 $2.000000030e-01, v7  }
0x67: {  	v11 =	vld [tilespmem:s29+$0x13D40];
	v8 =	vsel vm1, v8, v9;
	vm1 =	vge.f32 v7, $0.0e+00  }
0x68: {  	v8 =	vsub.f32 v8, v6;
	v7 =	vsel vm1, v7, v12  }
0x69: {  	v7 =	vsub.f32 v7, v6  }
0x6a: {  	v10 =	vperm.xlane v10, v1;
	v8 =	vmul.f32 $1.442695020e+00, v8  }
0x6b: {  	v7 =	vmul.f32 $1.442695020e+00, v7  }
0x6c: {  	v10 =	vadd.f32 v10, v11;
	(erf) = vpow2.f32 v8  }
0x6d: {  	(erf) = vpow2.f32 v7  }
0x6e: {  	s18 =	simm.s32 $0x200;
	v14 =	vld [tilespmem:s29+$0x13E10];
	v8 =	vmul.f32 $2.000000030e-01, v10  }
0x6f: {  	v15 =	vld [tilespmem:s18+$0x15D40];
	vm1 =	vge.f32 v10, $0.0e+00  }
0x70: {  	v9 =	vld [tilespmem:s29+$0x15CC0];
	v8 =	vsel vm1, v10, v8  }
0x71: {  	v16 =	vld [tilespmem:s18+$0x15DC0];
	v8 =	vsub.f32 v8, v6  }
0x72: {  	v12 =	vld [tilespmem:s29+$0x13CC0]  }
0x73: {  	v17 =	vld [tilespmem:s18+$0x15E40];
	v8 =	vmul.f32 $1.442695020e+00, v8  }
0x74: {  	v18 =	vld [tilespmem:s18+$0x13DC0]  }
0x75: {  	v7 =	vld [tilespmem:s29+$0x13E20];
	(erf) = vpow2.f32 v8;
	v8 =	vperm.xlane v9, v1;
	v20 =	vpop (erf)  }
0x76: {  	v19 =	vld [tilespmem:s18+$0x13E40];
	v22 =	vpop (erf)  }
0x77: {  	v21 =	vld [tilespmem:s18+$0x15CC0];
	v8 =	vadd.f32 v8, v12;
	v9 =	vperm.xlane v22, v3  }
0x78: {  	v11 =	vld [tilespmem:s29+$0x13DB0];
	v12 =	vperm.xlane v22, v4  }
0x79: {  	v10 =	vld [tilespmem:s18+$0x13D40];
	[tilespmem:s29+$0x1BF40] =	vst v20;
	v25 =	vmul.f32 $2.000000030e-01, v8;
	v9 =	vmul.f32 v9, v14  }
0x7a: {  	[tilespmem:s29+$0x1BFC0] =	vst v22;
	vm1 =	vge.f32 v8, $0.0e+00;
	v7 =	vmul.f32 v12, v7  }
0x7b: {  	v23 =	vld [tilespmem:s29+$0x13DA0];
	v8 =	vsel vm1, v8, v25;
	[tilespmem:s29+$0x1BF90] =	vst v9;
	v9 =	vperm.xlane v20, v5  }
0x7c: {  	v26 =	vld [tilespmem:s18+$0x13CC0];
	[tilespmem:s29+$0x1BFA0] =	vst v7;
	v7 =	vsub.f32 v8, v6  }
0x7d: {  	v24 =	vld [tilespmem:s29+$0x13E00];
	v15 =	vperm.xlane v15, v1;
	v11 =	vmul.f32 v9, v11  }
0x7e: {  	v28 =	vperm.xlane v22, v2;
	v14 =	vld [tilespmem:s29+$0x13D90];
	v7 =	vmul.f32 $1.442695020e+00, v7  }
0x7f: {  	v12 =	vperm.xlane v20, v4;
	[tilespmem:s29+$0x1BF30] =	vst v11;
	v11 =	vperm.xlane v16, v1  }
0x80: {  	v13 =	vld [tilespmem:s29+$0x13E30];
	(erf) = vpow2.f32 v7;
	v7 =	vperm.xlane v17, v1  }
0x81: {  	v27 =	vperm.xlane v20, v3;
	v12 =	vmul.f32 v12, v23;
	v11 =	vadd.f32 v11, v18  }
0x82: {  	v16 =	vmul.f32 v28, v24;
	v17 =	vperm.xlane v22, v5;
	v18 =	vadd.f32 v7, v19  }
0x83: {  	v10 =	vadd.f32 v15, v10;
	v25 =	vpop (erf);
	v7 =	vmul.f32 v27, v14;
	v14 =	vmul.f32 $2.000000030e-01, v11  }
0x84: {  	v63 =	vperm.xlane v25, v4;
	v24 =	vld [tilespmem:s29+$0x13D20];
	[tilespmem:s29+$0x1BF80] =	vst v16;
	vm1 =	vge.f32 v11, $0.0e+00;
	v16 =	vmul.f32 $2.000000030e-01, v18  }
0x85: {  	v23 =	vld [tilespmem:s29+$0x13D10];
	v13 =	vmul.f32 v17, v13;
	v11 =	vsel vm1, v11, v14;
	vm1 =	vge.f32 v18, $0.0e+00  }
0x86: {  	v15 =	vld [tilespmem:s29+$0x13D30];
	[tilespmem:s29+$0x1BF10] =	vst v7;
	v7 =	vperm.xlane v20, v2;
	v11 =	vsub.f32 v11, v6;
	v14 =	vsel vm1, v18, v16  }
0x87: {  	v8 =	vld [tilespmem:s29+$0x13D80];
	v20 =	vmul.f32 $2.000000030e-01, v10;
	[tilespmem:s29+$0x1BFB0] =	vst v13;
	v13 =	vperm.xlane v21, v1;
	v17 =	vsub.f32 v14, v6  }
0x88: {  	v19 =	vld [tilespmem:s29+$0x13D00];
	v18 =	vperm.xlane v25, v3;
	v11 =	vmul.f32 $1.442695020e+00, v11  }
0x89: {  	v9 =	vld [tilespmem:s29+$0x13CA0];
	v24 =	vmul.f32 v63, v24;
	vm1 =	vge.f32 v10, $0.0e+00;
	v21 =	vmul.f32 $1.442695020e+00, v17  }
0x8a: {  	[tilespmem:s29+$0x1BF20] =	vst v12;
	v12 =	vld [tilespmem:s29+$0x13CB0];
	v13 =	vadd.f32 v13, v26;
	(erf) = vpow2.f32 v11;
	v11 =	vmul.f32 v18, v23  }
0x8b: {  	[tilespmem:s29+$0x1BEC0] =	vst v25;
	v16 =	vld [tilespmem:s29+$0x13C80];
	v20 =	vsel vm1, v10, v20;
	v27 =	vpop (erf);
	v18 =	vperm.xlane v25, v2;
	(erf) = vpow2.f32 v21  }
0x8c: {  	v14 =	vperm.xlane v25, v5;
	v17 =	vld [tilespmem:s29+$0x13C90];
	[tilespmem:s29+$0x1BE40] =	vst v27;
	v23 =	vsub.f32 v20, v6;
	v21 =	vmul.f32 $2.000000030e-01, v13  }
0x8d: {  	vm1 =	vge.f32 v13, $0.0e+00;
	v20 =	vperm.xlane v27, v5;
	v10 =	vld [tilespmem:s18+$0x13DB0];
	[tilespmem:s29+$0x1BE90] =	vst v11;
	v25 =	vmul.f32 v18, v19  }
0x8e: {  	v22 =	vperm.xlane v27, v2;
	v19 =	vmul.f32 $1.442695020e+00, v23;
	v11 =	vld [tilespmem:s18+$0x13E30];
	v18 =	vsel vm1, v13, v21  }
0x8f: {  	s8 =	simm.s32 $0x1000;
	v23 =	vperm.xlane v27, v3;
	v21 =	vperm.xlane v27, v4;
	v13 =	vld [tilespmem:s18+$0x13E20];
	v18 =	vsub.f32 v18, v6;
	[tilespmem:s29+$0x1BE80] =	vst v25  }
.LBB2_3:
0x90: {  	s11 =	sshra.s32 s8, $0x2;
	p0 =	sne.s32 s8, $0x7800;
	s8 =	sadd.s32 $0x800, s8;
	v25 =	vld [tilespmem:s18+$0x13E10];
	v16 =	vmul.f32 v22, v16;
	v14 =	vmul.f32 v14, v15  }
0x91: {  	v12 =	vmul.f32 v20, v12;
	v15 =	vld [tilespmem:s11+$0x13D40];
	v18 =	vmul.f32 $1.442695020e+00, v18;
	[tilespmem:s29+$0x1BEA0] =	vst v24  }
0x92: {  	v9 =	vmul.f32 v21, v9;
	v17 =	vmul.f32 v23, v17;
	v20 =	vld [tilespmem:s11+$0x15D40];
	[tilespmem:s29+$0x1BEB0] =	vst v14  }
0x93: {  	v8 =	vmul.f32 v7, v8;
	v14 =	vld [tilespmem:s11+$0x15DC0];
	(erf) = vpow2.f32 v19;
	v19 =	vpop (erf);
	[tilespmem:s29+$0x1BE30] =	vst v12  }
0x94: {  	v12 =	vld [tilespmem:s11+$0x15E40];
	v7 =	vperm.xlane v19, v2;
	v21 =	vperm.xlane v19, v3;
	v22 =	vpop (erf);
	[tilespmem:s29+$0x1BE00] =	vst v16  }
0x95: {  	v23 =	vperm.xlane v19, v4;
	v16 =	vld [tilespmem:s11+$0x13DC0];
	v24 =	vperm.xlane v22, v2;
	[tilespmem:s29+$0x1BF00] =	vst v8  }
0x96: {  	v26 =	vperm.xlane v19, v5;
	v27 =	vperm.xlane v22, v3;
	v8 =	vld [tilespmem:s11+$0x13E40];
	[tilespmem:s29+$0x1BE10] =	vst v17  }
0x97: {  	v28 =	vperm.xlane v22, v4;
	v17 =	vld [tilespmem:s11+$0x15CC0];
	v20 =	vperm.xlane v20, v1;
	[tilespmem:s29+$0x1BE20] =	vst v9;
	s29 =	smov.u32 s18;
	s18 =	smov.u32 s11  }
0x98: {  	v9 =	vperm.xlane v14, v1;
	v14 =	vld [tilespmem:s29+$0x13DA0];
	[tilespmem:s29+$0x1BFC0] =	vst v22;
	v22 =	vperm.xlane v22, v5  }
0x99: {  	v20 =	vadd.f32 v20, v15;
	v12 =	vperm.xlane v12, v1;
	[tilespmem:s29+$0x1BF40] =	vst v19;
	v15 =	vld [tilespmem:s29+$0x13E00];
	v19 =	vmul.f32 v27, v25  }
0x9a: {  	v25 =	vmul.f32 v28, v13;
	v9 =	vadd.f32 v9, v16;
	v16 =	vld [tilespmem:s29+$0x13D90];
	v11 =	vmul.f32 v22, v11  }
0x9b: {  	v22 =	vmul.f32 $2.000000030e-01, v20;
	v12 =	vadd.f32 v12, v8;
	[tilespmem:s29+$0x1BF90] =	vst v19;
	(erf) = vpow2.f32 v18  }
0x9c: {  	v10 =	vmul.f32 v26, v10;
	vm1 =	vge.f32 v20, $0.0e+00;
	v18 =	vld [tilespmem:s18+$0x13CC0];
	v19 =	vmul.f32 $2.000000030e-01, v9;
	[tilespmem:s29+$0x1BFA0] =	vst v25;
	v13 =	vpop (erf)  }
0x9d: {  	vm2 =	vge.f32 v9, $0.0e+00;
	v25 =	vmul.f32 $2.000000030e-01, v12;
	[tilespmem:s29+$0x1BEC0] =	vst v13;
	v8 =	vld [tilespmem:s29+$0x13D80];
	v14 =	vmul.f32 v23, v14  }
0x9e: {  	v19 =	vsel vm2, v9, v19;
	vm2 =	vge.f32 v12, $0.0e+00;
	v9 =	vld [tilespmem:s29+$0x13CA0];
	[tilespmem:s29+$0x1BF30] =	vst v10;
	v10 =	vmul.f32 v24, v15  }
0x9f: {  	v15 =	vsub.f32 v19, v6;
	v12 =	vsel vm2, v12, v25;
	v19 =	vld [tilespmem:s29+$0x13D10];
	v16 =	vmul.f32 v21, v16;
	[tilespmem:s29+$0x1BF20] =	vst v14  }
0xa0: {  	v17 =	vperm.xlane v17, v1;
	v14 =	vperm.xlane v13, v5;
	v21 =	vsub.f32 v12, v6;
	v12 =	vld [tilespmem:s29+$0x13CB0];
	[tilespmem:s29+$0x1BF80] =	vst v10  }
0xa1: {  	v24 =	vperm.xlane v13, v4;
	v10 =	vmul.f32 $1.442695020e+00, v15;
	v23 =	vld [tilespmem:s29+$0x13D00];
	[tilespmem:s29+$0x1BF10] =	vst v16  }
0xa2: {  	v18 =	vadd.f32 v17, v18;
	v17 =	vperm.xlane v13, v3;
	v16 =	vmul.f32 $1.442695020e+00, v21;
	v15 =	vld [tilespmem:s29+$0x13D30];
	[tilespmem:s29+$0x1BFB0] =	vst v11  }
0xa3: {  	v11 =	vperm.xlane v13, v2;
	(erf) = vpow2.f32 v10;
	v25 =	vld [tilespmem:s29+$0x13D20]  }
.Ltmp0:
0xa4: {  	v10 =	vsel vm1, v20, v22;
	(erf) = vpow2.f32 v16;
	v16 =	vld [tilespmem:s29+$0x13C80];
	v13 =	vmul.f32 v17, v19;
	v26 =	vpop (erf);
	(pc) =	sbr.rel @p0 .LBB2_3-.Ltmp0, $4  }
0xa5: {  	v19 =	vmul.f32 $2.000000030e-01, v18;
	v21 =	vsub.f32 v10, v6;
	[tilespmem:s29+$0x1BE40] =	vst v26;
	v17 =	vld [tilespmem:s29+$0x13C90];
	v20 =	vperm.xlane v26, v5  }
0xa6: {  	vm1 =	vge.f32 v18, $0.0e+00;
	v22 =	vperm.xlane v26, v2;
	v10 =	vld [tilespmem:s18+$0x13DB0];
	v27 =	vmul.f32 v11, v23;
	[tilespmem:s29+$0x1BE90] =	vst v13  }
0xa7: {  	v13 =	vsel vm1, v18, v19;
	v19 =	vmul.f32 $1.442695020e+00, v21;
	v21 =	vperm.xlane v26, v4;
	v11 =	vld [tilespmem:s18+$0x13E30]  }
0xa8: {  	v23 =	vperm.xlane v26, v3;
	v18 =	vsub.f32 v13, v6;
	v13 =	vld [tilespmem:s18+$0x13E20];
	[tilespmem:s29+$0x1BE80] =	vst v27;
	v24 =	vmul.f32 v24, v25  }
0xa9: {  	v14 =	vmul.f32 v14, v15;
	v7 =	vmul.f32 v7, v8  }
0xaa: {  	v6 =	vld [tilespmem:s18+$0x13E10];
	v12 =	vmul.f32 v20, v12;
	[tilespmem:s29+$0x1BEA0] =	vst v24;
	v8 =	vmul.f32 v23, v17  }
0xab: {  	[tilespmem:s29+$0x1BEB0] =	vst v14  }
0xac: {  	(erf) = vpow2.f32 v19;
	[tilespmem:s29+$0x1BE30] =	vst v12  }
0xad: {  	v15 =	vmul.f32 v22, v16;
	[tilespmem:s29+$0x1BF00] =	vst v7;
	v7 =	vpop (erf)  }
0xae: {  	v9 =	vmul.f32 v21, v9;
	[tilespmem:s29+$0x1BE10] =	vst v8;
	v8 =	vpop (erf)  }
0xaf: {  	[tilespmem:s29+$0x1BE00] =	vst v15;
	v12 =	vperm.xlane v8, v3;
	v14 =	vperm.xlane v8, v4  }
0xb0: {  	v16 =	vmul.f32 $1.442695020e+00, v18;
	[tilespmem:s29+$0x1BE20] =	vst v9  }
0xb1: {  	v9 =	vld [tilespmem:s18+$0x13DA0];
	v6 =	vmul.f32 v12, v6;
	v13 =	vmul.f32 v14, v13  }
0xb2: {  	v15 =	vld [tilespmem:s18+$0x13E00];
	[tilespmem:s18+$0x1BFC0] =	vst v8;
	v18 =	vperm.xlane v8, v2;
	v8 =	vperm.xlane v8, v5  }
0xb3: {  	[tilespmem:s18+$0x1BF90] =	vst v6;
	v6 =	vperm.xlane v7, v5  }
0xb4: {  	v12 =	vld [tilespmem:s18+$0x13D90];
	v14 =	vperm.xlane v7, v4;
	v8 =	vmul.f32 v8, v11  }
0xb5: {  	[tilespmem:s18+$0x1BFA0] =	vst v13;
	v13 =	vpop (erf);
	v6 =	vmul.f32 v6, v10;
	(erf) = vpow2.f32 v16  }
0xb6: {  	v9 =	vmul.f32 v14, v9;
	v14 =	vld [tilespmem:s18+$0x13D10];
	[tilespmem:s18+$0x1BFB0] =	vst v8  }
0xb7: {  	v15 =	vmul.f32 v18, v15;
	v8 =	vld [tilespmem:s18+$0x13D20];
	[tilespmem:s18+$0x1BF30] =	vst v6;
	v6 =	vperm.xlane v7, v3  }
0xb8: {  	[tilespmem:s18+$0x1BF40] =	vst v7;
	v10 =	vld [tilespmem:s18+$0x13D80]  }
0xb9: {  	[tilespmem:s18+$0x1BF80] =	vst v15;
	v11 =	vperm.xlane v13, v3;
	v6 =	vmul.f32 v6, v12  }
0xba: {  	[tilespmem:s18+$0x1BF20] =	vst v9;
	v19 =	vperm.xlane v13, v4;
	v12 =	vld [tilespmem:s18+$0x13D00]  }
0xbb: {  	v7 =	vperm.xlane v7, v2;
	v11 =	vmul.f32 v11, v14;
	[tilespmem:s18+$0x1BF10] =	vst v6;
	v6 =	vld [tilespmem:s18+$0x13D30]  }
0xbc: {  	v9 =	vld [tilespmem:s18+$0x13CB0];
	[tilespmem:s18+$0x1BEC0] =	vst v13;
	v8 =	vmul.f32 v19, v8  }
0xbd: {  	v16 =	vld [tilespmem:s18+$0x13C80];
	v15 =	vperm.xlane v13, v2;
	[tilespmem:s18+$0x1BE90] =	vst v11;
	v7 =	vmul.f32 v7, v10  }
0xbe: {  	v13 =	vperm.xlane v13, v5;
	v14 =	vld [tilespmem:s18+$0x13C90];
	[tilespmem:s18+$0x1BEA0] =	vst v8;
	v18 =	vpop (erf)  }
0xbf: {  	v17 =	vld [tilespmem:s18+$0x13CA0];
	[tilespmem:s18+$0x1BF00] =	vst v7;
	v12 =	vmul.f32 v15, v12;
	v15 =	vperm.xlane v18, v5  }
0xc0: {  	[tilespmem:s18+$0x1BE40] =	vst v18;
	v11 =	vperm.xlane v18, v2;
	v6 =	vmul.f32 v13, v6  }
0xc1: {  	v8 =	vperm.xlane v18, v3;
	[tilespmem:s18+$0x1BE80] =	vst v12;
	v9 =	vmul.f32 v15, v9  }
0xc2: {  	v11 =	vmul.f32 v11, v16;
	[tilespmem:s18+$0x1BEB0] =	vst v6;
	v6 =	vperm.xlane v18, v4  }
0xc3: {  	v8 =	vmul.f32 v8, v14;
	[tilespmem:s18+$0x1BE30] =	vst v9  }
0xc4: {  	p0 =	seq.s32 s13, $0x50;
	[tilespmem:s18+$0x1BE00] =	vst v11;
	v6 =	vmul.f32 v6, v17  }
0xc5: {  	s8 =	sadd.s32 @!p0 s17, s16;
	[tilespmem:s18+$0x1BE10] =	vst v8  }
0xc6: {  	s8 =	sshrl.u32 @!p0 s8, $0x3;
	[tilespmem:s18+$0x1BE20] =	vst v6  }
0xc7: {  	[spmem:s3] =	stream.indirect.scatter.add.f32 [tilespmem:s21], [sflag:$0x3], $0x80, s26, s25, $0xb8;
	[tilespmem:$0x1FF80] =	vst v63  }
0xc8: {  	s17 =	simm.s32 @!p0 $0x0;
	s11 =	sadd.s32 @!p0 s1, s8;
	s18 =	simm.s32 @!p0 $0x13C00  }
0xc9: {  	[tilespmem:s18], [sflag:$0x5] =	stream.linear.gather @!p0 [hbm4b:s11+s17], $0x40, $0x38;
	[tilespmem:$0x1FF80] =	vst v63  }
0xca: {  	s11 =	simm.s32 @!p0 $0x5  }
0xcb: {  	_ =	swait.ge @!p0 [sflag:s11], $0x40  }
0xcc: {  	[sflag:s11] =	ssyncset.done @!p0 $0x0  }
0xcd: {  	s8 =	sadd.s32 @!p0 s5, s8;
	s29 =	simm.s32 @!p0 $0x13C40;
	[sflag:s11] =	ssyncadd.s32 @!p0 $0xFFFFFFC0  }
0xce: {  	[tilespmem:s29], [sflag:$0x5] =	stream.linear.gather @!p0 [hbm4b:s8+s17], $0x40, $0x38;
	[tilespmem:$0x1FF80] =	vst v63  }
0xcf: {  	_ =	swait.ge @!p0 [sflag:s11], $0x40  }
0xd0: {  	[sflag:s11] =	ssyncset.done @!p0 $0x0  }
0xd1: {  	s8 =	simm.s32 @!p0 $0x80;
	[sflag:s11] =	ssyncadd.s32 @!p0 $0xFFFFFFC0;
	s11 =	simm.s32 @!p0 $0x13C80  }
0xd2: {  	[tilespmem:s11], [sflag:$0x1] =	stream.indirect.gather @!p0 [hbm4b:s6+s8], $0x80, s18, s8, $0xb8;
	[tilespmem:$0x1FF80] =	vst v63  }
0xd3: {  	_ =	swait.ge [sflag:s7], $0x2000  }
0xd4: {  	[sflag:s7] =	ssyncset.done $0x0  }
0xd5: {  	s29 =	simm.s32 $0x0;
	[sflag:s7] =	ssyncadd.s32 $0xFFFFE000  }
0xd6: {  	[tilespmem:s28], [sflag:$0x5] =	stream.linear.gather [hbm4b:s14+s29], $0x40, $0x38;
	[tilespmem:$0x1FF80] =	vst v63  }
0xd7: {  	_ =	swait.ge [sflag:s20], $0x40  }
0xd8: {  	[sflag:s20] =	ssyncset.done $0x0  }
0xd9: {  	[sflag:s20] =	ssyncadd.s32 $0xFFFFFFC0  }
0xda: {  	_ =	swait.ge [sflag:s10], $0x4000  }
0xdb: {  	[sflag:s10] =	ssyncset.done $0x0  }
0xdc: {  	s17 =	simm.s32 $0x0;
	[sflag:s10] =	ssyncadd.s32 $0xFFFFC000  }
0xdd: {  	v6 =	vld [tilespmem:s17+$0x19E40]  }
0xde: {  	v7 =	vld [tilespmem:s17+$0x19EC0]  }
0xdf: {  	v8 =	vld [tilespmem:s17+$0x17E40]  }
0xe0: {  	v9 =	vld [tilespmem:s17+$0x17EC0];
	_ =	sdelay $0x1  }
0xe1: {  	v10 =	vperm.xlane v6, v1  }
0xe2: {  	v7 =	vperm.xlane v7, v1  }
0xe3: {  	v6 =	vld [tilespmem:$0x1FF00];
	v8 =	vadd.f32 v10, v8  }
0xe4: {  	v7 =	vadd.f32 v7, v9  }
0xe5: {  	v10 =	vld [tilespmem:s17+$0x19DC0];
	v9 =	vmul.f32 $2.000000030e-01, v8  }
0xe6: {  	vm1 =	vge.f32 v8, $0.0e+00;
	v12 =	vmul.f32 $2.000000030e-01, v7  }
0xe7: {  	v11 =	vld [tilespmem:s17+$0x17DC0];
	v8 =	vsel vm1, v8, v9;
	vm1 =	vge.f32 v7, $0.0e+00  }
0xe8: {  	v8 =	vsub.f32 v8, v6;
	v7 =	vsel vm1, v7, v12  }
0xe9: {  	v7 =	vsub.f32 v7, v6  }
0xea: {  	v10 =	vperm.xlane v10, v1;
	v8 =	vmul.f32 $1.442695020e+00, v8  }
0xeb: {  	v7 =	vmul.f32 $1.442695020e+00, v7  }
0xec: {  	v10 =	vadd.f32 v10, v11;
	(erf) = vpow2.f32 v8  }
0xed: {  	(erf) = vpow2.f32 v7  }
0xee: {  	s14 =	simm.s32 $0x200;
	v14 =	vld [tilespmem:s17+$0x17E90];
	v8 =	vmul.f32 $2.000000030e-01, v10  }
0xef: {  	v15 =	vld [tilespmem:s14+$0x19DC0];
	vm1 =	vge.f32 v10, $0.0e+00  }
0xf0: {  	v9 =	vld [tilespmem:s17+$0x19D40];
	v8 =	vsel vm1, v10, v8  }
0xf1: {  	v16 =	vld [tilespmem:s14+$0x19E40];
	v8 =	vsub.f32 v8, v6  }
0xf2: {  	v12 =	vld [tilespmem:s17+$0x17D40]  }
0xf3: {  	v17 =	vld [tilespmem:s14+$0x19EC0];
	v8 =	vmul.f32 $1.442695020e+00, v8  }
0xf4: {  	v18 =	vld [tilespmem:s14+$0x17E40]  }
0xf5: {  	v7 =	vld [tilespmem:s17+$0x17EA0];
	(erf) = vpow2.f32 v8;
	v8 =	vperm.xlane v9, v1;
	v20 =	vpop (erf)  }
0xf6: {  	v19 =	vld [tilespmem:s14+$0x17EC0];
	v22 =	vpop (erf)  }
0xf7: {  	v21 =	vld [tilespmem:s14+$0x19D40];
	v8 =	vadd.f32 v8, v12;
	v9 =	vperm.xlane v22, v3  }
0xf8: {  	v11 =	vld [tilespmem:s17+$0x17E30];
	v12 =	vperm.xlane v22, v4  }
0xf9: {  	v10 =	vld [tilespmem:s14+$0x17DC0];
	[tilespmem:s17+$0x1DF40] =	vst v20;
	v25 =	vmul.f32 $2.000000030e-01, v8;
	v9 =	vmul.f32 v9, v14  }
0xfa: {  	[tilespmem:s17+$0x1DFC0] =	vst v22;
	vm1 =	vge.f32 v8, $0.0e+00;
	v7 =	vmul.f32 v12, v7  }
0xfb: {  	v23 =	vld [tilespmem:s17+$0x17E20];
	v8 =	vsel vm1, v8, v25;
	[tilespmem:s17+$0x1DF90] =	vst v9;
	v9 =	vperm.xlane v20, v5  }
0xfc: {  	v26 =	vld [tilespmem:s14+$0x17D40];
	[tilespmem:s17+$0x1DFA0] =	vst v7;
	v7 =	vsub.f32 v8, v6  }
0xfd: {  	v24 =	vld [tilespmem:s17+$0x17E80];
	v15 =	vperm.xlane v15, v1;
	v11 =	vmul.f32 v9, v11  }
0xfe: {  	v28 =	vperm.xlane v22, v2;
	v14 =	vld [tilespmem:s17+$0x17E10];
	v7 =	vmul.f32 $1.442695020e+00, v7  }
0xff: {  	v12 =	vperm.xlane v20, v4;
	[tilespmem:s17+$0x1DF30] =	vst v11;
	v11 =	vperm.xlane v16, v1  }
0x100: {  	v13 =	vld [tilespmem:s17+$0x17EB0];
	(erf) = vpow2.f32 v7;
	v7 =	vperm.xlane v17, v1  }
0x101: {  	v27 =	vperm.xlane v20, v3;
	v12 =	vmul.f32 v12, v23;
	v11 =	vadd.f32 v11, v18  }
0x102: {  	v16 =	vmul.f32 v28, v24;
	v17 =	vperm.xlane v22, v5;
	v18 =	vadd.f32 v7, v19  }
0x103: {  	v10 =	vadd.f32 v15, v10;
	v25 =	vpop (erf);
	v7 =	vmul.f32 v27, v14;
	v14 =	vmul.f32 $2.000000030e-01, v11  }
0x104: {  	v63 =	vperm.xlane v25, v4;
	v24 =	vld [tilespmem:s17+$0x17DA0];
	[tilespmem:s17+$0x1DF80] =	vst v16;
	vm1 =	vge.f32 v11, $0.0e+00;
	v16 =	vmul.f32 $2.000000030e-01, v18  }
0x105: {  	v23 =	vld [tilespmem:s17+$0x17D90];
	v13 =	vmul.f32 v17, v13;
	v11 =	vsel vm1, v11, v14;
	vm1 =	vge.f32 v18, $0.0e+00  }
0x106: {  	v15 =	vld [tilespmem:s17+$0x17DB0];
	[tilespmem:s17+$0x1DF10] =	vst v7;
	v7 =	vperm.xlane v20, v2;
	v11 =	vsub.f32 v11, v6;
	v14 =	vsel vm1, v18, v16  }
0x107: {  	v8 =	vld [tilespmem:s17+$0x17E00];
	v20 =	vmul.f32 $2.000000030e-01, v10;
	[tilespmem:s17+$0x1DFB0] =	vst v13;
	v13 =	vperm.xlane v21, v1;
	v17 =	vsub.f32 v14, v6  }
0x108: {  	v19 =	vld [tilespmem:s17+$0x17D80];
	v18 =	vperm.xlane v25, v3;
	v11 =	vmul.f32 $1.442695020e+00, v11  }
0x109: {  	v9 =	vld [tilespmem:s17+$0x17D20];
	v24 =	vmul.f32 v63, v24;
	vm1 =	vge.f32 v10, $0.0e+00;
	v21 =	vmul.f32 $1.442695020e+00, v17  }
0x10a: {  	[tilespmem:s17+$0x1DF20] =	vst v12;
	v12 =	vld [tilespmem:s17+$0x17D30];
	v13 =	vadd.f32 v13, v26;
	(erf) = vpow2.f32 v11;
	v11 =	vmul.f32 v18, v23  }
0x10b: {  	[tilespmem:s17+$0x1DEC0] =	vst v25;
	v16 =	vld [tilespmem:s17+$0x17D00];
	v20 =	vsel vm1, v10, v20;
	v27 =	vpop (erf);
	v18 =	vperm.xlane v25, v2;
	(erf) = vpow2.f32 v21  }
0x10c: {  	v14 =	vperm.xlane v25, v5;
	v17 =	vld [tilespmem:s17+$0x17D10];
	[tilespmem:s17+$0x1DE40] =	vst v27;
	v23 =	vsub.f32 v20, v6;
	v21 =	vmul.f32 $2.000000030e-01, v13  }
0x10d: {  	vm1 =	vge.f32 v13, $0.0e+00;
	v20 =	vperm.xlane v27, v5;
	v10 =	vld [tilespmem:s14+$0x17E30];
	[tilespmem:s17+$0x1DE90] =	vst v11;
	v25 =	vmul.f32 v18, v19  }
0x10e: {  	v22 =	vperm.xlane v27, v2;
	v19 =	vmul.f32 $1.442695020e+00, v23;
	v11 =	vld [tilespmem:s14+$0x17EB0];
	v18 =	vsel vm1, v13, v21  }
0x10f: {  	s8 =	simm.s32 $0x1000;
	v23 =	vperm.xlane v27, v3;
	v21 =	vperm.xlane v27, v4;
	v13 =	vld [tilespmem:s14+$0x17EA0];
	v18 =	vsub.f32 v18, v6;
	[tilespmem:s17+$0x1DE80] =	vst v25  }
.LBB2_5:
0x110: {  	s11 =	sshra.s32 s8, $0x2;
	p0 =	sne.s32 s8, $0x7800;
	s8 =	sadd.s32 $0x800, s8;
	v25 =	vld [tilespmem:s14+$0x17E90];
	v16 =	vmul.f32 v22, v16;
	v14 =	vmul.f32 v14, v15  }
0x111: {  	v12 =	vmul.f32 v20, v12;
	v15 =	vld [tilespmem:s11+$0x17DC0];
	v18 =	vmul.f32 $1.442695020e+00, v18;
	[tilespmem:s17+$0x1DEA0] =	vst v24  }
0x112: {  	v9 =	vmul.f32 v21, v9;
	v17 =	vmul.f32 v23, v17;
	v20 =	vld [tilespmem:s11+$0x19DC0];
	[tilespmem:s17+$0x1DEB0] =	vst v14  }
0x113: {  	v8 =	vmul.f32 v7, v8;
	v14 =	vld [tilespmem:s11+$0x19E40];
	(erf) = vpow2.f32 v19;
	v19 =	vpop (erf);
	[tilespmem:s17+$0x1DE30] =	vst v12  }
0x114: {  	v12 =	vld [tilespmem:s11+$0x19EC0];
	v7 =	vperm.xlane v19, v2;
	v21 =	vperm.xlane v19, v3;
	v22 =	vpop (erf);
	[tilespmem:s17+$0x1DE00] =	vst v16  }
0x115: {  	v23 =	vperm.xlane v19, v4;
	v16 =	vld [tilespmem:s11+$0x17E40];
	v24 =	vperm.xlane v22, v2;
	[tilespmem:s17+$0x1DF00] =	vst v8  }
0x116: {  	v26 =	vperm.xlane v19, v5;
	v27 =	vperm.xlane v22, v3;
	v8 =	vld [tilespmem:s11+$0x17EC0];
	[tilespmem:s17+$0x1DE10] =	vst v17  }
0x117: {  	v28 =	vperm.xlane v22, v4;
	v17 =	vld [tilespmem:s11+$0x19D40];
	v20 =	vperm.xlane v20, v1;
	[tilespmem:s17+$0x1DE20] =	vst v9;
	s17 =	smov.u32 s14;
	s14 =	smov.u32 s11  }
0x118: {  	v9 =	vperm.xlane v14, v1;
	v14 =	vld [tilespmem:s17+$0x17E20];
	[tilespmem:s17+$0x1DFC0] =	vst v22;
	v22 =	vperm.xlane v22, v5  }
0x119: {  	v20 =	vadd.f32 v20, v15;
	v12 =	vperm.xlane v12, v1;
	[tilespmem:s17+$0x1DF40] =	vst v19;
	v15 =	vld [tilespmem:s17+$0x17E80];
	v19 =	vmul.f32 v27, v25  }
0x11a: {  	v25 =	vmul.f32 v28, v13;
	v9 =	vadd.f32 v9, v16;
	v16 =	vld [tilespmem:s17+$0x17E10];
	v11 =	vmul.f32 v22, v11  }
0x11b: {  	v22 =	vmul.f32 $2.000000030e-01, v20;
	v12 =	vadd.f32 v12, v8;
	[tilespmem:s17+$0x1DF90] =	vst v19;
	(erf) = vpow2.f32 v18  }
0x11c: {  	v10 =	vmul.f32 v26, v10;
	vm1 =	vge.f32 v20, $0.0e+00;
	v18 =	vld [tilespmem:s14+$0x17D40];
	v19 =	vmul.f32 $2.000000030e-01, v9;
	[tilespmem:s17+$0x1DFA0] =	vst v25;
	v13 =	vpop (erf)  }
0x11d: {  	vm2 =	vge.f32 v9, $0.0e+00;
	v25 =	vmul.f32 $2.000000030e-01, v12;
	[tilespmem:s17+$0x1DEC0] =	vst v13;
	v8 =	vld [tilespmem:s17+$0x17E00];
	v14 =	vmul.f32 v23, v14  }
0x11e: {  	v19 =	vsel vm2, v9, v19;
	vm2 =	vge.f32 v12, $0.0e+00;
	v9 =	vld [tilespmem:s17+$0x17D20];
	[tilespmem:s17+$0x1DF30] =	vst v10;
	v10 =	vmul.f32 v24, v15  }
0x11f: {  	v15 =	vsub.f32 v19, v6;
	v12 =	vsel vm2, v12, v25;
	v19 =	vld [tilespmem:s17+$0x17D90];
	v16 =	vmul.f32 v21, v16;
	[tilespmem:s17+$0x1DF20] =	vst v14  }
0x120: {  	v17 =	vperm.xlane v17, v1;
	v14 =	vperm.xlane v13, v5;
	v21 =	vsub.f32 v12, v6;
	v12 =	vld [tilespmem:s17+$0x17D30];
	[tilespmem:s17+$0x1DF80] =	vst v10  }
0x121: {  	v24 =	vperm.xlane v13, v4;
	v10 =	vmul.f32 $1.442695020e+00, v15;
	v23 =	vld [tilespmem:s17+$0x17D80];
	[tilespmem:s17+$0x1DF10] =	vst v16  }
0x122: {  	v18 =	vadd.f32 v17, v18;
	v17 =	vperm.xlane v13, v3;
	v16 =	vmul.f32 $1.442695020e+00, v21;
	v15 =	vld [tilespmem:s17+$0x17DB0];
	[tilespmem:s17+$0x1DFB0] =	vst v11  }
0x123: {  	v11 =	vperm.xlane v13, v2;
	(erf) = vpow2.f32 v10;
	v25 =	vld [tilespmem:s17+$0x17DA0]  }
.Ltmp1:
0x124: {  	v10 =	vsel vm1, v20, v22;
	(erf) = vpow2.f32 v16;
	v16 =	vld [tilespmem:s17+$0x17D00];
	v13 =	vmul.f32 v17, v19;
	v26 =	vpop (erf);
	(pc) =	sbr.rel @p0 .LBB2_5-.Ltmp1, $4  }
0x125: {  	v19 =	vmul.f32 $2.000000030e-01, v18;
	v21 =	vsub.f32 v10, v6;
	[tilespmem:s17+$0x1DE40] =	vst v26;
	v17 =	vld [tilespmem:s17+$0x17D10];
	v20 =	vperm.xlane v26, v5  }
0x126: {  	vm1 =	vge.f32 v18, $0.0e+00;
	v22 =	vperm.xlane v26, v2;
	v10 =	vld [tilespmem:s14+$0x17E30];
	v27 =	vmul.f32 v11, v23;
	[tilespmem:s17+$0x1DE90] =	vst v13  }
0x127: {  	v13 =	vsel vm1, v18, v19;
	v19 =	vmul.f32 $1.442695020e+00, v21;
	v21 =	vperm.xlane v26, v4;
	v11 =	vld [tilespmem:s14+$0x17EB0]  }
0x128: {  	v23 =	vperm.xlane v26, v3;
	v18 =	vsub.f32 v13, v6;
	v13 =	vld [tilespmem:s14+$0x17EA0];
	[tilespmem:s17+$0x1DE80] =	vst v27;
	v24 =	vmul.f32 v24, v25  }
0x129: {  	v7 =	vmul.f32 v7, v8;
	_ =	sdelay $0x2  }
0x12a: {  	v6 =	vld [tilespmem:s14+$0x17E90];
	v14 =	vmul.f32 v14, v15;
	[tilespmem:s17+$0x1DEA0] =	vst v24  }
0x12b: {  	v12 =	vmul.f32 v20, v12;
	[tilespmem:s17+$0x1DF00] =	vst v7;
	v7 =	vpop (erf)  }
0x12c: {  	v39 =	vmul.f32 v22, v16;
	(erf) = vpow2.f32 v19;
	[tilespmem:s17+$0x1DEB0] =	vst v14;
	v41 =	vpop (erf)  }
0x12d: {  	v9 =	vmul.f32 v21, v9;
	[tilespmem:s17+$0x1DE30] =	vst v12;
	v42 =	vperm.xlane v41, v3  }
0x12e: {  	v40 =	vmul.f32 v23, v17;
	[tilespmem:s17+$0x1DE00] =	vst v39  }
0x12f: {  	v48 =	vmul.f32 $1.442695020e+00, v18;
	[tilespmem:s17+$0x1DE20] =	vst v9;
	v6 =	vmul.f32 v42, v6  }
0x130: {  	[tilespmem:s17+$0x1DE10] =	vst v40;
	v43 =	vperm.xlane v41, v4  }
0x131: {  	v9 =	vld [tilespmem:s14+$0x17E20];
	(erf) = vpow2.f32 v48;
	[tilespmem:s14+$0x1DF90] =	vst v6;
	v6 =	vperm.xlane v7, v5  }
0x132: {  	v44 =	vld [tilespmem:s14+$0x17E10];
	[tilespmem:s14+$0x1DF40] =	vst v7;
	v13 =	vmul.f32 v43, v13  }
0x133: {  	v15 =	vld [tilespmem:s14+$0x17E80];
	[tilespmem:s14+$0x1DFC0] =	vst v41;
	v8 =	vperm.xlane v41, v5;
	v6 =	vmul.f32 v6, v10  }
0x134: {  	v46 =	vperm.xlane v7, v4;
	[tilespmem:s14+$0x1DFA0] =	vst v13  }
0x135: {  	v51 =	vld [tilespmem:s14+$0x17D90];
	v8 =	vmul.f32 v8, v11;
	v45 =	vpop (erf);
	[tilespmem:s14+$0x1DF30] =	vst v6;
	v6 =	vperm.xlane v7, v3  }
0x136: {  	v53 =	vld [tilespmem:s14+$0x17D80];
	v50 =	vperm.xlane v41, v2;
	v9 =	vmul.f32 v46, v9;
	[tilespmem:s14+$0x1DEC0] =	vst v45  }
0x137: {  	v54 =	vld [tilespmem:s14+$0x17DA0];
	[tilespmem:s14+$0x1DFB0] =	vst v8;
	v6 =	vmul.f32 v6, v44  }
0x138: {  	v52 =	vld [tilespmem:s14+$0x17D30];
	v15 =	vmul.f32 v50, v15;
	v55 =	vperm.xlane v45, v3;
	[tilespmem:s14+$0x1DF20] =	vst v9  }
0x139: {  	v56 =	vperm.xlane v45, v2;
	[tilespmem:s14+$0x1DF10] =	vst v6;
	v6 =	vld [tilespmem:s14+$0x17DB0]  }
0x13a: {  	v57 =	vld [tilespmem:s14+$0x17D00];
	v59 =	vperm.xlane v45, v4;
	[tilespmem:s14+$0x1DF80] =	vst v15;
	v11 =	vmul.f32 v55, v51;
	v58 =	vpop (erf)  }
0x13b: {  	v47 =	vld [tilespmem:s14+$0x17E00];
	v12 =	vmul.f32 v56, v53;
	[tilespmem:s14+$0x1DE40] =	vst v58;
	v61 =	vperm.xlane v58, v5  }
0x13c: {  	v60 =	vld [tilespmem:s14+$0x17D10];
	v13 =	vperm.xlane v45, v5;
	v8 =	vmul.f32 v59, v54;
	[tilespmem:s14+$0x1DE90] =	vst v11  }
0x13d: {  	v49 =	vld [tilespmem:s14+$0x17D20];
	v62 =	vperm.xlane v58, v2;
	[tilespmem:s14+$0x1DE80] =	vst v12;
	v9 =	vmul.f32 v61, v52  }
0x13e: {  	v7 =	vperm.xlane v7, v2;
	[tilespmem:s14+$0x1DEA0] =	vst v8;
	v6 =	vmul.f32 v13, v6  }
0x13f: {  	s13 =	sadd.s32 $0x1, s13;
	v63 =	vperm.xlane v58, v3;
	v11 =	vmul.f32 v62, v57;
	[tilespmem:s14+$0x1DE30] =	vst v9  }
0x140: {  	p0 =	sne.s32 s13, $0x51;
	v7 =	vmul.f32 v7, v47;
	[tilespmem:s14+$0x1DEB0] =	vst v6;
	v6 =	vperm.xlane v58, v4  }
.Ltmp2:
0x141: {  	v8 =	vmul.f32 v63, v60;
	[tilespmem:s14+$0x1DE00] =	vst v11;
	(pc) =	sbr.rel @p0 .LBB2_2-.Ltmp2, $4  }
0x142: {  	[tilespmem:s14+$0x1DF00] =	vst v7;
	v6 =	vmul.f32 v6, v49  }
0x143: {  	[tilespmem:s14+$0x1DE10] =	vst v8  }
0x144: {  	[tilespmem:s14+$0x1DE20] =	vst v6  }
0x145: {  	[spmem:s3] =	stream.indirect.scatter.add.f32 [tilespmem:s22], [sflag:$0x4], $0x80, s28, s25, $0xb8;
	[tilespmem:$0x1FF80] =	vst v63  }
0x146: {  	_ =	swait.ge [sflag:s30], $0x2000  }
0x147: {  	[sflag:s30] =	ssyncset.done $0x0  }
0x148: {  	[sflag:s30] =	ssyncadd.s32 $0xFFFFE000  }
0x149: {  	_ =	swait.ge [sflag:s7], $0x2000  }
0x14a: {  	[sflag:s7] =	ssyncset.done $0x0  }
0x14b: {  	[sflag:s7] =	ssyncadd.s32 $0xFFFFE000  }
0x14c: {  	[bflag:$0x0] =	sbarrier.arrive $0xFFFF  }
0x14d: {  	s8 =	rddreg [dreg:$0xa]  }
0x14e: {  	s13 =	rddreg [dreg:$0xc]  }
0x14f: {  	[hbm:s8], [sflag:s19] =	dma.local [spmem:s13], $0x2780  }
0x150: {  	_ =	swait.ge [sflag:s20], $0x2780  }
0x151: {  	s12 =	sadd.s32 $0x1, s12;
	s29 =	rddreg [dreg:$0xb]  }
0x152: {  	p0 =	sne.s32 s12, s29  }
.Ltmp3:
0x153: {  	_ = 	snop;
	(pc) =	sbr.rel @p0 .LBB2_1-.Ltmp3, $3  }
0x154: {  	_ =	sdelay $0x1  }
0x155: {  	[sflag:s20] =	ssyncset.done $0x0  }
0x156: {  	s11 =	smov.u32 s19;
	[sflag:s20] =	ssyncadd.s32 $0xFFFFD880  }
0x157: {  	_ =	sfence.sel $0x180000  }
0x158: {  	[bflag:$0x0] =	sbarrier.arrive $0xFFFF  }
0x159: {  	_ =	strace $0x90000047  }
0x15a: {  	s0 =	stileid.u32;
	[bflag:$0x2] =	sbarrier.arrive $0xFFFF  }
0x15b: {  	p0 =	sne.s32 s0, $0x0;
	s0 =	rddreg [dreg:$0x3]  }
0x15c: {  	s0 =	sadd.s32 @!p0 $0x100000, s0  }
0x15d: {  	[sflag:s0] =	ssyncadd.tile.s32 @!p0 $0x1;
	_ =	shalt  }
.Lfunc_end2:
_tile_overlayer_lowered:
.L_overlay_start_2:
0x15e: {  	(tag) =	ssettag $0x2  }
0x15f: {  	s0 =	rddreg [dreg:$0x0];
	s2 =	stileid.u32  }
0x160: {  	s1 =	rddreg [dreg:$0x1];
	p0 =	sne.s32 s2, $0x0  }
0x161: {  	s3 =	rddreg [dreg:$0x2];
	[bflag:$0x3] =	sbarrier.arrive $0xFFFF;
	s2 =	simm.s32 @!p0 $0x1C05  }
0x162: {  	[timem:s3], [sflag:s2] =	dma.local @!p0 [hbm:s0], s1  }
0x163: {  	s0 =	simm.s32 @!p0 $0x5  }
0x164: {  	_ =	swait.ge @!p0 [sflag:s0], s1  }
0x165: {  	s1 =	ssub.s32 @!p0 $0x0, s1;
	[sflag:s0] =	ssyncset.done @!p0 $0x0  }
0x166: {  	[sflag:s0] =	ssyncadd.s32 @!p0 s1  }
0x167: {  	[bflag:$0x3] =	sbarrier.arrive $0xFFFF  }
0x168: {  	_ =	shalt  }

</sc_bundles>
